<compile_context>
chip_gen: v7x
topology: tpu7x:2x2x1
jax: 0.10.2.dev20260603
libtpu: 0.0.44.dev20260713+nightly
codegen_flags: <defaults>
</compile_context>

<pallas_src>
import functools

import jax
import jax.numpy as jnp
from jax import lax
from jax.experimental import pallas as pl
from jax.experimental.pallas import tpu as pltpu
from jax.experimental.pallas import tpu_sc as plsc

BN_EPS = 1e-5

NC = 2
NS = 16
NW = NC * NS


def _make_seg_sum(N, F, n_chunks, C):
    RPS = (N // NS) // 16 * 16
    REM = N - RPS * NS
    assert REM % 16 == 0 and REM <= C
    IH = 40
    n_half = (-(-n_chunks // NW) + IH - 1) // IH
    B2 = IH * n_half
    mesh = plsc.VectorSubcoreMesh(core_axis_name="c", subcore_axis_name="s")

    @functools.partial(
        pl.kernel,
        mesh=mesh,
        out_type=jax.ShapeDtypeStruct((NC, N, F), jnp.float32),
        scratch_types=[
            pltpu.VMEM_SHARED((N, F), jnp.float32),
            pltpu.VMEM((IH, C), jnp.int32),
            pltpu.VMEM((IH, C), jnp.int32),
            pltpu.VMEM((C, F), jnp.float32),
            pltpu.VMEM((C, F), jnp.float32),
            pltpu.SemaphoreType.DMA,
            pltpu.SemaphoreType.DMA,
        ],
    )
    def seg_sum(h_hbm, src_hbm, dst_hbm, out_hbm, acc, src_v, dst_v,
                rows0, rows1, semg, sems):
        cid = lax.axis_index("c")
        sid = lax.axis_index("s")
        wid = sid * NC + cid
        rows = (rows0, rows1)

        def gwait(buf):
            pltpu.make_async_copy(h_hbm.at[src_v.at[0]], buf, semg).wait()

        def swait(buf):
            pltpu.make_async_copy(buf, acc.at[dst_v.at[0]], sems).wait()

        def zrow(r, carry):
            for k in range(F // 16):
                rows0[r, pl.ds(k * 16, 16)] = jnp.zeros((16,), jnp.float32)
            return carry

        lax.fori_loop(0, C, zrow, 0)
        nz_full = N // C
        nz = 0
        for t in range((nz_full + NS - 1) // NS):
            g = sid + NS * t
            @pl.when(g < nz_full)
            def _():
                pltpu.async_copy(rows0, acc.at[pl.ds(g * C, C)], sems)
            nz += 1
        zrem = N - nz_full * C
        if zrem:
            @pl.when(sid == NS - 1)
            def _():
                pltpu.async_copy(rows0.at[pl.ds(0, zrem)],
                                 acc.at[pl.ds(nz_full * C, zrem)], sems)
        for t in range(nz):
            g = sid + NS * t
            @pl.when(g < nz_full)
            def _():
                pltpu.make_async_copy(rows0, acc.at[pl.ds(g * C, C)],
                                      sems).wait()
        if zrem:
            @pl.when(sid == NS - 1)
            def _():
                pltpu.make_async_copy(rows0.at[pl.ds(0, zrem)],
                                      acc.at[pl.ds(nz_full * C, zrem)],
                                      sems).wait()
        plsc.subcore_barrier()

        start = wid * B2
        count = jnp.clip(n_chunks - start, 0, B2)

        for half in range(n_half):
            hstart = start + IH * half
            nh = jnp.clip(count - IH * half, 0, IH)

            @pl.when(nh > 0)
            def _process_half():
                pltpu.sync_copy(src_hbm.at[pl.ds(hstart, IH)], src_v)
                pltpu.sync_copy(dst_hbm.at[pl.ds(hstart, IH)], dst_v)
                pltpu.async_copy(h_hbm.at[src_v.at[0]], rows0, semg)

                def body(j, carry):
                    for b in range(2):
                        @pl.when(j % 2 == b)
                        def _():
                            @pl.when(jnp.logical_and(j >= 1, j + 1 < nh))
                            def _():
                                swait(rows[1 - b])

                            @pl.when(j + 1 < nh)
                            def _():
                                pltpu.async_copy(
                                    h_hbm.at[src_v.at[j + 1]],
                                    rows[1 - b], semg)

                            gwait(rows[b])
                            pltpu.async_copy(rows[b], acc.at[dst_v.at[j]],
                                             sems, add=True)
                    return carry

                lax.fori_loop(0, nh, body, 0)
                swait(rows0)

                @pl.when(nh >= 2)
                def _():
                    swait(rows1)

        plsc.subcore_barrier()

        pltpu.sync_copy(acc.at[pl.ds(sid * RPS, RPS)],
                        out_hbm.at[cid, pl.ds(sid * RPS, RPS)])

        @pl.when(sid == NS - 1)
        def _write_tail():
            pltpu.sync_copy(acc.at[pl.ds(NS * RPS, REM)],
                            out_hbm.at[cid, pl.ds(NS * RPS, REM)])

    return seg_sum


def _tc_layer_body(relu_out):
    def body(h_ref, a_ref, w1_ref, w2_ref, vp_ref, o_ref):
        b1, g1, be1 = vp_ref[0:1], vp_ref[1:2], vp_ref[2:3]
        b2, g2, be2 = vp_ref[3:4], vp_ref[4:5], vp_ref[5:6]
        z = h_ref[...] + a_ref[0] + a_ref[1]
        t1 = jnp.dot(z, w1_ref[...], preferred_element_type=jnp.float32)
        t1 = t1 + b1
        m1 = jnp.mean(t1, axis=0, keepdims=True)
        v1 = jnp.mean((t1 - m1) ** 2, axis=0, keepdims=True)
        n1 = (t1 - m1) / jnp.sqrt(v1 + BN_EPS) * g1 + be1
        n1 = jnp.maximum(n1, 0.0)
        t2 = jnp.dot(n1, w2_ref[...], preferred_element_type=jnp.float32)
        t2 = t2 + b2
        m2 = jnp.mean(t2, axis=0, keepdims=True)
        v2 = jnp.mean((t2 - m2) ** 2, axis=0, keepdims=True)
        o = (t2 - m2) / jnp.sqrt(v2 + BN_EPS) * g2 + be2
        if relu_out:
            o = jnp.maximum(o, 0.0)
        o_ref[...] = o

    return body


def _mlp_bn(h, parts, p, relu_out):
    W1, b1, g1, be1, W2, b2, g2, be2 = p
    vp = jnp.stack([b1, g1, be1, b2, g2, be2])
    return pl.pallas_call(
        _tc_layer_body(relu_out),
        out_shape=jax.ShapeDtypeStruct(h.shape, jnp.float32),
    )(h, parts, W1, W2, vp)


def kernel(x, edge_index, params):
    N, F = x.shape
    E = edge_index.shape[1]
    C = 128
    assert E % C == 0 and N % NS == 0
    n_chunks = E // C
    src2d = edge_index[0].reshape(n_chunks, C)
    dst2d = edge_index[1].reshape(n_chunks, C)
    n_half = (-(-n_chunks // NW) + 39) // 40
    pad = NW * 40 * n_half - n_chunks
    if pad:
        src2d = jnp.pad(src2d, ((0, pad), (0, 0)))
        dst2d = jnp.pad(dst2d, ((0, pad), (0, 0)))
    seg_sum = _make_seg_sum(N, F, n_chunks, C)
    h = x
    last = len(params) - 1
    for i, p in enumerate(params):
        parts = seg_sum(h, src2d, dst2d)
        h = _mlp_bn(h, parts, p, relu_out=(i != last))
    return h

# --- scband reference (transcript-rebuilt; emitter-appended) ---
"""Pipeline reference for scband-ginencoder-66340064854115 (READ-ONLY COPY).

The authoritative reference and input builder live on the scoring server;
editing this copy changes nothing except your own understanding.
"""

import jax, jax.numpy as jnp
import numpy as np

N = 10000
E = 320000
F_IN = 128
HID = 128
NUM_LAYERS = 3
BN_EPS = 1e-5


def setup_inputs(seed: int = 0) -> dict:
    key = jax.random.key(seed)
    k_x, k_e, k_p = jax.random.split(key, 3)
    x = jax.random.normal(k_x, (N, F_IN), dtype=jnp.float32)
    edge_index = jax.random.randint(k_e, (2, E), 0, N, dtype=jnp.int32)
    params = []
    pk = k_p
    for l in range(NUM_LAYERS):
        in_dim = F_IN if l == 0 else HID
        pk, k1, k2 = jax.random.split(pk, 3)
        W1 = jax.random.normal(k1, (in_dim, HID), dtype=jnp.float32) / np.sqrt(in_dim)
        b1 = jnp.zeros((HID,), dtype=jnp.float32)
        g1 = jnp.ones((HID,), dtype=jnp.float32)
        be1 = jnp.zeros((HID,), dtype=jnp.float32)
        W2 = jax.random.normal(k2, (HID, HID), dtype=jnp.float32) / np.sqrt(HID)
        b2 = jnp.zeros((HID,), dtype=jnp.float32)
        g2 = jnp.ones((HID,), dtype=jnp.float32)
        be2 = jnp.zeros((HID,), dtype=jnp.float32)
        params.append([W1, b1, g1, be1, W2, b2, g2, be2])
    return {"x": x, "edge_index": edge_index, "params": params}


def _bn(h, gamma, beta):
    # BatchNorm1d in training mode: biased batch statistics
    mean = jnp.mean(h, axis=0)
    var = jnp.var(h, axis=0)
    return (h - mean) / jnp.sqrt(var + BN_EPS) * gamma + beta


def _gin_conv(x, edge_index, p):
    # GINConv (eps=0): MLP((1+eps)*x + sum_{j in N(i)} x_j)
    src = edge_index[0]
    dst = edge_index[1]
    agg = jax.ops.segment_sum(x[src], dst, num_segments=N)
    h = x + agg
    W1, b1, g1, be1, W2, b2, g2, be2 = p
    h = _bn(h @ W1 + b1, g1, be1)
    h = jax.nn.relu(h)
    h = _bn(h @ W2 + b2, g2, be2)
    return h


def reference(x, edge_index, params):
    h = x
    for i, p in enumerate(params):
        h = _gin_conv(h, edge_index, p)
        if i != len(params) - 1:
            h = jax.nn.relu(h)
            # dropout p=0.0 -> identity
    return h

if __name__ == "__main__":
    import jax
    _d = setup_inputs()
    print(jax.jit(kernel)(*tuple(_d.values())))

</pallas_src>

<mosaic_0001>
#map = affine_map<(d0, d1) -> (0, 0)>
#map1 = affine_map<(d0, d1) -> (0, 0, 0)>
module attributes {stable_mosaic.version = 14 : i64} {
  func.func @seg_sum(%arg0: i32, %arg1: i32, %arg2: memref<10000x128xf32, #tpu.memory_space<hbm>>, %arg3: memref<2560x128xi32, #tpu.memory_space<hbm>>, %arg4: memref<2560x128xi32, #tpu.memory_space<hbm>>, %arg5: memref<2x10000x128xf32, #tpu.memory_space<hbm>>, %arg6: memref<10000x128xf32, #tpu.memory_space<vmem_shared>>, %arg7: memref<40x128xi32, #tpu.memory_space<vmem>>, %arg8: memref<40x128xi32, #tpu.memory_space<vmem>>, %arg9: memref<128x128xf32, #tpu.memory_space<vmem>>, %arg10: memref<128x128xf32, #tpu.memory_space<vmem>>, %arg11: memref<!tpu.dma_semaphore, #tpu.memory_space<semaphore_mem>>, %arg12: memref<!tpu.dma_semaphore, #tpu.memory_space<semaphore_mem>>) attributes {dimension_semantics = [#tpu.dimension_semantics<core_parallel>, #tpu.dimension_semantics<subcore_parallel>], iteration_bounds = array<i64: 2, 16>, scalar_prefetch = 0 : i64, scratch_operands = 7 : i64, tpu.core_type = #tpu.core_type<sc_vector_subcore>, window_params = [{transform_indices = #map}, {transform_indices = #map}, {transform_indices = #map}, {transform_indices = #map1}]} {
    %mul3A = arith.constant 2 : i32
    %mul3A_0 = arith.muli %arg1, %mul3A : i32
    %add3A = arith.addi %mul3A_0, %arg0 : i32
    %scan3A = arith.constant 0 : i32
    %scan3A_1 = arith.constant 0 : i32
    %scan3A_2 = arith.constant 128 : i32
    %scan3A_3 = arith.addi %scan3A_1, %scan3A_2 : i32
    %scan3A_4 = arith.constant 1 : i32
    scf.for %scan3A_121 = %scan3A_1 to %scan3A_3 step %scan3A_4  : i32 {
      %broadcast_in_dim3A = arith.constant 0.000000e+00 : f32
      %broadcast_in_dim3A_122 = vector.broadcast %broadcast_in_dim3A : f32 to vector<16xf32>
      %swap3A = arith.index_cast %scan3A_121 : i32 to index
      %swap3A_123 = arith.constant 0 : index
      %swap3A_124 = tpu.vector_load %arg9[%swap3A, %swap3A_123] {strides = array<i32>} : memref<128x128xf32, #tpu.memory_space<vmem>>, vector<1x16xf32>,
      %swap3A_125 = vector.shape_cast %swap3A_124 : vector<1x16xf32> to vector<16xf32>
      %swap3A_126 = vector.shape_cast %broadcast_in_dim3A_122 : vector<16xf32> to vector<1x16xf32>
      tpu.vector_store %arg9[%swap3A, %swap3A_123], %swap3A_126 {strides = array<i32>} : memref<128x128xf32, #tpu.memory_space<vmem>>, vector<1x16xf32>,
      %broadcast_in_dim3A_127 = arith.constant 0.000000e+00 : f32
      %broadcast_in_dim3A_128 = vector.broadcast %broadcast_in_dim3A_127 : f32 to vector<16xf32>
      %swap3A_129 = arith.index_cast %scan3A_121 : i32 to index
      %swap3A_130 = arith.constant 16 : index
      %swap3A_131 = tpu.vector_load %arg9[%swap3A_129, %swap3A_130] {strides = array<i32>} : memref<128x128xf32, #tpu.memory_space<vmem>>, vector<1x16xf32>,
      %swap3A_132 = vector.shape_cast %swap3A_131 : vector<1x16xf32> to vector<16xf32>
      %swap3A_133 = vector.shape_cast %broadcast_in_dim3A_128 : vector<16xf32> to vector<1x16xf32>
      tpu.vector_store %arg9[%swap3A_129, %swap3A_130], %swap3A_133 {strides = array<i32>} : memref<128x128xf32, #tpu.memory_space<vmem>>, vector<1x16xf32>,
      %broadcast_in_dim3A_134 = arith.constant 0.000000e+00 : f32
      %broadcast_in_dim3A_135 = vector.broadcast %broadcast_in_dim3A_134 : f32 to vector<16xf32>
      %swap3A_136 = arith.index_cast %scan3A_121 : i32 to index
      %swap3A_137 = arith.constant 32 : index
      %swap3A_138 = tpu.vector_load %arg9[%swap3A_136, %swap3A_137] {strides = array<i32>} : memref<128x128xf32, #tpu.memory_space<vmem>>, vector<1x16xf32>,
      %swap3A_139 = vector.shape_cast %swap3A_138 : vector<1x16xf32> to vector<16xf32>
      %swap3A_140 = vector.shape_cast %broadcast_in_dim3A_135 : vector<16xf32> to vector<1x16xf32>
      tpu.vector_store %arg9[%swap3A_136, %swap3A_137], %swap3A_140 {strides = array<i32>} : memref<128x128xf32, #tpu.memory_space<vmem>>, vector<1x16xf32>,
      %broadcast_in_dim3A_141 = arith.constant 0.000000e+00 : f32
      %broadcast_in_dim3A_142 = vector.broadcast %broadcast_in_dim3A_141 : f32 to vector<16xf32>
      %swap3A_143 = arith.index_cast %scan3A_121 : i32 to index
      %swap3A_144 = arith.constant 48 : index
      %swap3A_145 = tpu.vector_load %arg9[%swap3A_143, %swap3A_144] {strides = array<i32>} : memref<128x128xf32, #tpu.memory_space<vmem>>, vector<1x16xf32>,
      %swap3A_146 = vector.shape_cast %swap3A_145 : vector<1x16xf32> to vector<16xf32>
      %swap3A_147 = vector.shape_cast %broadcast_in_dim3A_142 : vector<16xf32> to vector<1x16xf32>
      tpu.vector_store %arg9[%swap3A_143, %swap3A_144], %swap3A_147 {strides = array<i32>} : memref<128x128xf32, #tpu.memory_space<vmem>>, vector<1x16xf32>,
      %broadcast_in_dim3A_148 = arith.constant 0.000000e+00 : f32
      %broadcast_in_dim3A_149 = vector.broadcast %broadcast_in_dim3A_148 : f32 to vector<16xf32>
      %swap3A_150 = arith.index_cast %scan3A_121 : i32 to index
      %swap3A_151 = arith.constant 64 : index
      %swap3A_152 = tpu.vector_load %arg9[%swap3A_150, %swap3A_151] {strides = array<i32>} : memref<128x128xf32, #tpu.memory_space<vmem>>, vector<1x16xf32>,
      %swap3A_153 = vector.shape_cast %swap3A_152 : vector<1x16xf32> to vector<16xf32>
      %swap3A_154 = vector.shape_cast %broadcast_in_dim3A_149 : vector<16xf32> to vector<1x16xf32>
      tpu.vector_store %arg9[%swap3A_150, %swap3A_151], %swap3A_154 {strides = array<i32>} : memref<128x128xf32, #tpu.memory_space<vmem>>, vector<1x16xf32>,
      %broadcast_in_dim3A_155 = arith.constant 0.000000e+00 : f32
      %broadcast_in_dim3A_156 = vector.broadcast %broadcast_in_dim3A_155 : f32 to vector<16xf32>
      %swap3A_157 = arith.index_cast %scan3A_121 : i32 to index
      %swap3A_158 = arith.constant 80 : index
      %swap3A_159 = tpu.vector_load %arg9[%swap3A_157, %swap3A_158] {strides = array<i32>} : memref<128x128xf32, #tpu.memory_space<vmem>>, vector<1x16xf32>,
      %swap3A_160 = vector.shape_cast %swap3A_159 : vector<1x16xf32> to vector<16xf32>
      %swap3A_161 = vector.shape_cast %broadcast_in_dim3A_156 : vector<16xf32> to vector<1x16xf32>
      tpu.vector_store %arg9[%swap3A_157, %swap3A_158], %swap3A_161 {strides = array<i32>} : memref<128x128xf32, #tpu.memory_space<vmem>>, vector<1x16xf32>,
      %broadcast_in_dim3A_162 = arith.constant 0.000000e+00 : f32
      %broadcast_in_dim3A_163 = vector.broadcast %broadcast_in_dim3A_162 : f32 to vector<16xf32>
      %swap3A_164 = arith.index_cast %scan3A_121 : i32 to index
      %swap3A_165 = arith.constant 96 : index
      %swap3A_166 = tpu.vector_load %arg9[%swap3A_164, %swap3A_165] {strides = array<i32>} : memref<128x128xf32, #tpu.memory_space<vmem>>, vector<1x16xf32>,
      %swap3A_167 = vector.shape_cast %swap3A_166 : vector<1x16xf32> to vector<16xf32>
      %swap3A_168 = vector.shape_cast %broadcast_in_dim3A_163 : vector<16xf32> to vector<1x16xf32>
      tpu.vector_store %arg9[%swap3A_164, %swap3A_165], %swap3A_168 {strides = array<i32>} : memref<128x128xf32, #tpu.memory_space<vmem>>, vector<1x16xf32>,
      %broadcast_in_dim3A_169 = arith.constant 0.000000e+00 : f32
      %broadcast_in_dim3A_170 = vector.broadcast %broadcast_in_dim3A_169 : f32 to vector<16xf32>
      %swap3A_171 = arith.index_cast %scan3A_121 : i32 to index
      %swap3A_172 = arith.constant 112 : index
      %swap3A_173 = tpu.vector_load %arg9[%swap3A_171, %swap3A_172] {strides = array<i32>} : memref<128x128xf32, #tpu.memory_space<vmem>>, vector<1x16xf32>,
      %swap3A_174 = vector.shape_cast %swap3A_173 : vector<1x16xf32> to vector<16xf32>
      %swap3A_175 = vector.shape_cast %broadcast_in_dim3A_170 : vector<16xf32> to vector<1x16xf32>
      tpu.vector_store %arg9[%swap3A_171, %swap3A_172], %swap3A_175 {strides = array<i32>} : memref<128x128xf32, #tpu.memory_space<vmem>>, vector<1x16xf32>,
    }
    %scan3A_5 = arith.constant 128 : i32
    %add3A_6 = arith.constant 0 : i32
    %add3A_7 = arith.addi %arg1, %add3A_6 : i32
    %lt3A = arith.constant 78 : i32
    %lt3A_8 = arith.cmpi slt, %add3A_7, %lt3A : i32
    %convert_element_type3A = arith.extui %lt3A_8 : i1 to i32
    %cond3A = arith.constant 0 : i32
    %cond3A_9 = arith.cmpi ne, %convert_element_type3A, %cond3A : i32
    scf.if %cond3A_9 {
      %mul3A_121 = arith.constant 128 : i32
      %mul3A_122 = arith.muli %add3A_7, %mul3A_121 : i32
      %dma_start3A = arith.constant 0 : i32
      %dma_start3A_123 = tpu.memref_slice %arg6[%mul3A_122, %dma_start3A] : memref<10000x128xf32, #tpu.memory_space<vmem_shared>> -> memref<128x128xf32, #tpu.memory_space<vmem_shared>>
      %dma_start3A_124 = arith.constant 0 : i32
      %dma_start3A_125 = tpu.memref_slice %arg6[%mul3A_122, %dma_start3A_124] : memref<10000x128xf32, #tpu.memory_space<vmem_shared>> -> memref<128x128xf32, #tpu.memory_space<vmem_shared>>
      tpu.enqueue_dma source(%arg9 : memref<128x128xf32, #tpu.memory_space<vmem>>) target(%dma_start3A_125 : memref<128x128xf32, #tpu.memory_space<vmem_shared>>) target_semaphore(%arg12 : memref<!tpu.dma_semaphore, #tpu.memory_space<semaphore_mem>>)
    } else {
    }
    %add3A_10 = arith.constant 16 : i32
    %add3A_11 = arith.addi %arg1, %add3A_10 : i32
    %lt3A_12 = arith.constant 78 : i32
    %lt3A_13 = arith.cmpi slt, %add3A_11, %lt3A_12 : i32
    %convert_element_type3A_14 = arith.extui %lt3A_13 : i1 to i32
    %cond3A_15 = arith.constant 0 : i32
    %cond3A_16 = arith.cmpi ne, %convert_element_type3A_14, %cond3A_15 : i32
    scf.if %cond3A_16 {
      %mul3A_121 = arith.constant 128 : i32
      %mul3A_122 = arith.muli %add3A_11, %mul3A_121 : i32
      %dma_start3A = arith.constant 0 : i32
      %dma_start3A_123 = tpu.memref_slice %arg6[%mul3A_122, %dma_start3A] : memref<10000x128xf32, #tpu.memory_space<vmem_shared>> -> memref<128x128xf32, #tpu.memory_space<vmem_shared>>
      %dma_start3A_124 = arith.constant 0 : i32
      %dma_start3A_125 = tpu.memref_slice %arg6[%mul3A_122, %dma_start3A_124] : memref<10000x128xf32, #tpu.memory_space<vmem_shared>> -> memref<128x128xf32, #tpu.memory_space<vmem_shared>>
      tpu.enqueue_dma source(%arg9 : memref<128x128xf32, #tpu.memory_space<vmem>>) target(%dma_start3A_125 : memref<128x128xf32, #tpu.memory_space<vmem_shared>>) target_semaphore(%arg12 : memref<!tpu.dma_semaphore, #tpu.memory_space<semaphore_mem>>)
    } else {
    }
    %add3A_17 = arith.constant 32 : i32
    %add3A_18 = arith.addi %arg1, %add3A_17 : i32
    %lt3A_19 = arith.constant 78 : i32
    %lt3A_20 = arith.cmpi slt, %add3A_18, %lt3A_19 : i32
    %convert_element_type3A_21 = arith.extui %lt3A_20 : i1 to i32
    %cond3A_22 = arith.constant 0 : i32
    %cond3A_23 = arith.cmpi ne, %convert_element_type3A_21, %cond3A_22 : i32
    scf.if %cond3A_23 {
      %mul3A_121 = arith.constant 128 : i32
      %mul3A_122 = arith.muli %add3A_18, %mul3A_121 : i32
      %dma_start3A = arith.constant 0 : i32
      %dma_start3A_123 = tpu.memref_slice %arg6[%mul3A_122, %dma_start3A] : memref<10000x128xf32, #tpu.memory_space<vmem_shared>> -> memref<128x128xf32, #tpu.memory_space<vmem_shared>>
      %dma_start3A_124 = arith.constant 0 : i32
      %dma_start3A_125 = tpu.memref_slice %arg6[%mul3A_122, %dma_start3A_124] : memref<10000x128xf32, #tpu.memory_space<vmem_shared>> -> memref<128x128xf32, #tpu.memory_space<vmem_shared>>
      tpu.enqueue_dma source(%arg9 : memref<128x128xf32, #tpu.memory_space<vmem>>) target(%dma_start3A_125 : memref<128x128xf32, #tpu.memory_space<vmem_shared>>) target_semaphore(%arg12 : memref<!tpu.dma_semaphore, #tpu.memory_space<semaphore_mem>>)
    } else {
    }
    %add3A_24 = arith.constant 48 : i32
    %add3A_25 = arith.addi %arg1, %add3A_24 : i32
    %lt3A_26 = arith.constant 78 : i32
    %lt3A_27 = arith.cmpi slt, %add3A_25, %lt3A_26 : i32
    %convert_element_type3A_28 = arith.extui %lt3A_27 : i1 to i32
    %cond3A_29 = arith.constant 0 : i32
    %cond3A_30 = arith.cmpi ne, %convert_element_type3A_28, %cond3A_29 : i32
    scf.if %cond3A_30 {
      %mul3A_121 = arith.constant 128 : i32
      %mul3A_122 = arith.muli %add3A_25, %mul3A_121 : i32
      %dma_start3A = arith.constant 0 : i32
      %dma_start3A_123 = tpu.memref_slice %arg6[%mul3A_122, %dma_start3A] : memref<10000x128xf32, #tpu.memory_space<vmem_shared>> -> memref<128x128xf32, #tpu.memory_space<vmem_shared>>
      %dma_start3A_124 = arith.constant 0 : i32
      %dma_start3A_125 = tpu.memref_slice %arg6[%mul3A_122, %dma_start3A_124] : memref<10000x128xf32, #tpu.memory_space<vmem_shared>> -> memref<128x128xf32, #tpu.memory_space<vmem_shared>>
      tpu.enqueue_dma source(%arg9 : memref<128x128xf32, #tpu.memory_space<vmem>>) target(%dma_start3A_125 : memref<128x128xf32, #tpu.memory_space<vmem_shared>>) target_semaphore(%arg12 : memref<!tpu.dma_semaphore, #tpu.memory_space<semaphore_mem>>)
    } else {
    }
    %add3A_31 = arith.constant 64 : i32
    %add3A_32 = arith.addi %arg1, %add3A_31 : i32
    %lt3A_33 = arith.constant 78 : i32
    %lt3A_34 = arith.cmpi slt, %add3A_32, %lt3A_33 : i32
    %convert_element_type3A_35 = arith.extui %lt3A_34 : i1 to i32
    %cond3A_36 = arith.constant 0 : i32
    %cond3A_37 = arith.cmpi ne, %convert_element_type3A_35, %cond3A_36 : i32
    scf.if %cond3A_37 {
      %mul3A_121 = arith.constant 128 : i32
      %mul3A_122 = arith.muli %add3A_32, %mul3A_121 : i32
      %dma_start3A = arith.constant 0 : i32
      %dma_start3A_123 = tpu.memref_slice %arg6[%mul3A_122, %dma_start3A] : memref<10000x128xf32, #tpu.memory_space<vmem_shared>> -> memref<128x128xf32, #tpu.memory_space<vmem_shared>>
      %dma_start3A_124 = arith.constant 0 : i32
      %dma_start3A_125 = tpu.memref_slice %arg6[%mul3A_122, %dma_start3A_124] : memref<10000x128xf32, #tpu.memory_space<vmem_shared>> -> memref<128x128xf32, #tpu.memory_space<vmem_shared>>
      tpu.enqueue_dma source(%arg9 : memref<128x128xf32, #tpu.memory_space<vmem>>) target(%dma_start3A_125 : memref<128x128xf32, #tpu.memory_space<vmem_shared>>) target_semaphore(%arg12 : memref<!tpu.dma_semaphore, #tpu.memory_space<semaphore_mem>>)
    } else {
    }
    %eq3A = arith.constant 15 : i32
    %eq3A_38 = arith.cmpi eq, %arg1, %eq3A : i32
    %convert_element_type3A_39 = arith.extui %eq3A_38 : i1 to i32
    %cond3A_40 = arith.constant 0 : i32
    %cond3A_41 = arith.cmpi ne, %convert_element_type3A_39, %cond3A_40 : i32
    scf.if %cond3A_41 {
      %dma_start3A = arith.constant 0 : i32
      %dma_start3A_121 = arith.constant 0 : i32
      %dma_start3A_122 = tpu.memref_slice %arg9[%dma_start3A, %dma_start3A_121] : memref<128x128xf32, #tpu.memory_space<vmem>> -> memref<16x128xf32, #tpu.memory_space<vmem>>
      %dma_start3A_123 = arith.constant 9984 : i32
      %dma_start3A_124 = arith.constant 0 : i32
      %dma_start3A_125 = tpu.memref_slice %arg6[%dma_start3A_123, %dma_start3A_124] : memref<10000x128xf32, #tpu.memory_space<vmem_shared>> -> memref<16x128xf32, #tpu.memory_space<vmem_shared>>
      %dma_start3A_126 = arith.constant 9984 : i32
      %dma_start3A_127 = arith.constant 0 : i32
      %dma_start3A_128 = tpu.memref_slice %arg6[%dma_start3A_126, %dma_start3A_127] : memref<10000x128xf32, #tpu.memory_space<vmem_shared>> -> memref<16x128xf32, #tpu.memory_space<vmem_shared>>
      %dma_start3A_129 = arith.constant 0 : i32
      %dma_start3A_130 = arith.constant 0 : i32
      %dma_start3A_131 = tpu.memref_slice %arg9[%dma_start3A_129, %dma_start3A_130] : memref<128x128xf32, #tpu.memory_space<vmem>> -> memref<16x128xf32, #tpu.memory_space<vmem>>
      tpu.enqueue_dma source(%dma_start3A_131 : memref<16x128xf32, #tpu.memory_space<vmem>>) target(%dma_start3A_128 : memref<16x128xf32, #tpu.memory_space<vmem_shared>>) target_semaphore(%arg12 : memref<!tpu.dma_semaphore, #tpu.memory_space<semaphore_mem>>)
    } else {
    }
    %add3A_42 = arith.constant 0 : i32
    %add3A_43 = arith.addi %arg1, %add3A_42 : i32
    %lt3A_44 = arith.constant 78 : i32
    %lt3A_45 = arith.cmpi slt, %add3A_43, %lt3A_44 : i32
    %convert_element_type3A_46 = arith.extui %lt3A_45 : i1 to i32
    %cond3A_47 = arith.constant 0 : i32
    %cond3A_48 = arith.cmpi ne, %convert_element_type3A_46, %cond3A_47 : i32
    scf.if %cond3A_48 {
      %mul3A_121 = arith.constant 128 : i32
      %mul3A_122 = arith.muli %add3A_43, %mul3A_121 : i32
      %dma_wait3A = arith.constant 0 : i32
      %dma_wait3A_123 = tpu.memref_slice %arg6[%mul3A_122, %dma_wait3A] : memref<10000x128xf32, #tpu.memory_space<vmem_shared>> -> memref<128x128xf32, #tpu.memory_space<vmem_shared>>
      %dma_wait3A_124 = arith.constant 0 : i32
      %dma_wait3A_125 = tpu.memref_slice %arg6[%mul3A_122, %dma_wait3A_124] : memref<10000x128xf32, #tpu.memory_space<vmem_shared>> -> memref<128x128xf32, #tpu.memory_space<vmem_shared>>
      tpu.wait_dma2 semaphore(%arg12 : memref<!tpu.dma_semaphore, #tpu.memory_space<semaphore_mem>>) src(%arg9 : memref<128x128xf32, #tpu.memory_space<vmem>>) dst(%dma_wait3A_125 : memref<128x128xf32, #tpu.memory_space<vmem_shared>>)
    } else {
    }
    %add3A_49 = arith.constant 16 : i32
    %add3A_50 = arith.addi %arg1, %add3A_49 : i32
    %lt3A_51 = arith.constant 78 : i32
    %lt3A_52 = arith.cmpi slt, %add3A_50, %lt3A_51 : i32
    %convert_element_type3A_53 = arith.extui %lt3A_52 : i1 to i32
    %cond3A_54 = arith.constant 0 : i32
    %cond3A_55 = arith.cmpi ne, %convert_element_type3A_53, %cond3A_54 : i32
    scf.if %cond3A_55 {
      %mul3A_121 = arith.constant 128 : i32
      %mul3A_122 = arith.muli %add3A_50, %mul3A_121 : i32
      %dma_wait3A = arith.constant 0 : i32
      %dma_wait3A_123 = tpu.memref_slice %arg6[%mul3A_122, %dma_wait3A] : memref<10000x128xf32, #tpu.memory_space<vmem_shared>> -> memref<128x128xf32, #tpu.memory_space<vmem_shared>>
      %dma_wait3A_124 = arith.constant 0 : i32
      %dma_wait3A_125 = tpu.memref_slice %arg6[%mul3A_122, %dma_wait3A_124] : memref<10000x128xf32, #tpu.memory_space<vmem_shared>> -> memref<128x128xf32, #tpu.memory_space<vmem_shared>>
      tpu.wait_dma2 semaphore(%arg12 : memref<!tpu.dma_semaphore, #tpu.memory_space<semaphore_mem>>) src(%arg9 : memref<128x128xf32, #tpu.memory_space<vmem>>) dst(%dma_wait3A_125 : memref<128x128xf32, #tpu.memory_space<vmem_shared>>)
    } else {
    }
    %add3A_56 = arith.constant 32 : i32
    %add3A_57 = arith.addi %arg1, %add3A_56 : i32
    %lt3A_58 = arith.constant 78 : i32
    %lt3A_59 = arith.cmpi slt, %add3A_57, %lt3A_58 : i32
    %convert_element_type3A_60 = arith.extui %lt3A_59 : i1 to i32
    %cond3A_61 = arith.constant 0 : i32
    %cond3A_62 = arith.cmpi ne, %convert_element_type3A_60, %cond3A_61 : i32
    scf.if %cond3A_62 {
      %mul3A_121 = arith.constant 128 : i32
      %mul3A_122 = arith.muli %add3A_57, %mul3A_121 : i32
      %dma_wait3A = arith.constant 0 : i32
      %dma_wait3A_123 = tpu.memref_slice %arg6[%mul3A_122, %dma_wait3A] : memref<10000x128xf32, #tpu.memory_space<vmem_shared>> -> memref<128x128xf32, #tpu.memory_space<vmem_shared>>
      %dma_wait3A_124 = arith.constant 0 : i32
      %dma_wait3A_125 = tpu.memref_slice %arg6[%mul3A_122, %dma_wait3A_124] : memref<10000x128xf32, #tpu.memory_space<vmem_shared>> -> memref<128x128xf32, #tpu.memory_space<vmem_shared>>
      tpu.wait_dma2 semaphore(%arg12 : memref<!tpu.dma_semaphore, #tpu.memory_space<semaphore_mem>>) src(%arg9 : memref<128x128xf32, #tpu.memory_space<vmem>>) dst(%dma_wait3A_125 : memref<128x128xf32, #tpu.memory_space<vmem_shared>>)
    } else {
    }
    %add3A_63 = arith.constant 48 : i32
    %add3A_64 = arith.addi %arg1, %add3A_63 : i32
    %lt3A_65 = arith.constant 78 : i32
    %lt3A_66 = arith.cmpi slt, %add3A_64, %lt3A_65 : i32
    %convert_element_type3A_67 = arith.extui %lt3A_66 : i1 to i32
    %cond3A_68 = arith.constant 0 : i32
    %cond3A_69 = arith.cmpi ne, %convert_element_type3A_67, %cond3A_68 : i32
    scf.if %cond3A_69 {
      %mul3A_121 = arith.constant 128 : i32
      %mul3A_122 = arith.muli %add3A_64, %mul3A_121 : i32
      %dma_wait3A = arith.constant 0 : i32
      %dma_wait3A_123 = tpu.memref_slice %arg6[%mul3A_122, %dma_wait3A] : memref<10000x128xf32, #tpu.memory_space<vmem_shared>> -> memref<128x128xf32, #tpu.memory_space<vmem_shared>>
      %dma_wait3A_124 = arith.constant 0 : i32
      %dma_wait3A_125 = tpu.memref_slice %arg6[%mul3A_122, %dma_wait3A_124] : memref<10000x128xf32, #tpu.memory_space<vmem_shared>> -> memref<128x128xf32, #tpu.memory_space<vmem_shared>>
      tpu.wait_dma2 semaphore(%arg12 : memref<!tpu.dma_semaphore, #tpu.memory_space<semaphore_mem>>) src(%arg9 : memref<128x128xf32, #tpu.memory_space<vmem>>) dst(%dma_wait3A_125 : memref<128x128xf32, #tpu.memory_space<vmem_shared>>)
    } else {
    }
    %add3A_70 = arith.constant 64 : i32
    %add3A_71 = arith.addi %arg1, %add3A_70 : i32
    %lt3A_72 = arith.constant 78 : i32
    %lt3A_73 = arith.cmpi slt, %add3A_71, %lt3A_72 : i32
    %convert_element_type3A_74 = arith.extui %lt3A_73 : i1 to i32
    %cond3A_75 = arith.constant 0 : i32
    %cond3A_76 = arith.cmpi ne, %convert_element_type3A_74, %cond3A_75 : i32
    scf.if %cond3A_76 {
      %mul3A_121 = arith.constant 128 : i32
      %mul3A_122 = arith.muli %add3A_71, %mul3A_121 : i32
      %dma_wait3A = arith.constant 0 : i32
      %dma_wait3A_123 = tpu.memref_slice %arg6[%mul3A_122, %dma_wait3A] : memref<10000x128xf32, #tpu.memory_space<vmem_shared>> -> memref<128x128xf32, #tpu.memory_space<vmem_shared>>
      %dma_wait3A_124 = arith.constant 0 : i32
      %dma_wait3A_125 = tpu.memref_slice %arg6[%mul3A_122, %dma_wait3A_124] : memref<10000x128xf32, #tpu.memory_space<vmem_shared>> -> memref<128x128xf32, #tpu.memory_space<vmem_shared>>
      tpu.wait_dma2 semaphore(%arg12 : memref<!tpu.dma_semaphore, #tpu.memory_space<semaphore_mem>>) src(%arg9 : memref<128x128xf32, #tpu.memory_space<vmem>>) dst(%dma_wait3A_125 : memref<128x128xf32, #tpu.memory_space<vmem_shared>>)
    } else {
    }
    %eq3A_77 = arith.constant 15 : i32
    %eq3A_78 = arith.cmpi eq, %arg1, %eq3A_77 : i32
    %convert_element_type3A_79 = arith.extui %eq3A_78 : i1 to i32
    %cond3A_80 = arith.constant 0 : i32
    %cond3A_81 = arith.cmpi ne, %convert_element_type3A_79, %cond3A_80 : i32
    scf.if %cond3A_81 {
      %dma_wait3A = arith.constant 0 : i32
      %dma_wait3A_121 = arith.constant 0 : i32
      %dma_wait3A_122 = tpu.memref_slice %arg9[%dma_wait3A, %dma_wait3A_121] : memref<128x128xf32, #tpu.memory_space<vmem>> -> memref<16x128xf32, #tpu.memory_space<vmem>>
      %dma_wait3A_123 = arith.constant 9984 : i32
      %dma_wait3A_124 = arith.constant 0 : i32
      %dma_wait3A_125 = tpu.memref_slice %arg6[%dma_wait3A_123, %dma_wait3A_124] : memref<10000x128xf32, #tpu.memory_space<vmem_shared>> -> memref<16x128xf32, #tpu.memory_space<vmem_shared>>
      %dma_wait3A_126 = arith.constant 9984 : i32
      %dma_wait3A_127 = arith.constant 0 : i32
      %dma_wait3A_128 = tpu.memref_slice %arg6[%dma_wait3A_126, %dma_wait3A_127] : memref<10000x128xf32, #tpu.memory_space<vmem_shared>> -> memref<16x128xf32, #tpu.memory_space<vmem_shared>>
      %dma_wait3A_129 = arith.constant 0 : i32
      %dma_wait3A_130 = arith.constant 0 : i32
      %dma_wait3A_131 = tpu.memref_slice %arg9[%dma_wait3A_129, %dma_wait3A_130] : memref<128x128xf32, #tpu.memory_space<vmem>> -> memref<16x128xf32, #tpu.memory_space<vmem>>
      tpu.wait_dma2 semaphore(%arg12 : memref<!tpu.dma_semaphore, #tpu.memory_space<semaphore_mem>>) src(%dma_wait3A_131 : memref<16x128xf32, #tpu.memory_space<vmem>>) dst(%dma_wait3A_128 : memref<16x128xf32, #tpu.memory_space<vmem_shared>>)
    } else {
    }
    %barrier3A = arith.constant 0 : index
    tpu.barrier barrier_id(%barrier3A)
    %mul3A_82 = arith.constant 80 : i32
    %mul3A_83 = arith.muli %add3A, %mul3A_82 : i32
    %sub3A = arith.constant 2500 : i32
    %sub3A_84 = arith.subi %sub3A, %mul3A_83 : i32
    %jit3A = arith.constant 0 : i32
    %jit3A_85 = arith.constant 80 : i32
    %max3A = arith.maxsi %jit3A, %sub3A_84 : i32
    %min3A = arith.minsi %jit3A_85, %max3A : i32
    %add3A_86 = arith.constant 0 : i32
    %add3A_87 = arith.addi %mul3A_83, %add3A_86 : i32
    %sub3A_88 = arith.constant 0 : i32
    %sub3A_89 = arith.subi %min3A, %sub3A_88 : i32
    %jit3A_90 = arith.constant 0 : i32
    %jit3A_91 = arith.constant 40 : i32
    %max3A_92 = arith.maxsi %jit3A_90, %sub3A_89 : i32
    %min3A_93 = arith.minsi %jit3A_91, %max3A_92 : i32
    %gt3A = arith.constant 0 : i32
    %gt3A_94 = arith.cmpi sgt, %min3A_93, %gt3A : i32
    %convert_element_type3A_95 = arith.extui %gt3A_94 : i1 to i32
    %cond3A_96 = arith.constant 0 : i32
    %cond3A_97 = arith.cmpi ne, %convert_element_type3A_95, %cond3A_96 : i32
    scf.if %cond3A_97 {
      "tpu.region"() ({
        %run_scoped3A = tpu.sem_alloc : memref<!tpu.dma_semaphore, #tpu.memory_space<semaphore_mem>>
        %dma_start3A_146 = arith.constant 0 : i32
        %dma_start3A_147 = tpu.memref_slice %arg3[%add3A_87, %dma_start3A_146] : memref<2560x128xi32, #tpu.memory_space<hbm>> -> memref<40x128xi32, #tpu.memory_space<hbm>>
        %dma_start3A_148 = arith.constant 0 : i32
        %dma_start3A_149 = tpu.memref_slice %arg3[%add3A_87, %dma_start3A_148] : memref<2560x128xi32, #tpu.memory_space<hbm>> -> memref<40x128xi32, #tpu.memory_space<hbm>>
        tpu.enqueue_dma source(%dma_start3A_149 : memref<40x128xi32, #tpu.memory_space<hbm>>) target(%arg7 : memref<40x128xi32, #tpu.memory_space<vmem>>) target_semaphore(%run_scoped3A : memref<!tpu.dma_semaphore, #tpu.memory_space<semaphore_mem>>)
        %dma_wait3A_150 = arith.constant 0 : i32
        %dma_wait3A_151 = tpu.memref_slice %arg3[%add3A_87, %dma_wait3A_150] : memref<2560x128xi32, #tpu.memory_space<hbm>> -> memref<40x128xi32, #tpu.memory_space<hbm>>
        %dma_wait3A_152 = arith.constant 0 : i32
        %dma_wait3A_153 = tpu.memref_slice %arg3[%add3A_87, %dma_wait3A_152] : memref<2560x128xi32, #tpu.memory_space<hbm>> -> memref<40x128xi32, #tpu.memory_space<hbm>>
        tpu.wait_dma2 semaphore(%run_scoped3A : memref<!tpu.dma_semaphore, #tpu.memory_space<semaphore_mem>>) src(%dma_wait3A_153 : memref<40x128xi32, #tpu.memory_space<hbm>>) dst(%arg7 : memref<40x128xi32, #tpu.memory_space<vmem>>)
        tpu.yield
      }) : () -> ()
      "tpu.region"() ({
        %run_scoped3A = tpu.sem_alloc : memref<!tpu.dma_semaphore, #tpu.memory_space<semaphore_mem>>
        %dma_start3A_146 = arith.constant 0 : i32
        %dma_start3A_147 = tpu.memref_slice %arg4[%add3A_87, %dma_start3A_146] : memref<2560x128xi32, #tpu.memory_space<hbm>> -> memref<40x128xi32, #tpu.memory_space<hbm>>
        %dma_start3A_148 = arith.constant 0 : i32
        %dma_start3A_149 = tpu.memref_slice %arg4[%add3A_87, %dma_start3A_148] : memref<2560x128xi32, #tpu.memory_space<hbm>> -> memref<40x128xi32, #tpu.memory_space<hbm>>
        tpu.enqueue_dma source(%dma_start3A_149 : memref<40x128xi32, #tpu.memory_space<hbm>>) target(%arg8 : memref<40x128xi32, #tpu.memory_space<vmem>>) target_semaphore(%run_scoped3A : memref<!tpu.dma_semaphore, #tpu.memory_space<semaphore_mem>>)
        %dma_wait3A_150 = arith.constant 0 : i32
        %dma_wait3A_151 = tpu.memref_slice %arg4[%add3A_87, %dma_wait3A_150] : memref<2560x128xi32, #tpu.memory_space<hbm>> -> memref<40x128xi32, #tpu.memory_space<hbm>>
        %dma_wait3A_152 = arith.constant 0 : i32
        %dma_wait3A_153 = tpu.memref_slice %arg4[%add3A_87, %dma_wait3A_152] : memref<2560x128xi32, #tpu.memory_space<hbm>> -> memref<40x128xi32, #tpu.memory_space<hbm>>
        tpu.wait_dma2 semaphore(%run_scoped3A : memref<!tpu.dma_semaphore, #tpu.memory_space<semaphore_mem>>) src(%dma_wait3A_153 : memref<40x128xi32, #tpu.memory_space<hbm>>) dst(%arg8 : memref<40x128xi32, #tpu.memory_space<vmem>>)
        tpu.yield
      }) : () -> ()
      %dma_start3A = arith.constant 0 : i32
      %dma_start3A_121 = arith.constant 0 : i32
      %dma_start3A_122 = tpu.memref_slice %arg7[%dma_start3A, %dma_start3A_121] : memref<40x128xi32, #tpu.memory_space<vmem>> -> memref<1x128xi32, #tpu.memory_space<vmem>>
      %dma_start3A_123 = tpu.memref_squeeze %dma_start3A_122 : memref<1x128xi32, #tpu.memory_space<vmem>> -> memref<128xi32, #tpu.memory_space<vmem>>
      %dma_start3A_124 = arith.constant 0 : i32
      %dma_start3A_125 = arith.constant 0 : i32
      %dma_start3A_126 = tpu.memref_slice %arg2[%dma_start3A_124, %dma_start3A_125] : memref<10000x128xf32, #tpu.memory_space<hbm>> -> memref<10000x128xf32, #tpu.memory_space<hbm>>
      tpu.enqueue_indirect_dma source(%dma_start3A_126 : memref<10000x128xf32, #tpu.memory_space<hbm>>) target(%arg9 : memref<128x128xf32, #tpu.memory_space<vmem>>) offsets(%dma_start3A_123 : memref<128xi32, #tpu.memory_space<vmem>>) semaphore(%arg11 : memref<!tpu.dma_semaphore, #tpu.memory_space<semaphore_mem>>)
      %while3A = arith.constant 0 : i32
      %while3A_127 = arith.constant 0 : i32
      %while3A_128 = arith.subi %min3A_93, %while3A_127 : i32
      %while3A_129 = arith.addi %while3A_127, %while3A_128 : i32
      %while3A_130 = arith.constant 1 : i32
      %while3A_131 = arith.divsi %while3A_128, %while3A_130 : i32
      %while3A_132 = arith.muli %while3A_131, %while3A_130 : i32
      %while3A_133 = arith.addi %while3A_127, %while3A_132 : i32
      %while3A_134 = arith.constant 1 : i32
      scf.for %while3A_146 = %while3A_127 to %while3A_133 step %while3A_134  : i32 {
        %jit3A_147 = arith.constant 2 : i32
        %eq3A_148 = arith.constant 0 : i32
        %eq3A_149 = arith.cmpi eq, %jit3A_147, %eq3A_148 : i32
        %jit3A_150 = arith.constant 1 : i32
        %select_n3A = arith.select %eq3A_149, %jit3A_150, %jit3A_147 : i32
        %rem3A = arith.remsi %while3A_146, %select_n3A : i32
        %ne3A = arith.constant 0 : i32
        %ne3A_151 = arith.cmpi ne, %rem3A, %ne3A : i32
        %lt3A_152 = arith.constant 0 : i32
        %lt3A_153 = arith.cmpi slt, %rem3A, %lt3A_152 : i32
        %lt3A_154 = arith.constant 0 : i32
        %lt3A_155 = arith.cmpi slt, %select_n3A, %lt3A_154 : i32
        %ne3A_156 = arith.xori %lt3A_153, %lt3A_155 : i1
        %and3A = arith.andi %ne3A_156, %ne3A_151 : i1
        %add3A_157 = arith.addi %rem3A, %select_n3A : i32
        %select_n3A_158 = arith.select %and3A, %add3A_157, %rem3A : i32
        %eq3A_159 = arith.constant 0 : i32
        %eq3A_160 = arith.cmpi eq, %select_n3A_158, %eq3A_159 : i32
        %convert_element_type3A_161 = arith.extui %eq3A_160 : i1 to i32
        %cond3A_162 = arith.constant 0 : i32
        %cond3A_163 = arith.cmpi ne, %convert_element_type3A_161, %cond3A_162 : i32
        scf.if %cond3A_163 {
          %ge3A_185 = arith.constant 1 : i32
          %ge3A_186 = arith.cmpi sge, %while3A_146, %ge3A_185 : i32
          %add3A_187 = arith.constant 1 : i32
          %add3A_188 = arith.addi %while3A_146, %add3A_187 : i32
          %lt3A_189 = arith.cmpi slt, %add3A_188, %min3A_93 : i32
          %and3A_190 = arith.andi %ge3A_186, %lt3A_189 : i1
          %convert_element_type3A_191 = arith.extui %and3A_190 : i1 to i32
          %cond3A_192 = arith.constant 0 : i32
          %cond3A_193 = arith.cmpi ne, %convert_element_type3A_191, %cond3A_192 : i32
          scf.if %cond3A_193 {
            %dma_wait3A_213 = arith.constant 0 : i32
            %dma_wait3A_214 = arith.constant 0 : i32
            %dma_wait3A_215 = tpu.memref_slice %arg8[%dma_wait3A_213, %dma_wait3A_214] : memref<40x128xi32, #tpu.memory_space<vmem>> -> memref<1x128xi32, #tpu.memory_space<vmem>>
            %dma_wait3A_216 = tpu.memref_squeeze %dma_wait3A_215 : memref<1x128xi32, #tpu.memory_space<vmem>> -> memref<128xi32, #tpu.memory_space<vmem>>
            %dma_wait3A_217 = arith.constant 0 : i32
            %dma_wait3A_218 = arith.constant 0 : i32
            %dma_wait3A_219 = tpu.memref_slice %arg6[%dma_wait3A_217, %dma_wait3A_218] : memref<10000x128xf32, #tpu.memory_space<vmem_shared>> -> memref<10000x128xf32, #tpu.memory_space<vmem_shared>>
            tpu.wait_indirect_dma semaphore(%arg12 : memref<!tpu.dma_semaphore, #tpu.memory_space<semaphore_mem>>) src(%arg10 : memref<128x128xf32, #tpu.memory_space<vmem>>) dst(%dma_wait3A_219 : memref<10000x128xf32, #tpu.memory_space<vmem_shared>>)
          } else {
          }
          %add3A_194 = arith.constant 1 : i32
          %add3A_195 = arith.addi %while3A_146, %add3A_194 : i32
          %lt3A_196 = arith.cmpi slt, %add3A_195, %min3A_93 : i32
          %convert_element_type3A_197 = arith.extui %lt3A_196 : i1 to i32
          %cond3A_198 = arith.constant 0 : i32
          %cond3A_199 = arith.cmpi ne, %convert_element_type3A_197, %cond3A_198 : i32
          scf.if %cond3A_199 {
            %add3A_213 = arith.constant 1 : i32
            %add3A_214 = arith.addi %while3A_146, %add3A_213 : i32
            %dma_start3A_215 = arith.constant 0 : i32
            %dma_start3A_216 = tpu.memref_slice %arg7[%add3A_214, %dma_start3A_215] : memref<40x128xi32, #tpu.memory_space<vmem>> -> memref<1x128xi32, #tpu.memory_space<vmem>>
            %dma_start3A_217 = tpu.memref_squeeze %dma_start3A_216 : memref<1x128xi32, #tpu.memory_space<vmem>> -> memref<128xi32, #tpu.memory_space<vmem>>
            %dma_start3A_218 = arith.constant 0 : i32
            %dma_start3A_219 = arith.constant 0 : i32
            %dma_start3A_220 = tpu.memref_slice %arg2[%dma_start3A_218, %dma_start3A_219] : memref<10000x128xf32, #tpu.memory_space<hbm>> -> memref<10000x128xf32, #tpu.memory_space<hbm>>
            tpu.enqueue_indirect_dma source(%dma_start3A_220 : memref<10000x128xf32, #tpu.memory_space<hbm>>) target(%arg10 : memref<128x128xf32, #tpu.memory_space<vmem>>) offsets(%dma_start3A_217 : memref<128xi32, #tpu.memory_space<vmem>>) semaphore(%arg11 : memref<!tpu.dma_semaphore, #tpu.memory_space<semaphore_mem>>)
          } else {
          }
          %dma_wait3A_200 = arith.constant 0 : i32
          %dma_wait3A_201 = arith.constant 0 : i32
          %dma_wait3A_202 = tpu.memref_slice %arg7[%dma_wait3A_200, %dma_wait3A_201] : memref<40x128xi32, #tpu.memory_space<vmem>> -> memref<1x128xi32, #tpu.memory_space<vmem>>
          %dma_wait3A_203 = tpu.memref_squeeze %dma_wait3A_202 : memref<1x128xi32, #tpu.memory_space<vmem>> -> memref<128xi32, #tpu.memory_space<vmem>>
          %dma_wait3A_204 = arith.constant 0 : i32
          %dma_wait3A_205 = arith.constant 0 : i32
          %dma_wait3A_206 = tpu.memref_slice %arg2[%dma_wait3A_204, %dma_wait3A_205] : memref<10000x128xf32, #tpu.memory_space<hbm>> -> memref<10000x128xf32, #tpu.memory_space<hbm>>
          tpu.wait_indirect_dma semaphore(%arg11 : memref<!tpu.dma_semaphore, #tpu.memory_space<semaphore_mem>>) src(%dma_wait3A_206 : memref<10000x128xf32, #tpu.memory_space<hbm>>) dst(%arg9 : memref<128x128xf32, #tpu.memory_space<vmem>>)
          %dma_start3A_207 = arith.constant 0 : i32
          %dma_start3A_208 = tpu.memref_slice %arg8[%while3A_146, %dma_start3A_207] : memref<40x128xi32, #tpu.memory_space<vmem>> -> memref<1x128xi32, #tpu.memory_space<vmem>>
          %dma_start3A_209 = tpu.memref_squeeze %dma_start3A_208 : memref<1x128xi32, #tpu.memory_space<vmem>> -> memref<128xi32, #tpu.memory_space<vmem>>
          %dma_start3A_210 = arith.constant 0 : i32
          %dma_start3A_211 = arith.constant 0 : i32
          %dma_start3A_212 = tpu.memref_slice %arg6[%dma_start3A_210, %dma_start3A_211] : memref<10000x128xf32, #tpu.memory_space<vmem_shared>> -> memref<10000x128xf32, #tpu.memory_space<vmem_shared>>
          tpu.enqueue_indirect_dma source(%arg9 : memref<128x128xf32, #tpu.memory_space<vmem>>) target(%dma_start3A_212 : memref<10000x128xf32, #tpu.memory_space<vmem_shared>>) offsets(%dma_start3A_209 : memref<128xi32, #tpu.memory_space<vmem>>) semaphore(%arg12 : memref<!tpu.dma_semaphore, #tpu.memory_space<semaphore_mem>>) {add = true}
        } else {
        }
        %jit3A_164 = arith.constant 2 : i32
        %eq3A_165 = arith.constant 0 : i32
        %eq3A_166 = arith.cmpi eq, %jit3A_164, %eq3A_165 : i32
        %jit3A_167 = arith.constant 1 : i32
        %select_n3A_168 = arith.select %eq3A_166, %jit3A_167, %jit3A_164 : i32
        %rem3A_169 = arith.remsi %while3A_146, %select_n3A_168 : i32
        %ne3A_170 = arith.constant 0 : i32
        %ne3A_171 = arith.cmpi ne, %rem3A_169, %ne3A_170 : i32
        %lt3A_172 = arith.constant 0 : i32
        %lt3A_173 = arith.cmpi slt, %rem3A_169, %lt3A_172 : i32
        %lt3A_174 = arith.constant 0 : i32
        %lt3A_175 = arith.cmpi slt, %select_n3A_168, %lt3A_174 : i32
        %ne3A_176 = arith.xori %lt3A_173, %lt3A_175 : i1
        %and3A_177 = arith.andi %ne3A_176, %ne3A_171 : i1
        %add3A_178 = arith.addi %rem3A_169, %select_n3A_168 : i32
        %select_n3A_179 = arith.select %and3A_177, %add3A_178, %rem3A_169 : i32
        %eq3A_180 = arith.constant 1 : i32
        %eq3A_181 = arith.cmpi eq, %select_n3A_179, %eq3A_180 : i32
        %convert_element_type3A_182 = arith.extui %eq3A_181 : i1 to i32
        %cond3A_183 = arith.constant 0 : i32
        %cond3A_184 = arith.cmpi ne, %convert_element_type3A_182, %cond3A_183 : i32
        scf.if %cond3A_184 {
          %ge3A_185 = arith.constant 1 : i32
          %ge3A_186 = arith.cmpi sge, %while3A_146, %ge3A_185 : i32
          %add3A_187 = arith.constant 1 : i32
          %add3A_188 = arith.addi %while3A_146, %add3A_187 : i32
          %lt3A_189 = arith.cmpi slt, %add3A_188, %min3A_93 : i32
          %and3A_190 = arith.andi %ge3A_186, %lt3A_189 : i1
          %convert_element_type3A_191 = arith.extui %and3A_190 : i1 to i32
          %cond3A_192 = arith.constant 0 : i32
          %cond3A_193 = arith.cmpi ne, %convert_element_type3A_191, %cond3A_192 : i32
          scf.if %cond3A_193 {
            %dma_wait3A_213 = arith.constant 0 : i32
            %dma_wait3A_214 = arith.constant 0 : i32
            %dma_wait3A_215 = tpu.memref_slice %arg8[%dma_wait3A_213, %dma_wait3A_214] : memref<40x128xi32, #tpu.memory_space<vmem>> -> memref<1x128xi32, #tpu.memory_space<vmem>>
            %dma_wait3A_216 = tpu.memref_squeeze %dma_wait3A_215 : memref<1x128xi32, #tpu.memory_space<vmem>> -> memref<128xi32, #tpu.memory_space<vmem>>
            %dma_wait3A_217 = arith.constant 0 : i32
            %dma_wait3A_218 = arith.constant 0 : i32
            %dma_wait3A_219 = tpu.memref_slice %arg6[%dma_wait3A_217, %dma_wait3A_218] : memref<10000x128xf32, #tpu.memory_space<vmem_shared>> -> memref<10000x128xf32, #tpu.memory_space<vmem_shared>>
            tpu.wait_indirect_dma semaphore(%arg12 : memref<!tpu.dma_semaphore, #tpu.memory_space<semaphore_mem>>) src(%arg9 : memref<128x128xf32, #tpu.memory_space<vmem>>) dst(%dma_wait3A_219 : memref<10000x128xf32, #tpu.memory_space<vmem_shared>>)
          } else {
          }
          %add3A_194 = arith.constant 1 : i32
          %add3A_195 = arith.addi %while3A_146, %add3A_194 : i32
          %lt3A_196 = arith.cmpi slt, %add3A_195, %min3A_93 : i32
          %convert_element_type3A_197 = arith.extui %lt3A_196 : i1 to i32
          %cond3A_198 = arith.constant 0 : i32
          %cond3A_199 = arith.cmpi ne, %convert_element_type3A_197, %cond3A_198 : i32
          scf.if %cond3A_199 {
            %add3A_213 = arith.constant 1 : i32
            %add3A_214 = arith.addi %while3A_146, %add3A_213 : i32
            %dma_start3A_215 = arith.constant 0 : i32
            %dma_start3A_216 = tpu.memref_slice %arg7[%add3A_214, %dma_start3A_215] : memref<40x128xi32, #tpu.memory_space<vmem>> -> memref<1x128xi32, #tpu.memory_space<vmem>>
            %dma_start3A_217 = tpu.memref_squeeze %dma_start3A_216 : memref<1x128xi32, #tpu.memory_space<vmem>> -> memref<128xi32, #tpu.memory_space<vmem>>
            %dma_start3A_218 = arith.constant 0 : i32
            %dma_start3A_219 = arith.constant 0 : i32
            %dma_start3A_220 = tpu.memref_slice %arg2[%dma_start3A_218, %dma_start3A_219] : memref<10000x128xf32, #tpu.memory_space<hbm>> -> memref<10000x128xf32, #tpu.memory_space<hbm>>
            tpu.enqueue_indirect_dma source(%dma_start3A_220 : memref<10000x128xf32, #tpu.memory_space<hbm>>) target(%arg9 : memref<128x128xf32, #tpu.memory_space<vmem>>) offsets(%dma_start3A_217 : memref<128xi32, #tpu.memory_space<vmem>>) semaphore(%arg11 : memref<!tpu.dma_semaphore, #tpu.memory_space<semaphore_mem>>)
          } else {
          }
          %dma_wait3A_200 = arith.constant 0 : i32
          %dma_wait3A_201 = arith.constant 0 : i32
          %dma_wait3A_202 = tpu.memref_slice %arg7[%dma_wait3A_200, %dma_wait3A_201] : memref<40x128xi32, #tpu.memory_space<vmem>> -> memref<1x128xi32, #tpu.memory_space<vmem>>
          %dma_wait3A_203 = tpu.memref_squeeze %dma_wait3A_202 : memref<1x128xi32, #tpu.memory_space<vmem>> -> memref<128xi32, #tpu.memory_space<vmem>>
          %dma_wait3A_204 = arith.constant 0 : i32
          %dma_wait3A_205 = arith.constant 0 : i32
          %dma_wait3A_206 = tpu.memref_slice %arg2[%dma_wait3A_204, %dma_wait3A_205] : memref<10000x128xf32, #tpu.memory_space<hbm>> -> memref<10000x128xf32, #tpu.memory_space<hbm>>
          tpu.wait_indirect_dma semaphore(%arg11 : memref<!tpu.dma_semaphore, #tpu.memory_space<semaphore_mem>>) src(%dma_wait3A_206 : memref<10000x128xf32, #tpu.memory_space<hbm>>) dst(%arg10 : memref<128x128xf32, #tpu.memory_space<vmem>>)
          %dma_start3A_207 = arith.constant 0 : i32
          %dma_start3A_208 = tpu.memref_slice %arg8[%while3A_146, %dma_start3A_207] : memref<40x128xi32, #tpu.memory_space<vmem>> -> memref<1x128xi32, #tpu.memory_space<vmem>>
          %dma_start3A_209 = tpu.memref_squeeze %dma_start3A_208 : memref<1x128xi32, #tpu.memory_space<vmem>> -> memref<128xi32, #tpu.memory_space<vmem>>
          %dma_start3A_210 = arith.constant 0 : i32
          %dma_start3A_211 = arith.constant 0 : i32
          %dma_start3A_212 = tpu.memref_slice %arg6[%dma_start3A_210, %dma_start3A_211] : memref<10000x128xf32, #tpu.memory_space<vmem_shared>> -> memref<10000x128xf32, #tpu.memory_space<vmem_shared>>
          tpu.enqueue_indirect_dma source(%arg10 : memref<128x128xf32, #tpu.memory_space<vmem>>) target(%dma_start3A_212 : memref<10000x128xf32, #tpu.memory_space<vmem_shared>>) offsets(%dma_start3A_209 : memref<128xi32, #tpu.memory_space<vmem>>) semaphore(%arg12 : memref<!tpu.dma_semaphore, #tpu.memory_space<semaphore_mem>>) {add = true}
        } else {
        }
      }
      %while3A_135 = arith.constant 1 : i32
      scf.for %while3A_146 = %while3A_133 to %while3A_129 step %while3A_135  : i32 {
        %jit3A_147 = arith.constant 2 : i32
        %eq3A_148 = arith.constant 0 : i32
        %eq3A_149 = arith.cmpi eq, %jit3A_147, %eq3A_148 : i32
        %jit3A_150 = arith.constant 1 : i32
        %select_n3A = arith.select %eq3A_149, %jit3A_150, %jit3A_147 : i32
        %rem3A = arith.remsi %while3A_146, %select_n3A : i32
        %ne3A = arith.constant 0 : i32
        %ne3A_151 = arith.cmpi ne, %rem3A, %ne3A : i32
        %lt3A_152 = arith.constant 0 : i32
        %lt3A_153 = arith.cmpi slt, %rem3A, %lt3A_152 : i32
        %lt3A_154 = arith.constant 0 : i32
        %lt3A_155 = arith.cmpi slt, %select_n3A, %lt3A_154 : i32
        %ne3A_156 = arith.xori %lt3A_153, %lt3A_155 : i1
        %and3A = arith.andi %ne3A_156, %ne3A_151 : i1
        %add3A_157 = arith.addi %rem3A, %select_n3A : i32
        %select_n3A_158 = arith.select %and3A, %add3A_157, %rem3A : i32
        %eq3A_159 = arith.constant 0 : i32
        %eq3A_160 = arith.cmpi eq, %select_n3A_158, %eq3A_159 : i32
        %convert_element_type3A_161 = arith.extui %eq3A_160 : i1 to i32
        %cond3A_162 = arith.constant 0 : i32
        %cond3A_163 = arith.cmpi ne, %convert_element_type3A_161, %cond3A_162 : i32
        scf.if %cond3A_163 {
          %ge3A_185 = arith.constant 1 : i32
          %ge3A_186 = arith.cmpi sge, %while3A_146, %ge3A_185 : i32
          %add3A_187 = arith.constant 1 : i32
          %add3A_188 = arith.addi %while3A_146, %add3A_187 : i32
          %lt3A_189 = arith.cmpi slt, %add3A_188, %min3A_93 : i32
          %and3A_190 = arith.andi %ge3A_186, %lt3A_189 : i1
          %convert_element_type3A_191 = arith.extui %and3A_190 : i1 to i32
          %cond3A_192 = arith.constant 0 : i32
          %cond3A_193 = arith.cmpi ne, %convert_element_type3A_191, %cond3A_192 : i32
          scf.if %cond3A_193 {
            %dma_wait3A_213 = arith.constant 0 : i32
            %dma_wait3A_214 = arith.constant 0 : i32
            %dma_wait3A_215 = tpu.memref_slice %arg8[%dma_wait3A_213, %dma_wait3A_214] : memref<40x128xi32, #tpu.memory_space<vmem>> -> memref<1x128xi32, #tpu.memory_space<vmem>>
            %dma_wait3A_216 = tpu.memref_squeeze %dma_wait3A_215 : memref<1x128xi32, #tpu.memory_space<vmem>> -> memref<128xi32, #tpu.memory_space<vmem>>
            %dma_wait3A_217 = arith.constant 0 : i32
            %dma_wait3A_218 = arith.constant 0 : i32
            %dma_wait3A_219 = tpu.memref_slice %arg6[%dma_wait3A_217, %dma_wait3A_218] : memref<10000x128xf32, #tpu.memory_space<vmem_shared>> -> memref<10000x128xf32, #tpu.memory_space<vmem_shared>>
            tpu.wait_indirect_dma semaphore(%arg12 : memref<!tpu.dma_semaphore, #tpu.memory_space<semaphore_mem>>) src(%arg10 : memref<128x128xf32, #tpu.memory_space<vmem>>) dst(%dma_wait3A_219 : memref<10000x128xf32, #tpu.memory_space<vmem_shared>>)
          } else {
          }
          %add3A_194 = arith.constant 1 : i32
          %add3A_195 = arith.addi %while3A_146, %add3A_194 : i32
          %lt3A_196 = arith.cmpi slt, %add3A_195, %min3A_93 : i32
          %convert_element_type3A_197 = arith.extui %lt3A_196 : i1 to i32
          %cond3A_198 = arith.constant 0 : i32
          %cond3A_199 = arith.cmpi ne, %convert_element_type3A_197, %cond3A_198 : i32
          scf.if %cond3A_199 {
            %add3A_213 = arith.constant 1 : i32
            %add3A_214 = arith.addi %while3A_146, %add3A_213 : i32
            %dma_start3A_215 = arith.constant 0 : i32
            %dma_start3A_216 = tpu.memref_slice %arg7[%add3A_214, %dma_start3A_215] : memref<40x128xi32, #tpu.memory_space<vmem>> -> memref<1x128xi32, #tpu.memory_space<vmem>>
            %dma_start3A_217 = tpu.memref_squeeze %dma_start3A_216 : memref<1x128xi32, #tpu.memory_space<vmem>> -> memref<128xi32, #tpu.memory_space<vmem>>
            %dma_start3A_218 = arith.constant 0 : i32
            %dma_start3A_219 = arith.constant 0 : i32
            %dma_start3A_220 = tpu.memref_slice %arg2[%dma_start3A_218, %dma_start3A_219] : memref<10000x128xf32, #tpu.memory_space<hbm>> -> memref<10000x128xf32, #tpu.memory_space<hbm>>
            tpu.enqueue_indirect_dma source(%dma_start3A_220 : memref<10000x128xf32, #tpu.memory_space<hbm>>) target(%arg10 : memref<128x128xf32, #tpu.memory_space<vmem>>) offsets(%dma_start3A_217 : memref<128xi32, #tpu.memory_space<vmem>>) semaphore(%arg11 : memref<!tpu.dma_semaphore, #tpu.memory_space<semaphore_mem>>)
          } else {
          }
          %dma_wait3A_200 = arith.constant 0 : i32
          %dma_wait3A_201 = arith.constant 0 : i32
          %dma_wait3A_202 = tpu.memref_slice %arg7[%dma_wait3A_200, %dma_wait3A_201] : memref<40x128xi32, #tpu.memory_space<vmem>> -> memref<1x128xi32, #tpu.memory_space<vmem>>
          %dma_wait3A_203 = tpu.memref_squeeze %dma_wait3A_202 : memref<1x128xi32, #tpu.memory_space<vmem>> -> memref<128xi32, #tpu.memory_space<vmem>>
          %dma_wait3A_204 = arith.constant 0 : i32
          %dma_wait3A_205 = arith.constant 0 : i32
          %dma_wait3A_206 = tpu.memref_slice %arg2[%dma_wait3A_204, %dma_wait3A_205] : memref<10000x128xf32, #tpu.memory_space<hbm>> -> memref<10000x128xf32, #tpu.memory_space<hbm>>
          tpu.wait_indirect_dma semaphore(%arg11 : memref<!tpu.dma_semaphore, #tpu.memory_space<semaphore_mem>>) src(%dma_wait3A_206 : memref<10000x128xf32, #tpu.memory_space<hbm>>) dst(%arg9 : memref<128x128xf32, #tpu.memory_space<vmem>>)
          %dma_start3A_207 = arith.constant 0 : i32
          %dma_start3A_208 = tpu.memref_slice %arg8[%while3A_146, %dma_start3A_207] : memref<40x128xi32, #tpu.memory_space<vmem>> -> memref<1x128xi32, #tpu.memory_space<vmem>>
          %dma_start3A_209 = tpu.memref_squeeze %dma_start3A_208 : memref<1x128xi32, #tpu.memory_space<vmem>> -> memref<128xi32, #tpu.memory_space<vmem>>
          %dma_start3A_210 = arith.constant 0 : i32
          %dma_start3A_211 = arith.constant 0 : i32
          %dma_start3A_212 = tpu.memref_slice %arg6[%dma_start3A_210, %dma_start3A_211] : memref<10000x128xf32, #tpu.memory_space<vmem_shared>> -> memref<10000x128xf32, #tpu.memory_space<vmem_shared>>
          tpu.enqueue_indirect_dma source(%arg9 : memref<128x128xf32, #tpu.memory_space<vmem>>) target(%dma_start3A_212 : memref<10000x128xf32, #tpu.memory_space<vmem_shared>>) offsets(%dma_start3A_209 : memref<128xi32, #tpu.memory_space<vmem>>) semaphore(%arg12 : memref<!tpu.dma_semaphore, #tpu.memory_space<semaphore_mem>>) {add = true}
        } else {
        }
        %jit3A_164 = arith.constant 2 : i32
        %eq3A_165 = arith.constant 0 : i32
        %eq3A_166 = arith.cmpi eq, %jit3A_164, %eq3A_165 : i32
        %jit3A_167 = arith.constant 1 : i32
        %select_n3A_168 = arith.select %eq3A_166, %jit3A_167, %jit3A_164 : i32
        %rem3A_169 = arith.remsi %while3A_146, %select_n3A_168 : i32
        %ne3A_170 = arith.constant 0 : i32
        %ne3A_171 = arith.cmpi ne, %rem3A_169, %ne3A_170 : i32
        %lt3A_172 = arith.constant 0 : i32
        %lt3A_173 = arith.cmpi slt, %rem3A_169, %lt3A_172 : i32
        %lt3A_174 = arith.constant 0 : i32
        %lt3A_175 = arith.cmpi slt, %select_n3A_168, %lt3A_174 : i32
        %ne3A_176 = arith.xori %lt3A_173, %lt3A_175 : i1
        %and3A_177 = arith.andi %ne3A_176, %ne3A_171 : i1
        %add3A_178 = arith.addi %rem3A_169, %select_n3A_168 : i32
        %select_n3A_179 = arith.select %and3A_177, %add3A_178, %rem3A_169 : i32
        %eq3A_180 = arith.constant 1 : i32
        %eq3A_181 = arith.cmpi eq, %select_n3A_179, %eq3A_180 : i32
        %convert_element_type3A_182 = arith.extui %eq3A_181 : i1 to i32
        %cond3A_183 = arith.constant 0 : i32
        %cond3A_184 = arith.cmpi ne, %convert_element_type3A_182, %cond3A_183 : i32
        scf.if %cond3A_184 {
          %ge3A_185 = arith.constant 1 : i32
          %ge3A_186 = arith.cmpi sge, %while3A_146, %ge3A_185 : i32
          %add3A_187 = arith.constant 1 : i32
          %add3A_188 = arith.addi %while3A_146, %add3A_187 : i32
          %lt3A_189 = arith.cmpi slt, %add3A_188, %min3A_93 : i32
          %and3A_190 = arith.andi %ge3A_186, %lt3A_189 : i1
          %convert_element_type3A_191 = arith.extui %and3A_190 : i1 to i32
          %cond3A_192 = arith.constant 0 : i32
          %cond3A_193 = arith.cmpi ne, %convert_element_type3A_191, %cond3A_192 : i32
          scf.if %cond3A_193 {
            %dma_wait3A_213 = arith.constant 0 : i32
            %dma_wait3A_214 = arith.constant 0 : i32
            %dma_wait3A_215 = tpu.memref_slice %arg8[%dma_wait3A_213, %dma_wait3A_214] : memref<40x128xi32, #tpu.memory_space<vmem>> -> memref<1x128xi32, #tpu.memory_space<vmem>>
            %dma_wait3A_216 = tpu.memref_squeeze %dma_wait3A_215 : memref<1x128xi32, #tpu.memory_space<vmem>> -> memref<128xi32, #tpu.memory_space<vmem>>
            %dma_wait3A_217 = arith.constant 0 : i32
            %dma_wait3A_218 = arith.constant 0 : i32
            %dma_wait3A_219 = tpu.memref_slice %arg6[%dma_wait3A_217, %dma_wait3A_218] : memref<10000x128xf32, #tpu.memory_space<vmem_shared>> -> memref<10000x128xf32, #tpu.memory_space<vmem_shared>>
            tpu.wait_indirect_dma semaphore(%arg12 : memref<!tpu.dma_semaphore, #tpu.memory_space<semaphore_mem>>) src(%arg9 : memref<128x128xf32, #tpu.memory_space<vmem>>) dst(%dma_wait3A_219 : memref<10000x128xf32, #tpu.memory_space<vmem_shared>>)
          } else {
          }
          %add3A_194 = arith.constant 1 : i32
          %add3A_195 = arith.addi %while3A_146, %add3A_194 : i32
          %lt3A_196 = arith.cmpi slt, %add3A_195, %min3A_93 : i32
          %convert_element_type3A_197 = arith.extui %lt3A_196 : i1 to i32
          %cond3A_198 = arith.constant 0 : i32
          %cond3A_199 = arith.cmpi ne, %convert_element_type3A_197, %cond3A_198 : i32
          scf.if %cond3A_199 {
            %add3A_213 = arith.constant 1 : i32
            %add3A_214 = arith.addi %while3A_146, %add3A_213 : i32
            %dma_start3A_215 = arith.constant 0 : i32
            %dma_start3A_216 = tpu.memref_slice %arg7[%add3A_214, %dma_start3A_215] : memref<40x128xi32, #tpu.memory_space<vmem>> -> memref<1x128xi32, #tpu.memory_space<vmem>>
            %dma_start3A_217 = tpu.memref_squeeze %dma_start3A_216 : memref<1x128xi32, #tpu.memory_space<vmem>> -> memref<128xi32, #tpu.memory_space<vmem>>
            %dma_start3A_218 = arith.constant 0 : i32
            %dma_start3A_219 = arith.constant 0 : i32
            %dma_start3A_220 = tpu.memref_slice %arg2[%dma_start3A_218, %dma_start3A_219] : memref<10000x128xf32, #tpu.memory_space<hbm>> -> memref<10000x128xf32, #tpu.memory_space<hbm>>
            tpu.enqueue_indirect_dma source(%dma_start3A_220 : memref<10000x128xf32, #tpu.memory_space<hbm>>) target(%arg9 : memref<128x128xf32, #tpu.memory_space<vmem>>) offsets(%dma_start3A_217 : memref<128xi32, #tpu.memory_space<vmem>>) semaphore(%arg11 : memref<!tpu.dma_semaphore, #tpu.memory_space<semaphore_mem>>)
          } else {
          }
          %dma_wait3A_200 = arith.constant 0 : i32
          %dma_wait3A_201 = arith.constant 0 : i32
          %dma_wait3A_202 = tpu.memref_slice %arg7[%dma_wait3A_200, %dma_wait3A_201] : memref<40x128xi32, #tpu.memory_space<vmem>> -> memref<1x128xi32, #tpu.memory_space<vmem>>
          %dma_wait3A_203 = tpu.memref_squeeze %dma_wait3A_202 : memref<1x128xi32, #tpu.memory_space<vmem>> -> memref<128xi32, #tpu.memory_space<vmem>>
          %dma_wait3A_204 = arith.constant 0 : i32
          %dma_wait3A_205 = arith.constant 0 : i32
          %dma_wait3A_206 = tpu.memref_slice %arg2[%dma_wait3A_204, %dma_wait3A_205] : memref<10000x128xf32, #tpu.memory_space<hbm>> -> memref<10000x128xf32, #tpu.memory_space<hbm>>
          tpu.wait_indirect_dma semaphore(%arg11 : memref<!tpu.dma_semaphore, #tpu.memory_space<semaphore_mem>>) src(%dma_wait3A_206 : memref<10000x128xf32, #tpu.memory_space<hbm>>) dst(%arg10 : memref<128x128xf32, #tpu.memory_space<vmem>>)
          %dma_start3A_207 = arith.constant 0 : i32
          %dma_start3A_208 = tpu.memref_slice %arg8[%while3A_146, %dma_start3A_207] : memref<40x128xi32, #tpu.memory_space<vmem>> -> memref<1x128xi32, #tpu.memory_space<vmem>>
          %dma_start3A_209 = tpu.memref_squeeze %dma_start3A_208 : memref<1x128xi32, #tpu.memory_space<vmem>> -> memref<128xi32, #tpu.memory_space<vmem>>
          %dma_start3A_210 = arith.constant 0 : i32
          %dma_start3A_211 = arith.constant 0 : i32
          %dma_start3A_212 = tpu.memref_slice %arg6[%dma_start3A_210, %dma_start3A_211] : memref<10000x128xf32, #tpu.memory_space<vmem_shared>> -> memref<10000x128xf32, #tpu.memory_space<vmem_shared>>
          tpu.enqueue_indirect_dma source(%arg10 : memref<128x128xf32, #tpu.memory_space<vmem>>) target(%dma_start3A_212 : memref<10000x128xf32, #tpu.memory_space<vmem_shared>>) offsets(%dma_start3A_209 : memref<128xi32, #tpu.memory_space<vmem>>) semaphore(%arg12 : memref<!tpu.dma_semaphore, #tpu.memory_space<semaphore_mem>>) {add = true}
        } else {
        }
      }
      %dma_wait3A = arith.constant 0 : i32
      %dma_wait3A_136 = arith.constant 0 : i32
      %dma_wait3A_137 = tpu.memref_slice %arg8[%dma_wait3A, %dma_wait3A_136] : memref<40x128xi32, #tpu.memory_space<vmem>> -> memref<1x128xi32, #tpu.memory_space<vmem>>
      %dma_wait3A_138 = tpu.memref_squeeze %dma_wait3A_137 : memref<1x128xi32, #tpu.memory_space<vmem>> -> memref<128xi32, #tpu.memory_space<vmem>>
      %dma_wait3A_139 = arith.constant 0 : i32
      %dma_wait3A_140 = arith.constant 0 : i32
      %dma_wait3A_141 = tpu.memref_slice %arg6[%dma_wait3A_139, %dma_wait3A_140] : memref<10000x128xf32, #tpu.memory_space<vmem_shared>> -> memref<10000x128xf32, #tpu.memory_space<vmem_shared>>
      tpu.wait_indirect_dma semaphore(%arg12 : memref<!tpu.dma_semaphore, #tpu.memory_space<semaphore_mem>>) src(%arg9 : memref<128x128xf32, #tpu.memory_space<vmem>>) dst(%dma_wait3A_141 : memref<10000x128xf32, #tpu.memory_space<vmem_shared>>)
      %ge3A = arith.constant 2 : i32
      %ge3A_142 = arith.cmpi sge, %min3A_93, %ge3A : i32
      %convert_element_type3A_143 = arith.extui %ge3A_142 : i1 to i32
      %cond3A_144 = arith.constant 0 : i32
      %cond3A_145 = arith.cmpi ne, %convert_element_type3A_143, %cond3A_144 : i32
      scf.if %cond3A_145 {
        %dma_wait3A_146 = arith.constant 0 : i32
        %dma_wait3A_147 = arith.constant 0 : i32
        %dma_wait3A_148 = tpu.memref_slice %arg8[%dma_wait3A_146, %dma_wait3A_147] : memref<40x128xi32, #tpu.memory_space<vmem>> -> memref<1x128xi32, #tpu.memory_space<vmem>>
        %dma_wait3A_149 = tpu.memref_squeeze %dma_wait3A_148 : memref<1x128xi32, #tpu.memory_space<vmem>> -> memref<128xi32, #tpu.memory_space<vmem>>
        %dma_wait3A_150 = arith.constant 0 : i32
        %dma_wait3A_151 = arith.constant 0 : i32
        %dma_wait3A_152 = tpu.memref_slice %arg6[%dma_wait3A_150, %dma_wait3A_151] : memref<10000x128xf32, #tpu.memory_space<vmem_shared>> -> memref<10000x128xf32, #tpu.memory_space<vmem_shared>>
        tpu.wait_indirect_dma semaphore(%arg12 : memref<!tpu.dma_semaphore, #tpu.memory_space<semaphore_mem>>) src(%arg10 : memref<128x128xf32, #tpu.memory_space<vmem>>) dst(%dma_wait3A_152 : memref<10000x128xf32, #tpu.memory_space<vmem_shared>>)
      } else {
      }
    } else {
    }
    %add3A_98 = arith.constant 40 : i32
    %add3A_99 = arith.addi %mul3A_83, %add3A_98 : i32
    %sub3A_100 = arith.constant 40 : i32
    %sub3A_101 = arith.subi %min3A, %sub3A_100 : i32
    %jit3A_102 = arith.constant 0 : i32
    %jit3A_103 = arith.constant 40 : i32
    %max3A_104 = arith.maxsi %jit3A_102, %sub3A_101 : i32
    %min3A_105 = arith.minsi %jit3A_103, %max3A_104 : i32
    %gt3A_106 = arith.constant 0 : i32
    %gt3A_107 = arith.cmpi sgt, %min3A_105, %gt3A_106 : i32
    %convert_element_type3A_108 = arith.extui %gt3A_107 : i1 to i32
    %cond3A_109 = arith.constant 0 : i32
    %cond3A_110 = arith.cmpi ne, %convert_element_type3A_108, %cond3A_109 : i32
    scf.if %cond3A_110 {
      "tpu.region"() ({
        %run_scoped3A = tpu.sem_alloc : memref<!tpu.dma_semaphore, #tpu.memory_space<semaphore_mem>>
        %dma_start3A_146 = arith.constant 0 : i32
        %dma_start3A_147 = tpu.memref_slice %arg3[%add3A_99, %dma_start3A_146] : memref<2560x128xi32, #tpu.memory_space<hbm>> -> memref<40x128xi32, #tpu.memory_space<hbm>>
        %dma_start3A_148 = arith.constant 0 : i32
        %dma_start3A_149 = tpu.memref_slice %arg3[%add3A_99, %dma_start3A_148] : memref<2560x128xi32, #tpu.memory_space<hbm>> -> memref<40x128xi32, #tpu.memory_space<hbm>>
        tpu.enqueue_dma source(%dma_start3A_149 : memref<40x128xi32, #tpu.memory_space<hbm>>) target(%arg7 : memref<40x128xi32, #tpu.memory_space<vmem>>) target_semaphore(%run_scoped3A : memref<!tpu.dma_semaphore, #tpu.memory_space<semaphore_mem>>)
        %dma_wait3A_150 = arith.constant 0 : i32
        %dma_wait3A_151 = tpu.memref_slice %arg3[%add3A_99, %dma_wait3A_150] : memref<2560x128xi32, #tpu.memory_space<hbm>> -> memref<40x128xi32, #tpu.memory_space<hbm>>
        %dma_wait3A_152 = arith.constant 0 : i32
        %dma_wait3A_153 = tpu.memref_slice %arg3[%add3A_99, %dma_wait3A_152] : memref<2560x128xi32, #tpu.memory_space<hbm>> -> memref<40x128xi32, #tpu.memory_space<hbm>>
        tpu.wait_dma2 semaphore(%run_scoped3A : memref<!tpu.dma_semaphore, #tpu.memory_space<semaphore_mem>>) src(%dma_wait3A_153 : memref<40x128xi32, #tpu.memory_space<hbm>>) dst(%arg7 : memref<40x128xi32, #tpu.memory_space<vmem>>)
        tpu.yield
      }) : () -> ()
      "tpu.region"() ({
        %run_scoped3A = tpu.sem_alloc : memref<!tpu.dma_semaphore, #tpu.memory_space<semaphore_mem>>
        %dma_start3A_146 = arith.constant 0 : i32
        %dma_start3A_147 = tpu.memref_slice %arg4[%add3A_99, %dma_start3A_146] : memref<2560x128xi32, #tpu.memory_space<hbm>> -> memref<40x128xi32, #tpu.memory_space<hbm>>
        %dma_start3A_148 = arith.constant 0 : i32
        %dma_start3A_149 = tpu.memref_slice %arg4[%add3A_99, %dma_start3A_148] : memref<2560x128xi32, #tpu.memory_space<hbm>> -> memref<40x128xi32, #tpu.memory_space<hbm>>
        tpu.enqueue_dma source(%dma_start3A_149 : memref<40x128xi32, #tpu.memory_space<hbm>>) target(%arg8 : memref<40x128xi32, #tpu.memory_space<vmem>>) target_semaphore(%run_scoped3A : memref<!tpu.dma_semaphore, #tpu.memory_space<semaphore_mem>>)
        %dma_wait3A_150 = arith.constant 0 : i32
        %dma_wait3A_151 = tpu.memref_slice %arg4[%add3A_99, %dma_wait3A_150] : memref<2560x128xi32, #tpu.memory_space<hbm>> -> memref<40x128xi32, #tpu.memory_space<hbm>>
        %dma_wait3A_152 = arith.constant 0 : i32
        %dma_wait3A_153 = tpu.memref_slice %arg4[%add3A_99, %dma_wait3A_152] : memref<2560x128xi32, #tpu.memory_space<hbm>> -> memref<40x128xi32, #tpu.memory_space<hbm>>
        tpu.wait_dma2 semaphore(%run_scoped3A : memref<!tpu.dma_semaphore, #tpu.memory_space<semaphore_mem>>) src(%dma_wait3A_153 : memref<40x128xi32, #tpu.memory_space<hbm>>) dst(%arg8 : memref<40x128xi32, #tpu.memory_space<vmem>>)
        tpu.yield
      }) : () -> ()
      %dma_start3A = arith.constant 0 : i32
      %dma_start3A_121 = arith.constant 0 : i32
      %dma_start3A_122 = tpu.memref_slice %arg7[%dma_start3A, %dma_start3A_121] : memref<40x128xi32, #tpu.memory_space<vmem>> -> memref<1x128xi32, #tpu.memory_space<vmem>>
      %dma_start3A_123 = tpu.memref_squeeze %dma_start3A_122 : memref<1x128xi32, #tpu.memory_space<vmem>> -> memref<128xi32, #tpu.memory_space<vmem>>
      %dma_start3A_124 = arith.constant 0 : i32
      %dma_start3A_125 = arith.constant 0 : i32
      %dma_start3A_126 = tpu.memref_slice %arg2[%dma_start3A_124, %dma_start3A_125] : memref<10000x128xf32, #tpu.memory_space<hbm>> -> memref<10000x128xf32, #tpu.memory_space<hbm>>
      tpu.enqueue_indirect_dma source(%dma_start3A_126 : memref<10000x128xf32, #tpu.memory_space<hbm>>) target(%arg9 : memref<128x128xf32, #tpu.memory_space<vmem>>) offsets(%dma_start3A_123 : memref<128xi32, #tpu.memory_space<vmem>>) semaphore(%arg11 : memref<!tpu.dma_semaphore, #tpu.memory_space<semaphore_mem>>)
      %while3A = arith.constant 0 : i32
      %while3A_127 = arith.constant 0 : i32
      %while3A_128 = arith.subi %min3A_105, %while3A_127 : i32
      %while3A_129 = arith.addi %while3A_127, %while3A_128 : i32
      %while3A_130 = arith.constant 1 : i32
      %while3A_131 = arith.divsi %while3A_128, %while3A_130 : i32
      %while3A_132 = arith.muli %while3A_131, %while3A_130 : i32
      %while3A_133 = arith.addi %while3A_127, %while3A_132 : i32
      %while3A_134 = arith.constant 1 : i32
      scf.for %while3A_146 = %while3A_127 to %while3A_133 step %while3A_134  : i32 {
        %jit3A_147 = arith.constant 2 : i32
        %eq3A_148 = arith.constant 0 : i32
        %eq3A_149 = arith.cmpi eq, %jit3A_147, %eq3A_148 : i32
        %jit3A_150 = arith.constant 1 : i32
        %select_n3A = arith.select %eq3A_149, %jit3A_150, %jit3A_147 : i32
        %rem3A = arith.remsi %while3A_146, %select_n3A : i32
        %ne3A = arith.constant 0 : i32
        %ne3A_151 = arith.cmpi ne, %rem3A, %ne3A : i32
        %lt3A_152 = arith.constant 0 : i32
        %lt3A_153 = arith.cmpi slt, %rem3A, %lt3A_152 : i32
        %lt3A_154 = arith.constant 0 : i32
        %lt3A_155 = arith.cmpi slt, %select_n3A, %lt3A_154 : i32
        %ne3A_156 = arith.xori %lt3A_153, %lt3A_155 : i1
        %and3A = arith.andi %ne3A_156, %ne3A_151 : i1
        %add3A_157 = arith.addi %rem3A, %select_n3A : i32
        %select_n3A_158 = arith.select %and3A, %add3A_157, %rem3A : i32
        %eq3A_159 = arith.constant 0 : i32
        %eq3A_160 = arith.cmpi eq, %select_n3A_158, %eq3A_159 : i32
        %convert_element_type3A_161 = arith.extui %eq3A_160 : i1 to i32
        %cond3A_162 = arith.constant 0 : i32
        %cond3A_163 = arith.cmpi ne, %convert_element_type3A_161, %cond3A_162 : i32
        scf.if %cond3A_163 {
          %ge3A_185 = arith.constant 1 : i32
          %ge3A_186 = arith.cmpi sge, %while3A_146, %ge3A_185 : i32
          %add3A_187 = arith.constant 1 : i32
          %add3A_188 = arith.addi %while3A_146, %add3A_187 : i32
          %lt3A_189 = arith.cmpi slt, %add3A_188, %min3A_105 : i32
          %and3A_190 = arith.andi %ge3A_186, %lt3A_189 : i1
          %convert_element_type3A_191 = arith.extui %and3A_190 : i1 to i32
          %cond3A_192 = arith.constant 0 : i32
          %cond3A_193 = arith.cmpi ne, %convert_element_type3A_191, %cond3A_192 : i32
          scf.if %cond3A_193 {
            %dma_wait3A_213 = arith.constant 0 : i32
            %dma_wait3A_214 = arith.constant 0 : i32
            %dma_wait3A_215 = tpu.memref_slice %arg8[%dma_wait3A_213, %dma_wait3A_214] : memref<40x128xi32, #tpu.memory_space<vmem>> -> memref<1x128xi32, #tpu.memory_space<vmem>>
            %dma_wait3A_216 = tpu.memref_squeeze %dma_wait3A_215 : memref<1x128xi32, #tpu.memory_space<vmem>> -> memref<128xi32, #tpu.memory_space<vmem>>
            %dma_wait3A_217 = arith.constant 0 : i32
            %dma_wait3A_218 = arith.constant 0 : i32
            %dma_wait3A_219 = tpu.memref_slice %arg6[%dma_wait3A_217, %dma_wait3A_218] : memref<10000x128xf32, #tpu.memory_space<vmem_shared>> -> memref<10000x128xf32, #tpu.memory_space<vmem_shared>>
            tpu.wait_indirect_dma semaphore(%arg12 : memref<!tpu.dma_semaphore, #tpu.memory_space<semaphore_mem>>) src(%arg10 : memref<128x128xf32, #tpu.memory_space<vmem>>) dst(%dma_wait3A_219 : memref<10000x128xf32, #tpu.memory_space<vmem_shared>>)
          } else {
          }
          %add3A_194 = arith.constant 1 : i32
          %add3A_195 = arith.addi %while3A_146, %add3A_194 : i32
          %lt3A_196 = arith.cmpi slt, %add3A_195, %min3A_105 : i32
          %convert_element_type3A_197 = arith.extui %lt3A_196 : i1 to i32
          %cond3A_198 = arith.constant 0 : i32
          %cond3A_199 = arith.cmpi ne, %convert_element_type3A_197, %cond3A_198 : i32
          scf.if %cond3A_199 {
            %add3A_213 = arith.constant 1 : i32
            %add3A_214 = arith.addi %while3A_146, %add3A_213 : i32
            %dma_start3A_215 = arith.constant 0 : i32
            %dma_start3A_216 = tpu.memref_slice %arg7[%add3A_214, %dma_start3A_215] : memref<40x128xi32, #tpu.memory_space<vmem>> -> memref<1x128xi32, #tpu.memory_space<vmem>>
            %dma_start3A_217 = tpu.memref_squeeze %dma_start3A_216 : memref<1x128xi32, #tpu.memory_space<vmem>> -> memref<128xi32, #tpu.memory_space<vmem>>
            %dma_start3A_218 = arith.constant 0 : i32
            %dma_start3A_219 = arith.constant 0 : i32
            %dma_start3A_220 = tpu.memref_slice %arg2[%dma_start3A_218, %dma_start3A_219] : memref<10000x128xf32, #tpu.memory_space<hbm>> -> memref<10000x128xf32, #tpu.memory_space<hbm>>
            tpu.enqueue_indirect_dma source(%dma_start3A_220 : memref<10000x128xf32, #tpu.memory_space<hbm>>) target(%arg10 : memref<128x128xf32, #tpu.memory_space<vmem>>) offsets(%dma_start3A_217 : memref<128xi32, #tpu.memory_space<vmem>>) semaphore(%arg11 : memref<!tpu.dma_semaphore, #tpu.memory_space<semaphore_mem>>)
          } else {
          }
          %dma_wait3A_200 = arith.constant 0 : i32
          %dma_wait3A_201 = arith.constant 0 : i32
          %dma_wait3A_202 = tpu.memref_slice %arg7[%dma_wait3A_200, %dma_wait3A_201] : memref<40x128xi32, #tpu.memory_space<vmem>> -> memref<1x128xi32, #tpu.memory_space<vmem>>
          %dma_wait3A_203 = tpu.memref_squeeze %dma_wait3A_202 : memref<1x128xi32, #tpu.memory_space<vmem>> -> memref<128xi32, #tpu.memory_space<vmem>>
          %dma_wait3A_204 = arith.constant 0 : i32
          %dma_wait3A_205 = arith.constant 0 : i32
          %dma_wait3A_206 = tpu.memref_slice %arg2[%dma_wait3A_204, %dma_wait3A_205] : memref<10000x128xf32, #tpu.memory_space<hbm>> -> memref<10000x128xf32, #tpu.memory_space<hbm>>
          tpu.wait_indirect_dma semaphore(%arg11 : memref<!tpu.dma_semaphore, #tpu.memory_space<semaphore_mem>>) src(%dma_wait3A_206 : memref<10000x128xf32, #tpu.memory_space<hbm>>) dst(%arg9 : memref<128x128xf32, #tpu.memory_space<vmem>>)
          %dma_start3A_207 = arith.constant 0 : i32
          %dma_start3A_208 = tpu.memref_slice %arg8[%while3A_146, %dma_start3A_207] : memref<40x128xi32, #tpu.memory_space<vmem>> -> memref<1x128xi32, #tpu.memory_space<vmem>>
          %dma_start3A_209 = tpu.memref_squeeze %dma_start3A_208 : memref<1x128xi32, #tpu.memory_space<vmem>> -> memref<128xi32, #tpu.memory_space<vmem>>
          %dma_start3A_210 = arith.constant 0 : i32
          %dma_start3A_211 = arith.constant 0 : i32
          %dma_start3A_212 = tpu.memref_slice %arg6[%dma_start3A_210, %dma_start3A_211] : memref<10000x128xf32, #tpu.memory_space<vmem_shared>> -> memref<10000x128xf32, #tpu.memory_space<vmem_shared>>
          tpu.enqueue_indirect_dma source(%arg9 : memref<128x128xf32, #tpu.memory_space<vmem>>) target(%dma_start3A_212 : memref<10000x128xf32, #tpu.memory_space<vmem_shared>>) offsets(%dma_start3A_209 : memref<128xi32, #tpu.memory_space<vmem>>) semaphore(%arg12 : memref<!tpu.dma_semaphore, #tpu.memory_space<semaphore_mem>>) {add = true}
        } else {
        }
        %jit3A_164 = arith.constant 2 : i32
        %eq3A_165 = arith.constant 0 : i32
        %eq3A_166 = arith.cmpi eq, %jit3A_164, %eq3A_165 : i32
        %jit3A_167 = arith.constant 1 : i32
        %select_n3A_168 = arith.select %eq3A_166, %jit3A_167, %jit3A_164 : i32
        %rem3A_169 = arith.remsi %while3A_146, %select_n3A_168 : i32
        %ne3A_170 = arith.constant 0 : i32
        %ne3A_171 = arith.cmpi ne, %rem3A_169, %ne3A_170 : i32
        %lt3A_172 = arith.constant 0 : i32
        %lt3A_173 = arith.cmpi slt, %rem3A_169, %lt3A_172 : i32
        %lt3A_174 = arith.constant 0 : i32
        %lt3A_175 = arith.cmpi slt, %select_n3A_168, %lt3A_174 : i32
        %ne3A_176 = arith.xori %lt3A_173, %lt3A_175 : i1
        %and3A_177 = arith.andi %ne3A_176, %ne3A_171 : i1
        %add3A_178 = arith.addi %rem3A_169, %select_n3A_168 : i32
        %select_n3A_179 = arith.select %and3A_177, %add3A_178, %rem3A_169 : i32
        %eq3A_180 = arith.constant 1 : i32
        %eq3A_181 = arith.cmpi eq, %select_n3A_179, %eq3A_180 : i32
        %convert_element_type3A_182 = arith.extui %eq3A_181 : i1 to i32
        %cond3A_183 = arith.constant 0 : i32
        %cond3A_184 = arith.cmpi ne, %convert_element_type3A_182, %cond3A_183 : i32
        scf.if %cond3A_184 {
          %ge3A_185 = arith.constant 1 : i32
          %ge3A_186 = arith.cmpi sge, %while3A_146, %ge3A_185 : i32
          %add3A_187 = arith.constant 1 : i32
          %add3A_188 = arith.addi %while3A_146, %add3A_187 : i32
          %lt3A_189 = arith.cmpi slt, %add3A_188, %min3A_105 : i32
          %and3A_190 = arith.andi %ge3A_186, %lt3A_189 : i1
          %convert_element_type3A_191 = arith.extui %and3A_190 : i1 to i32
          %cond3A_192 = arith.constant 0 : i32
          %cond3A_193 = arith.cmpi ne, %convert_element_type3A_191, %cond3A_192 : i32
          scf.if %cond3A_193 {
            %dma_wait3A_213 = arith.constant 0 : i32
            %dma_wait3A_214 = arith.constant 0 : i32
            %dma_wait3A_215 = tpu.memref_slice %arg8[%dma_wait3A_213, %dma_wait3A_214] : memref<40x128xi32, #tpu.memory_space<vmem>> -> memref<1x128xi32, #tpu.memory_space<vmem>>
            %dma_wait3A_216 = tpu.memref_squeeze %dma_wait3A_215 : memref<1x128xi32, #tpu.memory_space<vmem>> -> memref<128xi32, #tpu.memory_space<vmem>>
            %dma_wait3A_217 = arith.constant 0 : i32
            %dma_wait3A_218 = arith.constant 0 : i32
            %dma_wait3A_219 = tpu.memref_slice %arg6[%dma_wait3A_217, %dma_wait3A_218] : memref<10000x128xf32, #tpu.memory_space<vmem_shared>> -> memref<10000x128xf32, #tpu.memory_space<vmem_shared>>
            tpu.wait_indirect_dma semaphore(%arg12 : memref<!tpu.dma_semaphore, #tpu.memory_space<semaphore_mem>>) src(%arg9 : memref<128x128xf32, #tpu.memory_space<vmem>>) dst(%dma_wait3A_219 : memref<10000x128xf32, #tpu.memory_space<vmem_shared>>)
          } else {
          }
          %add3A_194 = arith.constant 1 : i32
          %add3A_195 = arith.addi %while3A_146, %add3A_194 : i32
          %lt3A_196 = arith.cmpi slt, %add3A_195, %min3A_105 : i32
          %convert_element_type3A_197 = arith.extui %lt3A_196 : i1 to i32
          %cond3A_198 = arith.constant 0 : i32
          %cond3A_199 = arith.cmpi ne, %convert_element_type3A_197, %cond3A_198 : i32
          scf.if %cond3A_199 {
            %add3A_213 = arith.constant 1 : i32
            %add3A_214 = arith.addi %while3A_146, %add3A_213 : i32
            %dma_start3A_215 = arith.constant 0 : i32
            %dma_start3A_216 = tpu.memref_slice %arg7[%add3A_214, %dma_start3A_215] : memref<40x128xi32, #tpu.memory_space<vmem>> -> memref<1x128xi32, #tpu.memory_space<vmem>>
            %dma_start3A_217 = tpu.memref_squeeze %dma_start3A_216 : memref<1x128xi32, #tpu.memory_space<vmem>> -> memref<128xi32, #tpu.memory_space<vmem>>
            %dma_start3A_218 = arith.constant 0 : i32
            %dma_start3A_219 = arith.constant 0 : i32
            %dma_start3A_220 = tpu.memref_slice %arg2[%dma_start3A_218, %dma_start3A_219] : memref<10000x128xf32, #tpu.memory_space<hbm>> -> memref<10000x128xf32, #tpu.memory_space<hbm>>
            tpu.enqueue_indirect_dma source(%dma_start3A_220 : memref<10000x128xf32, #tpu.memory_space<hbm>>) target(%arg9 : memref<128x128xf32, #tpu.memory_space<vmem>>) offsets(%dma_start3A_217 : memref<128xi32, #tpu.memory_space<vmem>>) semaphore(%arg11 : memref<!tpu.dma_semaphore, #tpu.memory_space<semaphore_mem>>)
          } else {
          }
          %dma_wait3A_200 = arith.constant 0 : i32
          %dma_wait3A_201 = arith.constant 0 : i32
          %dma_wait3A_202 = tpu.memref_slice %arg7[%dma_wait3A_200, %dma_wait3A_201] : memref<40x128xi32, #tpu.memory_space<vmem>> -> memref<1x128xi32, #tpu.memory_space<vmem>>
          %dma_wait3A_203 = tpu.memref_squeeze %dma_wait3A_202 : memref<1x128xi32, #tpu.memory_space<vmem>> -> memref<128xi32, #tpu.memory_space<vmem>>
          %dma_wait3A_204 = arith.constant 0 : i32
          %dma_wait3A_205 = arith.constant 0 : i32
          %dma_wait3A_206 = tpu.memref_slice %arg2[%dma_wait3A_204, %dma_wait3A_205] : memref<10000x128xf32, #tpu.memory_space<hbm>> -> memref<10000x128xf32, #tpu.memory_space<hbm>>
          tpu.wait_indirect_dma semaphore(%arg11 : memref<!tpu.dma_semaphore, #tpu.memory_space<semaphore_mem>>) src(%dma_wait3A_206 : memref<10000x128xf32, #tpu.memory_space<hbm>>) dst(%arg10 : memref<128x128xf32, #tpu.memory_space<vmem>>)
          %dma_start3A_207 = arith.constant 0 : i32
          %dma_start3A_208 = tpu.memref_slice %arg8[%while3A_146, %dma_start3A_207] : memref<40x128xi32, #tpu.memory_space<vmem>> -> memref<1x128xi32, #tpu.memory_space<vmem>>
          %dma_start3A_209 = tpu.memref_squeeze %dma_start3A_208 : memref<1x128xi32, #tpu.memory_space<vmem>> -> memref<128xi32, #tpu.memory_space<vmem>>
          %dma_start3A_210 = arith.constant 0 : i32
          %dma_start3A_211 = arith.constant 0 : i32
          %dma_start3A_212 = tpu.memref_slice %arg6[%dma_start3A_210, %dma_start3A_211] : memref<10000x128xf32, #tpu.memory_space<vmem_shared>> -> memref<10000x128xf32, #tpu.memory_space<vmem_shared>>
          tpu.enqueue_indirect_dma source(%arg10 : memref<128x128xf32, #tpu.memory_space<vmem>>) target(%dma_start3A_212 : memref<10000x128xf32, #tpu.memory_space<vmem_shared>>) offsets(%dma_start3A_209 : memref<128xi32, #tpu.memory_space<vmem>>) semaphore(%arg12 : memref<!tpu.dma_semaphore, #tpu.memory_space<semaphore_mem>>) {add = true}
        } else {
        }
      }
      %while3A_135 = arith.constant 1 : i32
      scf.for %while3A_146 = %while3A_133 to %while3A_129 step %while3A_135  : i32 {
        %jit3A_147 = arith.constant 2 : i32
        %eq3A_148 = arith.constant 0 : i32
        %eq3A_149 = arith.cmpi eq, %jit3A_147, %eq3A_148 : i32
        %jit3A_150 = arith.constant 1 : i32
        %select_n3A = arith.select %eq3A_149, %jit3A_150, %jit3A_147 : i32
        %rem3A = arith.remsi %while3A_146, %select_n3A : i32
        %ne3A = arith.constant 0 : i32
        %ne3A_151 = arith.cmpi ne, %rem3A, %ne3A : i32
        %lt3A_152 = arith.constant 0 : i32
        %lt3A_153 = arith.cmpi slt, %rem3A, %lt3A_152 : i32
        %lt3A_154 = arith.constant 0 : i32
        %lt3A_155 = arith.cmpi slt, %select_n3A, %lt3A_154 : i32
        %ne3A_156 = arith.xori %lt3A_153, %lt3A_155 : i1
        %and3A = arith.andi %ne3A_156, %ne3A_151 : i1
        %add3A_157 = arith.addi %rem3A, %select_n3A : i32
        %select_n3A_158 = arith.select %and3A, %add3A_157, %rem3A : i32
        %eq3A_159 = arith.constant 0 : i32
        %eq3A_160 = arith.cmpi eq, %select_n3A_158, %eq3A_159 : i32
        %convert_element_type3A_161 = arith.extui %eq3A_160 : i1 to i32
        %cond3A_162 = arith.constant 0 : i32
        %cond3A_163 = arith.cmpi ne, %convert_element_type3A_161, %cond3A_162 : i32
        scf.if %cond3A_163 {
          %ge3A_185 = arith.constant 1 : i32
          %ge3A_186 = arith.cmpi sge, %while3A_146, %ge3A_185 : i32
          %add3A_187 = arith.constant 1 : i32
          %add3A_188 = arith.addi %while3A_146, %add3A_187 : i32
          %lt3A_189 = arith.cmpi slt, %add3A_188, %min3A_105 : i32
          %and3A_190 = arith.andi %ge3A_186, %lt3A_189 : i1
          %convert_element_type3A_191 = arith.extui %and3A_190 : i1 to i32
          %cond3A_192 = arith.constant 0 : i32
          %cond3A_193 = arith.cmpi ne, %convert_element_type3A_191, %cond3A_192 : i32
          scf.if %cond3A_193 {
            %dma_wait3A_213 = arith.constant 0 : i32
            %dma_wait3A_214 = arith.constant 0 : i32
            %dma_wait3A_215 = tpu.memref_slice %arg8[%dma_wait3A_213, %dma_wait3A_214] : memref<40x128xi32, #tpu.memory_space<vmem>> -> memref<1x128xi32, #tpu.memory_space<vmem>>
            %dma_wait3A_216 = tpu.memref_squeeze %dma_wait3A_215 : memref<1x128xi32, #tpu.memory_space<vmem>> -> memref<128xi32, #tpu.memory_space<vmem>>
            %dma_wait3A_217 = arith.constant 0 : i32
            %dma_wait3A_218 = arith.constant 0 : i32
            %dma_wait3A_219 = tpu.memref_slice %arg6[%dma_wait3A_217, %dma_wait3A_218] : memref<10000x128xf32, #tpu.memory_space<vmem_shared>> -> memref<10000x128xf32, #tpu.memory_space<vmem_shared>>
            tpu.wait_indirect_dma semaphore(%arg12 : memref<!tpu.dma_semaphore, #tpu.memory_space<semaphore_mem>>) src(%arg10 : memref<128x128xf32, #tpu.memory_space<vmem>>) dst(%dma_wait3A_219 : memref<10000x128xf32, #tpu.memory_space<vmem_shared>>)
          } else {
          }
          %add3A_194 = arith.constant 1 : i32
          %add3A_195 = arith.addi %while3A_146, %add3A_194 : i32
          %lt3A_196 = arith.cmpi slt, %add3A_195, %min3A_105 : i32
          %convert_element_type3A_197 = arith.extui %lt3A_196 : i1 to i32
          %cond3A_198 = arith.constant 0 : i32
          %cond3A_199 = arith.cmpi ne, %convert_element_type3A_197, %cond3A_198 : i32
          scf.if %cond3A_199 {
            %add3A_213 = arith.constant 1 : i32
            %add3A_214 = arith.addi %while3A_146, %add3A_213 : i32
            %dma_start3A_215 = arith.constant 0 : i32
            %dma_start3A_216 = tpu.memref_slice %arg7[%add3A_214, %dma_start3A_215] : memref<40x128xi32, #tpu.memory_space<vmem>> -> memref<1x128xi32, #tpu.memory_space<vmem>>
            %dma_start3A_217 = tpu.memref_squeeze %dma_start3A_216 : memref<1x128xi32, #tpu.memory_space<vmem>> -> memref<128xi32, #tpu.memory_space<vmem>>
            %dma_start3A_218 = arith.constant 0 : i32
            %dma_start3A_219 = arith.constant 0 : i32
            %dma_start3A_220 = tpu.memref_slice %arg2[%dma_start3A_218, %dma_start3A_219] : memref<10000x128xf32, #tpu.memory_space<hbm>> -> memref<10000x128xf32, #tpu.memory_space<hbm>>
            tpu.enqueue_indirect_dma source(%dma_start3A_220 : memref<10000x128xf32, #tpu.memory_space<hbm>>) target(%arg10 : memref<128x128xf32, #tpu.memory_space<vmem>>) offsets(%dma_start3A_217 : memref<128xi32, #tpu.memory_space<vmem>>) semaphore(%arg11 : memref<!tpu.dma_semaphore, #tpu.memory_space<semaphore_mem>>)
          } else {
          }
          %dma_wait3A_200 = arith.constant 0 : i32
          %dma_wait3A_201 = arith.constant 0 : i32
          %dma_wait3A_202 = tpu.memref_slice %arg7[%dma_wait3A_200, %dma_wait3A_201] : memref<40x128xi32, #tpu.memory_space<vmem>> -> memref<1x128xi32, #tpu.memory_space<vmem>>
          %dma_wait3A_203 = tpu.memref_squeeze %dma_wait3A_202 : memref<1x128xi32, #tpu.memory_space<vmem>> -> memref<128xi32, #tpu.memory_space<vmem>>
          %dma_wait3A_204 = arith.constant 0 : i32
          %dma_wait3A_205 = arith.constant 0 : i32
          %dma_wait3A_206 = tpu.memref_slice %arg2[%dma_wait3A_204, %dma_wait3A_205] : memref<10000x128xf32, #tpu.memory_space<hbm>> -> memref<10000x128xf32, #tpu.memory_space<hbm>>
          tpu.wait_indirect_dma semaphore(%arg11 : memref<!tpu.dma_semaphore, #tpu.memory_space<semaphore_mem>>) src(%dma_wait3A_206 : memref<10000x128xf32, #tpu.memory_space<hbm>>) dst(%arg9 : memref<128x128xf32, #tpu.memory_space<vmem>>)
          %dma_start3A_207 = arith.constant 0 : i32
          %dma_start3A_208 = tpu.memref_slice %arg8[%while3A_146, %dma_start3A_207] : memref<40x128xi32, #tpu.memory_space<vmem>> -> memref<1x128xi32, #tpu.memory_space<vmem>>
          %dma_start3A_209 = tpu.memref_squeeze %dma_start3A_208 : memref<1x128xi32, #tpu.memory_space<vmem>> -> memref<128xi32, #tpu.memory_space<vmem>>
          %dma_start3A_210 = arith.constant 0 : i32
          %dma_start3A_211 = arith.constant 0 : i32
          %dma_start3A_212 = tpu.memref_slice %arg6[%dma_start3A_210, %dma_start3A_211] : memref<10000x128xf32, #tpu.memory_space<vmem_shared>> -> memref<10000x128xf32, #tpu.memory_space<vmem_shared>>
          tpu.enqueue_indirect_dma source(%arg9 : memref<128x128xf32, #tpu.memory_space<vmem>>) target(%dma_start3A_212 : memref<10000x128xf32, #tpu.memory_space<vmem_shared>>) offsets(%dma_start3A_209 : memref<128xi32, #tpu.memory_space<vmem>>) semaphore(%arg12 : memref<!tpu.dma_semaphore, #tpu.memory_space<semaphore_mem>>) {add = true}
        } else {
        }
        %jit3A_164 = arith.constant 2 : i32
        %eq3A_165 = arith.constant 0 : i32
        %eq3A_166 = arith.cmpi eq, %jit3A_164, %eq3A_165 : i32
        %jit3A_167 = arith.constant 1 : i32
        %select_n3A_168 = arith.select %eq3A_166, %jit3A_167, %jit3A_164 : i32
        %rem3A_169 = arith.remsi %while3A_146, %select_n3A_168 : i32
        %ne3A_170 = arith.constant 0 : i32
        %ne3A_171 = arith.cmpi ne, %rem3A_169, %ne3A_170 : i32
        %lt3A_172 = arith.constant 0 : i32
        %lt3A_173 = arith.cmpi slt, %rem3A_169, %lt3A_172 : i32
        %lt3A_174 = arith.constant 0 : i32
        %lt3A_175 = arith.cmpi slt, %select_n3A_168, %lt3A_174 : i32
        %ne3A_176 = arith.xori %lt3A_173, %lt3A_175 : i1
        %and3A_177 = arith.andi %ne3A_176, %ne3A_171 : i1
        %add3A_178 = arith.addi %rem3A_169, %select_n3A_168 : i32
        %select_n3A_179 = arith.select %and3A_177, %add3A_178, %rem3A_169 : i32
        %eq3A_180 = arith.constant 1 : i32
        %eq3A_181 = arith.cmpi eq, %select_n3A_179, %eq3A_180 : i32
        %convert_element_type3A_182 = arith.extui %eq3A_181 : i1 to i32
        %cond3A_183 = arith.constant 0 : i32
        %cond3A_184 = arith.cmpi ne, %convert_element_type3A_182, %cond3A_183 : i32
        scf.if %cond3A_184 {
          %ge3A_185 = arith.constant 1 : i32
          %ge3A_186 = arith.cmpi sge, %while3A_146, %ge3A_185 : i32
          %add3A_187 = arith.constant 1 : i32
          %add3A_188 = arith.addi %while3A_146, %add3A_187 : i32
          %lt3A_189 = arith.cmpi slt, %add3A_188, %min3A_105 : i32
          %and3A_190 = arith.andi %ge3A_186, %lt3A_189 : i1
          %convert_element_type3A_191 = arith.extui %and3A_190 : i1 to i32
          %cond3A_192 = arith.constant 0 : i32
          %cond3A_193 = arith.cmpi ne, %convert_element_type3A_191, %cond3A_192 : i32
          scf.if %cond3A_193 {
            %dma_wait3A_213 = arith.constant 0 : i32
            %dma_wait3A_214 = arith.constant 0 : i32
            %dma_wait3A_215 = tpu.memref_slice %arg8[%dma_wait3A_213, %dma_wait3A_214] : memref<40x128xi32, #tpu.memory_space<vmem>> -> memref<1x128xi32, #tpu.memory_space<vmem>>
            %dma_wait3A_216 = tpu.memref_squeeze %dma_wait3A_215 : memref<1x128xi32, #tpu.memory_space<vmem>> -> memref<128xi32, #tpu.memory_space<vmem>>
            %dma_wait3A_217 = arith.constant 0 : i32
            %dma_wait3A_218 = arith.constant 0 : i32
            %dma_wait3A_219 = tpu.memref_slice %arg6[%dma_wait3A_217, %dma_wait3A_218] : memref<10000x128xf32, #tpu.memory_space<vmem_shared>> -> memref<10000x128xf32, #tpu.memory_space<vmem_shared>>
            tpu.wait_indirect_dma semaphore(%arg12 : memref<!tpu.dma_semaphore, #tpu.memory_space<semaphore_mem>>) src(%arg9 : memref<128x128xf32, #tpu.memory_space<vmem>>) dst(%dma_wait3A_219 : memref<10000x128xf32, #tpu.memory_space<vmem_shared>>)
          } else {
          }
          %add3A_194 = arith.constant 1 : i32
          %add3A_195 = arith.addi %while3A_146, %add3A_194 : i32
          %lt3A_196 = arith.cmpi slt, %add3A_195, %min3A_105 : i32
          %convert_element_type3A_197 = arith.extui %lt3A_196 : i1 to i32
          %cond3A_198 = arith.constant 0 : i32
          %cond3A_199 = arith.cmpi ne, %convert_element_type3A_197, %cond3A_198 : i32
          scf.if %cond3A_199 {
            %add3A_213 = arith.constant 1 : i32
            %add3A_214 = arith.addi %while3A_146, %add3A_213 : i32
            %dma_start3A_215 = arith.constant 0 : i32
            %dma_start3A_216 = tpu.memref_slice %arg7[%add3A_214, %dma_start3A_215] : memref<40x128xi32, #tpu.memory_space<vmem>> -> memref<1x128xi32, #tpu.memory_space<vmem>>
            %dma_start3A_217 = tpu.memref_squeeze %dma_start3A_216 : memref<1x128xi32, #tpu.memory_space<vmem>> -> memref<128xi32, #tpu.memory_space<vmem>>
            %dma_start3A_218 = arith.constant 0 : i32
            %dma_start3A_219 = arith.constant 0 : i32
            %dma_start3A_220 = tpu.memref_slice %arg2[%dma_start3A_218, %dma_start3A_219] : memref<10000x128xf32, #tpu.memory_space<hbm>> -> memref<10000x128xf32, #tpu.memory_space<hbm>>
            tpu.enqueue_indirect_dma source(%dma_start3A_220 : memref<10000x128xf32, #tpu.memory_space<hbm>>) target(%arg9 : memref<128x128xf32, #tpu.memory_space<vmem>>) offsets(%dma_start3A_217 : memref<128xi32, #tpu.memory_space<vmem>>) semaphore(%arg11 : memref<!tpu.dma_semaphore, #tpu.memory_space<semaphore_mem>>)
          } else {
          }
          %dma_wait3A_200 = arith.constant 0 : i32
          %dma_wait3A_201 = arith.constant 0 : i32
          %dma_wait3A_202 = tpu.memref_slice %arg7[%dma_wait3A_200, %dma_wait3A_201] : memref<40x128xi32, #tpu.memory_space<vmem>> -> memref<1x128xi32, #tpu.memory_space<vmem>>
          %dma_wait3A_203 = tpu.memref_squeeze %dma_wait3A_202 : memref<1x128xi32, #tpu.memory_space<vmem>> -> memref<128xi32, #tpu.memory_space<vmem>>
          %dma_wait3A_204 = arith.constant 0 : i32
          %dma_wait3A_205 = arith.constant 0 : i32
          %dma_wait3A_206 = tpu.memref_slice %arg2[%dma_wait3A_204, %dma_wait3A_205] : memref<10000x128xf32, #tpu.memory_space<hbm>> -> memref<10000x128xf32, #tpu.memory_space<hbm>>
          tpu.wait_indirect_dma semaphore(%arg11 : memref<!tpu.dma_semaphore, #tpu.memory_space<semaphore_mem>>) src(%dma_wait3A_206 : memref<10000x128xf32, #tpu.memory_space<hbm>>) dst(%arg10 : memref<128x128xf32, #tpu.memory_space<vmem>>)
          %dma_start3A_207 = arith.constant 0 : i32
          %dma_start3A_208 = tpu.memref_slice %arg8[%while3A_146, %dma_start3A_207] : memref<40x128xi32, #tpu.memory_space<vmem>> -> memref<1x128xi32, #tpu.memory_space<vmem>>
          %dma_start3A_209 = tpu.memref_squeeze %dma_start3A_208 : memref<1x128xi32, #tpu.memory_space<vmem>> -> memref<128xi32, #tpu.memory_space<vmem>>
          %dma_start3A_210 = arith.constant 0 : i32
          %dma_start3A_211 = arith.constant 0 : i32
          %dma_start3A_212 = tpu.memref_slice %arg6[%dma_start3A_210, %dma_start3A_211] : memref<10000x128xf32, #tpu.memory_space<vmem_shared>> -> memref<10000x128xf32, #tpu.memory_space<vmem_shared>>
          tpu.enqueue_indirect_dma source(%arg10 : memref<128x128xf32, #tpu.memory_space<vmem>>) target(%dma_start3A_212 : memref<10000x128xf32, #tpu.memory_space<vmem_shared>>) offsets(%dma_start3A_209 : memref<128xi32, #tpu.memory_space<vmem>>) semaphore(%arg12 : memref<!tpu.dma_semaphore, #tpu.memory_space<semaphore_mem>>) {add = true}
        } else {
        }
      }
      %dma_wait3A = arith.constant 0 : i32
      %dma_wait3A_136 = arith.constant 0 : i32
      %dma_wait3A_137 = tpu.memref_slice %arg8[%dma_wait3A, %dma_wait3A_136] : memref<40x128xi32, #tpu.memory_space<vmem>> -> memref<1x128xi32, #tpu.memory_space<vmem>>
      %dma_wait3A_138 = tpu.memref_squeeze %dma_wait3A_137 : memref<1x128xi32, #tpu.memory_space<vmem>> -> memref<128xi32, #tpu.memory_space<vmem>>
      %dma_wait3A_139 = arith.constant 0 : i32
      %dma_wait3A_140 = arith.constant 0 : i32
      %dma_wait3A_141 = tpu.memref_slice %arg6[%dma_wait3A_139, %dma_wait3A_140] : memref<10000x128xf32, #tpu.memory_space<vmem_shared>> -> memref<10000x128xf32, #tpu.memory_space<vmem_shared>>
      tpu.wait_indirect_dma semaphore(%arg12 : memref<!tpu.dma_semaphore, #tpu.memory_space<semaphore_mem>>) src(%arg9 : memref<128x128xf32, #tpu.memory_space<vmem>>) dst(%dma_wait3A_141 : memref<10000x128xf32, #tpu.memory_space<vmem_shared>>)
      %ge3A = arith.constant 2 : i32
      %ge3A_142 = arith.cmpi sge, %min3A_105, %ge3A : i32
      %convert_element_type3A_143 = arith.extui %ge3A_142 : i1 to i32
      %cond3A_144 = arith.constant 0 : i32
      %cond3A_145 = arith.cmpi ne, %convert_element_type3A_143, %cond3A_144 : i32
      scf.if %cond3A_145 {
        %dma_wait3A_146 = arith.constant 0 : i32
        %dma_wait3A_147 = arith.constant 0 : i32
        %dma_wait3A_148 = tpu.memref_slice %arg8[%dma_wait3A_146, %dma_wait3A_147] : memref<40x128xi32, #tpu.memory_space<vmem>> -> memref<1x128xi32, #tpu.memory_space<vmem>>
        %dma_wait3A_149 = tpu.memref_squeeze %dma_wait3A_148 : memref<1x128xi32, #tpu.memory_space<vmem>> -> memref<128xi32, #tpu.memory_space<vmem>>
        %dma_wait3A_150 = arith.constant 0 : i32
        %dma_wait3A_151 = arith.constant 0 : i32
        %dma_wait3A_152 = tpu.memref_slice %arg6[%dma_wait3A_150, %dma_wait3A_151] : memref<10000x128xf32, #tpu.memory_space<vmem_shared>> -> memref<10000x128xf32, #tpu.memory_space<vmem_shared>>
        tpu.wait_indirect_dma semaphore(%arg12 : memref<!tpu.dma_semaphore, #tpu.memory_space<semaphore_mem>>) src(%arg10 : memref<128x128xf32, #tpu.memory_space<vmem>>) dst(%dma_wait3A_152 : memref<10000x128xf32, #tpu.memory_space<vmem_shared>>)
      } else {
      }
    } else {
    }
    %barrier3A_111 = arith.constant 0 : index
    tpu.barrier barrier_id(%barrier3A_111)
    %mul3A_112 = arith.constant 624 : i32
    %mul3A_113 = arith.muli %arg1, %mul3A_112 : i32
    %mul3A_114 = arith.constant 624 : i32
    %mul3A_115 = arith.muli %arg1, %mul3A_114 : i32
    "tpu.region"() ({
      %run_scoped3A = tpu.sem_alloc : memref<!tpu.dma_semaphore, #tpu.memory_space<semaphore_mem>>
      %dma_start3A = arith.constant 0 : i32
      %dma_start3A_121 = tpu.memref_slice %arg5[%arg0, %mul3A_115, %dma_start3A] : memref<2x10000x128xf32, #tpu.memory_space<hbm>> -> memref<1x624x128xf32, #tpu.memory_space<hbm>>
      %dma_start3A_122 = tpu.memref_squeeze %dma_start3A_121 : memref<1x624x128xf32, #tpu.memory_space<hbm>> -> memref<624x128xf32, #tpu.memory_space<hbm>>
      %dma_start3A_123 = arith.constant 0 : i32
      %dma_start3A_124 = tpu.memref_slice %arg6[%mul3A_113, %dma_start3A_123] : memref<10000x128xf32, #tpu.memory_space<vmem_shared>> -> memref<624x128xf32, #tpu.memory_space<vmem_shared>>
      tpu.enqueue_dma source(%dma_start3A_124 : memref<624x128xf32, #tpu.memory_space<vmem_shared>>) target(%dma_start3A_122 : memref<624x128xf32, #tpu.memory_space<hbm>>) target_semaphore(%run_scoped3A : memref<!tpu.dma_semaphore, #tpu.memory_space<semaphore_mem>>)
      %dma_wait3A = arith.constant 0 : i32
      %dma_wait3A_125 = tpu.memref_slice %arg5[%arg0, %mul3A_115, %dma_wait3A] : memref<2x10000x128xf32, #tpu.memory_space<hbm>> -> memref<1x624x128xf32, #tpu.memory_space<hbm>>
      %dma_wait3A_126 = tpu.memref_squeeze %dma_wait3A_125 : memref<1x624x128xf32, #tpu.memory_space<hbm>> -> memref<624x128xf32, #tpu.memory_space<hbm>>
      %dma_wait3A_127 = arith.constant 0 : i32
      %dma_wait3A_128 = tpu.memref_slice %arg6[%mul3A_113, %dma_wait3A_127] : memref<10000x128xf32, #tpu.memory_space<vmem_shared>> -> memref<624x128xf32, #tpu.memory_space<vmem_shared>>
      tpu.wait_dma2 semaphore(%run_scoped3A : memref<!tpu.dma_semaphore, #tpu.memory_space<semaphore_mem>>) src(%dma_wait3A_128 : memref<624x128xf32, #tpu.memory_space<vmem_shared>>) dst(%dma_wait3A_126 : memref<624x128xf32, #tpu.memory_space<hbm>>)
      tpu.yield
    }) : () -> ()
    %eq3A_116 = arith.constant 15 : i32
    %eq3A_117 = arith.cmpi eq, %arg1, %eq3A_116 : i32
    %convert_element_type3A_118 = arith.extui %eq3A_117 : i1 to i32
    %cond3A_119 = arith.constant 0 : i32
    %cond3A_120 = arith.cmpi ne, %convert_element_type3A_118, %cond3A_119 : i32
    scf.if %cond3A_120 {
      "tpu.region"() ({
        %run_scoped3A = tpu.sem_alloc : memref<!tpu.dma_semaphore, #tpu.memory_space<semaphore_mem>>
        %dma_start3A = arith.constant 9984 : i32
        %dma_start3A_121 = arith.constant 0 : i32
        %dma_start3A_122 = tpu.memref_slice %arg5[%arg0, %dma_start3A, %dma_start3A_121] : memref<2x10000x128xf32, #tpu.memory_space<hbm>> -> memref<1x16x128xf32, #tpu.memory_space<hbm>>
        %dma_start3A_123 = tpu.memref_squeeze %dma_start3A_122 : memref<1x16x128xf32, #tpu.memory_space<hbm>> -> memref<16x128xf32, #tpu.memory_space<hbm>>
        %dma_start3A_124 = arith.constant 9984 : i32
        %dma_start3A_125 = arith.constant 0 : i32
        %dma_start3A_126 = tpu.memref_slice %arg6[%dma_start3A_124, %dma_start3A_125] : memref<10000x128xf32, #tpu.memory_space<vmem_shared>> -> memref<16x128xf32, #tpu.memory_space<vmem_shared>>
        tpu.enqueue_dma source(%dma_start3A_126 : memref<16x128xf32, #tpu.memory_space<vmem_shared>>) target(%dma_start3A_123 : memref<16x128xf32, #tpu.memory_space<hbm>>) target_semaphore(%run_scoped3A : memref<!tpu.dma_semaphore, #tpu.memory_space<semaphore_mem>>)
        %dma_wait3A = arith.constant 9984 : i32
        %dma_wait3A_127 = arith.constant 0 : i32
        %dma_wait3A_128 = tpu.memref_slice %arg5[%arg0, %dma_wait3A, %dma_wait3A_127] : memref<2x10000x128xf32, #tpu.memory_space<hbm>> -> memref<1x16x128xf32, #tpu.memory_space<hbm>>
        %dma_wait3A_129 = tpu.memref_squeeze %dma_wait3A_128 : memref<1x16x128xf32, #tpu.memory_space<hbm>> -> memref<16x128xf32, #tpu.memory_space<hbm>>
        %dma_wait3A_130 = arith.constant 9984 : i32
        %dma_wait3A_131 = arith.constant 0 : i32
        %dma_wait3A_132 = tpu.memref_slice %arg6[%dma_wait3A_130, %dma_wait3A_131] : memref<10000x128xf32, #tpu.memory_space<vmem_shared>> -> memref<16x128xf32, #tpu.memory_space<vmem_shared>>
        tpu.wait_dma2 semaphore(%run_scoped3A : memref<!tpu.dma_semaphore, #tpu.memory_space<semaphore_mem>>) src(%dma_wait3A_132 : memref<16x128xf32, #tpu.memory_space<vmem_shared>>) dst(%dma_wait3A_129 : memref<16x128xf32, #tpu.memory_space<hbm>>)
        tpu.yield
      }) : () -> ()
    } else {
    }
    return
  }
}

#map = affine_map<(d0, d1) -> (0, 0)>
#map1 = affine_map<(d0, d1) -> (0, 0, 0)>
module attributes {stable_mosaic.version = 14 : i64} {
  func.func @seg_sum(%arg0: i32, %arg1: i32, %arg2: memref<10000x128xf32, #tpu.memory_space<hbm>>, %arg3: memref<2560x128xi32, #tpu.memory_space<hbm>>, %arg4: memref<2560x128xi32, #tpu.memory_space<hbm>>, %arg5: memref<2x10000x128xf32, #tpu.memory_space<hbm>>, %arg6: memref<10000x128xf32, #tpu.memory_space<vmem_shared>>, %arg7: memref<40x128xi32, #tpu.memory_space<vmem>>, %arg8: memref<40x128xi32, #tpu.memory_space<vmem>>, %arg9: memref<128x128xf32, #tpu.memory_space<vmem>>, %arg10: memref<128x128xf32, #tpu.memory_space<vmem>>, %arg11: memref<!tpu.dma_semaphore, #tpu.memory_space<semaphore_mem>>, %arg12: memref<!tpu.dma_semaphore, #tpu.memory_space<semaphore_mem>>) attributes {dimension_semantics = [#tpu.dimension_semantics<core_parallel>, #tpu.dimension_semantics<subcore_parallel>], iteration_bounds = array<i64: 2, 16>, scalar_prefetch = 0 : i64, scratch_operands = 7 : i64, tpu.core_type = #tpu.core_type<sc_vector_subcore>, window_params = [{transform_indices = #map}, {transform_indices = #map}, {transform_indices = #map}, {transform_indices = #map1}]} {
    %mul3A = arith.constant 2 : i32
    %mul3A_0 = arith.muli %arg1, %mul3A : i32
    %add3A = arith.addi %mul3A_0, %arg0 : i32
    %scan3A = arith.constant 0 : i32
    %scan3A_1 = arith.constant 0 : i32
    %scan3A_2 = arith.constant 128 : i32
    %scan3A_3 = arith.addi %scan3A_1, %scan3A_2 : i32
    %scan3A_4 = arith.constant 1 : i32
    scf.for %scan3A_121 = %scan3A_1 to %scan3A_3 step %scan3A_4  : i32 {
      %broadcast_in_dim3A = arith.constant 0.000000e+00 : f32
      %broadcast_in_dim3A_122 = vector.broadcast %broadcast_in_dim3A : f32 to vector<16xf32>
      %swap3A = arith.index_cast %scan3A_121 : i32 to index
      %swap3A_123 = arith.constant 0 : index
      %swap3A_124 = tpu.vector_load %arg9[%swap3A, %swap3A_123] {strides = array<i32>} : memref<128x128xf32, #tpu.memory_space<vmem>>, vector<1x16xf32>,
      %swap3A_125 = vector.shape_cast %swap3A_124 : vector<1x16xf32> to vector<16xf32>
      %swap3A_126 = vector.shape_cast %broadcast_in_dim3A_122 : vector<16xf32> to vector<1x16xf32>
      tpu.vector_store %arg9[%swap3A, %swap3A_123], %swap3A_126 {strides = array<i32>} : memref<128x128xf32, #tpu.memory_space<vmem>>, vector<1x16xf32>,
      %broadcast_in_dim3A_127 = arith.constant 0.000000e+00 : f32
      %broadcast_in_dim3A_128 = vector.broadcast %broadcast_in_dim3A_127 : f32 to vector<16xf32>
      %swap3A_129 = arith.index_cast %scan3A_121 : i32 to index
      %swap3A_130 = arith.constant 16 : index
      %swap3A_131 = tpu.vector_load %arg9[%swap3A_129, %swap3A_130] {strides = array<i32>} : memref<128x128xf32, #tpu.memory_space<vmem>>, vector<1x16xf32>,
      %swap3A_132 = vector.shape_cast %swap3A_131 : vector<1x16xf32> to vector<16xf32>
      %swap3A_133 = vector.shape_cast %broadcast_in_dim3A_128 : vector<16xf32> to vector<1x16xf32>
      tpu.vector_store %arg9[%swap3A_129, %swap3A_130], %swap3A_133 {strides = array<i32>} : memref<128x128xf32, #tpu.memory_space<vmem>>, vector<1x16xf32>,
      %broadcast_in_dim3A_134 = arith.constant 0.000000e+00 : f32
      %broadcast_in_dim3A_135 = vector.broadcast %broadcast_in_dim3A_134 : f32 to vector<16xf32>
      %swap3A_136 = arith.index_cast %scan3A_121 : i32 to index
      %swap3A_137 = arith.constant 32 : index
      %swap3A_138 = tpu.vector_load %arg9[%swap3A_136, %swap3A_137] {strides = array<i32>} : memref<128x128xf32, #tpu.memory_space<vmem>>, vector<1x16xf32>,
      %swap3A_139 = vector.shape_cast %swap3A_138 : vector<1x16xf32> to vector<16xf32>
      %swap3A_140 = vector.shape_cast %broadcast_in_dim3A_135 : vector<16xf32> to vector<1x16xf32>
      tpu.vector_store %arg9[%swap3A_136, %swap3A_137], %swap3A_140 {strides = array<i32>} : memref<128x128xf32, #tpu.memory_space<vmem>>, vector<1x16xf32>,
      %broadcast_in_dim3A_141 = arith.constant 0.000000e+00 : f32
      %broadcast_in_dim3A_142 = vector.broadcast %broadcast_in_dim3A_141 : f32 to vector<16xf32>
      %swap3A_143 = arith.index_cast %scan3A_121 : i32 to index
      %swap3A_144 = arith.constant 48 : index
      %swap3A_145 = tpu.vector_load %arg9[%swap3A_143, %swap3A_144] {strides = array<i32>} : memref<128x128xf32, #tpu.memory_space<vmem>>, vector<1x16xf32>,
      %swap3A_146 = vector.shape_cast %swap3A_145 : vector<1x16xf32> to vector<16xf32>
      %swap3A_147 = vector.shape_cast %broadcast_in_dim3A_142 : vector<16xf32> to vector<1x16xf32>
      tpu.vector_store %arg9[%swap3A_143, %swap3A_144], %swap3A_147 {strides = array<i32>} : memref<128x128xf32, #tpu.memory_space<vmem>>, vector<1x16xf32>,
      %broadcast_in_dim3A_148 = arith.constant 0.000000e+00 : f32
      %broadcast_in_dim3A_149 = vector.broadcast %broadcast_in_dim3A_148 : f32 to vector<16xf32>
      %swap3A_150 = arith.index_cast %scan3A_121 : i32 to index
      %swap3A_151 = arith.constant 64 : index
      %swap3A_152 = tpu.vector_load %arg9[%swap3A_150, %swap3A_151] {strides = array<i32>} : memref<128x128xf32, #tpu.memory_space<vmem>>, vector<1x16xf32>,
      %swap3A_153 = vector.shape_cast %swap3A_152 : vector<1x16xf32> to vector<16xf32>
      %swap3A_154 = vector.shape_cast %broadcast_in_dim3A_149 : vector<16xf32> to vector<1x16xf32>
      tpu.vector_store %arg9[%swap3A_150, %swap3A_151], %swap3A_154 {strides = array<i32>} : memref<128x128xf32, #tpu.memory_space<vmem>>, vector<1x16xf32>,
      %broadcast_in_dim3A_155 = arith.constant 0.000000e+00 : f32
      %broadcast_in_dim3A_156 = vector.broadcast %broadcast_in_dim3A_155 : f32 to vector<16xf32>
      %swap3A_157 = arith.index_cast %scan3A_121 : i32 to index
      %swap3A_158 = arith.constant 80 : index
      %swap3A_159 = tpu.vector_load %arg9[%swap3A_157, %swap3A_158] {strides = array<i32>} : memref<128x128xf32, #tpu.memory_space<vmem>>, vector<1x16xf32>,
      %swap3A_160 = vector.shape_cast %swap3A_159 : vector<1x16xf32> to vector<16xf32>
      %swap3A_161 = vector.shape_cast %broadcast_in_dim3A_156 : vector<16xf32> to vector<1x16xf32>
      tpu.vector_store %arg9[%swap3A_157, %swap3A_158], %swap3A_161 {strides = array<i32>} : memref<128x128xf32, #tpu.memory_space<vmem>>, vector<1x16xf32>,
      %broadcast_in_dim3A_162 = arith.constant 0.000000e+00 : f32
      %broadcast_in_dim3A_163 = vector.broadcast %broadcast_in_dim3A_162 : f32 to vector<16xf32>
      %swap3A_164 = arith.index_cast %scan3A_121 : i32 to index
      %swap3A_165 = arith.constant 96 : index
      %swap3A_166 = tpu.vector_load %arg9[%swap3A_164, %swap3A_165] {strides = array<i32>} : memref<128x128xf32, #tpu.memory_space<vmem>>, vector<1x16xf32>,
      %swap3A_167 = vector.shape_cast %swap3A_166 : vector<1x16xf32> to vector<16xf32>
      %swap3A_168 = vector.shape_cast %broadcast_in_dim3A_163 : vector<16xf32> to vector<1x16xf32>
      tpu.vector_store %arg9[%swap3A_164, %swap3A_165], %swap3A_168 {strides = array<i32>} : memref<128x128xf32, #tpu.memory_space<vmem>>, vector<1x16xf32>,
      %broadcast_in_dim3A_169 = arith.constant 0.000000e+00 : f32
      %broadcast_in_dim3A_170 = vector.broadcast %broadcast_in_dim3A_169 : f32 to vector<16xf32>
      %swap3A_171 = arith.index_cast %scan3A_121 : i32 to index
      %swap3A_172 = arith.constant 112 : index
      %swap3A_173 = tpu.vector_load %arg9[%swap3A_171, %swap3A_172] {strides = array<i32>} : memref<128x128xf32, #tpu.memory_space<vmem>>, vector<1x16xf32>,
      %swap3A_174 = vector.shape_cast %swap3A_173 : vector<1x16xf32> to vector<16xf32>
      %swap3A_175 = vector.shape_cast %broadcast_in_dim3A_170 : vector<16xf32> to vector<1x16xf32>
      tpu.vector_store %arg9[%swap3A_171, %swap3A_172], %swap3A_175 {strides = array<i32>} : memref<128x128xf32, #tpu.memory_space<vmem>>, vector<1x16xf32>,
    }
    %scan3A_5 = arith.constant 128 : i32
    %add3A_6 = arith.constant 0 : i32
    %add3A_7 = arith.addi %arg1, %add3A_6 : i32
    %lt3A = arith.constant 78 : i32
    %lt3A_8 = arith.cmpi slt, %add3A_7, %lt3A : i32
    %convert_element_type3A = arith.extui %lt3A_8 : i1 to i32
    %cond3A = arith.constant 0 : i32
    %cond3A_9 = arith.cmpi ne, %convert_element_type3A, %cond3A : i32
    scf.if %cond3A_9 {
      %mul3A_121 = arith.constant 128 : i32
      %mul3A_122 = arith.muli %add3A_7, %mul3A_121 : i32
      %dma_start3A = arith.constant 0 : i32
      %dma_start3A_123 = tpu.memref_slice %arg6[%mul3A_122, %dma_start3A] : memref<10000x128xf32, #tpu.memory_space<vmem_shared>> -> memref<128x128xf32, #tpu.memory_space<vmem_shared>>
      %dma_start3A_124 = arith.constant 0 : i32
      %dma_start3A_125 = tpu.memref_slice %arg6[%mul3A_122, %dma_start3A_124] : memref<10000x128xf32, #tpu.memory_space<vmem_shared>> -> memref<128x128xf32, #tpu.memory_space<vmem_shared>>
      tpu.enqueue_dma source(%arg9 : memref<128x128xf32, #tpu.memory_space<vmem>>) target(%dma_start3A_125 : memref<128x128xf32, #tpu.memory_space<vmem_shared>>) target_semaphore(%arg12 : memref<!tpu.dma_semaphore, #tpu.memory_space<semaphore_mem>>)
    } else {
    }
    %add3A_10 = arith.constant 16 : i32
    %add3A_11 = arith.addi %arg1, %add3A_10 : i32
    %lt3A_12 = arith.constant 78 : i32
    %lt3A_13 = arith.cmpi slt, %add3A_11, %lt3A_12 : i32
    %convert_element_type3A_14 = arith.extui %lt3A_13 : i1 to i32
    %cond3A_15 = arith.constant 0 : i32
    %cond3A_16 = arith.cmpi ne, %convert_element_type3A_14, %cond3A_15 : i32
    scf.if %cond3A_16 {
      %mul3A_121 = arith.constant 128 : i32
      %mul3A_122 = arith.muli %add3A_11, %mul3A_121 : i32
      %dma_start3A = arith.constant 0 : i32
      %dma_start3A_123 = tpu.memref_slice %arg6[%mul3A_122, %dma_start3A] : memref<10000x128xf32, #tpu.memory_space<vmem_shared>> -> memref<128x128xf32, #tpu.memory_space<vmem_shared>>
      %dma_start3A_124 = arith.constant 0 : i32
      %dma_start3A_125 = tpu.memref_slice %arg6[%mul3A_122, %dma_start3A_124] : memref<10000x128xf32, #tpu.memory_space<vmem_shared>> -> memref<128x128xf32, #tpu.memory_space<vmem_shared>>
      tpu.enqueue_dma source(%arg9 : memref<128x128xf32, #tpu.memory_space<vmem>>) target(%dma_start3A_125 : memref<128x128xf32, #tpu.memory_space<vmem_shared>>) target_semaphore(%arg12 : memref<!tpu.dma_semaphore, #tpu.memory_space<semaphore_mem>>)
    } else {
    }
    %add3A_17 = arith.constant 32 : i32
    %add3A_18 = arith.addi %arg1, %add3A_17 : i32
    %lt3A_19 = arith.constant 78 : i32
    %lt3A_20 = arith.cmpi slt, %add3A_18, %lt3A_19 : i32
    %convert_element_type3A_21 = arith.extui %lt3A_20 : i1 to i32
    %cond3A_22 = arith.constant 0 : i32
    %cond3A_23 = arith.cmpi ne, %convert_element_type3A_21, %cond3A_22 : i32
    scf.if %cond3A_23 {
      %mul3A_121 = arith.constant 128 : i32
      %mul3A_122 = arith.muli %add3A_18, %mul3A_121 : i32
      %dma_start3A = arith.constant 0 : i32
      %dma_start3A_123 = tpu.memref_slice %arg6[%mul3A_122, %dma_start3A] : memref<10000x128xf32, #tpu.memory_space<vmem_shared>> -> memref<128x128xf32, #tpu.memory_space<vmem_shared>>
      %dma_start3A_124 = arith.constant 0 : i32
      %dma_start3A_125 = tpu.memref_slice %arg6[%mul3A_122, %dma_start3A_124] : memref<10000x128xf32, #tpu.memory_space<vmem_shared>> -> memref<128x128xf32, #tpu.memory_space<vmem_shared>>
      tpu.enqueue_dma source(%arg9 : memref<128x128xf32, #tpu.memory_space<vmem>>) target(%dma_start3A_125 : memref<128x128xf32, #tpu.memory_space<vmem_shared>>) target_semaphore(%arg12 : memref<!tpu.dma_semaphore, #tpu.memory_space<semaphore_mem>>)
    } else {
    }
    %add3A_24 = arith.constant 48 : i32
    %add3A_25 = arith.addi %arg1, %add3A_24 : i32
    %lt3A_26 = arith.constant 78 : i32
    %lt3A_27 = arith.cmpi slt, %add3A_25, %lt3A_26 : i32
    %convert_element_type3A_28 = arith.extui %lt3A_27 : i1 to i32
    %cond3A_29 = arith.constant 0 : i32
    %cond3A_30 = arith.cmpi ne, %convert_element_type3A_28, %cond3A_29 : i32
    scf.if %cond3A_30 {
      %mul3A_121 = arith.constant 128 : i32
      %mul3A_122 = arith.muli %add3A_25, %mul3A_121 : i32
      %dma_start3A = arith.constant 0 : i32
      %dma_start3A_123 = tpu.memref_slice %arg6[%mul3A_122, %dma_start3A] : memref<10000x128xf32, #tpu.memory_space<vmem_shared>> -> memref<128x128xf32, #tpu.memory_space<vmem_shared>>
      %dma_start3A_124 = arith.constant 0 : i32
      %dma_start3A_125 = tpu.memref_slice %arg6[%mul3A_122, %dma_start3A_124] : memref<10000x128xf32, #tpu.memory_space<vmem_shared>> -> memref<128x128xf32, #tpu.memory_space<vmem_shared>>
      tpu.enqueue_dma source(%arg9 : memref<128x128xf32, #tpu.memory_space<vmem>>) target(%dma_start3A_125 : memref<128x128xf32, #tpu.memory_space<vmem_shared>>) target_semaphore(%arg12 : memref<!tpu.dma_semaphore, #tpu.memory_space<semaphore_mem>>)
    } else {
    }
    %add3A_31 = arith.constant 64 : i32
    %add3A_32 = arith.addi %arg1, %add3A_31 : i32
    %lt3A_33 = arith.constant 78 : i32
    %lt3A_34 = arith.cmpi slt, %add3A_32, %lt3A_33 : i32
    %convert_element_type3A_35 = arith.extui %lt3A_34 : i1 to i32
    %cond3A_36 = arith.constant 0 : i32
    %cond3A_37 = arith.cmpi ne, %convert_element_type3A_35, %cond3A_36 : i32
    scf.if %cond3A_37 {
      %mul3A_121 = arith.constant 128 : i32
      %mul3A_122 = arith.muli %add3A_32, %mul3A_121 : i32
      %dma_start3A = arith.constant 0 : i32
      %dma_start3A_123 = tpu.memref_slice %arg6[%mul3A_122, %dma_start3A] : memref<10000x128xf32, #tpu.memory_space<vmem_shared>> -> memref<128x128xf32, #tpu.memory_space<vmem_shared>>
      %dma_start3A_124 = arith.constant 0 : i32
      %dma_start3A_125 = tpu.memref_slice %arg6[%mul3A_122, %dma_start3A_124] : memref<10000x128xf32, #tpu.memory_space<vmem_shared>> -> memref<128x128xf32, #tpu.memory_space<vmem_shared>>
      tpu.enqueue_dma source(%arg9 : memref<128x128xf32, #tpu.memory_space<vmem>>) target(%dma_start3A_125 : memref<128x128xf32, #tpu.memory_space<vmem_shared>>) target_semaphore(%arg12 : memref<!tpu.dma_semaphore, #tpu.memory_space<semaphore_mem>>)
    } else {
    }
    %eq3A = arith.constant 15 : i32
    %eq3A_38 = arith.cmpi eq, %arg1, %eq3A : i32
    %convert_element_type3A_39 = arith.extui %eq3A_38 : i1 to i32
    %cond3A_40 = arith.constant 0 : i32
    %cond3A_41 = arith.cmpi ne, %convert_element_type3A_39, %cond3A_40 : i32
    scf.if %cond3A_41 {
      %dma_start3A = arith.constant 0 : i32
      %dma_start3A_121 = arith.constant 0 : i32
      %dma_start3A_122 = tpu.memref_slice %arg9[%dma_start3A, %dma_start3A_121] : memref<128x128xf32, #tpu.memory_space<vmem>> -> memref<16x128xf32, #tpu.memory_space<vmem>>
      %dma_start3A_123 = arith.constant 9984 : i32
      %dma_start3A_124 = arith.constant 0 : i32
      %dma_start3A_125 = tpu.memref_slice %arg6[%dma_start3A_123, %dma_start3A_124] : memref<10000x128xf32, #tpu.memory_space<vmem_shared>> -> memref<16x128xf32, #tpu.memory_space<vmem_shared>>
      %dma_start3A_126 = arith.constant 9984 : i32
      %dma_start3A_127 = arith.constant 0 : i32
      %dma_start3A_128 = tpu.memref_slice %arg6[%dma_start3A_126, %dma_start3A_127] : memref<10000x128xf32, #tpu.memory_space<vmem_shared>> -> memref<16x128xf32, #tpu.memory_space<vmem_shared>>
      %dma_start3A_129 = arith.constant 0 : i32
      %dma_start3A_130 = arith.constant 0 : i32
      %dma_start3A_131 = tpu.memref_slice %arg9[%dma_start3A_129, %dma_start3A_130] : memref<128x128xf32, #tpu.memory_space<vmem>> -> memref<16x128xf32, #tpu.memory_space<vmem>>
      tpu.enqueue_dma source(%dma_start3A_131 : memref<16x128xf32, #tpu.memory_space<vmem>>) target(%dma_start3A_128 : memref<16x128xf32, #tpu.memory_space<vmem_shared>>) target_semaphore(%arg12 : memref<!tpu.dma_semaphore, #tpu.memory_space<semaphore_mem>>)
    } else {
    }
    %add3A_42 = arith.constant 0 : i32
    %add3A_43 = arith.addi %arg1, %add3A_42 : i32
    %lt3A_44 = arith.constant 78 : i32
    %lt3A_45 = arith.cmpi slt, %add3A_43, %lt3A_44 : i32
    %convert_element_type3A_46 = arith.extui %lt3A_45 : i1 to i32
    %cond3A_47 = arith.constant 0 : i32
    %cond3A_48 = arith.cmpi ne, %convert_element_type3A_46, %cond3A_47 : i32
    scf.if %cond3A_48 {
      %mul3A_121 = arith.constant 128 : i32
      %mul3A_122 = arith.muli %add3A_43, %mul3A_121 : i32
      %dma_wait3A = arith.constant 0 : i32
      %dma_wait3A_123 = tpu.memref_slice %arg6[%mul3A_122, %dma_wait3A] : memref<10000x128xf32, #tpu.memory_space<vmem_shared>> -> memref<128x128xf32, #tpu.memory_space<vmem_shared>>
      %dma_wait3A_124 = arith.constant 0 : i32
      %dma_wait3A_125 = tpu.memref_slice %arg6[%mul3A_122, %dma_wait3A_124] : memref<10000x128xf32, #tpu.memory_space<vmem_shared>> -> memref<128x128xf32, #tpu.memory_space<vmem_shared>>
      tpu.wait_dma2 semaphore(%arg12 : memref<!tpu.dma_semaphore, #tpu.memory_space<semaphore_mem>>) src(%arg9 : memref<128x128xf32, #tpu.memory_space<vmem>>) dst(%dma_wait3A_125 : memref<128x128xf32, #tpu.memory_space<vmem_shared>>)
    } else {
    }
    %add3A_49 = arith.constant 16 : i32
    %add3A_50 = arith.addi %arg1, %add3A_49 : i32
    %lt3A_51 = arith.constant 78 : i32
    %lt3A_52 = arith.cmpi slt, %add3A_50, %lt3A_51 : i32
    %convert_element_type3A_53 = arith.extui %lt3A_52 : i1 to i32
    %cond3A_54 = arith.constant 0 : i32
    %cond3A_55 = arith.cmpi ne, %convert_element_type3A_53, %cond3A_54 : i32
    scf.if %cond3A_55 {
      %mul3A_121 = arith.constant 128 : i32
      %mul3A_122 = arith.muli %add3A_50, %mul3A_121 : i32
      %dma_wait3A = arith.constant 0 : i32
      %dma_wait3A_123 = tpu.memref_slice %arg6[%mul3A_122, %dma_wait3A] : memref<10000x128xf32, #tpu.memory_space<vmem_shared>> -> memref<128x128xf32, #tpu.memory_space<vmem_shared>>
      %dma_wait3A_124 = arith.constant 0 : i32
      %dma_wait3A_125 = tpu.memref_slice %arg6[%mul3A_122, %dma_wait3A_124] : memref<10000x128xf32, #tpu.memory_space<vmem_shared>> -> memref<128x128xf32, #tpu.memory_space<vmem_shared>>
      tpu.wait_dma2 semaphore(%arg12 : memref<!tpu.dma_semaphore, #tpu.memory_space<semaphore_mem>>) src(%arg9 : memref<128x128xf32, #tpu.memory_space<vmem>>) dst(%dma_wait3A_125 : memref<128x128xf32, #tpu.memory_space<vmem_shared>>)
    } else {
    }
    %add3A_56 = arith.constant 32 : i32
    %add3A_57 = arith.addi %arg1, %add3A_56 : i32
    %lt3A_58 = arith.constant 78 : i32
    %lt3A_59 = arith.cmpi slt, %add3A_57, %lt3A_58 : i32
    %convert_element_type3A_60 = arith.extui %lt3A_59 : i1 to i32
    %cond3A_61 = arith.constant 0 : i32
    %cond3A_62 = arith.cmpi ne, %convert_element_type3A_60, %cond3A_61 : i32
    scf.if %cond3A_62 {
      %mul3A_121 = arith.constant 128 : i32
      %mul3A_122 = arith.muli %add3A_57, %mul3A_121 : i32
      %dma_wait3A = arith.constant 0 : i32
      %dma_wait3A_123 = tpu.memref_slice %arg6[%mul3A_122, %dma_wait3A] : memref<10000x128xf32, #tpu.memory_space<vmem_shared>> -> memref<128x128xf32, #tpu.memory_space<vmem_shared>>
      %dma_wait3A_124 = arith.constant 0 : i32
      %dma_wait3A_125 = tpu.memref_slice %arg6[%mul3A_122, %dma_wait3A_124] : memref<10000x128xf32, #tpu.memory_space<vmem_shared>> -> memref<128x128xf32, #tpu.memory_space<vmem_shared>>
      tpu.wait_dma2 semaphore(%arg12 : memref<!tpu.dma_semaphore, #tpu.memory_space<semaphore_mem>>) src(%arg9 : memref<128x128xf32, #tpu.memory_space<vmem>>) dst(%dma_wait3A_125 : memref<128x128xf32, #tpu.memory_space<vmem_shared>>)
    } else {
    }
    %add3A_63 = arith.constant 48 : i32
    %add3A_64 = arith.addi %arg1, %add3A_63 : i32
    %lt3A_65 = arith.constant 78 : i32
    %lt3A_66 = arith.cmpi slt, %add3A_64, %lt3A_65 : i32
    %convert_element_type3A_67 = arith.extui %lt3A_66 : i1 to i32
    %cond3A_68 = arith.constant 0 : i32
    %cond3A_69 = arith.cmpi ne, %convert_element_type3A_67, %cond3A_68 : i32
    scf.if %cond3A_69 {
      %mul3A_121 = arith.constant 128 : i32
      %mul3A_122 = arith.muli %add3A_64, %mul3A_121 : i32
      %dma_wait3A = arith.constant 0 : i32
      %dma_wait3A_123 = tpu.memref_slice %arg6[%mul3A_122, %dma_wait3A] : memref<10000x128xf32, #tpu.memory_space<vmem_shared>> -> memref<128x128xf32, #tpu.memory_space<vmem_shared>>
      %dma_wait3A_124 = arith.constant 0 : i32
      %dma_wait3A_125 = tpu.memref_slice %arg6[%mul3A_122, %dma_wait3A_124] : memref<10000x128xf32, #tpu.memory_space<vmem_shared>> -> memref<128x128xf32, #tpu.memory_space<vmem_shared>>
      tpu.wait_dma2 semaphore(%arg12 : memref<!tpu.dma_semaphore, #tpu.memory_space<semaphore_mem>>) src(%arg9 : memref<128x128xf32, #tpu.memory_space<vmem>>) dst(%dma_wait3A_125 : memref<128x128xf32, #tpu.memory_space<vmem_shared>>)
    } else {
    }
    %add3A_70 = arith.constant 64 : i32
    %add3A_71 = arith.addi %arg1, %add3A_70 : i32
    %lt3A_72 = arith.constant 78 : i32
    %lt3A_73 = arith.cmpi slt, %add3A_71, %lt3A_72 : i32
    %convert_element_type3A_74 = arith.extui %lt3A_73 : i1 to i32
    %cond3A_75 = arith.constant 0 : i32
    %cond3A_76 = arith.cmpi ne, %convert_element_type3A_74, %cond3A_75 : i32
    scf.if %cond3A_76 {
      %mul3A_121 = arith.constant 128 : i32
      %mul3A_122 = arith.muli %add3A_71, %mul3A_121 : i32
      %dma_wait3A = arith.constant 0 : i32
      %dma_wait3A_123 = tpu.memref_slice %arg6[%mul3A_122, %dma_wait3A] : memref<10000x128xf32, #tpu.memory_space<vmem_shared>> -> memref<128x128xf32, #tpu.memory_space<vmem_shared>>
      %dma_wait3A_124 = arith.constant 0 : i32
      %dma_wait3A_125 = tpu.memref_slice %arg6[%mul3A_122, %dma_wait3A_124] : memref<10000x128xf32, #tpu.memory_space<vmem_shared>> -> memref<128x128xf32, #tpu.memory_space<vmem_shared>>
      tpu.wait_dma2 semaphore(%arg12 : memref<!tpu.dma_semaphore, #tpu.memory_space<semaphore_mem>>) src(%arg9 : memref<128x128xf32, #tpu.memory_space<vmem>>) dst(%dma_wait3A_125 : memref<128x128xf32, #tpu.memory_space<vmem_shared>>)
    } else {
    }
    %eq3A_77 = arith.constant 15 : i32
    %eq3A_78 = arith.cmpi eq, %arg1, %eq3A_77 : i32
    %convert_element_type3A_79 = arith.extui %eq3A_78 : i1 to i32
    %cond3A_80 = arith.constant 0 : i32
    %cond3A_81 = arith.cmpi ne, %convert_element_type3A_79, %cond3A_80 : i32
    scf.if %cond3A_81 {
      %dma_wait3A = arith.constant 0 : i32
      %dma_wait3A_121 = arith.constant 0 : i32
      %dma_wait3A_122 = tpu.memref_slice %arg9[%dma_wait3A, %dma_wait3A_121] : memref<128x128xf32, #tpu.memory_space<vmem>> -> memref<16x128xf32, #tpu.memory_space<vmem>>
      %dma_wait3A_123 = arith.constant 9984 : i32
      %dma_wait3A_124 = arith.constant 0 : i32
      %dma_wait3A_125 = tpu.memref_slice %arg6[%dma_wait3A_123, %dma_wait3A_124] : memref<10000x128xf32, #tpu.memory_space<vmem_shared>> -> memref<16x128xf32, #tpu.memory_space<vmem_shared>>
      %dma_wait3A_126 = arith.constant 9984 : i32
      %dma_wait3A_127 = arith.constant 0 : i32
      %dma_wait3A_128 = tpu.memref_slice %arg6[%dma_wait3A_126, %dma_wait3A_127] : memref<10000x128xf32, #tpu.memory_space<vmem_shared>> -> memref<16x128xf32, #tpu.memory_space<vmem_shared>>
      %dma_wait3A_129 = arith.constant 0 : i32
      %dma_wait3A_130 = arith.constant 0 : i32
      %dma_wait3A_131 = tpu.memref_slice %arg9[%dma_wait3A_129, %dma_wait3A_130] : memref<128x128xf32, #tpu.memory_space<vmem>> -> memref<16x128xf32, #tpu.memory_space<vmem>>
      tpu.wait_dma2 semaphore(%arg12 : memref<!tpu.dma_semaphore, #tpu.memory_space<semaphore_mem>>) src(%dma_wait3A_131 : memref<16x128xf32, #tpu.memory_space<vmem>>) dst(%dma_wait3A_128 : memref<16x128xf32, #tpu.memory_space<vmem_shared>>)
    } else {
    }
    %barrier3A = arith.constant 0 : index
    tpu.barrier barrier_id(%barrier3A)
    %mul3A_82 = arith.constant 80 : i32
    %mul3A_83 = arith.muli %add3A, %mul3A_82 : i32
    %sub3A = arith.constant 2500 : i32
    %sub3A_84 = arith.subi %sub3A, %mul3A_83 : i32
    %jit3A = arith.constant 0 : i32
    %jit3A_85 = arith.constant 80 : i32
    %max3A = arith.maxsi %jit3A, %sub3A_84 : i32
    %min3A = arith.minsi %jit3A_85, %max3A : i32
    %add3A_86 = arith.constant 0 : i32
    %add3A_87 = arith.addi %mul3A_83, %add3A_86 : i32
    %sub3A_88 = arith.constant 0 : i32
    %sub3A_89 = arith.subi %min3A, %sub3A_88 : i32
    %jit3A_90 = arith.constant 0 : i32
    %jit3A_91 = arith.constant 40 : i32
    %max3A_92 = arith.maxsi %jit3A_90, %sub3A_89 : i32
    %min3A_93 = arith.minsi %jit3A_91, %max3A_92 : i32
    %gt3A = arith.constant 0 : i32
    %gt3A_94 = arith.cmpi sgt, %min3A_93, %gt3A : i32
    %convert_element_type3A_95 = arith.extui %gt3A_94 : i1 to i32
    %cond3A_96 = arith.constant 0 : i32
    %cond3A_97 = arith.cmpi ne, %convert_element_type3A_95, %cond3A_96 : i32
    scf.if %cond3A_97 {
      "tpu.region"() ({
        %run_scoped3A = tpu.sem_alloc : memref<!tpu.dma_semaphore, #tpu.memory_space<semaphore_mem>>
        %dma_start3A_146 = arith.constant 0 : i32
        %dma_start3A_147 = tpu.memref_slice %arg3[%add3A_87, %dma_start3A_146] : memref<2560x128xi32, #tpu.memory_space<hbm>> -> memref<40x128xi32, #tpu.memory_space<hbm>>
        %dma_start3A_148 = arith.constant 0 : i32
        %dma_start3A_149 = tpu.memref_slice %arg3[%add3A_87, %dma_start3A_148] : memref<2560x128xi32, #tpu.memory_space<hbm>> -> memref<40x128xi32, #tpu.memory_space<hbm>>
        tpu.enqueue_dma source(%dma_start3A_149 : memref<40x128xi32, #tpu.memory_space<hbm>>) target(%arg7 : memref<40x128xi32, #tpu.memory_space<vmem>>) target_semaphore(%run_scoped3A : memref<!tpu.dma_semaphore, #tpu.memory_space<semaphore_mem>>)
        %dma_wait3A_150 = arith.constant 0 : i32
        %dma_wait3A_151 = tpu.memref_slice %arg3[%add3A_87, %dma_wait3A_150] : memref<2560x128xi32, #tpu.memory_space<hbm>> -> memref<40x128xi32, #tpu.memory_space<hbm>>
        %dma_wait3A_152 = arith.constant 0 : i32
        %dma_wait3A_153 = tpu.memref_slice %arg3[%add3A_87, %dma_wait3A_152] : memref<2560x128xi32, #tpu.memory_space<hbm>> -> memref<40x128xi32, #tpu.memory_space<hbm>>
        tpu.wait_dma2 semaphore(%run_scoped3A : memref<!tpu.dma_semaphore, #tpu.memory_space<semaphore_mem>>) src(%dma_wait3A_153 : memref<40x128xi32, #tpu.memory_space<hbm>>) dst(%arg7 : memref<40x128xi32, #tpu.memory_space<vmem>>)
        tpu.yield
      }) : () -> ()
      "tpu.region"() ({
        %run_scoped3A = tpu.sem_alloc : memref<!tpu.dma_semaphore, #tpu.memory_space<semaphore_mem>>
        %dma_start3A_146 = arith.constant 0 : i32
        %dma_start3A_147 = tpu.memref_slice %arg4[%add3A_87, %dma_start3A_146] : memref<2560x128xi32, #tpu.memory_space<hbm>> -> memref<40x128xi32, #tpu.memory_space<hbm>>
        %dma_start3A_148 = arith.constant 0 : i32
        %dma_start3A_149 = tpu.memref_slice %arg4[%add3A_87, %dma_start3A_148] : memref<2560x128xi32, #tpu.memory_space<hbm>> -> memref<40x128xi32, #tpu.memory_space<hbm>>
        tpu.enqueue_dma source(%dma_start3A_149 : memref<40x128xi32, #tpu.memory_space<hbm>>) target(%arg8 : memref<40x128xi32, #tpu.memory_space<vmem>>) target_semaphore(%run_scoped3A : memref<!tpu.dma_semaphore, #tpu.memory_space<semaphore_mem>>)
        %dma_wait3A_150 = arith.constant 0 : i32
        %dma_wait3A_151 = tpu.memref_slice %arg4[%add3A_87, %dma_wait3A_150] : memref<2560x128xi32, #tpu.memory_space<hbm>> -> memref<40x128xi32, #tpu.memory_space<hbm>>
        %dma_wait3A_152 = arith.constant 0 : i32
        %dma_wait3A_153 = tpu.memref_slice %arg4[%add3A_87, %dma_wait3A_152] : memref<2560x128xi32, #tpu.memory_space<hbm>> -> memref<40x128xi32, #tpu.memory_space<hbm>>
        tpu.wait_dma2 semaphore(%run_scoped3A : memref<!tpu.dma_semaphore, #tpu.memory_space<semaphore_mem>>) src(%dma_wait3A_153 : memref<40x128xi32, #tpu.memory_space<hbm>>) dst(%arg8 : memref<40x128xi32, #tpu.memory_space<vmem>>)
        tpu.yield
      }) : () -> ()
      %dma_start3A = arith.constant 0 : i32
      %dma_start3A_121 = arith.constant 0 : i32
      %dma_start3A_122 = tpu.memref_slice %arg7[%dma_start3A, %dma_start3A_121] : memref<40x128xi32, #tpu.memory_space<vmem>> -> memref<1x128xi32, #tpu.memory_space<vmem>>
      %dma_start3A_123 = tpu.memref_squeeze %dma_start3A_122 : memref<1x128xi32, #tpu.memory_space<vmem>> -> memref<128xi32, #tpu.memory_space<vmem>>
      %dma_start3A_124 = arith.constant 0 : i32
      %dma_start3A_125 = arith.constant 0 : i32
      %dma_start3A_126 = tpu.memref_slice %arg2[%dma_start3A_124, %dma_start3A_125] : memref<10000x128xf32, #tpu.memory_space<hbm>> -> memref<10000x128xf32, #tpu.memory_space<hbm>>
      tpu.enqueue_indirect_dma source(%dma_start3A_126 : memref<10000x128xf32, #tpu.memory_space<hbm>>) target(%arg9 : memref<128x128xf32, #tpu.memory_space<vmem>>) offsets(%dma_start3A_123 : memref<128xi32, #tpu.memory_space<vmem>>) semaphore(%arg11 : memref<!tpu.dma_semaphore, #tpu.memory_space<semaphore_mem>>)
      %while3A = arith.constant 0 : i32
      %while3A_127 = arith.constant 0 : i32
      %while3A_128 = arith.subi %min3A_93, %while3A_127 : i32
      %while3A_129 = arith.addi %while3A_127, %while3A_128 : i32
      %while3A_130 = arith.constant 1 : i32
      %while3A_131 = arith.divsi %while3A_128, %while3A_130 : i32
      %while3A_132 = arith.muli %while3A_131, %while3A_130 : i32
      %while3A_133 = arith.addi %while3A_127, %while3A_132 : i32
      %while3A_134 = arith.constant 1 : i32
      scf.for %while3A_146 = %while3A_127 to %while3A_133 step %while3A_134  : i32 {
        %jit3A_147 = arith.constant 2 : i32
        %eq3A_148 = arith.constant 0 : i32
        %eq3A_149 = arith.cmpi eq, %jit3A_147, %eq3A_148 : i32
        %jit3A_150 = arith.constant 1 : i32
        %select_n3A = arith.select %eq3A_149, %jit3A_150, %jit3A_147 : i32
        %rem3A = arith.remsi %while3A_146, %select_n3A : i32
        %ne3A = arith.constant 0 : i32
        %ne3A_151 = arith.cmpi ne, %rem3A, %ne3A : i32
        %lt3A_152 = arith.constant 0 : i32
        %lt3A_153 = arith.cmpi slt, %rem3A, %lt3A_152 : i32
        %lt3A_154 = arith.constant 0 : i32
        %lt3A_155 = arith.cmpi slt, %select_n3A, %lt3A_154 : i32
        %ne3A_156 = arith.xori %lt3A_153, %lt3A_155 : i1
        %and3A = arith.andi %ne3A_156, %ne3A_151 : i1
        %add3A_157 = arith.addi %rem3A, %select_n3A : i32
        %select_n3A_158 = arith.select %and3A, %add3A_157, %rem3A : i32
        %eq3A_159 = arith.constant 0 : i32
        %eq3A_160 = arith.cmpi eq, %select_n3A_158, %eq3A_159 : i32
        %convert_element_type3A_161 = arith.extui %eq3A_160 : i1 to i32
        %cond3A_162 = arith.constant 0 : i32
        %cond3A_163 = arith.cmpi ne, %convert_element_type3A_161, %cond3A_162 : i32
        scf.if %cond3A_163 {
          %ge3A_185 = arith.constant 1 : i32
          %ge3A_186 = arith.cmpi sge, %while3A_146, %ge3A_185 : i32
          %add3A_187 = arith.constant 1 : i32
          %add3A_188 = arith.addi %while3A_146, %add3A_187 : i32
          %lt3A_189 = arith.cmpi slt, %add3A_188, %min3A_93 : i32
          %and3A_190 = arith.andi %ge3A_186, %lt3A_189 : i1
          %convert_element_type3A_191 = arith.extui %and3A_190 : i1 to i32
          %cond3A_192 = arith.constant 0 : i32
          %cond3A_193 = arith.cmpi ne, %convert_element_type3A_191, %cond3A_192 : i32
          scf.if %cond3A_193 {
            %dma_wait3A_213 = arith.constant 0 : i32
            %dma_wait3A_214 = arith.constant 0 : i32
            %dma_wait3A_215 = tpu.memref_slice %arg8[%dma_wait3A_213, %dma_wait3A_214] : memref<40x128xi32, #tpu.memory_space<vmem>> -> memref<1x128xi32, #tpu.memory_space<vmem>>
            %dma_wait3A_216 = tpu.memref_squeeze %dma_wait3A_215 : memref<1x128xi32, #tpu.memory_space<vmem>> -> memref<128xi32, #tpu.memory_space<vmem>>
            %dma_wait3A_217 = arith.constant 0 : i32
            %dma_wait3A_218 = arith.constant 0 : i32
            %dma_wait3A_219 = tpu.memref_slice %arg6[%dma_wait3A_217, %dma_wait3A_218] : memref<10000x128xf32, #tpu.memory_space<vmem_shared>> -> memref<10000x128xf32, #tpu.memory_space<vmem_shared>>
            tpu.wait_indirect_dma semaphore(%arg12 : memref<!tpu.dma_semaphore, #tpu.memory_space<semaphore_mem>>) src(%arg10 : memref<128x128xf32, #tpu.memory_space<vmem>>) dst(%dma_wait3A_219 : memref<10000x128xf32, #tpu.memory_space<vmem_shared>>)
          } else {
          }
          %add3A_194 = arith.constant 1 : i32
          %add3A_195 = arith.addi %while3A_146, %add3A_194 : i32
          %lt3A_196 = arith.cmpi slt, %add3A_195, %min3A_93 : i32
          %convert_element_type3A_197 = arith.extui %lt3A_196 : i1 to i32
          %cond3A_198 = arith.constant 0 : i32
          %cond3A_199 = arith.cmpi ne, %convert_element_type3A_197, %cond3A_198 : i32
          scf.if %cond3A_199 {
            %add3A_213 = arith.constant 1 : i32
            %add3A_214 = arith.addi %while3A_146, %add3A_213 : i32
            %dma_start3A_215 = arith.constant 0 : i32
            %dma_start3A_216 = tpu.memref_slice %arg7[%add3A_214, %dma_start3A_215] : memref<40x128xi32, #tpu.memory_space<vmem>> -> memref<1x128xi32, #tpu.memory_space<vmem>>
            %dma_start3A_217 = tpu.memref_squeeze %dma_start3A_216 : memref<1x128xi32, #tpu.memory_space<vmem>> -> memref<128xi32, #tpu.memory_space<vmem>>
            %dma_start3A_218 = arith.constant 0 : i32
            %dma_start3A_219 = arith.constant 0 : i32
            %dma_start3A_220 = tpu.memref_slice %arg2[%dma_start3A_218, %dma_start3A_219] : memref<10000x128xf32, #tpu.memory_space<hbm>> -> memref<10000x128xf32, #tpu.memory_space<hbm>>
            tpu.enqueue_indirect_dma source(%dma_start3A_220 : memref<10000x128xf32, #tpu.memory_space<hbm>>) target(%arg10 : memref<128x128xf32, #tpu.memory_space<vmem>>) offsets(%dma_start3A_217 : memref<128xi32, #tpu.memory_space<vmem>>) semaphore(%arg11 : memref<!tpu.dma_semaphore, #tpu.memory_space<semaphore_mem>>)
          } else {
          }
          %dma_wait3A_200 = arith.constant 0 : i32
          %dma_wait3A_201 = arith.constant 0 : i32
          %dma_wait3A_202 = tpu.memref_slice %arg7[%dma_wait3A_200, %dma_wait3A_201] : memref<40x128xi32, #tpu.memory_space<vmem>> -> memref<1x128xi32, #tpu.memory_space<vmem>>
          %dma_wait3A_203 = tpu.memref_squeeze %dma_wait3A_202 : memref<1x128xi32, #tpu.memory_space<vmem>> -> memref<128xi32, #tpu.memory_space<vmem>>
          %dma_wait3A_204 = arith.constant 0 : i32
          %dma_wait3A_205 = arith.constant 0 : i32
          %dma_wait3A_206 = tpu.memref_slice %arg2[%dma_wait3A_204, %dma_wait3A_205] : memref<10000x128xf32, #tpu.memory_space<hbm>> -> memref<10000x128xf32, #tpu.memory_space<hbm>>
          tpu.wait_indirect_dma semaphore(%arg11 : memref<!tpu.dma_semaphore, #tpu.memory_space<semaphore_mem>>) src(%dma_wait3A_206 : memref<10000x128xf32, #tpu.memory_space<hbm>>) dst(%arg9 : memref<128x128xf32, #tpu.memory_space<vmem>>)
          %dma_start3A_207 = arith.constant 0 : i32
          %dma_start3A_208 = tpu.memref_slice %arg8[%while3A_146, %dma_start3A_207] : memref<40x128xi32, #tpu.memory_space<vmem>> -> memref<1x128xi32, #tpu.memory_space<vmem>>
          %dma_start3A_209 = tpu.memref_squeeze %dma_start3A_208 : memref<1x128xi32, #tpu.memory_space<vmem>> -> memref<128xi32, #tpu.memory_space<vmem>>
          %dma_start3A_210 = arith.constant 0 : i32
          %dma_start3A_211 = arith.constant 0 : i32
          %dma_start3A_212 = tpu.memref_slice %arg6[%dma_start3A_210, %dma_start3A_211] : memref<10000x128xf32, #tpu.memory_space<vmem_shared>> -> memref<10000x128xf32, #tpu.memory_space<vmem_shared>>
          tpu.enqueue_indirect_dma source(%arg9 : memref<128x128xf32, #tpu.memory_space<vmem>>) target(%dma_start3A_212 : memref<10000x128xf32, #tpu.memory_space<vmem_shared>>) offsets(%dma_start3A_209 : memref<128xi32, #tpu.memory_space<vmem>>) semaphore(%arg12 : memref<!tpu.dma_semaphore, #tpu.memory_space<semaphore_mem>>) {add = true}
        } else {
        }
        %jit3A_164 = arith.constant 2 : i32
        %eq3A_165 = arith.constant 0 : i32
        %eq3A_166 = arith.cmpi eq, %jit3A_164, %eq3A_165 : i32
        %jit3A_167 = arith.constant 1 : i32
        %select_n3A_168 = arith.select %eq3A_166, %jit3A_167, %jit3A_164 : i32
        %rem3A_169 = arith.remsi %while3A_146, %select_n3A_168 : i32
        %ne3A_170 = arith.constant 0 : i32
        %ne3A_171 = arith.cmpi ne, %rem3A_169, %ne3A_170 : i32
        %lt3A_172 = arith.constant 0 : i32
        %lt3A_173 = arith.cmpi slt, %rem3A_169, %lt3A_172 : i32
        %lt3A_174 = arith.constant 0 : i32
        %lt3A_175 = arith.cmpi slt, %select_n3A_168, %lt3A_174 : i32
        %ne3A_176 = arith.xori %lt3A_173, %lt3A_175 : i1
        %and3A_177 = arith.andi %ne3A_176, %ne3A_171 : i1
        %add3A_178 = arith.addi %rem3A_169, %select_n3A_168 : i32
        %select_n3A_179 = arith.select %and3A_177, %add3A_178, %rem3A_169 : i32
        %eq3A_180 = arith.constant 1 : i32
        %eq3A_181 = arith.cmpi eq, %select_n3A_179, %eq3A_180 : i32
        %convert_element_type3A_182 = arith.extui %eq3A_181 : i1 to i32
        %cond3A_183 = arith.constant 0 : i32
        %cond3A_184 = arith.cmpi ne, %convert_element_type3A_182, %cond3A_183 : i32
        scf.if %cond3A_184 {
          %ge3A_185 = arith.constant 1 : i32
          %ge3A_186 = arith.cmpi sge, %while3A_146, %ge3A_185 : i32
          %add3A_187 = arith.constant 1 : i32
          %add3A_188 = arith.addi %while3A_146, %add3A_187 : i32
          %lt3A_189 = arith.cmpi slt, %add3A_188, %min3A_93 : i32
          %and3A_190 = arith.andi %ge3A_186, %lt3A_189 : i1
          %convert_element_type3A_191 = arith.extui %and3A_190 : i1 to i32
          %cond3A_192 = arith.constant 0 : i32
          %cond3A_193 = arith.cmpi ne, %convert_element_type3A_191, %cond3A_192 : i32
          scf.if %cond3A_193 {
            %dma_wait3A_213 = arith.constant 0 : i32
            %dma_wait3A_214 = arith.constant 0 : i32
            %dma_wait3A_215 = tpu.memref_slice %arg8[%dma_wait3A_213, %dma_wait3A_214] : memref<40x128xi32, #tpu.memory_space<vmem>> -> memref<1x128xi32, #tpu.memory_space<vmem>>
            %dma_wait3A_216 = tpu.memref_squeeze %dma_wait3A_215 : memref<1x128xi32, #tpu.memory_space<vmem>> -> memref<128xi32, #tpu.memory_space<vmem>>
            %dma_wait3A_217 = arith.constant 0 : i32
            %dma_wait3A_218 = arith.constant 0 : i32
            %dma_wait3A_219 = tpu.memref_slice %arg6[%dma_wait3A_217, %dma_wait3A_218] : memref<10000x128xf32, #tpu.memory_space<vmem_shared>> -> memref<10000x128xf32, #tpu.memory_space<vmem_shared>>
            tpu.wait_indirect_dma semaphore(%arg12 : memref<!tpu.dma_semaphore, #tpu.memory_space<semaphore_mem>>) src(%arg9 : memref<128x128xf32, #tpu.memory_space<vmem>>) dst(%dma_wait3A_219 : memref<10000x128xf32, #tpu.memory_space<vmem_shared>>)
          } else {
          }
          %add3A_194 = arith.constant 1 : i32
          %add3A_195 = arith.addi %while3A_146, %add3A_194 : i32
          %lt3A_196 = arith.cmpi slt, %add3A_195, %min3A_93 : i32
          %convert_element_type3A_197 = arith.extui %lt3A_196 : i1 to i32
          %cond3A_198 = arith.constant 0 : i32
          %cond3A_199 = arith.cmpi ne, %convert_element_type3A_197, %cond3A_198 : i32
          scf.if %cond3A_199 {
            %add3A_213 = arith.constant 1 : i32
            %add3A_214 = arith.addi %while3A_146, %add3A_213 : i32
            %dma_start3A_215 = arith.constant 0 : i32
            %dma_start3A_216 = tpu.memref_slice %arg7[%add3A_214, %dma_start3A_215] : memref<40x128xi32, #tpu.memory_space<vmem>> -> memref<1x128xi32, #tpu.memory_space<vmem>>
            %dma_start3A_217 = tpu.memref_squeeze %dma_start3A_216 : memref<1x128xi32, #tpu.memory_space<vmem>> -> memref<128xi32, #tpu.memory_space<vmem>>
            %dma_start3A_218 = arith.constant 0 : i32
            %dma_start3A_219 = arith.constant 0 : i32
            %dma_start3A_220 = tpu.memref_slice %arg2[%dma_start3A_218, %dma_start3A_219] : memref<10000x128xf32, #tpu.memory_space<hbm>> -> memref<10000x128xf32, #tpu.memory_space<hbm>>
            tpu.enqueue_indirect_dma source(%dma_start3A_220 : memref<10000x128xf32, #tpu.memory_space<hbm>>) target(%arg9 : memref<128x128xf32, #tpu.memory_space<vmem>>) offsets(%dma_start3A_217 : memref<128xi32, #tpu.memory_space<vmem>>) semaphore(%arg11 : memref<!tpu.dma_semaphore, #tpu.memory_space<semaphore_mem>>)
          } else {
          }
          %dma_wait3A_200 = arith.constant 0 : i32
          %dma_wait3A_201 = arith.constant 0 : i32
          %dma_wait3A_202 = tpu.memref_slice %arg7[%dma_wait3A_200, %dma_wait3A_201] : memref<40x128xi32, #tpu.memory_space<vmem>> -> memref<1x128xi32, #tpu.memory_space<vmem>>
          %dma_wait3A_203 = tpu.memref_squeeze %dma_wait3A_202 : memref<1x128xi32, #tpu.memory_space<vmem>> -> memref<128xi32, #tpu.memory_space<vmem>>
          %dma_wait3A_204 = arith.constant 0 : i32
          %dma_wait3A_205 = arith.constant 0 : i32
          %dma_wait3A_206 = tpu.memref_slice %arg2[%dma_wait3A_204, %dma_wait3A_205] : memref<10000x128xf32, #tpu.memory_space<hbm>> -> memref<10000x128xf32, #tpu.memory_space<hbm>>
          tpu.wait_indirect_dma semaphore(%arg11 : memref<!tpu.dma_semaphore, #tpu.memory_space<semaphore_mem>>) src(%dma_wait3A_206 : memref<10000x128xf32, #tpu.memory_space<hbm>>) dst(%arg10 : memref<128x128xf32, #tpu.memory_space<vmem>>)
          %dma_start3A_207 = arith.constant 0 : i32
          %dma_start3A_208 = tpu.memref_slice %arg8[%while3A_146, %dma_start3A_207] : memref<40x128xi32, #tpu.memory_space<vmem>> -> memref<1x128xi32, #tpu.memory_space<vmem>>
          %dma_start3A_209 = tpu.memref_squeeze %dma_start3A_208 : memref<1x128xi32, #tpu.memory_space<vmem>> -> memref<128xi32, #tpu.memory_space<vmem>>
          %dma_start3A_210 = arith.constant 0 : i32
          %dma_start3A_211 = arith.constant 0 : i32
          %dma_start3A_212 = tpu.memref_slice %arg6[%dma_start3A_210, %dma_start3A_211] : memref<10000x128xf32, #tpu.memory_space<vmem_shared>> -> memref<10000x128xf32, #tpu.memory_space<vmem_shared>>
          tpu.enqueue_indirect_dma source(%arg10 : memref<128x128xf32, #tpu.memory_space<vmem>>) target(%dma_start3A_212 : memref<10000x128xf32, #tpu.memory_space<vmem_shared>>) offsets(%dma_start3A_209 : memref<128xi32, #tpu.memory_space<vmem>>) semaphore(%arg12 : memref<!tpu.dma_semaphore, #tpu.memory_space<semaphore_mem>>) {add = true}
        } else {
        }
      }
      %while3A_135 = arith.constant 1 : i32
      scf.for %while3A_146 = %while3A_133 to %while3A_129 step %while3A_135  : i32 {
        %jit3A_147 = arith.constant 2 : i32
        %eq3A_148 = arith.constant 0 : i32
        %eq3A_149 = arith.cmpi eq, %jit3A_147, %eq3A_148 : i32
        %jit3A_150 = arith.constant 1 : i32
        %select_n3A = arith.select %eq3A_149, %jit3A_150, %jit3A_147 : i32
        %rem3A = arith.remsi %while3A_146, %select_n3A : i32
        %ne3A = arith.constant 0 : i32
        %ne3A_151 = arith.cmpi ne, %rem3A, %ne3A : i32
        %lt3A_152 = arith.constant 0 : i32
        %lt3A_153 = arith.cmpi slt, %rem3A, %lt3A_152 : i32
        %lt3A_154 = arith.constant 0 : i32
        %lt3A_155 = arith.cmpi slt, %select_n3A, %lt3A_154 : i32
        %ne3A_156 = arith.xori %lt3A_153, %lt3A_155 : i1
        %and3A = arith.andi %ne3A_156, %ne3A_151 : i1
        %add3A_157 = arith.addi %rem3A, %select_n3A : i32
        %select_n3A_158 = arith.select %and3A, %add3A_157, %rem3A : i32
        %eq3A_159 = arith.constant 0 : i32
        %eq3A_160 = arith.cmpi eq, %select_n3A_158, %eq3A_159 : i32
        %convert_element_type3A_161 = arith.extui %eq3A_160 : i1 to i32
        %cond3A_162 = arith.constant 0 : i32
        %cond3A_163 = arith.cmpi ne, %convert_element_type3A_161, %cond3A_162 : i32
        scf.if %cond3A_163 {
          %ge3A_185 = arith.constant 1 : i32
          %ge3A_186 = arith.cmpi sge, %while3A_146, %ge3A_185 : i32
          %add3A_187 = arith.constant 1 : i32
          %add3A_188 = arith.addi %while3A_146, %add3A_187 : i32
          %lt3A_189 = arith.cmpi slt, %add3A_188, %min3A_93 : i32
          %and3A_190 = arith.andi %ge3A_186, %lt3A_189 : i1
          %convert_element_type3A_191 = arith.extui %and3A_190 : i1 to i32
          %cond3A_192 = arith.constant 0 : i32
          %cond3A_193 = arith.cmpi ne, %convert_element_type3A_191, %cond3A_192 : i32
          scf.if %cond3A_193 {
            %dma_wait3A_213 = arith.constant 0 : i32
            %dma_wait3A_214 = arith.constant 0 : i32
            %dma_wait3A_215 = tpu.memref_slice %arg8[%dma_wait3A_213, %dma_wait3A_214] : memref<40x128xi32, #tpu.memory_space<vmem>> -> memref<1x128xi32, #tpu.memory_space<vmem>>
            %dma_wait3A_216 = tpu.memref_squeeze %dma_wait3A_215 : memref<1x128xi32, #tpu.memory_space<vmem>> -> memref<128xi32, #tpu.memory_space<vmem>>
            %dma_wait3A_217 = arith.constant 0 : i32
            %dma_wait3A_218 = arith.constant 0 : i32
            %dma_wait3A_219 = tpu.memref_slice %arg6[%dma_wait3A_217, %dma_wait3A_218] : memref<10000x128xf32, #tpu.memory_space<vmem_shared>> -> memref<10000x128xf32, #tpu.memory_space<vmem_shared>>
            tpu.wait_indirect_dma semaphore(%arg12 : memref<!tpu.dma_semaphore, #tpu.memory_space<semaphore_mem>>) src(%arg10 : memref<128x128xf32, #tpu.memory_space<vmem>>) dst(%dma_wait3A_219 : memref<10000x128xf32, #tpu.memory_space<vmem_shared>>)
          } else {
          }
          %add3A_194 = arith.constant 1 : i32
          %add3A_195 = arith.addi %while3A_146, %add3A_194 : i32
          %lt3A_196 = arith.cmpi slt, %add3A_195, %min3A_93 : i32
          %convert_element_type3A_197 = arith.extui %lt3A_196 : i1 to i32
          %cond3A_198 = arith.constant 0 : i32
          %cond3A_199 = arith.cmpi ne, %convert_element_type3A_197, %cond3A_198 : i32
          scf.if %cond3A_199 {
            %add3A_213 = arith.constant 1 : i32
            %add3A_214 = arith.addi %while3A_146, %add3A_213 : i32
            %dma_start3A_215 = arith.constant 0 : i32
            %dma_start3A_216 = tpu.memref_slice %arg7[%add3A_214, %dma_start3A_215] : memref<40x128xi32, #tpu.memory_space<vmem>> -> memref<1x128xi32, #tpu.memory_space<vmem>>
            %dma_start3A_217 = tpu.memref_squeeze %dma_start3A_216 : memref<1x128xi32, #tpu.memory_space<vmem>> -> memref<128xi32, #tpu.memory_space<vmem>>
            %dma_start3A_218 = arith.constant 0 : i32
            %dma_start3A_219 = arith.constant 0 : i32
            %dma_start3A_220 = tpu.memref_slice %arg2[%dma_start3A_218, %dma_start3A_219] : memref<10000x128xf32, #tpu.memory_space<hbm>> -> memref<10000x128xf32, #tpu.memory_space<hbm>>
            tpu.enqueue_indirect_dma source(%dma_start3A_220 : memref<10000x128xf32, #tpu.memory_space<hbm>>) target(%arg10 : memref<128x128xf32, #tpu.memory_space<vmem>>) offsets(%dma_start3A_217 : memref<128xi32, #tpu.memory_space<vmem>>) semaphore(%arg11 : memref<!tpu.dma_semaphore, #tpu.memory_space<semaphore_mem>>)
          } else {
          }
          %dma_wait3A_200 = arith.constant 0 : i32
          %dma_wait3A_201 = arith.constant 0 : i32
          %dma_wait3A_202 = tpu.memref_slice %arg7[%dma_wait3A_200, %dma_wait3A_201] : memref<40x128xi32, #tpu.memory_space<vmem>> -> memref<1x128xi32, #tpu.memory_space<vmem>>
          %dma_wait3A_203 = tpu.memref_squeeze %dma_wait3A_202 : memref<1x128xi32, #tpu.memory_space<vmem>> -> memref<128xi32, #tpu.memory_space<vmem>>
          %dma_wait3A_204 = arith.constant 0 : i32
          %dma_wait3A_205 = arith.constant 0 : i32
          %dma_wait3A_206 = tpu.memref_slice %arg2[%dma_wait3A_204, %dma_wait3A_205] : memref<10000x128xf32, #tpu.memory_space<hbm>> -> memref<10000x128xf32, #tpu.memory_space<hbm>>
          tpu.wait_indirect_dma semaphore(%arg11 : memref<!tpu.dma_semaphore, #tpu.memory_space<semaphore_mem>>) src(%dma_wait3A_206 : memref<10000x128xf32, #tpu.memory_space<hbm>>) dst(%arg9 : memref<128x128xf32, #tpu.memory_space<vmem>>)
          %dma_start3A_207 = arith.constant 0 : i32
          %dma_start3A_208 = tpu.memref_slice %arg8[%while3A_146, %dma_start3A_207] : memref<40x128xi32, #tpu.memory_space<vmem>> -> memref<1x128xi32, #tpu.memory_space<vmem>>
          %dma_start3A_209 = tpu.memref_squeeze %dma_start3A_208 : memref<1x128xi32, #tpu.memory_space<vmem>> -> memref<128xi32, #tpu.memory_space<vmem>>
          %dma_start3A_210 = arith.constant 0 : i32
          %dma_start3A_211 = arith.constant 0 : i32
          %dma_start3A_212 = tpu.memref_slice %arg6[%dma_start3A_210, %dma_start3A_211] : memref<10000x128xf32, #tpu.memory_space<vmem_shared>> -> memref<10000x128xf32, #tpu.memory_space<vmem_shared>>
          tpu.enqueue_indirect_dma source(%arg9 : memref<128x128xf32, #tpu.memory_space<vmem>>) target(%dma_start3A_212 : memref<10000x128xf32, #tpu.memory_space<vmem_shared>>) offsets(%dma_start3A_209 : memref<128xi32, #tpu.memory_space<vmem>>) semaphore(%arg12 : memref<!tpu.dma_semaphore, #tpu.memory_space<semaphore_mem>>) {add = true}
        } else {
        }
        %jit3A_164 = arith.constant 2 : i32
        %eq3A_165 = arith.constant 0 : i32
        %eq3A_166 = arith.cmpi eq, %jit3A_164, %eq3A_165 : i32
        %jit3A_167 = arith.constant 1 : i32
        %select_n3A_168 = arith.select %eq3A_166, %jit3A_167, %jit3A_164 : i32
        %rem3A_169 = arith.remsi %while3A_146, %select_n3A_168 : i32
        %ne3A_170 = arith.constant 0 : i32
        %ne3A_171 = arith.cmpi ne, %rem3A_169, %ne3A_170 : i32
        %lt3A_172 = arith.constant 0 : i32
        %lt3A_173 = arith.cmpi slt, %rem3A_169, %lt3A_172 : i32
        %lt3A_174 = arith.constant 0 : i32
        %lt3A_175 = arith.cmpi slt, %select_n3A_168, %lt3A_174 : i32
        %ne3A_176 = arith.xori %lt3A_173, %lt3A_175 : i1
        %and3A_177 = arith.andi %ne3A_176, %ne3A_171 : i1
        %add3A_178 = arith.addi %rem3A_169, %select_n3A_168 : i32
        %select_n3A_179 = arith.select %and3A_177, %add3A_178, %rem3A_169 : i32
        %eq3A_180 = arith.constant 1 : i32
        %eq3A_181 = arith.cmpi eq, %select_n3A_179, %eq3A_180 : i32
        %convert_element_type3A_182 = arith.extui %eq3A_181 : i1 to i32
        %cond3A_183 = arith.constant 0 : i32
        %cond3A_184 = arith.cmpi ne, %convert_element_type3A_182, %cond3A_183 : i32
        scf.if %cond3A_184 {
          %ge3A_185 = arith.constant 1 : i32
          %ge3A_186 = arith.cmpi sge, %while3A_146, %ge3A_185 : i32
          %add3A_187 = arith.constant 1 : i32
          %add3A_188 = arith.addi %while3A_146, %add3A_187 : i32
          %lt3A_189 = arith.cmpi slt, %add3A_188, %min3A_93 : i32
          %and3A_190 = arith.andi %ge3A_186, %lt3A_189 : i1
          %convert_element_type3A_191 = arith.extui %and3A_190 : i1 to i32
          %cond3A_192 = arith.constant 0 : i32
          %cond3A_193 = arith.cmpi ne, %convert_element_type3A_191, %cond3A_192 : i32
          scf.if %cond3A_193 {
            %dma_wait3A_213 = arith.constant 0 : i32
            %dma_wait3A_214 = arith.constant 0 : i32
            %dma_wait3A_215 = tpu.memref_slice %arg8[%dma_wait3A_213, %dma_wait3A_214] : memref<40x128xi32, #tpu.memory_space<vmem>> -> memref<1x128xi32, #tpu.memory_space<vmem>>
            %dma_wait3A_216 = tpu.memref_squeeze %dma_wait3A_215 : memref<1x128xi32, #tpu.memory_space<vmem>> -> memref<128xi32, #tpu.memory_space<vmem>>
            %dma_wait3A_217 = arith.constant 0 : i32
            %dma_wait3A_218 = arith.constant 0 : i32
            %dma_wait3A_219 = tpu.memref_slice %arg6[%dma_wait3A_217, %dma_wait3A_218] : memref<10000x128xf32, #tpu.memory_space<vmem_shared>> -> memref<10000x128xf32, #tpu.memory_space<vmem_shared>>
            tpu.wait_indirect_dma semaphore(%arg12 : memref<!tpu.dma_semaphore, #tpu.memory_space<semaphore_mem>>) src(%arg9 : memref<128x128xf32, #tpu.memory_space<vmem>>) dst(%dma_wait3A_219 : memref<10000x128xf32, #tpu.memory_space<vmem_shared>>)
          } else {
          }
          %add3A_194 = arith.constant 1 : i32
          %add3A_195 = arith.addi %while3A_146, %add3A_194 : i32
          %lt3A_196 = arith.cmpi slt, %add3A_195, %min3A_93 : i32
          %convert_element_type3A_197 = arith.extui %lt3A_196 : i1 to i32
          %cond3A_198 = arith.constant 0 : i32
          %cond3A_199 = arith.cmpi ne, %convert_element_type3A_197, %cond3A_198 : i32
          scf.if %cond3A_199 {
            %add3A_213 = arith.constant 1 : i32
            %add3A_214 = arith.addi %while3A_146, %add3A_213 : i32
            %dma_start3A_215 = arith.constant 0 : i32
            %dma_start3A_216 = tpu.memref_slice %arg7[%add3A_214, %dma_start3A_215] : memref<40x128xi32, #tpu.memory_space<vmem>> -> memref<1x128xi32, #tpu.memory_space<vmem>>
            %dma_start3A_217 = tpu.memref_squeeze %dma_start3A_216 : memref<1x128xi32, #tpu.memory_space<vmem>> -> memref<128xi32, #tpu.memory_space<vmem>>
            %dma_start3A_218 = arith.constant 0 : i32
            %dma_start3A_219 = arith.constant 0 : i32
            %dma_start3A_220 = tpu.memref_slice %arg2[%dma_start3A_218, %dma_start3A_219] : memref<10000x128xf32, #tpu.memory_space<hbm>> -> memref<10000x128xf32, #tpu.memory_space<hbm>>
            tpu.enqueue_indirect_dma source(%dma_start3A_220 : memref<10000x128xf32, #tpu.memory_space<hbm>>) target(%arg9 : memref<128x128xf32, #tpu.memory_space<vmem>>) offsets(%dma_start3A_217 : memref<128xi32, #tpu.memory_space<vmem>>) semaphore(%arg11 : memref<!tpu.dma_semaphore, #tpu.memory_space<semaphore_mem>>)
          } else {
          }
          %dma_wait3A_200 = arith.constant 0 : i32
          %dma_wait3A_201 = arith.constant 0 : i32
          %dma_wait3A_202 = tpu.memref_slice %arg7[%dma_wait3A_200, %dma_wait3A_201] : memref<40x128xi32, #tpu.memory_space<vmem>> -> memref<1x128xi32, #tpu.memory_space<vmem>>
          %dma_wait3A_203 = tpu.memref_squeeze %dma_wait3A_202 : memref<1x128xi32, #tpu.memory_space<vmem>> -> memref<128xi32, #tpu.memory_space<vmem>>
          %dma_wait3A_204 = arith.constant 0 : i32
          %dma_wait3A_205 = arith.constant 0 : i32
          %dma_wait3A_206 = tpu.memref_slice %arg2[%dma_wait3A_204, %dma_wait3A_205] : memref<10000x128xf32, #tpu.memory_space<hbm>> -> memref<10000x128xf32, #tpu.memory_space<hbm>>
          tpu.wait_indirect_dma semaphore(%arg11 : memref<!tpu.dma_semaphore, #tpu.memory_space<semaphore_mem>>) src(%dma_wait3A_206 : memref<10000x128xf32, #tpu.memory_space<hbm>>) dst(%arg10 : memref<128x128xf32, #tpu.memory_space<vmem>>)
          %dma_start3A_207 = arith.constant 0 : i32
          %dma_start3A_208 = tpu.memref_slice %arg8[%while3A_146, %dma_start3A_207] : memref<40x128xi32, #tpu.memory_space<vmem>> -> memref<1x128xi32, #tpu.memory_space<vmem>>
          %dma_start3A_209 = tpu.memref_squeeze %dma_start3A_208 : memref<1x128xi32, #tpu.memory_space<vmem>> -> memref<128xi32, #tpu.memory_space<vmem>>
          %dma_start3A_210 = arith.constant 0 : i32
          %dma_start3A_211 = arith.constant 0 : i32
          %dma_start3A_212 = tpu.memref_slice %arg6[%dma_start3A_210, %dma_start3A_211] : memref<10000x128xf32, #tpu.memory_space<vmem_shared>> -> memref<10000x128xf32, #tpu.memory_space<vmem_shared>>
          tpu.enqueue_indirect_dma source(%arg10 : memref<128x128xf32, #tpu.memory_space<vmem>>) target(%dma_start3A_212 : memref<10000x128xf32, #tpu.memory_space<vmem_shared>>) offsets(%dma_start3A_209 : memref<128xi32, #tpu.memory_space<vmem>>) semaphore(%arg12 : memref<!tpu.dma_semaphore, #tpu.memory_space<semaphore_mem>>) {add = true}
        } else {
        }
      }
      %dma_wait3A = arith.constant 0 : i32
      %dma_wait3A_136 = arith.constant 0 : i32
      %dma_wait3A_137 = tpu.memref_slice %arg8[%dma_wait3A, %dma_wait3A_136] : memref<40x128xi32, #tpu.memory_space<vmem>> -> memref<1x128xi32, #tpu.memory_space<vmem>>
      %dma_wait3A_138 = tpu.memref_squeeze %dma_wait3A_137 : memref<1x128xi32, #tpu.memory_space<vmem>> -> memref<128xi32, #tpu.memory_space<vmem>>
      %dma_wait3A_139 = arith.constant 0 : i32
      %dma_wait3A_140 = arith.constant 0 : i32
      %dma_wait3A_141 = tpu.memref_slice %arg6[%dma_wait3A_139, %dma_wait3A_140] : memref<10000x128xf32, #tpu.memory_space<vmem_shared>> -> memref<10000x128xf32, #tpu.memory_space<vmem_shared>>
      tpu.wait_indirect_dma semaphore(%arg12 : memref<!tpu.dma_semaphore, #tpu.memory_space<semaphore_mem>>) src(%arg9 : memref<128x128xf32, #tpu.memory_space<vmem>>) dst(%dma_wait3A_141 : memref<10000x128xf32, #tpu.memory_space<vmem_shared>>)
      %ge3A = arith.constant 2 : i32
      %ge3A_142 = arith.cmpi sge, %min3A_93, %ge3A : i32
      %convert_element_type3A_143 = arith.extui %ge3A_142 : i1 to i32
      %cond3A_144 = arith.constant 0 : i32
      %cond3A_145 = arith.cmpi ne, %convert_element_type3A_143, %cond3A_144 : i32
      scf.if %cond3A_145 {
        %dma_wait3A_146 = arith.constant 0 : i32
        %dma_wait3A_147 = arith.constant 0 : i32
        %dma_wait3A_148 = tpu.memref_slice %arg8[%dma_wait3A_146, %dma_wait3A_147] : memref<40x128xi32, #tpu.memory_space<vmem>> -> memref<1x128xi32, #tpu.memory_space<vmem>>
        %dma_wait3A_149 = tpu.memref_squeeze %dma_wait3A_148 : memref<1x128xi32, #tpu.memory_space<vmem>> -> memref<128xi32, #tpu.memory_space<vmem>>
        %dma_wait3A_150 = arith.constant 0 : i32
        %dma_wait3A_151 = arith.constant 0 : i32
        %dma_wait3A_152 = tpu.memref_slice %arg6[%dma_wait3A_150, %dma_wait3A_151] : memref<10000x128xf32, #tpu.memory_space<vmem_shared>> -> memref<10000x128xf32, #tpu.memory_space<vmem_shared>>
        tpu.wait_indirect_dma semaphore(%arg12 : memref<!tpu.dma_semaphore, #tpu.memory_space<semaphore_mem>>) src(%arg10 : memref<128x128xf32, #tpu.memory_space<vmem>>) dst(%dma_wait3A_152 : memref<10000x128xf32, #tpu.memory_space<vmem_shared>>)
      } else {
      }
    } else {
    }
    %add3A_98 = arith.constant 40 : i32
    %add3A_99 = arith.addi %mul3A_83, %add3A_98 : i32
    %sub3A_100 = arith.constant 40 : i32
    %sub3A_101 = arith.subi %min3A, %sub3A_100 : i32
    %jit3A_102 = arith.constant 0 : i32
    %jit3A_103 = arith.constant 40 : i32
    %max3A_104 = arith.maxsi %jit3A_102, %sub3A_101 : i32
    %min3A_105 = arith.minsi %jit3A_103, %max3A_104 : i32
    %gt3A_106 = arith.constant 0 : i32
    %gt3A_107 = arith.cmpi sgt, %min3A_105, %gt3A_106 : i32
    %convert_element_type3A_108 = arith.extui %gt3A_107 : i1 to i32
    %cond3A_109 = arith.constant 0 : i32
    %cond3A_110 = arith.cmpi ne, %convert_element_type3A_108, %cond3A_109 : i32
    scf.if %cond3A_110 {
      "tpu.region"() ({
        %run_scoped3A = tpu.sem_alloc : memref<!tpu.dma_semaphore, #tpu.memory_space<semaphore_mem>>
        %dma_start3A_146 = arith.constant 0 : i32
        %dma_start3A_147 = tpu.memref_slice %arg3[%add3A_99, %dma_start3A_146] : memref<2560x128xi32, #tpu.memory_space<hbm>> -> memref<40x128xi32, #tpu.memory_space<hbm>>
        %dma_start3A_148 = arith.constant 0 : i32
        %dma_start3A_149 = tpu.memref_slice %arg3[%add3A_99, %dma_start3A_148] : memref<2560x128xi32, #tpu.memory_space<hbm>> -> memref<40x128xi32, #tpu.memory_space<hbm>>
        tpu.enqueue_dma source(%dma_start3A_149 : memref<40x128xi32, #tpu.memory_space<hbm>>) target(%arg7 : memref<40x128xi32, #tpu.memory_space<vmem>>) target_semaphore(%run_scoped3A : memref<!tpu.dma_semaphore, #tpu.memory_space<semaphore_mem>>)
        %dma_wait3A_150 = arith.constant 0 : i32
        %dma_wait3A_151 = tpu.memref_slice %arg3[%add3A_99, %dma_wait3A_150] : memref<2560x128xi32, #tpu.memory_space<hbm>> -> memref<40x128xi32, #tpu.memory_space<hbm>>
        %dma_wait3A_152 = arith.constant 0 : i32
        %dma_wait3A_153 = tpu.memref_slice %arg3[%add3A_99, %dma_wait3A_152] : memref<2560x128xi32, #tpu.memory_space<hbm>> -> memref<40x128xi32, #tpu.memory_space<hbm>>
        tpu.wait_dma2 semaphore(%run_scoped3A : memref<!tpu.dma_semaphore, #tpu.memory_space<semaphore_mem>>) src(%dma_wait3A_153 : memref<40x128xi32, #tpu.memory_space<hbm>>) dst(%arg7 : memref<40x128xi32, #tpu.memory_space<vmem>>)
        tpu.yield
      }) : () -> ()
      "tpu.region"() ({
        %run_scoped3A = tpu.sem_alloc : memref<!tpu.dma_semaphore, #tpu.memory_space<semaphore_mem>>
        %dma_start3A_146 = arith.constant 0 : i32
        %dma_start3A_147 = tpu.memref_slice %arg4[%add3A_99, %dma_start3A_146] : memref<2560x128xi32, #tpu.memory_space<hbm>> -> memref<40x128xi32, #tpu.memory_space<hbm>>
        %dma_start3A_148 = arith.constant 0 : i32
        %dma_start3A_149 = tpu.memref_slice %arg4[%add3A_99, %dma_start3A_148] : memref<2560x128xi32, #tpu.memory_space<hbm>> -> memref<40x128xi32, #tpu.memory_space<hbm>>
        tpu.enqueue_dma source(%dma_start3A_149 : memref<40x128xi32, #tpu.memory_space<hbm>>) target(%arg8 : memref<40x128xi32, #tpu.memory_space<vmem>>) target_semaphore(%run_scoped3A : memref<!tpu.dma_semaphore, #tpu.memory_space<semaphore_mem>>)
        %dma_wait3A_150 = arith.constant 0 : i32
        %dma_wait3A_151 = tpu.memref_slice %arg4[%add3A_99, %dma_wait3A_150] : memref<2560x128xi32, #tpu.memory_space<hbm>> -> memref<40x128xi32, #tpu.memory_space<hbm>>
        %dma_wait3A_152 = arith.constant 0 : i32
        %dma_wait3A_153 = tpu.memref_slice %arg4[%add3A_99, %dma_wait3A_152] : memref<2560x128xi32, #tpu.memory_space<hbm>> -> memref<40x128xi32, #tpu.memory_space<hbm>>
        tpu.wait_dma2 semaphore(%run_scoped3A : memref<!tpu.dma_semaphore, #tpu.memory_space<semaphore_mem>>) src(%dma_wait3A_153 : memref<40x128xi32, #tpu.memory_space<hbm>>) dst(%arg8 : memref<40x128xi32, #tpu.memory_space<vmem>>)
        tpu.yield
      }) : () -> ()
      %dma_start3A = arith.constant 0 : i32
      %dma_start3A_121 = arith.constant 0 : i32
      %dma_start3A_122 = tpu.memref_slice %arg7[%dma_start3A, %dma_start3A_121] : memref<40x128xi32, #tpu.memory_space<vmem>> -> memref<1x128xi32, #tpu.memory_space<vmem>>
      %dma_start3A_123 = tpu.memref_squeeze %dma_start3A_122 : memref<1x128xi32, #tpu.memory_space<vmem>> -> memref<128xi32, #tpu.memory_space<vmem>>
      %dma_start3A_124 = arith.constant 0 : i32
      %dma_start3A_125 = arith.constant 0 : i32
      %dma_start3A_126 = tpu.memref_slice %arg2[%dma_start3A_124, %dma_start3A_125] : memref<10000x128xf32, #tpu.memory_space<hbm>> -> memref<10000x128xf32, #tpu.memory_space<hbm>>
      tpu.enqueue_indirect_dma source(%dma_start3A_126 : memref<10000x128xf32, #tpu.memory_space<hbm>>) target(%arg9 : memref<128x128xf32, #tpu.memory_space<vmem>>) offsets(%dma_start3A_123 : memref<128xi32, #tpu.memory_space<vmem>>) semaphore(%arg11 : memref<!tpu.dma_semaphore, #tpu.memory_space<semaphore_mem>>)
      %while3A = arith.constant 0 : i32
      %while3A_127 = arith.constant 0 : i32
      %while3A_128 = arith.subi %min3A_105, %while3A_127 : i32
      %while3A_129 = arith.addi %while3A_127, %while3A_128 : i32
      %while3A_130 = arith.constant 1 : i32
      %while3A_131 = arith.divsi %while3A_128, %while3A_130 : i32
      %while3A_132 = arith.muli %while3A_131, %while3A_130 : i32
      %while3A_133 = arith.addi %while3A_127, %while3A_132 : i32
      %while3A_134 = arith.constant 1 : i32
      scf.for %while3A_146 = %while3A_127 to %while3A_133 step %while3A_134  : i32 {
        %jit3A_147 = arith.constant 2 : i32
        %eq3A_148 = arith.constant 0 : i32
        %eq3A_149 = arith.cmpi eq, %jit3A_147, %eq3A_148 : i32
        %jit3A_150 = arith.constant 1 : i32
        %select_n3A = arith.select %eq3A_149, %jit3A_150, %jit3A_147 : i32
        %rem3A = arith.remsi %while3A_146, %select_n3A : i32
        %ne3A = arith.constant 0 : i32
        %ne3A_151 = arith.cmpi ne, %rem3A, %ne3A : i32
        %lt3A_152 = arith.constant 0 : i32
        %lt3A_153 = arith.cmpi slt, %rem3A, %lt3A_152 : i32
        %lt3A_154 = arith.constant 0 : i32
        %lt3A_155 = arith.cmpi slt, %select_n3A, %lt3A_154 : i32
        %ne3A_156 = arith.xori %lt3A_153, %lt3A_155 : i1
        %and3A = arith.andi %ne3A_156, %ne3A_151 : i1
        %add3A_157 = arith.addi %rem3A, %select_n3A : i32
        %select_n3A_158 = arith.select %and3A, %add3A_157, %rem3A : i32
        %eq3A_159 = arith.constant 0 : i32
        %eq3A_160 = arith.cmpi eq, %select_n3A_158, %eq3A_159 : i32
        %convert_element_type3A_161 = arith.extui %eq3A_160 : i1 to i32
        %cond3A_162 = arith.constant 0 : i32
        %cond3A_163 = arith.cmpi ne, %convert_element_type3A_161, %cond3A_162 : i32
        scf.if %cond3A_163 {
          %ge3A_185 = arith.constant 1 : i32
          %ge3A_186 = arith.cmpi sge, %while3A_146, %ge3A_185 : i32
          %add3A_187 = arith.constant 1 : i32
          %add3A_188 = arith.addi %while3A_146, %add3A_187 : i32
          %lt3A_189 = arith.cmpi slt, %add3A_188, %min3A_105 : i32
          %and3A_190 = arith.andi %ge3A_186, %lt3A_189 : i1
          %convert_element_type3A_191 = arith.extui %and3A_190 : i1 to i32
          %cond3A_192 = arith.constant 0 : i32
          %cond3A_193 = arith.cmpi ne, %convert_element_type3A_191, %cond3A_192 : i32
          scf.if %cond3A_193 {
            %dma_wait3A_213 = arith.constant 0 : i32
            %dma_wait3A_214 = arith.constant 0 : i32
            %dma_wait3A_215 = tpu.memref_slice %arg8[%dma_wait3A_213, %dma_wait3A_214] : memref<40x128xi32, #tpu.memory_space<vmem>> -> memref<1x128xi32, #tpu.memory_space<vmem>>
            %dma_wait3A_216 = tpu.memref_squeeze %dma_wait3A_215 : memref<1x128xi32, #tpu.memory_space<vmem>> -> memref<128xi32, #tpu.memory_space<vmem>>
            %dma_wait3A_217 = arith.constant 0 : i32
            %dma_wait3A_218 = arith.constant 0 : i32
            %dma_wait3A_219 = tpu.memref_slice %arg6[%dma_wait3A_217, %dma_wait3A_218] : memref<10000x128xf32, #tpu.memory_space<vmem_shared>> -> memref<10000x128xf32, #tpu.memory_space<vmem_shared>>
            tpu.wait_indirect_dma semaphore(%arg12 : memref<!tpu.dma_semaphore, #tpu.memory_space<semaphore_mem>>) src(%arg10 : memref<128x128xf32, #tpu.memory_space<vmem>>) dst(%dma_wait3A_219 : memref<10000x128xf32, #tpu.memory_space<vmem_shared>>)
          } else {
          }
          %add3A_194 = arith.constant 1 : i32
          %add3A_195 = arith.addi %while3A_146, %add3A_194 : i32
          %lt3A_196 = arith.cmpi slt, %add3A_195, %min3A_105 : i32
          %convert_element_type3A_197 = arith.extui %lt3A_196 : i1 to i32
          %cond3A_198 = arith.constant 0 : i32
          %cond3A_199 = arith.cmpi ne, %convert_element_type3A_197, %cond3A_198 : i32
          scf.if %cond3A_199 {
            %add3A_213 = arith.constant 1 : i32
            %add3A_214 = arith.addi %while3A_146, %add3A_213 : i32
            %dma_start3A_215 = arith.constant 0 : i32
            %dma_start3A_216 = tpu.memref_slice %arg7[%add3A_214, %dma_start3A_215] : memref<40x128xi32, #tpu.memory_space<vmem>> -> memref<1x128xi32, #tpu.memory_space<vmem>>
            %dma_start3A_217 = tpu.memref_squeeze %dma_start3A_216 : memref<1x128xi32, #tpu.memory_space<vmem>> -> memref<128xi32, #tpu.memory_space<vmem>>
            %dma_start3A_218 = arith.constant 0 : i32
            %dma_start3A_219 = arith.constant 0 : i32
            %dma_start3A_220 = tpu.memref_slice %arg2[%dma_start3A_218, %dma_start3A_219] : memref<10000x128xf32, #tpu.memory_space<hbm>> -> memref<10000x128xf32, #tpu.memory_space<hbm>>
            tpu.enqueue_indirect_dma source(%dma_start3A_220 : memref<10000x128xf32, #tpu.memory_space<hbm>>) target(%arg10 : memref<128x128xf32, #tpu.memory_space<vmem>>) offsets(%dma_start3A_217 : memref<128xi32, #tpu.memory_space<vmem>>) semaphore(%arg11 : memref<!tpu.dma_semaphore, #tpu.memory_space<semaphore_mem>>)
          } else {
          }
          %dma_wait3A_200 = arith.constant 0 : i32
          %dma_wait3A_201 = arith.constant 0 : i32
          %dma_wait3A_202 = tpu.memref_slice %arg7[%dma_wait3A_200, %dma_wait3A_201] : memref<40x128xi32, #tpu.memory_space<vmem>> -> memref<1x128xi32, #tpu.memory_space<vmem>>
          %dma_wait3A_203 = tpu.memref_squeeze %dma_wait3A_202 : memref<1x128xi32, #tpu.memory_space<vmem>> -> memref<128xi32, #tpu.memory_space<vmem>>
          %dma_wait3A_204 = arith.constant 0 : i32
          %dma_wait3A_205 = arith.constant 0 : i32
          %dma_wait3A_206 = tpu.memref_slice %arg2[%dma_wait3A_204, %dma_wait3A_205] : memref<10000x128xf32, #tpu.memory_space<hbm>> -> memref<10000x128xf32, #tpu.memory_space<hbm>>
          tpu.wait_indirect_dma semaphore(%arg11 : memref<!tpu.dma_semaphore, #tpu.memory_space<semaphore_mem>>) src(%dma_wait3A_206 : memref<10000x128xf32, #tpu.memory_space<hbm>>) dst(%arg9 : memref<128x128xf32, #tpu.memory_space<vmem>>)
          %dma_start3A_207 = arith.constant 0 : i32
          %dma_start3A_208 = tpu.memref_slice %arg8[%while3A_146, %dma_start3A_207] : memref<40x128xi32, #tpu.memory_space<vmem>> -> memref<1x128xi32, #tpu.memory_space<vmem>>
          %dma_start3A_209 = tpu.memref_squeeze %dma_start3A_208 : memref<1x128xi32, #tpu.memory_space<vmem>> -> memref<128xi32, #tpu.memory_space<vmem>>
          %dma_start3A_210 = arith.constant 0 : i32
          %dma_start3A_211 = arith.constant 0 : i32
          %dma_start3A_212 = tpu.memref_slice %arg6[%dma_start3A_210, %dma_start3A_211] : memref<10000x128xf32, #tpu.memory_space<vmem_shared>> -> memref<10000x128xf32, #tpu.memory_space<vmem_shared>>
          tpu.enqueue_indirect_dma source(%arg9 : memref<128x128xf32, #tpu.memory_space<vmem>>) target(%dma_start3A_212 : memref<10000x128xf32, #tpu.memory_space<vmem_shared>>) offsets(%dma_start3A_209 : memref<128xi32, #tpu.memory_space<vmem>>) semaphore(%arg12 : memref<!tpu.dma_semaphore, #tpu.memory_space<semaphore_mem>>) {add = true}
        } else {
        }
        %jit3A_164 = arith.constant 2 : i32
        %eq3A_165 = arith.constant 0 : i32
        %eq3A_166 = arith.cmpi eq, %jit3A_164, %eq3A_165 : i32
        %jit3A_167 = arith.constant 1 : i32
        %select_n3A_168 = arith.select %eq3A_166, %jit3A_167, %jit3A_164 : i32
        %rem3A_169 = arith.remsi %while3A_146, %select_n3A_168 : i32
        %ne3A_170 = arith.constant 0 : i32
        %ne3A_171 = arith.cmpi ne, %rem3A_169, %ne3A_170 : i32
        %lt3A_172 = arith.constant 0 : i32
        %lt3A_173 = arith.cmpi slt, %rem3A_169, %lt3A_172 : i32
        %lt3A_174 = arith.constant 0 : i32
        %lt3A_175 = arith.cmpi slt, %select_n3A_168, %lt3A_174 : i32
        %ne3A_176 = arith.xori %lt3A_173, %lt3A_175 : i1
        %and3A_177 = arith.andi %ne3A_176, %ne3A_171 : i1
        %add3A_178 = arith.addi %rem3A_169, %select_n3A_168 : i32
        %select_n3A_179 = arith.select %and3A_177, %add3A_178, %rem3A_169 : i32
        %eq3A_180 = arith.constant 1 : i32
        %eq3A_181 = arith.cmpi eq, %select_n3A_179, %eq3A_180 : i32
        %convert_element_type3A_182 = arith.extui %eq3A_181 : i1 to i32
        %cond3A_183 = arith.constant 0 : i32
        %cond3A_184 = arith.cmpi ne, %convert_element_type3A_182, %cond3A_183 : i32
        scf.if %cond3A_184 {
          %ge3A_185 = arith.constant 1 : i32
          %ge3A_186 = arith.cmpi sge, %while3A_146, %ge3A_185 : i32
          %add3A_187 = arith.constant 1 : i32
          %add3A_188 = arith.addi %while3A_146, %add3A_187 : i32
          %lt3A_189 = arith.cmpi slt, %add3A_188, %min3A_105 : i32
          %and3A_190 = arith.andi %ge3A_186, %lt3A_189 : i1
          %convert_element_type3A_191 = arith.extui %and3A_190 : i1 to i32
          %cond3A_192 = arith.constant 0 : i32
          %cond3A_193 = arith.cmpi ne, %convert_element_type3A_191, %cond3A_192 : i32
          scf.if %cond3A_193 {
            %dma_wait3A_213 = arith.constant 0 : i32
            %dma_wait3A_214 = arith.constant 0 : i32
            %dma_wait3A_215 = tpu.memref_slice %arg8[%dma_wait3A_213, %dma_wait3A_214] : memref<40x128xi32, #tpu.memory_space<vmem>> -> memref<1x128xi32, #tpu.memory_space<vmem>>
            %dma_wait3A_216 = tpu.memref_squeeze %dma_wait3A_215 : memref<1x128xi32, #tpu.memory_space<vmem>> -> memref<128xi32, #tpu.memory_space<vmem>>
            %dma_wait3A_217 = arith.constant 0 : i32
            %dma_wait3A_218 = arith.constant 0 : i32
            %dma_wait3A_219 = tpu.memref_slice %arg6[%dma_wait3A_217, %dma_wait3A_218] : memref<10000x128xf32, #tpu.memory_space<vmem_shared>> -> memref<10000x128xf32, #tpu.memory_space<vmem_shared>>
            tpu.wait_indirect_dma semaphore(%arg12 : memref<!tpu.dma_semaphore, #tpu.memory_space<semaphore_mem>>) src(%arg9 : memref<128x128xf32, #tpu.memory_space<vmem>>) dst(%dma_wait3A_219 : memref<10000x128xf32, #tpu.memory_space<vmem_shared>>)
          } else {
          }
          %add3A_194 = arith.constant 1 : i32
          %add3A_195 = arith.addi %while3A_146, %add3A_194 : i32
          %lt3A_196 = arith.cmpi slt, %add3A_195, %min3A_105 : i32
          %convert_element_type3A_197 = arith.extui %lt3A_196 : i1 to i32
          %cond3A_198 = arith.constant 0 : i32
          %cond3A_199 = arith.cmpi ne, %convert_element_type3A_197, %cond3A_198 : i32
          scf.if %cond3A_199 {
            %add3A_213 = arith.constant 1 : i32
            %add3A_214 = arith.addi %while3A_146, %add3A_213 : i32
            %dma_start3A_215 = arith.constant 0 : i32
            %dma_start3A_216 = tpu.memref_slice %arg7[%add3A_214, %dma_start3A_215] : memref<40x128xi32, #tpu.memory_space<vmem>> -> memref<1x128xi32, #tpu.memory_space<vmem>>
            %dma_start3A_217 = tpu.memref_squeeze %dma_start3A_216 : memref<1x128xi32, #tpu.memory_space<vmem>> -> memref<128xi32, #tpu.memory_space<vmem>>
            %dma_start3A_218 = arith.constant 0 : i32
            %dma_start3A_219 = arith.constant 0 : i32
            %dma_start3A_220 = tpu.memref_slice %arg2[%dma_start3A_218, %dma_start3A_219] : memref<10000x128xf32, #tpu.memory_space<hbm>> -> memref<10000x128xf32, #tpu.memory_space<hbm>>
            tpu.enqueue_indirect_dma source(%dma_start3A_220 : memref<10000x128xf32, #tpu.memory_space<hbm>>) target(%arg9 : memref<128x128xf32, #tpu.memory_space<vmem>>) offsets(%dma_start3A_217 : memref<128xi32, #tpu.memory_space<vmem>>) semaphore(%arg11 : memref<!tpu.dma_semaphore, #tpu.memory_space<semaphore_mem>>)
          } else {
          }
          %dma_wait3A_200 = arith.constant 0 : i32
          %dma_wait3A_201 = arith.constant 0 : i32
          %dma_wait3A_202 = tpu.memref_slice %arg7[%dma_wait3A_200, %dma_wait3A_201] : memref<40x128xi32, #tpu.memory_space<vmem>> -> memref<1x128xi32, #tpu.memory_space<vmem>>
          %dma_wait3A_203 = tpu.memref_squeeze %dma_wait3A_202 : memref<1x128xi32, #tpu.memory_space<vmem>> -> memref<128xi32, #tpu.memory_space<vmem>>
          %dma_wait3A_204 = arith.constant 0 : i32
          %dma_wait3A_205 = arith.constant 0 : i32
          %dma_wait3A_206 = tpu.memref_slice %arg2[%dma_wait3A_204, %dma_wait3A_205] : memref<10000x128xf32, #tpu.memory_space<hbm>> -> memref<10000x128xf32, #tpu.memory_space<hbm>>
          tpu.wait_indirect_dma semaphore(%arg11 : memref<!tpu.dma_semaphore, #tpu.memory_space<semaphore_mem>>) src(%dma_wait3A_206 : memref<10000x128xf32, #tpu.memory_space<hbm>>) dst(%arg10 : memref<128x128xf32, #tpu.memory_space<vmem>>)
          %dma_start3A_207 = arith.constant 0 : i32
          %dma_start3A_208 = tpu.memref_slice %arg8[%while3A_146, %dma_start3A_207] : memref<40x128xi32, #tpu.memory_space<vmem>> -> memref<1x128xi32, #tpu.memory_space<vmem>>
          %dma_start3A_209 = tpu.memref_squeeze %dma_start3A_208 : memref<1x128xi32, #tpu.memory_space<vmem>> -> memref<128xi32, #tpu.memory_space<vmem>>
          %dma_start3A_210 = arith.constant 0 : i32
          %dma_start3A_211 = arith.constant 0 : i32
          %dma_start3A_212 = tpu.memref_slice %arg6[%dma_start3A_210, %dma_start3A_211] : memref<10000x128xf32, #tpu.memory_space<vmem_shared>> -> memref<10000x128xf32, #tpu.memory_space<vmem_shared>>
          tpu.enqueue_indirect_dma source(%arg10 : memref<128x128xf32, #tpu.memory_space<vmem>>) target(%dma_start3A_212 : memref<10000x128xf32, #tpu.memory_space<vmem_shared>>) offsets(%dma_start3A_209 : memref<128xi32, #tpu.memory_space<vmem>>) semaphore(%arg12 : memref<!tpu.dma_semaphore, #tpu.memory_space<semaphore_mem>>) {add = true}
        } else {
        }
      }
      %while3A_135 = arith.constant 1 : i32
      scf.for %while3A_146 = %while3A_133 to %while3A_129 step %while3A_135  : i32 {
        %jit3A_147 = arith.constant 2 : i32
        %eq3A_148 = arith.constant 0 : i32
        %eq3A_149 = arith.cmpi eq, %jit3A_147, %eq3A_148 : i32
        %jit3A_150 = arith.constant 1 : i32
        %select_n3A = arith.select %eq3A_149, %jit3A_150, %jit3A_147 : i32
        %rem3A = arith.remsi %while3A_146, %select_n3A : i32
        %ne3A = arith.constant 0 : i32
        %ne3A_151 = arith.cmpi ne, %rem3A, %ne3A : i32
        %lt3A_152 = arith.constant 0 : i32
        %lt3A_153 = arith.cmpi slt, %rem3A, %lt3A_152 : i32
        %lt3A_154 = arith.constant 0 : i32
        %lt3A_155 = arith.cmpi slt, %select_n3A, %lt3A_154 : i32
        %ne3A_156 = arith.xori %lt3A_153, %lt3A_155 : i1
        %and3A = arith.andi %ne3A_156, %ne3A_151 : i1
        %add3A_157 = arith.addi %rem3A, %select_n3A : i32
        %select_n3A_158 = arith.select %and3A, %add3A_157, %rem3A : i32
        %eq3A_159 = arith.constant 0 : i32
        %eq3A_160 = arith.cmpi eq, %select_n3A_158, %eq3A_159 : i32
        %convert_element_type3A_161 = arith.extui %eq3A_160 : i1 to i32
        %cond3A_162 = arith.constant 0 : i32
        %cond3A_163 = arith.cmpi ne, %convert_element_type3A_161, %cond3A_162 : i32
        scf.if %cond3A_163 {
          %ge3A_185 = arith.constant 1 : i32
          %ge3A_186 = arith.cmpi sge, %while3A_146, %ge3A_185 : i32
          %add3A_187 = arith.constant 1 : i32
          %add3A_188 = arith.addi %while3A_146, %add3A_187 : i32
          %lt3A_189 = arith.cmpi slt, %add3A_188, %min3A_105 : i32
          %and3A_190 = arith.andi %ge3A_186, %lt3A_189 : i1
          %convert_element_type3A_191 = arith.extui %and3A_190 : i1 to i32
          %cond3A_192 = arith.constant 0 : i32
          %cond3A_193 = arith.cmpi ne, %convert_element_type3A_191, %cond3A_192 : i32
          scf.if %cond3A_193 {
            %dma_wait3A_213 = arith.constant 0 : i32
            %dma_wait3A_214 = arith.constant 0 : i32
            %dma_wait3A_215 = tpu.memref_slice %arg8[%dma_wait3A_213, %dma_wait3A_214] : memref<40x128xi32, #tpu.memory_space<vmem>> -> memref<1x128xi32, #tpu.memory_space<vmem>>
            %dma_wait3A_216 = tpu.memref_squeeze %dma_wait3A_215 : memref<1x128xi32, #tpu.memory_space<vmem>> -> memref<128xi32, #tpu.memory_space<vmem>>
            %dma_wait3A_217 = arith.constant 0 : i32
            %dma_wait3A_218 = arith.constant 0 : i32
            %dma_wait3A_219 = tpu.memref_slice %arg6[%dma_wait3A_217, %dma_wait3A_218] : memref<10000x128xf32, #tpu.memory_space<vmem_shared>> -> memref<10000x128xf32, #tpu.memory_space<vmem_shared>>
            tpu.wait_indirect_dma semaphore(%arg12 : memref<!tpu.dma_semaphore, #tpu.memory_space<semaphore_mem>>) src(%arg10 : memref<128x128xf32, #tpu.memory_space<vmem>>) dst(%dma_wait3A_219 : memref<10000x128xf32, #tpu.memory_space<vmem_shared>>)
          } else {
          }
          %add3A_194 = arith.constant 1 : i32
          %add3A_195 = arith.addi %while3A_146, %add3A_194 : i32
          %lt3A_196 = arith.cmpi slt, %add3A_195, %min3A_105 : i32
          %convert_element_type3A_197 = arith.extui %lt3A_196 : i1 to i32
          %cond3A_198 = arith.constant 0 : i32
          %cond3A_199 = arith.cmpi ne, %convert_element_type3A_197, %cond3A_198 : i32
          scf.if %cond3A_199 {
            %add3A_213 = arith.constant 1 : i32
            %add3A_214 = arith.addi %while3A_146, %add3A_213 : i32
            %dma_start3A_215 = arith.constant 0 : i32
            %dma_start3A_216 = tpu.memref_slice %arg7[%add3A_214, %dma_start3A_215] : memref<40x128xi32, #tpu.memory_space<vmem>> -> memref<1x128xi32, #tpu.memory_space<vmem>>
            %dma_start3A_217 = tpu.memref_squeeze %dma_start3A_216 : memref<1x128xi32, #tpu.memory_space<vmem>> -> memref<128xi32, #tpu.memory_space<vmem>>
            %dma_start3A_218 = arith.constant 0 : i32
            %dma_start3A_219 = arith.constant 0 : i32
            %dma_start3A_220 = tpu.memref_slice %arg2[%dma_start3A_218, %dma_start3A_219] : memref<10000x128xf32, #tpu.memory_space<hbm>> -> memref<10000x128xf32, #tpu.memory_space<hbm>>
            tpu.enqueue_indirect_dma source(%dma_start3A_220 : memref<10000x128xf32, #tpu.memory_space<hbm>>) target(%arg10 : memref<128x128xf32, #tpu.memory_space<vmem>>) offsets(%dma_start3A_217 : memref<128xi32, #tpu.memory_space<vmem>>) semaphore(%arg11 : memref<!tpu.dma_semaphore, #tpu.memory_space<semaphore_mem>>)
          } else {
          }
          %dma_wait3A_200 = arith.constant 0 : i32
          %dma_wait3A_201 = arith.constant 0 : i32
          %dma_wait3A_202 = tpu.memref_slice %arg7[%dma_wait3A_200, %dma_wait3A_201] : memref<40x128xi32, #tpu.memory_space<vmem>> -> memref<1x128xi32, #tpu.memory_space<vmem>>
          %dma_wait3A_203 = tpu.memref_squeeze %dma_wait3A_202 : memref<1x128xi32, #tpu.memory_space<vmem>> -> memref<128xi32, #tpu.memory_space<vmem>>
          %dma_wait3A_204 = arith.constant 0 : i32
          %dma_wait3A_205 = arith.constant 0 : i32
          %dma_wait3A_206 = tpu.memref_slice %arg2[%dma_wait3A_204, %dma_wait3A_205] : memref<10000x128xf32, #tpu.memory_space<hbm>> -> memref<10000x128xf32, #tpu.memory_space<hbm>>
          tpu.wait_indirect_dma semaphore(%arg11 : memref<!tpu.dma_semaphore, #tpu.memory_space<semaphore_mem>>) src(%dma_wait3A_206 : memref<10000x128xf32, #tpu.memory_space<hbm>>) dst(%arg9 : memref<128x128xf32, #tpu.memory_space<vmem>>)
          %dma_start3A_207 = arith.constant 0 : i32
          %dma_start3A_208 = tpu.memref_slice %arg8[%while3A_146, %dma_start3A_207] : memref<40x128xi32, #tpu.memory_space<vmem>> -> memref<1x128xi32, #tpu.memory_space<vmem>>
          %dma_start3A_209 = tpu.memref_squeeze %dma_start3A_208 : memref<1x128xi32, #tpu.memory_space<vmem>> -> memref<128xi32, #tpu.memory_space<vmem>>
          %dma_start3A_210 = arith.constant 0 : i32
          %dma_start3A_211 = arith.constant 0 : i32
          %dma_start3A_212 = tpu.memref_slice %arg6[%dma_start3A_210, %dma_start3A_211] : memref<10000x128xf32, #tpu.memory_space<vmem_shared>> -> memref<10000x128xf32, #tpu.memory_space<vmem_shared>>
          tpu.enqueue_indirect_dma source(%arg9 : memref<128x128xf32, #tpu.memory_space<vmem>>) target(%dma_start3A_212 : memref<10000x128xf32, #tpu.memory_space<vmem_shared>>) offsets(%dma_start3A_209 : memref<128xi32, #tpu.memory_space<vmem>>) semaphore(%arg12 : memref<!tpu.dma_semaphore, #tpu.memory_space<semaphore_mem>>) {add = true}
        } else {
        }
        %jit3A_164 = arith.constant 2 : i32
        %eq3A_165 = arith.constant 0 : i32
        %eq3A_166 = arith.cmpi eq, %jit3A_164, %eq3A_165 : i32
        %jit3A_167 = arith.constant 1 : i32
        %select_n3A_168 = arith.select %eq3A_166, %jit3A_167, %jit3A_164 : i32
        %rem3A_169 = arith.remsi %while3A_146, %select_n3A_168 : i32
        %ne3A_170 = arith.constant 0 : i32
        %ne3A_171 = arith.cmpi ne, %rem3A_169, %ne3A_170 : i32
        %lt3A_172 = arith.constant 0 : i32
        %lt3A_173 = arith.cmpi slt, %rem3A_169, %lt3A_172 : i32
        %lt3A_174 = arith.constant 0 : i32
        %lt3A_175 = arith.cmpi slt, %select_n3A_168, %lt3A_174 : i32
        %ne3A_176 = arith.xori %lt3A_173, %lt3A_175 : i1
        %and3A_177 = arith.andi %ne3A_176, %ne3A_171 : i1
        %add3A_178 = arith.addi %rem3A_169, %select_n3A_168 : i32
        %select_n3A_179 = arith.select %and3A_177, %add3A_178, %rem3A_169 : i32
        %eq3A_180 = arith.constant 1 : i32
        %eq3A_181 = arith.cmpi eq, %select_n3A_179, %eq3A_180 : i32
        %convert_element_type3A_182 = arith.extui %eq3A_181 : i1 to i32
        %cond3A_183 = arith.constant 0 : i32
        %cond3A_184 = arith.cmpi ne, %convert_element_type3A_182, %cond3A_183 : i32
        scf.if %cond3A_184 {
          %ge3A_185 = arith.constant 1 : i32
          %ge3A_186 = arith.cmpi sge, %while3A_146, %ge3A_185 : i32
          %add3A_187 = arith.constant 1 : i32
          %add3A_188 = arith.addi %while3A_146, %add3A_187 : i32
          %lt3A_189 = arith.cmpi slt, %add3A_188, %min3A_105 : i32
          %and3A_190 = arith.andi %ge3A_186, %lt3A_189 : i1
          %convert_element_type3A_191 = arith.extui %and3A_190 : i1 to i32
          %cond3A_192 = arith.constant 0 : i32
          %cond3A_193 = arith.cmpi ne, %convert_element_type3A_191, %cond3A_192 : i32
          scf.if %cond3A_193 {
            %dma_wait3A_213 = arith.constant 0 : i32
            %dma_wait3A_214 = arith.constant 0 : i32
            %dma_wait3A_215 = tpu.memref_slice %arg8[%dma_wait3A_213, %dma_wait3A_214] : memref<40x128xi32, #tpu.memory_space<vmem>> -> memref<1x128xi32, #tpu.memory_space<vmem>>
            %dma_wait3A_216 = tpu.memref_squeeze %dma_wait3A_215 : memref<1x128xi32, #tpu.memory_space<vmem>> -> memref<128xi32, #tpu.memory_space<vmem>>
            %dma_wait3A_217 = arith.constant 0 : i32
            %dma_wait3A_218 = arith.constant 0 : i32
            %dma_wait3A_219 = tpu.memref_slice %arg6[%dma_wait3A_217, %dma_wait3A_218] : memref<10000x128xf32, #tpu.memory_space<vmem_shared>> -> memref<10000x128xf32, #tpu.memory_space<vmem_shared>>
            tpu.wait_indirect_dma semaphore(%arg12 : memref<!tpu.dma_semaphore, #tpu.memory_space<semaphore_mem>>) src(%arg9 : memref<128x128xf32, #tpu.memory_space<vmem>>) dst(%dma_wait3A_219 : memref<10000x128xf32, #tpu.memory_space<vmem_shared>>)
          } else {
          }
          %add3A_194 = arith.constant 1 : i32
          %add3A_195 = arith.addi %while3A_146, %add3A_194 : i32
          %lt3A_196 = arith.cmpi slt, %add3A_195, %min3A_105 : i32
          %convert_element_type3A_197 = arith.extui %lt3A_196 : i1 to i32
          %cond3A_198 = arith.constant 0 : i32
          %cond3A_199 = arith.cmpi ne, %convert_element_type3A_197, %cond3A_198 : i32
          scf.if %cond3A_199 {
            %add3A_213 = arith.constant 1 : i32
            %add3A_214 = arith.addi %while3A_146, %add3A_213 : i32
            %dma_start3A_215 = arith.constant 0 : i32
            %dma_start3A_216 = tpu.memref_slice %arg7[%add3A_214, %dma_start3A_215] : memref<40x128xi32, #tpu.memory_space<vmem>> -> memref<1x128xi32, #tpu.memory_space<vmem>>
            %dma_start3A_217 = tpu.memref_squeeze %dma_start3A_216 : memref<1x128xi32, #tpu.memory_space<vmem>> -> memref<128xi32, #tpu.memory_space<vmem>>
            %dma_start3A_218 = arith.constant 0 : i32
            %dma_start3A_219 = arith.constant 0 : i32
            %dma_start3A_220 = tpu.memref_slice %arg2[%dma_start3A_218, %dma_start3A_219] : memref<10000x128xf32, #tpu.memory_space<hbm>> -> memref<10000x128xf32, #tpu.memory_space<hbm>>
            tpu.enqueue_indirect_dma source(%dma_start3A_220 : memref<10000x128xf32, #tpu.memory_space<hbm>>) target(%arg9 : memref<128x128xf32, #tpu.memory_space<vmem>>) offsets(%dma_start3A_217 : memref<128xi32, #tpu.memory_space<vmem>>) semaphore(%arg11 : memref<!tpu.dma_semaphore, #tpu.memory_space<semaphore_mem>>)
          } else {
          }
          %dma_wait3A_200 = arith.constant 0 : i32
          %dma_wait3A_201 = arith.constant 0 : i32
          %dma_wait3A_202 = tpu.memref_slice %arg7[%dma_wait3A_200, %dma_wait3A_201] : memref<40x128xi32, #tpu.memory_space<vmem>> -> memref<1x128xi32, #tpu.memory_space<vmem>>
          %dma_wait3A_203 = tpu.memref_squeeze %dma_wait3A_202 : memref<1x128xi32, #tpu.memory_space<vmem>> -> memref<128xi32, #tpu.memory_space<vmem>>
          %dma_wait3A_204 = arith.constant 0 : i32
          %dma_wait3A_205 = arith.constant 0 : i32
          %dma_wait3A_206 = tpu.memref_slice %arg2[%dma_wait3A_204, %dma_wait3A_205] : memref<10000x128xf32, #tpu.memory_space<hbm>> -> memref<10000x128xf32, #tpu.memory_space<hbm>>
          tpu.wait_indirect_dma semaphore(%arg11 : memref<!tpu.dma_semaphore, #tpu.memory_space<semaphore_mem>>) src(%dma_wait3A_206 : memref<10000x128xf32, #tpu.memory_space<hbm>>) dst(%arg10 : memref<128x128xf32, #tpu.memory_space<vmem>>)
          %dma_start3A_207 = arith.constant 0 : i32
          %dma_start3A_208 = tpu.memref_slice %arg8[%while3A_146, %dma_start3A_207] : memref<40x128xi32, #tpu.memory_space<vmem>> -> memref<1x128xi32, #tpu.memory_space<vmem>>
          %dma_start3A_209 = tpu.memref_squeeze %dma_start3A_208 : memref<1x128xi32, #tpu.memory_space<vmem>> -> memref<128xi32, #tpu.memory_space<vmem>>
          %dma_start3A_210 = arith.constant 0 : i32
          %dma_start3A_211 = arith.constant 0 : i32
          %dma_start3A_212 = tpu.memref_slice %arg6[%dma_start3A_210, %dma_start3A_211] : memref<10000x128xf32, #tpu.memory_space<vmem_shared>> -> memref<10000x128xf32, #tpu.memory_space<vmem_shared>>
          tpu.enqueue_indirect_dma source(%arg10 : memref<128x128xf32, #tpu.memory_space<vmem>>) target(%dma_start3A_212 : memref<10000x128xf32, #tpu.memory_space<vmem_shared>>) offsets(%dma_start3A_209 : memref<128xi32, #tpu.memory_space<vmem>>) semaphore(%arg12 : memref<!tpu.dma_semaphore, #tpu.memory_space<semaphore_mem>>) {add = true}
        } else {
        }
      }
      %dma_wait3A = arith.constant 0 : i32
      %dma_wait3A_136 = arith.constant 0 : i32
      %dma_wait3A_137 = tpu.memref_slice %arg8[%dma_wait3A, %dma_wait3A_136] : memref<40x128xi32, #tpu.memory_space<vmem>> -> memref<1x128xi32, #tpu.memory_space<vmem>>
      %dma_wait3A_138 = tpu.memref_squeeze %dma_wait3A_137 : memref<1x128xi32, #tpu.memory_space<vmem>> -> memref<128xi32, #tpu.memory_space<vmem>>
      %dma_wait3A_139 = arith.constant 0 : i32
      %dma_wait3A_140 = arith.constant 0 : i32
      %dma_wait3A_141 = tpu.memref_slice %arg6[%dma_wait3A_139, %dma_wait3A_140] : memref<10000x128xf32, #tpu.memory_space<vmem_shared>> -> memref<10000x128xf32, #tpu.memory_space<vmem_shared>>
      tpu.wait_indirect_dma semaphore(%arg12 : memref<!tpu.dma_semaphore, #tpu.memory_space<semaphore_mem>>) src(%arg9 : memref<128x128xf32, #tpu.memory_space<vmem>>) dst(%dma_wait3A_141 : memref<10000x128xf32, #tpu.memory_space<vmem_shared>>)
      %ge3A = arith.constant 2 : i32
      %ge3A_142 = arith.cmpi sge, %min3A_105, %ge3A : i32
      %convert_element_type3A_143 = arith.extui %ge3A_142 : i1 to i32
      %cond3A_144 = arith.constant 0 : i32
      %cond3A_145 = arith.cmpi ne, %convert_element_type3A_143, %cond3A_144 : i32
      scf.if %cond3A_145 {
        %dma_wait3A_146 = arith.constant 0 : i32
        %dma_wait3A_147 = arith.constant 0 : i32
        %dma_wait3A_148 = tpu.memref_slice %arg8[%dma_wait3A_146, %dma_wait3A_147] : memref<40x128xi32, #tpu.memory_space<vmem>> -> memref<1x128xi32, #tpu.memory_space<vmem>>
        %dma_wait3A_149 = tpu.memref_squeeze %dma_wait3A_148 : memref<1x128xi32, #tpu.memory_space<vmem>> -> memref<128xi32, #tpu.memory_space<vmem>>
        %dma_wait3A_150 = arith.constant 0 : i32
        %dma_wait3A_151 = arith.constant 0 : i32
        %dma_wait3A_152 = tpu.memref_slice %arg6[%dma_wait3A_150, %dma_wait3A_151] : memref<10000x128xf32, #tpu.memory_space<vmem_shared>> -> memref<10000x128xf32, #tpu.memory_space<vmem_shared>>
        tpu.wait_indirect_dma semaphore(%arg12 : memref<!tpu.dma_semaphore, #tpu.memory_space<semaphore_mem>>) src(%arg10 : memref<128x128xf32, #tpu.memory_space<vmem>>) dst(%dma_wait3A_152 : memref<10000x128xf32, #tpu.memory_space<vmem_shared>>)
      } else {
      }
    } else {
    }
    %barrier3A_111 = arith.constant 0 : index
    tpu.barrier barrier_id(%barrier3A_111)
    %mul3A_112 = arith.constant 624 : i32
    %mul3A_113 = arith.muli %arg1, %mul3A_112 : i32
    %mul3A_114 = arith.constant 624 : i32
    %mul3A_115 = arith.muli %arg1, %mul3A_114 : i32
    "tpu.region"() ({
      %run_scoped3A = tpu.sem_alloc : memref<!tpu.dma_semaphore, #tpu.memory_space<semaphore_mem>>
      %dma_start3A = arith.constant 0 : i32
      %dma_start3A_121 = tpu.memref_slice %arg5[%arg0, %mul3A_115, %dma_start3A] : memref<2x10000x128xf32, #tpu.memory_space<hbm>> -> memref<1x624x128xf32, #tpu.memory_space<hbm>>
      %dma_start3A_122 = tpu.memref_squeeze %dma_start3A_121 : memref<1x624x128xf32, #tpu.memory_space<hbm>> -> memref<624x128xf32, #tpu.memory_space<hbm>>
      %dma_start3A_123 = arith.constant 0 : i32
      %dma_start3A_124 = tpu.memref_slice %arg6[%mul3A_113, %dma_start3A_123] : memref<10000x128xf32, #tpu.memory_space<vmem_shared>> -> memref<624x128xf32, #tpu.memory_space<vmem_shared>>
      tpu.enqueue_dma source(%dma_start3A_124 : memref<624x128xf32, #tpu.memory_space<vmem_shared>>) target(%dma_start3A_122 : memref<624x128xf32, #tpu.memory_space<hbm>>) target_semaphore(%run_scoped3A : memref<!tpu.dma_semaphore, #tpu.memory_space<semaphore_mem>>)
      %dma_wait3A = arith.constant 0 : i32
      %dma_wait3A_125 = tpu.memref_slice %arg5[%arg0, %mul3A_115, %dma_wait3A] : memref<2x10000x128xf32, #tpu.memory_space<hbm>> -> memref<1x624x128xf32, #tpu.memory_space<hbm>>
      %dma_wait3A_126 = tpu.memref_squeeze %dma_wait3A_125 : memref<1x624x128xf32, #tpu.memory_space<hbm>> -> memref<624x128xf32, #tpu.memory_space<hbm>>
      %dma_wait3A_127 = arith.constant 0 : i32
      %dma_wait3A_128 = tpu.memref_slice %arg6[%mul3A_113, %dma_wait3A_127] : memref<10000x128xf32, #tpu.memory_space<vmem_shared>> -> memref<624x128xf32, #tpu.memory_space<vmem_shared>>
      tpu.wait_dma2 semaphore(%run_scoped3A : memref<!tpu.dma_semaphore, #tpu.memory_space<semaphore_mem>>) src(%dma_wait3A_128 : memref<624x128xf32, #tpu.memory_space<vmem_shared>>) dst(%dma_wait3A_126 : memref<624x128xf32, #tpu.memory_space<hbm>>)
      tpu.yield
    }) : () -> ()
    %eq3A_116 = arith.constant 15 : i32
    %eq3A_117 = arith.cmpi eq, %arg1, %eq3A_116 : i32
    %convert_element_type3A_118 = arith.extui %eq3A_117 : i1 to i32
    %cond3A_119 = arith.constant 0 : i32
    %cond3A_120 = arith.cmpi ne, %convert_element_type3A_118, %cond3A_119 : i32
    scf.if %cond3A_120 {
      "tpu.region"() ({
        %run_scoped3A = tpu.sem_alloc : memref<!tpu.dma_semaphore, #tpu.memory_space<semaphore_mem>>
        %dma_start3A = arith.constant 9984 : i32
        %dma_start3A_121 = arith.constant 0 : i32
        %dma_start3A_122 = tpu.memref_slice %arg5[%arg0, %dma_start3A, %dma_start3A_121] : memref<2x10000x128xf32, #tpu.memory_space<hbm>> -> memref<1x16x128xf32, #tpu.memory_space<hbm>>
        %dma_start3A_123 = tpu.memref_squeeze %dma_start3A_122 : memref<1x16x128xf32, #tpu.memory_space<hbm>> -> memref<16x128xf32, #tpu.memory_space<hbm>>
        %dma_start3A_124 = arith.constant 9984 : i32
        %dma_start3A_125 = arith.constant 0 : i32
        %dma_start3A_126 = tpu.memref_slice %arg6[%dma_start3A_124, %dma_start3A_125] : memref<10000x128xf32, #tpu.memory_space<vmem_shared>> -> memref<16x128xf32, #tpu.memory_space<vmem_shared>>
        tpu.enqueue_dma source(%dma_start3A_126 : memref<16x128xf32, #tpu.memory_space<vmem_shared>>) target(%dma_start3A_123 : memref<16x128xf32, #tpu.memory_space<hbm>>) target_semaphore(%run_scoped3A : memref<!tpu.dma_semaphore, #tpu.memory_space<semaphore_mem>>)
        %dma_wait3A = arith.constant 9984 : i32
        %dma_wait3A_127 = arith.constant 0 : i32
        %dma_wait3A_128 = tpu.memref_slice %arg5[%arg0, %dma_wait3A, %dma_wait3A_127] : memref<2x10000x128xf32, #tpu.memory_space<hbm>> -> memref<1x16x128xf32, #tpu.memory_space<hbm>>
        %dma_wait3A_129 = tpu.memref_squeeze %dma_wait3A_128 : memref<1x16x128xf32, #tpu.memory_space<hbm>> -> memref<16x128xf32, #tpu.memory_space<hbm>>
        %dma_wait3A_130 = arith.constant 9984 : i32
        %dma_wait3A_131 = arith.constant 0 : i32
        %dma_wait3A_132 = tpu.memref_slice %arg6[%dma_wait3A_130, %dma_wait3A_131] : memref<10000x128xf32, #tpu.memory_space<vmem_shared>> -> memref<16x128xf32, #tpu.memory_space<vmem_shared>>
        tpu.wait_dma2 semaphore(%run_scoped3A : memref<!tpu.dma_semaphore, #tpu.memory_space<semaphore_mem>>) src(%dma_wait3A_132 : memref<16x128xf32, #tpu.memory_space<vmem_shared>>) dst(%dma_wait3A_129 : memref<16x128xf32, #tpu.memory_space<hbm>>)
        tpu.yield
      }) : () -> ()
    } else {
    }
    return
  }
}

#map = affine_map<(d0, d1) -> (0, 0)>
#map1 = affine_map<(d0, d1) -> (0, 0, 0)>
module attributes {stable_mosaic.version = 14 : i64} {
  func.func @seg_sum(%arg0: i32, %arg1: i32, %arg2: memref<10000x128xf32, #tpu.memory_space<hbm>>, %arg3: memref<2560x128xi32, #tpu.memory_space<hbm>>, %arg4: memref<2560x128xi32, #tpu.memory_space<hbm>>, %arg5: memref<2x10000x128xf32, #tpu.memory_space<hbm>>, %arg6: memref<10000x128xf32, #tpu.memory_space<vmem_shared>>, %arg7: memref<40x128xi32, #tpu.memory_space<vmem>>, %arg8: memref<40x128xi32, #tpu.memory_space<vmem>>, %arg9: memref<128x128xf32, #tpu.memory_space<vmem>>, %arg10: memref<128x128xf32, #tpu.memory_space<vmem>>, %arg11: memref<!tpu.dma_semaphore, #tpu.memory_space<semaphore_mem>>, %arg12: memref<!tpu.dma_semaphore, #tpu.memory_space<semaphore_mem>>) attributes {dimension_semantics = [#tpu.dimension_semantics<core_parallel>, #tpu.dimension_semantics<subcore_parallel>], iteration_bounds = array<i64: 2, 16>, scalar_prefetch = 0 : i64, scratch_operands = 7 : i64, tpu.core_type = #tpu.core_type<sc_vector_subcore>, window_params = [{transform_indices = #map}, {transform_indices = #map}, {transform_indices = #map}, {transform_indices = #map1}]} {
    %mul3A = arith.constant 2 : i32
    %mul3A_0 = arith.muli %arg1, %mul3A : i32
    %add3A = arith.addi %mul3A_0, %arg0 : i32
    %scan3A = arith.constant 0 : i32
    %scan3A_1 = arith.constant 0 : i32
    %scan3A_2 = arith.constant 128 : i32
    %scan3A_3 = arith.addi %scan3A_1, %scan3A_2 : i32
    %scan3A_4 = arith.constant 1 : i32
    scf.for %scan3A_121 = %scan3A_1 to %scan3A_3 step %scan3A_4  : i32 {
      %broadcast_in_dim3A = arith.constant 0.000000e+00 : f32
      %broadcast_in_dim3A_122 = vector.broadcast %broadcast_in_dim3A : f32 to vector<16xf32>
      %swap3A = arith.index_cast %scan3A_121 : i32 to index
      %swap3A_123 = arith.constant 0 : index
      %swap3A_124 = tpu.vector_load %arg9[%swap3A, %swap3A_123] {strides = array<i32>} : memref<128x128xf32, #tpu.memory_space<vmem>>, vector<1x16xf32>,
      %swap3A_125 = vector.shape_cast %swap3A_124 : vector<1x16xf32> to vector<16xf32>
      %swap3A_126 = vector.shape_cast %broadcast_in_dim3A_122 : vector<16xf32> to vector<1x16xf32>
      tpu.vector_store %arg9[%swap3A, %swap3A_123], %swap3A_126 {strides = array<i32>} : memref<128x128xf32, #tpu.memory_space<vmem>>, vector<1x16xf32>,
      %broadcast_in_dim3A_127 = arith.constant 0.000000e+00 : f32
      %broadcast_in_dim3A_128 = vector.broadcast %broadcast_in_dim3A_127 : f32 to vector<16xf32>
      %swap3A_129 = arith.index_cast %scan3A_121 : i32 to index
      %swap3A_130 = arith.constant 16 : index
      %swap3A_131 = tpu.vector_load %arg9[%swap3A_129, %swap3A_130] {strides = array<i32>} : memref<128x128xf32, #tpu.memory_space<vmem>>, vector<1x16xf32>,
      %swap3A_132 = vector.shape_cast %swap3A_131 : vector<1x16xf32> to vector<16xf32>
      %swap3A_133 = vector.shape_cast %broadcast_in_dim3A_128 : vector<16xf32> to vector<1x16xf32>
      tpu.vector_store %arg9[%swap3A_129, %swap3A_130], %swap3A_133 {strides = array<i32>} : memref<128x128xf32, #tpu.memory_space<vmem>>, vector<1x16xf32>,
      %broadcast_in_dim3A_134 = arith.constant 0.000000e+00 : f32
      %broadcast_in_dim3A_135 = vector.broadcast %broadcast_in_dim3A_134 : f32 to vector<16xf32>
      %swap3A_136 = arith.index_cast %scan3A_121 : i32 to index
      %swap3A_137 = arith.constant 32 : index
      %swap3A_138 = tpu.vector_load %arg9[%swap3A_136, %swap3A_137] {strides = array<i32>} : memref<128x128xf32, #tpu.memory_space<vmem>>, vector<1x16xf32>,
      %swap3A_139 = vector.shape_cast %swap3A_138 : vector<1x16xf32> to vector<16xf32>
      %swap3A_140 = vector.shape_cast %broadcast_in_dim3A_135 : vector<16xf32> to vector<1x16xf32>
      tpu.vector_store %arg9[%swap3A_136, %swap3A_137], %swap3A_140 {strides = array<i32>} : memref<128x128xf32, #tpu.memory_space<vmem>>, vector<1x16xf32>,
      %broadcast_in_dim3A_141 = arith.constant 0.000000e+00 : f32
      %broadcast_in_dim3A_142 = vector.broadcast %broadcast_in_dim3A_141 : f32 to vector<16xf32>
      %swap3A_143 = arith.index_cast %scan3A_121 : i32 to index
      %swap3A_144 = arith.constant 48 : index
      %swap3A_145 = tpu.vector_load %arg9[%swap3A_143, %swap3A_144] {strides = array<i32>} : memref<128x128xf32, #tpu.memory_space<vmem>>, vector<1x16xf32>,
      %swap3A_146 = vector.shape_cast %swap3A_145 : vector<1x16xf32> to vector<16xf32>
      %swap3A_147 = vector.shape_cast %broadcast_in_dim3A_142 : vector<16xf32> to vector<1x16xf32>
      tpu.vector_store %arg9[%swap3A_143, %swap3A_144], %swap3A_147 {strides = array<i32>} : memref<128x128xf32, #tpu.memory_space<vmem>>, vector<1x16xf32>,
      %broadcast_in_dim3A_148 = arith.constant 0.000000e+00 : f32
      %broadcast_in_dim3A_149 = vector.broadcast %broadcast_in_dim3A_148 : f32 to vector<16xf32>
      %swap3A_150 = arith.index_cast %scan3A_121 : i32 to index
      %swap3A_151 = arith.constant 64 : index
      %swap3A_152 = tpu.vector_load %arg9[%swap3A_150, %swap3A_151] {strides = array<i32>} : memref<128x128xf32, #tpu.memory_space<vmem>>, vector<1x16xf32>,
      %swap3A_153 = vector.shape_cast %swap3A_152 : vector<1x16xf32> to vector<16xf32>
      %swap3A_154 = vector.shape_cast %broadcast_in_dim3A_149 : vector<16xf32> to vector<1x16xf32>
      tpu.vector_store %arg9[%swap3A_150, %swap3A_151], %swap3A_154 {strides = array<i32>} : memref<128x128xf32, #tpu.memory_space<vmem>>, vector<1x16xf32>,
      %broadcast_in_dim3A_155 = arith.constant 0.000000e+00 : f32
      %broadcast_in_dim3A_156 = vector.broadcast %broadcast_in_dim3A_155 : f32 to vector<16xf32>
      %swap3A_157 = arith.index_cast %scan3A_121 : i32 to index
      %swap3A_158 = arith.constant 80 : index
      %swap3A_159 = tpu.vector_load %arg9[%swap3A_157, %swap3A_158] {strides = array<i32>} : memref<128x128xf32, #tpu.memory_space<vmem>>, vector<1x16xf32>,
      %swap3A_160 = vector.shape_cast %swap3A_159 : vector<1x16xf32> to vector<16xf32>
      %swap3A_161 = vector.shape_cast %broadcast_in_dim3A_156 : vector<16xf32> to vector<1x16xf32>
      tpu.vector_store %arg9[%swap3A_157, %swap3A_158], %swap3A_161 {strides = array<i32>} : memref<128x128xf32, #tpu.memory_space<vmem>>, vector<1x16xf32>,
      %broadcast_in_dim3A_162 = arith.constant 0.000000e+00 : f32
      %broadcast_in_dim3A_163 = vector.broadcast %broadcast_in_dim3A_162 : f32 to vector<16xf32>
      %swap3A_164 = arith.index_cast %scan3A_121 : i32 to index
      %swap3A_165 = arith.constant 96 : index
      %swap3A_166 = tpu.vector_load %arg9[%swap3A_164, %swap3A_165] {strides = array<i32>} : memref<128x128xf32, #tpu.memory_space<vmem>>, vector<1x16xf32>,
      %swap3A_167 = vector.shape_cast %swap3A_166 : vector<1x16xf32> to vector<16xf32>
      %swap3A_168 = vector.shape_cast %broadcast_in_dim3A_163 : vector<16xf32> to vector<1x16xf32>
      tpu.vector_store %arg9[%swap3A_164, %swap3A_165], %swap3A_168 {strides = array<i32>} : memref<128x128xf32, #tpu.memory_space<vmem>>, vector<1x16xf32>,
      %broadcast_in_dim3A_169 = arith.constant 0.000000e+00 : f32
      %broadcast_in_dim3A_170 = vector.broadcast %broadcast_in_dim3A_169 : f32 to vector<16xf32>
      %swap3A_171 = arith.index_cast %scan3A_121 : i32 to index
      %swap3A_172 = arith.constant 112 : index
      %swap3A_173 = tpu.vector_load %arg9[%swap3A_171, %swap3A_172] {strides = array<i32>} : memref<128x128xf32, #tpu.memory_space<vmem>>, vector<1x16xf32>,
      %swap3A_174 = vector.shape_cast %swap3A_173 : vector<1x16xf32> to vector<16xf32>
      %swap3A_175 = vector.shape_cast %broadcast_in_dim3A_170 : vector<16xf32> to vector<1x16xf32>
      tpu.vector_store %arg9[%swap3A_171, %swap3A_172], %swap3A_175 {strides = array<i32>} : memref<128x128xf32, #tpu.memory_space<vmem>>, vector<1x16xf32>,
    }
    %scan3A_5 = arith.constant 128 : i32
    %add3A_6 = arith.constant 0 : i32
    %add3A_7 = arith.addi %arg1, %add3A_6 : i32
    %lt3A = arith.constant 78 : i32
    %lt3A_8 = arith.cmpi slt, %add3A_7, %lt3A : i32
    %convert_element_type3A = arith.extui %lt3A_8 : i1 to i32
    %cond3A = arith.constant 0 : i32
    %cond3A_9 = arith.cmpi ne, %convert_element_type3A, %cond3A : i32
    scf.if %cond3A_9 {
      %mul3A_121 = arith.constant 128 : i32
      %mul3A_122 = arith.muli %add3A_7, %mul3A_121 : i32
      %dma_start3A = arith.constant 0 : i32
      %dma_start3A_123 = tpu.memref_slice %arg6[%mul3A_122, %dma_start3A] : memref<10000x128xf32, #tpu.memory_space<vmem_shared>> -> memref<128x128xf32, #tpu.memory_space<vmem_shared>>
      %dma_start3A_124 = arith.constant 0 : i32
      %dma_start3A_125 = tpu.memref_slice %arg6[%mul3A_122, %dma_start3A_124] : memref<10000x128xf32, #tpu.memory_space<vmem_shared>> -> memref<128x128xf32, #tpu.memory_space<vmem_shared>>
      tpu.enqueue_dma source(%arg9 : memref<128x128xf32, #tpu.memory_space<vmem>>) target(%dma_start3A_125 : memref<128x128xf32, #tpu.memory_space<vmem_shared>>) target_semaphore(%arg12 : memref<!tpu.dma_semaphore, #tpu.memory_space<semaphore_mem>>)
    } else {
    }
    %add3A_10 = arith.constant 16 : i32
    %add3A_11 = arith.addi %arg1, %add3A_10 : i32
    %lt3A_12 = arith.constant 78 : i32
    %lt3A_13 = arith.cmpi slt, %add3A_11, %lt3A_12 : i32
    %convert_element_type3A_14 = arith.extui %lt3A_13 : i1 to i32
    %cond3A_15 = arith.constant 0 : i32
    %cond3A_16 = arith.cmpi ne, %convert_element_type3A_14, %cond3A_15 : i32
    scf.if %cond3A_16 {
      %mul3A_121 = arith.constant 128 : i32
      %mul3A_122 = arith.muli %add3A_11, %mul3A_121 : i32
      %dma_start3A = arith.constant 0 : i32
      %dma_start3A_123 = tpu.memref_slice %arg6[%mul3A_122, %dma_start3A] : memref<10000x128xf32, #tpu.memory_space<vmem_shared>> -> memref<128x128xf32, #tpu.memory_space<vmem_shared>>
      %dma_start3A_124 = arith.constant 0 : i32
      %dma_start3A_125 = tpu.memref_slice %arg6[%mul3A_122, %dma_start3A_124] : memref<10000x128xf32, #tpu.memory_space<vmem_shared>> -> memref<128x128xf32, #tpu.memory_space<vmem_shared>>
      tpu.enqueue_dma source(%arg9 : memref<128x128xf32, #tpu.memory_space<vmem>>) target(%dma_start3A_125 : memref<128x128xf32, #tpu.memory_space<vmem_shared>>) target_semaphore(%arg12 : memref<!tpu.dma_semaphore, #tpu.memory_space<semaphore_mem>>)
    } else {
    }
    %add3A_17 = arith.constant 32 : i32
    %add3A_18 = arith.addi %arg1, %add3A_17 : i32
    %lt3A_19 = arith.constant 78 : i32
    %lt3A_20 = arith.cmpi slt, %add3A_18, %lt3A_19 : i32
    %convert_element_type3A_21 = arith.extui %lt3A_20 : i1 to i32
    %cond3A_22 = arith.constant 0 : i32
    %cond3A_23 = arith.cmpi ne, %convert_element_type3A_21, %cond3A_22 : i32
    scf.if %cond3A_23 {
      %mul3A_121 = arith.constant 128 : i32
      %mul3A_122 = arith.muli %add3A_18, %mul3A_121 : i32
      %dma_start3A = arith.constant 0 : i32
      %dma_start3A_123 = tpu.memref_slice %arg6[%mul3A_122, %dma_start3A] : memref<10000x128xf32, #tpu.memory_space<vmem_shared>> -> memref<128x128xf32, #tpu.memory_space<vmem_shared>>
      %dma_start3A_124 = arith.constant 0 : i32
      %dma_start3A_125 = tpu.memref_slice %arg6[%mul3A_122, %dma_start3A_124] : memref<10000x128xf32, #tpu.memory_space<vmem_shared>> -> memref<128x128xf32, #tpu.memory_space<vmem_shared>>
      tpu.enqueue_dma source(%arg9 : memref<128x128xf32, #tpu.memory_space<vmem>>) target(%dma_start3A_125 : memref<128x128xf32, #tpu.memory_space<vmem_shared>>) target_semaphore(%arg12 : memref<!tpu.dma_semaphore, #tpu.memory_space<semaphore_mem>>)
    } else {
    }
    %add3A_24 = arith.constant 48 : i32
    %add3A_25 = arith.addi %arg1, %add3A_24 : i32
    %lt3A_26 = arith.constant 78 : i32
    %lt3A_27 = arith.cmpi slt, %add3A_25, %lt3A_26 : i32
    %convert_element_type3A_28 = arith.extui %lt3A_27 : i1 to i32
    %cond3A_29 = arith.constant 0 : i32
    %cond3A_30 = arith.cmpi ne, %convert_element_type3A_28, %cond3A_29 : i32
    scf.if %cond3A_30 {
      %mul3A_121 = arith.constant 128 : i32
      %mul3A_122 = arith.muli %add3A_25, %mul3A_121 : i32
      %dma_start3A = arith.constant 0 : i32
      %dma_start3A_123 = tpu.memref_slice %arg6[%mul3A_122, %dma_start3A] : memref<10000x128xf32, #tpu.memory_space<vmem_shared>> -> memref<128x128xf32, #tpu.memory_space<vmem_shared>>
      %dma_start3A_124 = arith.constant 0 : i32
      %dma_start3A_125 = tpu.memref_slice %arg6[%mul3A_122, %dma_start3A_124] : memref<10000x128xf32, #tpu.memory_space<vmem_shared>> -> memref<128x128xf32, #tpu.memory_space<vmem_shared>>
      tpu.enqueue_dma source(%arg9 : memref<128x128xf32, #tpu.memory_space<vmem>>) target(%dma_start3A_125 : memref<128x128xf32, #tpu.memory_space<vmem_shared>>) target_semaphore(%arg12 : memref<!tpu.dma_semaphore, #tpu.memory_space<semaphore_mem>>)
    } else {
    }
    %add3A_31 = arith.constant 64 : i32
    %add3A_32 = arith.addi %arg1, %add3A_31 : i32
    %lt3A_33 = arith.constant 78 : i32
    %lt3A_34 = arith.cmpi slt, %add3A_32, %lt3A_33 : i32
    %convert_element_type3A_35 = arith.extui %lt3A_34 : i1 to i32
    %cond3A_36 = arith.constant 0 : i32
    %cond3A_37 = arith.cmpi ne, %convert_element_type3A_35, %cond3A_36 : i32
    scf.if %cond3A_37 {
      %mul3A_121 = arith.constant 128 : i32
      %mul3A_122 = arith.muli %add3A_32, %mul3A_121 : i32
      %dma_start3A = arith.constant 0 : i32
      %dma_start3A_123 = tpu.memref_slice %arg6[%mul3A_122, %dma_start3A] : memref<10000x128xf32, #tpu.memory_space<vmem_shared>> -> memref<128x128xf32, #tpu.memory_space<vmem_shared>>
      %dma_start3A_124 = arith.constant 0 : i32
      %dma_start3A_125 = tpu.memref_slice %arg6[%mul3A_122, %dma_start3A_124] : memref<10000x128xf32, #tpu.memory_space<vmem_shared>> -> memref<128x128xf32, #tpu.memory_space<vmem_shared>>
      tpu.enqueue_dma source(%arg9 : memref<128x128xf32, #tpu.memory_space<vmem>>) target(%dma_start3A_125 : memref<128x128xf32, #tpu.memory_space<vmem_shared>>) target_semaphore(%arg12 : memref<!tpu.dma_semaphore, #tpu.memory_space<semaphore_mem>>)
    } else {
    }
    %eq3A = arith.constant 15 : i32
    %eq3A_38 = arith.cmpi eq, %arg1, %eq3A : i32
    %convert_element_type3A_39 = arith.extui %eq3A_38 : i1 to i32
    %cond3A_40 = arith.constant 0 : i32
    %cond3A_41 = arith.cmpi ne, %convert_element_type3A_39, %cond3A_40 : i32
    scf.if %cond3A_41 {
      %dma_start3A = arith.constant 0 : i32
      %dma_start3A_121 = arith.constant 0 : i32
      %dma_start3A_122 = tpu.memref_slice %arg9[%dma_start3A, %dma_start3A_121] : memref<128x128xf32, #tpu.memory_space<vmem>> -> memref<16x128xf32, #tpu.memory_space<vmem>>
      %dma_start3A_123 = arith.constant 9984 : i32
      %dma_start3A_124 = arith.constant 0 : i32
      %dma_start3A_125 = tpu.memref_slice %arg6[%dma_start3A_123, %dma_start3A_124] : memref<10000x128xf32, #tpu.memory_space<vmem_shared>> -> memref<16x128xf32, #tpu.memory_space<vmem_shared>>
      %dma_start3A_126 = arith.constant 9984 : i32
      %dma_start3A_127 = arith.constant 0 : i32
      %dma_start3A_128 = tpu.memref_slice %arg6[%dma_start3A_126, %dma_start3A_127] : memref<10000x128xf32, #tpu.memory_space<vmem_shared>> -> memref<16x128xf32, #tpu.memory_space<vmem_shared>>
      %dma_start3A_129 = arith.constant 0 : i32
      %dma_start3A_130 = arith.constant 0 : i32
      %dma_start3A_131 = tpu.memref_slice %arg9[%dma_start3A_129, %dma_start3A_130] : memref<128x128xf32, #tpu.memory_space<vmem>> -> memref<16x128xf32, #tpu.memory_space<vmem>>
      tpu.enqueue_dma source(%dma_start3A_131 : memref<16x128xf32, #tpu.memory_space<vmem>>) target(%dma_start3A_128 : memref<16x128xf32, #tpu.memory_space<vmem_shared>>) target_semaphore(%arg12 : memref<!tpu.dma_semaphore, #tpu.memory_space<semaphore_mem>>)
    } else {
    }
    %add3A_42 = arith.constant 0 : i32
    %add3A_43 = arith.addi %arg1, %add3A_42 : i32
    %lt3A_44 = arith.constant 78 : i32
    %lt3A_45 = arith.cmpi slt, %add3A_43, %lt3A_44 : i32
    %convert_element_type3A_46 = arith.extui %lt3A_45 : i1 to i32
    %cond3A_47 = arith.constant 0 : i32
    %cond3A_48 = arith.cmpi ne, %convert_element_type3A_46, %cond3A_47 : i32
    scf.if %cond3A_48 {
      %mul3A_121 = arith.constant 128 : i32
      %mul3A_122 = arith.muli %add3A_43, %mul3A_121 : i32
      %dma_wait3A = arith.constant 0 : i32
      %dma_wait3A_123 = tpu.memref_slice %arg6[%mul3A_122, %dma_wait3A] : memref<10000x128xf32, #tpu.memory_space<vmem_shared>> -> memref<128x128xf32, #tpu.memory_space<vmem_shared>>
      %dma_wait3A_124 = arith.constant 0 : i32
      %dma_wait3A_125 = tpu.memref_slice %arg6[%mul3A_122, %dma_wait3A_124] : memref<10000x128xf32, #tpu.memory_space<vmem_shared>> -> memref<128x128xf32, #tpu.memory_space<vmem_shared>>
      tpu.wait_dma2 semaphore(%arg12 : memref<!tpu.dma_semaphore, #tpu.memory_space<semaphore_mem>>) src(%arg9 : memref<128x128xf32, #tpu.memory_space<vmem>>) dst(%dma_wait3A_125 : memref<128x128xf32, #tpu.memory_space<vmem_shared>>)
    } else {
    }
    %add3A_49 = arith.constant 16 : i32
    %add3A_50 = arith.addi %arg1, %add3A_49 : i32
    %lt3A_51 = arith.constant 78 : i32
    %lt3A_52 = arith.cmpi slt, %add3A_50, %lt3A_51 : i32
    %convert_element_type3A_53 = arith.extui %lt3A_52 : i1 to i32
    %cond3A_54 = arith.constant 0 : i32
    %cond3A_55 = arith.cmpi ne, %convert_element_type3A_53, %cond3A_54 : i32
    scf.if %cond3A_55 {
      %mul3A_121 = arith.constant 128 : i32
      %mul3A_122 = arith.muli %add3A_50, %mul3A_121 : i32
      %dma_wait3A = arith.constant 0 : i32
      %dma_wait3A_123 = tpu.memref_slice %arg6[%mul3A_122, %dma_wait3A] : memref<10000x128xf32, #tpu.memory_space<vmem_shared>> -> memref<128x128xf32, #tpu.memory_space<vmem_shared>>
      %dma_wait3A_124 = arith.constant 0 : i32
      %dma_wait3A_125 = tpu.memref_slice %arg6[%mul3A_122, %dma_wait3A_124] : memref<10000x128xf32, #tpu.memory_space<vmem_shared>> -> memref<128x128xf32, #tpu.memory_space<vmem_shared>>
      tpu.wait_dma2 semaphore(%arg12 : memref<!tpu.dma_semaphore, #tpu.memory_space<semaphore_mem>>) src(%arg9 : memref<128x128xf32, #tpu.memory_space<vmem>>) dst(%dma_wait3A_125 : memref<128x128xf32, #tpu.memory_space<vmem_shared>>)
    } else {
    }
    %add3A_56 = arith.constant 32 : i32
    %add3A_57 = arith.addi %arg1, %add3A_56 : i32
    %lt3A_58 = arith.constant 78 : i32
    %lt3A_59 = arith.cmpi slt, %add3A_57, %lt3A_58 : i32
    %convert_element_type3A_60 = arith.extui %lt3A_59 : i1 to i32
    %cond3A_61 = arith.constant 0 : i32
    %cond3A_62 = arith.cmpi ne, %convert_element_type3A_60, %cond3A_61 : i32
    scf.if %cond3A_62 {
      %mul3A_121 = arith.constant 128 : i32
      %mul3A_122 = arith.muli %add3A_57, %mul3A_121 : i32
      %dma_wait3A = arith.constant 0 : i32
      %dma_wait3A_123 = tpu.memref_slice %arg6[%mul3A_122, %dma_wait3A] : memref<10000x128xf32, #tpu.memory_space<vmem_shared>> -> memref<128x128xf32, #tpu.memory_space<vmem_shared>>
      %dma_wait3A_124 = arith.constant 0 : i32
      %dma_wait3A_125 = tpu.memref_slice %arg6[%mul3A_122, %dma_wait3A_124] : memref<10000x128xf32, #tpu.memory_space<vmem_shared>> -> memref<128x128xf32, #tpu.memory_space<vmem_shared>>
      tpu.wait_dma2 semaphore(%arg12 : memref<!tpu.dma_semaphore, #tpu.memory_space<semaphore_mem>>) src(%arg9 : memref<128x128xf32, #tpu.memory_space<vmem>>) dst(%dma_wait3A_125 : memref<128x128xf32, #tpu.memory_space<vmem_shared>>)
    } else {
    }
    %add3A_63 = arith.constant 48 : i32
    %add3A_64 = arith.addi %arg1, %add3A_63 : i32
    %lt3A_65 = arith.constant 78 : i32
    %lt3A_66 = arith.cmpi slt, %add3A_64, %lt3A_65 : i32
    %convert_element_type3A_67 = arith.extui %lt3A_66 : i1 to i32
    %cond3A_68 = arith.constant 0 : i32
    %cond3A_69 = arith.cmpi ne, %convert_element_type3A_67, %cond3A_68 : i32
    scf.if %cond3A_69 {
      %mul3A_121 = arith.constant 128 : i32
      %mul3A_122 = arith.muli %add3A_64, %mul3A_121 : i32
      %dma_wait3A = arith.constant 0 : i32
      %dma_wait3A_123 = tpu.memref_slice %arg6[%mul3A_122, %dma_wait3A] : memref<10000x128xf32, #tpu.memory_space<vmem_shared>> -> memref<128x128xf32, #tpu.memory_space<vmem_shared>>
      %dma_wait3A_124 = arith.constant 0 : i32
      %dma_wait3A_125 = tpu.memref_slice %arg6[%mul3A_122, %dma_wait3A_124] : memref<10000x128xf32, #tpu.memory_space<vmem_shared>> -> memref<128x128xf32, #tpu.memory_space<vmem_shared>>
      tpu.wait_dma2 semaphore(%arg12 : memref<!tpu.dma_semaphore, #tpu.memory_space<semaphore_mem>>) src(%arg9 : memref<128x128xf32, #tpu.memory_space<vmem>>) dst(%dma_wait3A_125 : memref<128x128xf32, #tpu.memory_space<vmem_shared>>)
    } else {
    }
    %add3A_70 = arith.constant 64 : i32
    %add3A_71 = arith.addi %arg1, %add3A_70 : i32
    %lt3A_72 = arith.constant 78 : i32
    %lt3A_73 = arith.cmpi slt, %add3A_71, %lt3A_72 : i32
    %convert_element_type3A_74 = arith.extui %lt3A_73 : i1 to i32
    %cond3A_75 = arith.constant 0 : i32
    %cond3A_76 = arith.cmpi ne, %convert_element_type3A_74, %cond3A_75 : i32
    scf.if %cond3A_76 {
      %mul3A_121 = arith.constant 128 : i32
      %mul3A_122 = arith.muli %add3A_71, %mul3A_121 : i32
      %dma_wait3A = arith.constant 0 : i32
      %dma_wait3A_123 = tpu.memref_slice %arg6[%mul3A_122, %dma_wait3A] : memref<10000x128xf32, #tpu.memory_space<vmem_shared>> -> memref<128x128xf32, #tpu.memory_space<vmem_shared>>
      %dma_wait3A_124 = arith.constant 0 : i32
      %dma_wait3A_125 = tpu.memref_slice %arg6[%mul3A_122, %dma_wait3A_124] : memref<10000x128xf32, #tpu.memory_space<vmem_shared>> -> memref<128x128xf32, #tpu.memory_space<vmem_shared>>
      tpu.wait_dma2 semaphore(%arg12 : memref<!tpu.dma_semaphore, #tpu.memory_space<semaphore_mem>>) src(%arg9 : memref<128x128xf32, #tpu.memory_space<vmem>>) dst(%dma_wait3A_125 : memref<128x128xf32, #tpu.memory_space<vmem_shared>>)
    } else {
    }
    %eq3A_77 = arith.constant 15 : i32
    %eq3A_78 = arith.cmpi eq, %arg1, %eq3A_77 : i32
    %convert_element_type3A_79 = arith.extui %eq3A_78 : i1 to i32
    %cond3A_80 = arith.constant 0 : i32
    %cond3A_81 = arith.cmpi ne, %convert_element_type3A_79, %cond3A_80 : i32
    scf.if %cond3A_81 {
      %dma_wait3A = arith.constant 0 : i32
      %dma_wait3A_121 = arith.constant 0 : i32
      %dma_wait3A_122 = tpu.memref_slice %arg9[%dma_wait3A, %dma_wait3A_121] : memref<128x128xf32, #tpu.memory_space<vmem>> -> memref<16x128xf32, #tpu.memory_space<vmem>>
      %dma_wait3A_123 = arith.constant 9984 : i32
      %dma_wait3A_124 = arith.constant 0 : i32
      %dma_wait3A_125 = tpu.memref_slice %arg6[%dma_wait3A_123, %dma_wait3A_124] : memref<10000x128xf32, #tpu.memory_space<vmem_shared>> -> memref<16x128xf32, #tpu.memory_space<vmem_shared>>
      %dma_wait3A_126 = arith.constant 9984 : i32
      %dma_wait3A_127 = arith.constant 0 : i32
      %dma_wait3A_128 = tpu.memref_slice %arg6[%dma_wait3A_126, %dma_wait3A_127] : memref<10000x128xf32, #tpu.memory_space<vmem_shared>> -> memref<16x128xf32, #tpu.memory_space<vmem_shared>>
      %dma_wait3A_129 = arith.constant 0 : i32
      %dma_wait3A_130 = arith.constant 0 : i32
      %dma_wait3A_131 = tpu.memref_slice %arg9[%dma_wait3A_129, %dma_wait3A_130] : memref<128x128xf32, #tpu.memory_space<vmem>> -> memref<16x128xf32, #tpu.memory_space<vmem>>
      tpu.wait_dma2 semaphore(%arg12 : memref<!tpu.dma_semaphore, #tpu.memory_space<semaphore_mem>>) src(%dma_wait3A_131 : memref<16x128xf32, #tpu.memory_space<vmem>>) dst(%dma_wait3A_128 : memref<16x128xf32, #tpu.memory_space<vmem_shared>>)
    } else {
    }
    %barrier3A = arith.constant 0 : index
    tpu.barrier barrier_id(%barrier3A)
    %mul3A_82 = arith.constant 80 : i32
    %mul3A_83 = arith.muli %add3A, %mul3A_82 : i32
    %sub3A = arith.constant 2500 : i32
    %sub3A_84 = arith.subi %sub3A, %mul3A_83 : i32
    %jit3A = arith.constant 0 : i32
    %jit3A_85 = arith.constant 80 : i32
    %max3A = arith.maxsi %jit3A, %sub3A_84 : i32
    %min3A = arith.minsi %jit3A_85, %max3A : i32
    %add3A_86 = arith.constant 0 : i32
    %add3A_87 = arith.addi %mul3A_83, %add3A_86 : i32
    %sub3A_88 = arith.constant 0 : i32
    %sub3A_89 = arith.subi %min3A, %sub3A_88 : i32
    %jit3A_90 = arith.constant 0 : i32
    %jit3A_91 = arith.constant 40 : i32
    %max3A_92 = arith.maxsi %jit3A_90, %sub3A_89 : i32
    %min3A_93 = arith.minsi %jit3A_91, %max3A_92 : i32
    %gt3A = arith.constant 0 : i32
    %gt3A_94 = arith.cmpi sgt, %min3A_93, %gt3A : i32
    %convert_element_type3A_95 = arith.extui %gt3A_94 : i1 to i32
    %cond3A_96 = arith.constant 0 : i32
    %cond3A_97 = arith.cmpi ne, %convert_element_type3A_95, %cond3A_96 : i32
    scf.if %cond3A_97 {
      "tpu.region"() ({
        %run_scoped3A = tpu.sem_alloc : memref<!tpu.dma_semaphore, #tpu.memory_space<semaphore_mem>>
        %dma_start3A_146 = arith.constant 0 : i32
        %dma_start3A_147 = tpu.memref_slice %arg3[%add3A_87, %dma_start3A_146] : memref<2560x128xi32, #tpu.memory_space<hbm>> -> memref<40x128xi32, #tpu.memory_space<hbm>>
        %dma_start3A_148 = arith.constant 0 : i32
        %dma_start3A_149 = tpu.memref_slice %arg3[%add3A_87, %dma_start3A_148] : memref<2560x128xi32, #tpu.memory_space<hbm>> -> memref<40x128xi32, #tpu.memory_space<hbm>>
        tpu.enqueue_dma source(%dma_start3A_149 : memref<40x128xi32, #tpu.memory_space<hbm>>) target(%arg7 : memref<40x128xi32, #tpu.memory_space<vmem>>) target_semaphore(%run_scoped3A : memref<!tpu.dma_semaphore, #tpu.memory_space<semaphore_mem>>)
        %dma_wait3A_150 = arith.constant 0 : i32
        %dma_wait3A_151 = tpu.memref_slice %arg3[%add3A_87, %dma_wait3A_150] : memref<2560x128xi32, #tpu.memory_space<hbm>> -> memref<40x128xi32, #tpu.memory_space<hbm>>
        %dma_wait3A_152 = arith.constant 0 : i32
        %dma_wait3A_153 = tpu.memref_slice %arg3[%add3A_87, %dma_wait3A_152] : memref<2560x128xi32, #tpu.memory_space<hbm>> -> memref<40x128xi32, #tpu.memory_space<hbm>>
        tpu.wait_dma2 semaphore(%run_scoped3A : memref<!tpu.dma_semaphore, #tpu.memory_space<semaphore_mem>>) src(%dma_wait3A_153 : memref<40x128xi32, #tpu.memory_space<hbm>>) dst(%arg7 : memref<40x128xi32, #tpu.memory_space<vmem>>)
        tpu.yield
      }) : () -> ()
      "tpu.region"() ({
        %run_scoped3A = tpu.sem_alloc : memref<!tpu.dma_semaphore, #tpu.memory_space<semaphore_mem>>
        %dma_start3A_146 = arith.constant 0 : i32
        %dma_start3A_147 = tpu.memref_slice %arg4[%add3A_87, %dma_start3A_146] : memref<2560x128xi32, #tpu.memory_space<hbm>> -> memref<40x128xi32, #tpu.memory_space<hbm>>
        %dma_start3A_148 = arith.constant 0 : i32
        %dma_start3A_149 = tpu.memref_slice %arg4[%add3A_87, %dma_start3A_148] : memref<2560x128xi32, #tpu.memory_space<hbm>> -> memref<40x128xi32, #tpu.memory_space<hbm>>
        tpu.enqueue_dma source(%dma_start3A_149 : memref<40x128xi32, #tpu.memory_space<hbm>>) target(%arg8 : memref<40x128xi32, #tpu.memory_space<vmem>>) target_semaphore(%run_scoped3A : memref<!tpu.dma_semaphore, #tpu.memory_space<semaphore_mem>>)
        %dma_wait3A_150 = arith.constant 0 : i32
        %dma_wait3A_151 = tpu.memref_slice %arg4[%add3A_87, %dma_wait3A_150] : memref<2560x128xi32, #tpu.memory_space<hbm>> -> memref<40x128xi32, #tpu.memory_space<hbm>>
        %dma_wait3A_152 = arith.constant 0 : i32
        %dma_wait3A_153 = tpu.memref_slice %arg4[%add3A_87, %dma_wait3A_152] : memref<2560x128xi32, #tpu.memory_space<hbm>> -> memref<40x128xi32, #tpu.memory_space<hbm>>
        tpu.wait_dma2 semaphore(%run_scoped3A : memref<!tpu.dma_semaphore, #tpu.memory_space<semaphore_mem>>) src(%dma_wait3A_153 : memref<40x128xi32, #tpu.memory_space<hbm>>) dst(%arg8 : memref<40x128xi32, #tpu.memory_space<vmem>>)
        tpu.yield
      }) : () -> ()
      %dma_start3A = arith.constant 0 : i32
      %dma_start3A_121 = arith.constant 0 : i32
      %dma_start3A_122 = tpu.memref_slice %arg7[%dma_start3A, %dma_start3A_121] : memref<40x128xi32, #tpu.memory_space<vmem>> -> memref<1x128xi32, #tpu.memory_space<vmem>>
      %dma_start3A_123 = tpu.memref_squeeze %dma_start3A_122 : memref<1x128xi32, #tpu.memory_space<vmem>> -> memref<128xi32, #tpu.memory_space<vmem>>
      %dma_start3A_124 = arith.constant 0 : i32
      %dma_start3A_125 = arith.constant 0 : i32
      %dma_start3A_126 = tpu.memref_slice %arg2[%dma_start3A_124, %dma_start3A_125] : memref<10000x128xf32, #tpu.memory_space<hbm>> -> memref<10000x128xf32, #tpu.memory_space<hbm>>
      tpu.enqueue_indirect_dma source(%dma_start3A_126 : memref<10000x128xf32, #tpu.memory_space<hbm>>) target(%arg9 : memref<128x128xf32, #tpu.memory_space<vmem>>) offsets(%dma_start3A_123 : memref<128xi32, #tpu.memory_space<vmem>>) semaphore(%arg11 : memref<!tpu.dma_semaphore, #tpu.memory_space<semaphore_mem>>)
      %while3A = arith.constant 0 : i32
      %while3A_127 = arith.constant 0 : i32
      %while3A_128 = arith.subi %min3A_93, %while3A_127 : i32
      %while3A_129 = arith.addi %while3A_127, %while3A_128 : i32
      %while3A_130 = arith.constant 1 : i32
      %while3A_131 = arith.divsi %while3A_128, %while3A_130 : i32
      %while3A_132 = arith.muli %while3A_131, %while3A_130 : i32
      %while3A_133 = arith.addi %while3A_127, %while3A_132 : i32
      %while3A_134 = arith.constant 1 : i32
      scf.for %while3A_146 = %while3A_127 to %while3A_133 step %while3A_134  : i32 {
        %jit3A_147 = arith.constant 2 : i32
        %eq3A_148 = arith.constant 0 : i32
        %eq3A_149 = arith.cmpi eq, %jit3A_147, %eq3A_148 : i32
        %jit3A_150 = arith.constant 1 : i32
        %select_n3A = arith.select %eq3A_149, %jit3A_150, %jit3A_147 : i32
        %rem3A = arith.remsi %while3A_146, %select_n3A : i32
        %ne3A = arith.constant 0 : i32
        %ne3A_151 = arith.cmpi ne, %rem3A, %ne3A : i32
        %lt3A_152 = arith.constant 0 : i32
        %lt3A_153 = arith.cmpi slt, %rem3A, %lt3A_152 : i32
        %lt3A_154 = arith.constant 0 : i32
        %lt3A_155 = arith.cmpi slt, %select_n3A, %lt3A_154 : i32
        %ne3A_156 = arith.xori %lt3A_153, %lt3A_155 : i1
        %and3A = arith.andi %ne3A_156, %ne3A_151 : i1
        %add3A_157 = arith.addi %rem3A, %select_n3A : i32
        %select_n3A_158 = arith.select %and3A, %add3A_157, %rem3A : i32
        %eq3A_159 = arith.constant 0 : i32
        %eq3A_160 = arith.cmpi eq, %select_n3A_158, %eq3A_159 : i32
        %convert_element_type3A_161 = arith.extui %eq3A_160 : i1 to i32
        %cond3A_162 = arith.constant 0 : i32
        %cond3A_163 = arith.cmpi ne, %convert_element_type3A_161, %cond3A_162 : i32
        scf.if %cond3A_163 {
          %ge3A_185 = arith.constant 1 : i32
          %ge3A_186 = arith.cmpi sge, %while3A_146, %ge3A_185 : i32
          %add3A_187 = arith.constant 1 : i32
          %add3A_188 = arith.addi %while3A_146, %add3A_187 : i32
          %lt3A_189 = arith.cmpi slt, %add3A_188, %min3A_93 : i32
          %and3A_190 = arith.andi %ge3A_186, %lt3A_189 : i1
          %convert_element_type3A_191 = arith.extui %and3A_190 : i1 to i32
          %cond3A_192 = arith.constant 0 : i32
          %cond3A_193 = arith.cmpi ne, %convert_element_type3A_191, %cond3A_192 : i32
          scf.if %cond3A_193 {
            %dma_wait3A_213 = arith.constant 0 : i32
            %dma_wait3A_214 = arith.constant 0 : i32
            %dma_wait3A_215 = tpu.memref_slice %arg8[%dma_wait3A_213, %dma_wait3A_214] : memref<40x128xi32, #tpu.memory_space<vmem>> -> memref<1x128xi32, #tpu.memory_space<vmem>>
            %dma_wait3A_216 = tpu.memref_squeeze %dma_wait3A_215 : memref<1x128xi32, #tpu.memory_space<vmem>> -> memref<128xi32, #tpu.memory_space<vmem>>
            %dma_wait3A_217 = arith.constant 0 : i32
            %dma_wait3A_218 = arith.constant 0 : i32
            %dma_wait3A_219 = tpu.memref_slice %arg6[%dma_wait3A_217, %dma_wait3A_218] : memref<10000x128xf32, #tpu.memory_space<vmem_shared>> -> memref<10000x128xf32, #tpu.memory_space<vmem_shared>>
            tpu.wait_indirect_dma semaphore(%arg12 : memref<!tpu.dma_semaphore, #tpu.memory_space<semaphore_mem>>) src(%arg10 : memref<128x128xf32, #tpu.memory_space<vmem>>) dst(%dma_wait3A_219 : memref<10000x128xf32, #tpu.memory_space<vmem_shared>>)
          } else {
          }
          %add3A_194 = arith.constant 1 : i32
          %add3A_195 = arith.addi %while3A_146, %add3A_194 : i32
          %lt3A_196 = arith.cmpi slt, %add3A_195, %min3A_93 : i32
          %convert_element_type3A_197 = arith.extui %lt3A_196 : i1 to i32
          %cond3A_198 = arith.constant 0 : i32
          %cond3A_199 = arith.cmpi ne, %convert_element_type3A_197, %cond3A_198 : i32
          scf.if %cond3A_199 {
            %add3A_213 = arith.constant 1 : i32
            %add3A_214 = arith.addi %while3A_146, %add3A_213 : i32
            %dma_start3A_215 = arith.constant 0 : i32
            %dma_start3A_216 = tpu.memref_slice %arg7[%add3A_214, %dma_start3A_215] : memref<40x128xi32, #tpu.memory_space<vmem>> -> memref<1x128xi32, #tpu.memory_space<vmem>>
            %dma_start3A_217 = tpu.memref_squeeze %dma_start3A_216 : memref<1x128xi32, #tpu.memory_space<vmem>> -> memref<128xi32, #tpu.memory_space<vmem>>
            %dma_start3A_218 = arith.constant 0 : i32
            %dma_start3A_219 = arith.constant 0 : i32
            %dma_start3A_220 = tpu.memref_slice %arg2[%dma_start3A_218, %dma_start3A_219] : memref<10000x128xf32, #tpu.memory_space<hbm>> -> memref<10000x128xf32, #tpu.memory_space<hbm>>
            tpu.enqueue_indirect_dma source(%dma_start3A_220 : memref<10000x128xf32, #tpu.memory_space<hbm>>) target(%arg10 : memref<128x128xf32, #tpu.memory_space<vmem>>) offsets(%dma_start3A_217 : memref<128xi32, #tpu.memory_space<vmem>>) semaphore(%arg11 : memref<!tpu.dma_semaphore, #tpu.memory_space<semaphore_mem>>)
          } else {
          }
          %dma_wait3A_200 = arith.constant 0 : i32
          %dma_wait3A_201 = arith.constant 0 : i32
          %dma_wait3A_202 = tpu.memref_slice %arg7[%dma_wait3A_200, %dma_wait3A_201] : memref<40x128xi32, #tpu.memory_space<vmem>> -> memref<1x128xi32, #tpu.memory_space<vmem>>
          %dma_wait3A_203 = tpu.memref_squeeze %dma_wait3A_202 : memref<1x128xi32, #tpu.memory_space<vmem>> -> memref<128xi32, #tpu.memory_space<vmem>>
          %dma_wait3A_204 = arith.constant 0 : i32
          %dma_wait3A_205 = arith.constant 0 : i32
          %dma_wait3A_206 = tpu.memref_slice %arg2[%dma_wait3A_204, %dma_wait3A_205] : memref<10000x128xf32, #tpu.memory_space<hbm>> -> memref<10000x128xf32, #tpu.memory_space<hbm>>
          tpu.wait_indirect_dma semaphore(%arg11 : memref<!tpu.dma_semaphore, #tpu.memory_space<semaphore_mem>>) src(%dma_wait3A_206 : memref<10000x128xf32, #tpu.memory_space<hbm>>) dst(%arg9 : memref<128x128xf32, #tpu.memory_space<vmem>>)
          %dma_start3A_207 = arith.constant 0 : i32
          %dma_start3A_208 = tpu.memref_slice %arg8[%while3A_146, %dma_start3A_207] : memref<40x128xi32, #tpu.memory_space<vmem>> -> memref<1x128xi32, #tpu.memory_space<vmem>>
          %dma_start3A_209 = tpu.memref_squeeze %dma_start3A_208 : memref<1x128xi32, #tpu.memory_space<vmem>> -> memref<128xi32, #tpu.memory_space<vmem>>
          %dma_start3A_210 = arith.constant 0 : i32
          %dma_start3A_211 = arith.constant 0 : i32
          %dma_start3A_212 = tpu.memref_slice %arg6[%dma_start3A_210, %dma_start3A_211] : memref<10000x128xf32, #tpu.memory_space<vmem_shared>> -> memref<10000x128xf32, #tpu.memory_space<vmem_shared>>
          tpu.enqueue_indirect_dma source(%arg9 : memref<128x128xf32, #tpu.memory_space<vmem>>) target(%dma_start3A_212 : memref<10000x128xf32, #tpu.memory_space<vmem_shared>>) offsets(%dma_start3A_209 : memref<128xi32, #tpu.memory_space<vmem>>) semaphore(%arg12 : memref<!tpu.dma_semaphore, #tpu.memory_space<semaphore_mem>>) {add = true}
        } else {
        }
        %jit3A_164 = arith.constant 2 : i32
        %eq3A_165 = arith.constant 0 : i32
        %eq3A_166 = arith.cmpi eq, %jit3A_164, %eq3A_165 : i32
        %jit3A_167 = arith.constant 1 : i32
        %select_n3A_168 = arith.select %eq3A_166, %jit3A_167, %jit3A_164 : i32
        %rem3A_169 = arith.remsi %while3A_146, %select_n3A_168 : i32
        %ne3A_170 = arith.constant 0 : i32
        %ne3A_171 = arith.cmpi ne, %rem3A_169, %ne3A_170 : i32
        %lt3A_172 = arith.constant 0 : i32
        %lt3A_173 = arith.cmpi slt, %rem3A_169, %lt3A_172 : i32
        %lt3A_174 = arith.constant 0 : i32
        %lt3A_175 = arith.cmpi slt, %select_n3A_168, %lt3A_174 : i32
        %ne3A_176 = arith.xori %lt3A_173, %lt3A_175 : i1
        %and3A_177 = arith.andi %ne3A_176, %ne3A_171 : i1
        %add3A_178 = arith.addi %rem3A_169, %select_n3A_168 : i32
        %select_n3A_179 = arith.select %and3A_177, %add3A_178, %rem3A_169 : i32
        %eq3A_180 = arith.constant 1 : i32
        %eq3A_181 = arith.cmpi eq, %select_n3A_179, %eq3A_180 : i32
        %convert_element_type3A_182 = arith.extui %eq3A_181 : i1 to i32
        %cond3A_183 = arith.constant 0 : i32
        %cond3A_184 = arith.cmpi ne, %convert_element_type3A_182, %cond3A_183 : i32
        scf.if %cond3A_184 {
          %ge3A_185 = arith.constant 1 : i32
          %ge3A_186 = arith.cmpi sge, %while3A_146, %ge3A_185 : i32
          %add3A_187 = arith.constant 1 : i32
          %add3A_188 = arith.addi %while3A_146, %add3A_187 : i32
          %lt3A_189 = arith.cmpi slt, %add3A_188, %min3A_93 : i32
          %and3A_190 = arith.andi %ge3A_186, %lt3A_189 : i1
          %convert_element_type3A_191 = arith.extui %and3A_190 : i1 to i32
          %cond3A_192 = arith.constant 0 : i32
          %cond3A_193 = arith.cmpi ne, %convert_element_type3A_191, %cond3A_192 : i32
          scf.if %cond3A_193 {
            %dma_wait3A_213 = arith.constant 0 : i32
            %dma_wait3A_214 = arith.constant 0 : i32
            %dma_wait3A_215 = tpu.memref_slice %arg8[%dma_wait3A_213, %dma_wait3A_214] : memref<40x128xi32, #tpu.memory_space<vmem>> -> memref<1x128xi32, #tpu.memory_space<vmem>>
            %dma_wait3A_216 = tpu.memref_squeeze %dma_wait3A_215 : memref<1x128xi32, #tpu.memory_space<vmem>> -> memref<128xi32, #tpu.memory_space<vmem>>
            %dma_wait3A_217 = arith.constant 0 : i32
            %dma_wait3A_218 = arith.constant 0 : i32
            %dma_wait3A_219 = tpu.memref_slice %arg6[%dma_wait3A_217, %dma_wait3A_218] : memref<10000x128xf32, #tpu.memory_space<vmem_shared>> -> memref<10000x128xf32, #tpu.memory_space<vmem_shared>>
            tpu.wait_indirect_dma semaphore(%arg12 : memref<!tpu.dma_semaphore, #tpu.memory_space<semaphore_mem>>) src(%arg9 : memref<128x128xf32, #tpu.memory_space<vmem>>) dst(%dma_wait3A_219 : memref<10000x128xf32, #tpu.memory_space<vmem_shared>>)
          } else {
          }
          %add3A_194 = arith.constant 1 : i32
          %add3A_195 = arith.addi %while3A_146, %add3A_194 : i32
          %lt3A_196 = arith.cmpi slt, %add3A_195, %min3A_93 : i32
          %convert_element_type3A_197 = arith.extui %lt3A_196 : i1 to i32
          %cond3A_198 = arith.constant 0 : i32
          %cond3A_199 = arith.cmpi ne, %convert_element_type3A_197, %cond3A_198 : i32
          scf.if %cond3A_199 {
            %add3A_213 = arith.constant 1 : i32
            %add3A_214 = arith.addi %while3A_146, %add3A_213 : i32
            %dma_start3A_215 = arith.constant 0 : i32
            %dma_start3A_216 = tpu.memref_slice %arg7[%add3A_214, %dma_start3A_215] : memref<40x128xi32, #tpu.memory_space<vmem>> -> memref<1x128xi32, #tpu.memory_space<vmem>>
            %dma_start3A_217 = tpu.memref_squeeze %dma_start3A_216 : memref<1x128xi32, #tpu.memory_space<vmem>> -> memref<128xi32, #tpu.memory_space<vmem>>
            %dma_start3A_218 = arith.constant 0 : i32
            %dma_start3A_219 = arith.constant 0 : i32
            %dma_start3A_220 = tpu.memref_slice %arg2[%dma_start3A_218, %dma_start3A_219] : memref<10000x128xf32, #tpu.memory_space<hbm>> -> memref<10000x128xf32, #tpu.memory_space<hbm>>
            tpu.enqueue_indirect_dma source(%dma_start3A_220 : memref<10000x128xf32, #tpu.memory_space<hbm>>) target(%arg9 : memref<128x128xf32, #tpu.memory_space<vmem>>) offsets(%dma_start3A_217 : memref<128xi32, #tpu.memory_space<vmem>>) semaphore(%arg11 : memref<!tpu.dma_semaphore, #tpu.memory_space<semaphore_mem>>)
          } else {
          }
          %dma_wait3A_200 = arith.constant 0 : i32
          %dma_wait3A_201 = arith.constant 0 : i32
          %dma_wait3A_202 = tpu.memref_slice %arg7[%dma_wait3A_200, %dma_wait3A_201] : memref<40x128xi32, #tpu.memory_space<vmem>> -> memref<1x128xi32, #tpu.memory_space<vmem>>
          %dma_wait3A_203 = tpu.memref_squeeze %dma_wait3A_202 : memref<1x128xi32, #tpu.memory_space<vmem>> -> memref<128xi32, #tpu.memory_space<vmem>>
          %dma_wait3A_204 = arith.constant 0 : i32
          %dma_wait3A_205 = arith.constant 0 : i32
          %dma_wait3A_206 = tpu.memref_slice %arg2[%dma_wait3A_204, %dma_wait3A_205] : memref<10000x128xf32, #tpu.memory_space<hbm>> -> memref<10000x128xf32, #tpu.memory_space<hbm>>
          tpu.wait_indirect_dma semaphore(%arg11 : memref<!tpu.dma_semaphore, #tpu.memory_space<semaphore_mem>>) src(%dma_wait3A_206 : memref<10000x128xf32, #tpu.memory_space<hbm>>) dst(%arg10 : memref<128x128xf32, #tpu.memory_space<vmem>>)
          %dma_start3A_207 = arith.constant 0 : i32
          %dma_start3A_208 = tpu.memref_slice %arg8[%while3A_146, %dma_start3A_207] : memref<40x128xi32, #tpu.memory_space<vmem>> -> memref<1x128xi32, #tpu.memory_space<vmem>>
          %dma_start3A_209 = tpu.memref_squeeze %dma_start3A_208 : memref<1x128xi32, #tpu.memory_space<vmem>> -> memref<128xi32, #tpu.memory_space<vmem>>
          %dma_start3A_210 = arith.constant 0 : i32
          %dma_start3A_211 = arith.constant 0 : i32
          %dma_start3A_212 = tpu.memref_slice %arg6[%dma_start3A_210, %dma_start3A_211] : memref<10000x128xf32, #tpu.memory_space<vmem_shared>> -> memref<10000x128xf32, #tpu.memory_space<vmem_shared>>
          tpu.enqueue_indirect_dma source(%arg10 : memref<128x128xf32, #tpu.memory_space<vmem>>) target(%dma_start3A_212 : memref<10000x128xf32, #tpu.memory_space<vmem_shared>>) offsets(%dma_start3A_209 : memref<128xi32, #tpu.memory_space<vmem>>) semaphore(%arg12 : memref<!tpu.dma_semaphore, #tpu.memory_space<semaphore_mem>>) {add = true}
        } else {
        }
      }
      %while3A_135 = arith.constant 1 : i32
      scf.for %while3A_146 = %while3A_133 to %while3A_129 step %while3A_135  : i32 {
        %jit3A_147 = arith.constant 2 : i32
        %eq3A_148 = arith.constant 0 : i32
        %eq3A_149 = arith.cmpi eq, %jit3A_147, %eq3A_148 : i32
        %jit3A_150 = arith.constant 1 : i32
        %select_n3A = arith.select %eq3A_149, %jit3A_150, %jit3A_147 : i32
        %rem3A = arith.remsi %while3A_146, %select_n3A : i32
        %ne3A = arith.constant 0 : i32
        %ne3A_151 = arith.cmpi ne, %rem3A, %ne3A : i32
        %lt3A_152 = arith.constant 0 : i32
        %lt3A_153 = arith.cmpi slt, %rem3A, %lt3A_152 : i32
        %lt3A_154 = arith.constant 0 : i32
        %lt3A_155 = arith.cmpi slt, %select_n3A, %lt3A_154 : i32
        %ne3A_156 = arith.xori %lt3A_153, %lt3A_155 : i1
        %and3A = arith.andi %ne3A_156, %ne3A_151 : i1
        %add3A_157 = arith.addi %rem3A, %select_n3A : i32
        %select_n3A_158 = arith.select %and3A, %add3A_157, %rem3A : i32
        %eq3A_159 = arith.constant 0 : i32
        %eq3A_160 = arith.cmpi eq, %select_n3A_158, %eq3A_159 : i32
        %convert_element_type3A_161 = arith.extui %eq3A_160 : i1 to i32
        %cond3A_162 = arith.constant 0 : i32
        %cond3A_163 = arith.cmpi ne, %convert_element_type3A_161, %cond3A_162 : i32
        scf.if %cond3A_163 {
          %ge3A_185 = arith.constant 1 : i32
          %ge3A_186 = arith.cmpi sge, %while3A_146, %ge3A_185 : i32
          %add3A_187 = arith.constant 1 : i32
          %add3A_188 = arith.addi %while3A_146, %add3A_187 : i32
          %lt3A_189 = arith.cmpi slt, %add3A_188, %min3A_93 : i32
          %and3A_190 = arith.andi %ge3A_186, %lt3A_189 : i1
          %convert_element_type3A_191 = arith.extui %and3A_190 : i1 to i32
          %cond3A_192 = arith.constant 0 : i32
          %cond3A_193 = arith.cmpi ne, %convert_element_type3A_191, %cond3A_192 : i32
          scf.if %cond3A_193 {
            %dma_wait3A_213 = arith.constant 0 : i32
            %dma_wait3A_214 = arith.constant 0 : i32
            %dma_wait3A_215 = tpu.memref_slice %arg8[%dma_wait3A_213, %dma_wait3A_214] : memref<40x128xi32, #tpu.memory_space<vmem>> -> memref<1x128xi32, #tpu.memory_space<vmem>>
            %dma_wait3A_216 = tpu.memref_squeeze %dma_wait3A_215 : memref<1x128xi32, #tpu.memory_space<vmem>> -> memref<128xi32, #tpu.memory_space<vmem>>
            %dma_wait3A_217 = arith.constant 0 : i32
            %dma_wait3A_218 = arith.constant 0 : i32
            %dma_wait3A_219 = tpu.memref_slice %arg6[%dma_wait3A_217, %dma_wait3A_218] : memref<10000x128xf32, #tpu.memory_space<vmem_shared>> -> memref<10000x128xf32, #tpu.memory_space<vmem_shared>>
            tpu.wait_indirect_dma semaphore(%arg12 : memref<!tpu.dma_semaphore, #tpu.memory_space<semaphore_mem>>) src(%arg10 : memref<128x128xf32, #tpu.memory_space<vmem>>) dst(%dma_wait3A_219 : memref<10000x128xf32, #tpu.memory_space<vmem_shared>>)
          } else {
          }
          %add3A_194 = arith.constant 1 : i32
          %add3A_195 = arith.addi %while3A_146, %add3A_194 : i32
          %lt3A_196 = arith.cmpi slt, %add3A_195, %min3A_93 : i32
          %convert_element_type3A_197 = arith.extui %lt3A_196 : i1 to i32
          %cond3A_198 = arith.constant 0 : i32
          %cond3A_199 = arith.cmpi ne, %convert_element_type3A_197, %cond3A_198 : i32
          scf.if %cond3A_199 {
            %add3A_213 = arith.constant 1 : i32
            %add3A_214 = arith.addi %while3A_146, %add3A_213 : i32
            %dma_start3A_215 = arith.constant 0 : i32
            %dma_start3A_216 = tpu.memref_slice %arg7[%add3A_214, %dma_start3A_215] : memref<40x128xi32, #tpu.memory_space<vmem>> -> memref<1x128xi32, #tpu.memory_space<vmem>>
            %dma_start3A_217 = tpu.memref_squeeze %dma_start3A_216 : memref<1x128xi32, #tpu.memory_space<vmem>> -> memref<128xi32, #tpu.memory_space<vmem>>
            %dma_start3A_218 = arith.constant 0 : i32
            %dma_start3A_219 = arith.constant 0 : i32
            %dma_start3A_220 = tpu.memref_slice %arg2[%dma_start3A_218, %dma_start3A_219] : memref<10000x128xf32, #tpu.memory_space<hbm>> -> memref<10000x128xf32, #tpu.memory_space<hbm>>
            tpu.enqueue_indirect_dma source(%dma_start3A_220 : memref<10000x128xf32, #tpu.memory_space<hbm>>) target(%arg10 : memref<128x128xf32, #tpu.memory_space<vmem>>) offsets(%dma_start3A_217 : memref<128xi32, #tpu.memory_space<vmem>>) semaphore(%arg11 : memref<!tpu.dma_semaphore, #tpu.memory_space<semaphore_mem>>)
          } else {
          }
          %dma_wait3A_200 = arith.constant 0 : i32
          %dma_wait3A_201 = arith.constant 0 : i32
          %dma_wait3A_202 = tpu.memref_slice %arg7[%dma_wait3A_200, %dma_wait3A_201] : memref<40x128xi32, #tpu.memory_space<vmem>> -> memref<1x128xi32, #tpu.memory_space<vmem>>
          %dma_wait3A_203 = tpu.memref_squeeze %dma_wait3A_202 : memref<1x128xi32, #tpu.memory_space<vmem>> -> memref<128xi32, #tpu.memory_space<vmem>>
          %dma_wait3A_204 = arith.constant 0 : i32
          %dma_wait3A_205 = arith.constant 0 : i32
          %dma_wait3A_206 = tpu.memref_slice %arg2[%dma_wait3A_204, %dma_wait3A_205] : memref<10000x128xf32, #tpu.memory_space<hbm>> -> memref<10000x128xf32, #tpu.memory_space<hbm>>
          tpu.wait_indirect_dma semaphore(%arg11 : memref<!tpu.dma_semaphore, #tpu.memory_space<semaphore_mem>>) src(%dma_wait3A_206 : memref<10000x128xf32, #tpu.memory_space<hbm>>) dst(%arg9 : memref<128x128xf32, #tpu.memory_space<vmem>>)
          %dma_start3A_207 = arith.constant 0 : i32
          %dma_start3A_208 = tpu.memref_slice %arg8[%while3A_146, %dma_start3A_207] : memref<40x128xi32, #tpu.memory_space<vmem>> -> memref<1x128xi32, #tpu.memory_space<vmem>>
          %dma_start3A_209 = tpu.memref_squeeze %dma_start3A_208 : memref<1x128xi32, #tpu.memory_space<vmem>> -> memref<128xi32, #tpu.memory_space<vmem>>
          %dma_start3A_210 = arith.constant 0 : i32
          %dma_start3A_211 = arith.constant 0 : i32
          %dma_start3A_212 = tpu.memref_slice %arg6[%dma_start3A_210, %dma_start3A_211] : memref<10000x128xf32, #tpu.memory_space<vmem_shared>> -> memref<10000x128xf32, #tpu.memory_space<vmem_shared>>
          tpu.enqueue_indirect_dma source(%arg9 : memref<128x128xf32, #tpu.memory_space<vmem>>) target(%dma_start3A_212 : memref<10000x128xf32, #tpu.memory_space<vmem_shared>>) offsets(%dma_start3A_209 : memref<128xi32, #tpu.memory_space<vmem>>) semaphore(%arg12 : memref<!tpu.dma_semaphore, #tpu.memory_space<semaphore_mem>>) {add = true}
        } else {
        }
        %jit3A_164 = arith.constant 2 : i32
        %eq3A_165 = arith.constant 0 : i32
        %eq3A_166 = arith.cmpi eq, %jit3A_164, %eq3A_165 : i32
        %jit3A_167 = arith.constant 1 : i32
        %select_n3A_168 = arith.select %eq3A_166, %jit3A_167, %jit3A_164 : i32
        %rem3A_169 = arith.remsi %while3A_146, %select_n3A_168 : i32
        %ne3A_170 = arith.constant 0 : i32
        %ne3A_171 = arith.cmpi ne, %rem3A_169, %ne3A_170 : i32
        %lt3A_172 = arith.constant 0 : i32
        %lt3A_173 = arith.cmpi slt, %rem3A_169, %lt3A_172 : i32
        %lt3A_174 = arith.constant 0 : i32
        %lt3A_175 = arith.cmpi slt, %select_n3A_168, %lt3A_174 : i32
        %ne3A_176 = arith.xori %lt3A_173, %lt3A_175 : i1
        %and3A_177 = arith.andi %ne3A_176, %ne3A_171 : i1
        %add3A_178 = arith.addi %rem3A_169, %select_n3A_168 : i32
        %select_n3A_179 = arith.select %and3A_177, %add3A_178, %rem3A_169 : i32
        %eq3A_180 = arith.constant 1 : i32
        %eq3A_181 = arith.cmpi eq, %select_n3A_179, %eq3A_180 : i32
        %convert_element_type3A_182 = arith.extui %eq3A_181 : i1 to i32
        %cond3A_183 = arith.constant 0 : i32
        %cond3A_184 = arith.cmpi ne, %convert_element_type3A_182, %cond3A_183 : i32
        scf.if %cond3A_184 {
          %ge3A_185 = arith.constant 1 : i32
          %ge3A_186 = arith.cmpi sge, %while3A_146, %ge3A_185 : i32
          %add3A_187 = arith.constant 1 : i32
          %add3A_188 = arith.addi %while3A_146, %add3A_187 : i32
          %lt3A_189 = arith.cmpi slt, %add3A_188, %min3A_93 : i32
          %and3A_190 = arith.andi %ge3A_186, %lt3A_189 : i1
          %convert_element_type3A_191 = arith.extui %and3A_190 : i1 to i32
          %cond3A_192 = arith.constant 0 : i32
          %cond3A_193 = arith.cmpi ne, %convert_element_type3A_191, %cond3A_192 : i32
          scf.if %cond3A_193 {
            %dma_wait3A_213 = arith.constant 0 : i32
            %dma_wait3A_214 = arith.constant 0 : i32
            %dma_wait3A_215 = tpu.memref_slice %arg8[%dma_wait3A_213, %dma_wait3A_214] : memref<40x128xi32, #tpu.memory_space<vmem>> -> memref<1x128xi32, #tpu.memory_space<vmem>>
            %dma_wait3A_216 = tpu.memref_squeeze %dma_wait3A_215 : memref<1x128xi32, #tpu.memory_space<vmem>> -> memref<128xi32, #tpu.memory_space<vmem>>
            %dma_wait3A_217 = arith.constant 0 : i32
            %dma_wait3A_218 = arith.constant 0 : i32
            %dma_wait3A_219 = tpu.memref_slice %arg6[%dma_wait3A_217, %dma_wait3A_218] : memref<10000x128xf32, #tpu.memory_space<vmem_shared>> -> memref<10000x128xf32, #tpu.memory_space<vmem_shared>>
            tpu.wait_indirect_dma semaphore(%arg12 : memref<!tpu.dma_semaphore, #tpu.memory_space<semaphore_mem>>) src(%arg9 : memref<128x128xf32, #tpu.memory_space<vmem>>) dst(%dma_wait3A_219 : memref<10000x128xf32, #tpu.memory_space<vmem_shared>>)
          } else {
          }
          %add3A_194 = arith.constant 1 : i32
          %add3A_195 = arith.addi %while3A_146, %add3A_194 : i32
          %lt3A_196 = arith.cmpi slt, %add3A_195, %min3A_93 : i32
          %convert_element_type3A_197 = arith.extui %lt3A_196 : i1 to i32
          %cond3A_198 = arith.constant 0 : i32
          %cond3A_199 = arith.cmpi ne, %convert_element_type3A_197, %cond3A_198 : i32
          scf.if %cond3A_199 {
            %add3A_213 = arith.constant 1 : i32
            %add3A_214 = arith.addi %while3A_146, %add3A_213 : i32
            %dma_start3A_215 = arith.constant 0 : i32
            %dma_start3A_216 = tpu.memref_slice %arg7[%add3A_214, %dma_start3A_215] : memref<40x128xi32, #tpu.memory_space<vmem>> -> memref<1x128xi32, #tpu.memory_space<vmem>>
            %dma_start3A_217 = tpu.memref_squeeze %dma_start3A_216 : memref<1x128xi32, #tpu.memory_space<vmem>> -> memref<128xi32, #tpu.memory_space<vmem>>
            %dma_start3A_218 = arith.constant 0 : i32
            %dma_start3A_219 = arith.constant 0 : i32
            %dma_start3A_220 = tpu.memref_slice %arg2[%dma_start3A_218, %dma_start3A_219] : memref<10000x128xf32, #tpu.memory_space<hbm>> -> memref<10000x128xf32, #tpu.memory_space<hbm>>
            tpu.enqueue_indirect_dma source(%dma_start3A_220 : memref<10000x128xf32, #tpu.memory_space<hbm>>) target(%arg9 : memref<128x128xf32, #tpu.memory_space<vmem>>) offsets(%dma_start3A_217 : memref<128xi32, #tpu.memory_space<vmem>>) semaphore(%arg11 : memref<!tpu.dma_semaphore, #tpu.memory_space<semaphore_mem>>)
          } else {
          }
          %dma_wait3A_200 = arith.constant 0 : i32
          %dma_wait3A_201 = arith.constant 0 : i32
          %dma_wait3A_202 = tpu.memref_slice %arg7[%dma_wait3A_200, %dma_wait3A_201] : memref<40x128xi32, #tpu.memory_space<vmem>> -> memref<1x128xi32, #tpu.memory_space<vmem>>
          %dma_wait3A_203 = tpu.memref_squeeze %dma_wait3A_202 : memref<1x128xi32, #tpu.memory_space<vmem>> -> memref<128xi32, #tpu.memory_space<vmem>>
          %dma_wait3A_204 = arith.constant 0 : i32
          %dma_wait3A_205 = arith.constant 0 : i32
          %dma_wait3A_206 = tpu.memref_slice %arg2[%dma_wait3A_204, %dma_wait3A_205] : memref<10000x128xf32, #tpu.memory_space<hbm>> -> memref<10000x128xf32, #tpu.memory_space<hbm>>
          tpu.wait_indirect_dma semaphore(%arg11 : memref<!tpu.dma_semaphore, #tpu.memory_space<semaphore_mem>>) src(%dma_wait3A_206 : memref<10000x128xf32, #tpu.memory_space<hbm>>) dst(%arg10 : memref<128x128xf32, #tpu.memory_space<vmem>>)
          %dma_start3A_207 = arith.constant 0 : i32
          %dma_start3A_208 = tpu.memref_slice %arg8[%while3A_146, %dma_start3A_207] : memref<40x128xi32, #tpu.memory_space<vmem>> -> memref<1x128xi32, #tpu.memory_space<vmem>>
          %dma_start3A_209 = tpu.memref_squeeze %dma_start3A_208 : memref<1x128xi32, #tpu.memory_space<vmem>> -> memref<128xi32, #tpu.memory_space<vmem>>
          %dma_start3A_210 = arith.constant 0 : i32
          %dma_start3A_211 = arith.constant 0 : i32
          %dma_start3A_212 = tpu.memref_slice %arg6[%dma_start3A_210, %dma_start3A_211] : memref<10000x128xf32, #tpu.memory_space<vmem_shared>> -> memref<10000x128xf32, #tpu.memory_space<vmem_shared>>
          tpu.enqueue_indirect_dma source(%arg10 : memref<128x128xf32, #tpu.memory_space<vmem>>) target(%dma_start3A_212 : memref<10000x128xf32, #tpu.memory_space<vmem_shared>>) offsets(%dma_start3A_209 : memref<128xi32, #tpu.memory_space<vmem>>) semaphore(%arg12 : memref<!tpu.dma_semaphore, #tpu.memory_space<semaphore_mem>>) {add = true}
        } else {
        }
      }
      %dma_wait3A = arith.constant 0 : i32
      %dma_wait3A_136 = arith.constant 0 : i32
      %dma_wait3A_137 = tpu.memref_slice %arg8[%dma_wait3A, %dma_wait3A_136] : memref<40x128xi32, #tpu.memory_space<vmem>> -> memref<1x128xi32, #tpu.memory_space<vmem>>
      %dma_wait3A_138 = tpu.memref_squeeze %dma_wait3A_137 : memref<1x128xi32, #tpu.memory_space<vmem>> -> memref<128xi32, #tpu.memory_space<vmem>>
      %dma_wait3A_139 = arith.constant 0 : i32
      %dma_wait3A_140 = arith.constant 0 : i32
      %dma_wait3A_141 = tpu.memref_slice %arg6[%dma_wait3A_139, %dma_wait3A_140] : memref<10000x128xf32, #tpu.memory_space<vmem_shared>> -> memref<10000x128xf32, #tpu.memory_space<vmem_shared>>
      tpu.wait_indirect_dma semaphore(%arg12 : memref<!tpu.dma_semaphore, #tpu.memory_space<semaphore_mem>>) src(%arg9 : memref<128x128xf32, #tpu.memory_space<vmem>>) dst(%dma_wait3A_141 : memref<10000x128xf32, #tpu.memory_space<vmem_shared>>)
      %ge3A = arith.constant 2 : i32
      %ge3A_142 = arith.cmpi sge, %min3A_93, %ge3A : i32
      %convert_element_type3A_143 = arith.extui %ge3A_142 : i1 to i32
      %cond3A_144 = arith.constant 0 : i32
      %cond3A_145 = arith.cmpi ne, %convert_element_type3A_143, %cond3A_144 : i32
      scf.if %cond3A_145 {
        %dma_wait3A_146 = arith.constant 0 : i32
        %dma_wait3A_147 = arith.constant 0 : i32
        %dma_wait3A_148 = tpu.memref_slice %arg8[%dma_wait3A_146, %dma_wait3A_147] : memref<40x128xi32, #tpu.memory_space<vmem>> -> memref<1x128xi32, #tpu.memory_space<vmem>>
        %dma_wait3A_149 = tpu.memref_squeeze %dma_wait3A_148 : memref<1x128xi32, #tpu.memory_space<vmem>> -> memref<128xi32, #tpu.memory_space<vmem>>
        %dma_wait3A_150 = arith.constant 0 : i32
        %dma_wait3A_151 = arith.constant 0 : i32
        %dma_wait3A_152 = tpu.memref_slice %arg6[%dma_wait3A_150, %dma_wait3A_151] : memref<10000x128xf32, #tpu.memory_space<vmem_shared>> -> memref<10000x128xf32, #tpu.memory_space<vmem_shared>>
        tpu.wait_indirect_dma semaphore(%arg12 : memref<!tpu.dma_semaphore, #tpu.memory_space<semaphore_mem>>) src(%arg10 : memref<128x128xf32, #tpu.memory_space<vmem>>) dst(%dma_wait3A_152 : memref<10000x128xf32, #tpu.memory_space<vmem_shared>>)
      } else {
      }
    } else {
    }
    %add3A_98 = arith.constant 40 : i32
    %add3A_99 = arith.addi %mul3A_83, %add3A_98 : i32
    %sub3A_100 = arith.constant 40 : i32
    %sub3A_101 = arith.subi %min3A, %sub3A_100 : i32
    %jit3A_102 = arith.constant 0 : i32
    %jit3A_103 = arith.constant 40 : i32
    %max3A_104 = arith.maxsi %jit3A_102, %sub3A_101 : i32
    %min3A_105 = arith.minsi %jit3A_103, %max3A_104 : i32
    %gt3A_106 = arith.constant 0 : i32
    %gt3A_107 = arith.cmpi sgt, %min3A_105, %gt3A_106 : i32
    %convert_element_type3A_108 = arith.extui %gt3A_107 : i1 to i32
    %cond3A_109 = arith.constant 0 : i32
    %cond3A_110 = arith.cmpi ne, %convert_element_type3A_108, %cond3A_109 : i32
    scf.if %cond3A_110 {
      "tpu.region"() ({
        %run_scoped3A = tpu.sem_alloc : memref<!tpu.dma_semaphore, #tpu.memory_space<semaphore_mem>>
        %dma_start3A_146 = arith.constant 0 : i32
        %dma_start3A_147 = tpu.memref_slice %arg3[%add3A_99, %dma_start3A_146] : memref<2560x128xi32, #tpu.memory_space<hbm>> -> memref<40x128xi32, #tpu.memory_space<hbm>>
        %dma_start3A_148 = arith.constant 0 : i32
        %dma_start3A_149 = tpu.memref_slice %arg3[%add3A_99, %dma_start3A_148] : memref<2560x128xi32, #tpu.memory_space<hbm>> -> memref<40x128xi32, #tpu.memory_space<hbm>>
        tpu.enqueue_dma source(%dma_start3A_149 : memref<40x128xi32, #tpu.memory_space<hbm>>) target(%arg7 : memref<40x128xi32, #tpu.memory_space<vmem>>) target_semaphore(%run_scoped3A : memref<!tpu.dma_semaphore, #tpu.memory_space<semaphore_mem>>)
        %dma_wait3A_150 = arith.constant 0 : i32
        %dma_wait3A_151 = tpu.memref_slice %arg3[%add3A_99, %dma_wait3A_150] : memref<2560x128xi32, #tpu.memory_space<hbm>> -> memref<40x128xi32, #tpu.memory_space<hbm>>
        %dma_wait3A_152 = arith.constant 0 : i32
        %dma_wait3A_153 = tpu.memref_slice %arg3[%add3A_99, %dma_wait3A_152] : memref<2560x128xi32, #tpu.memory_space<hbm>> -> memref<40x128xi32, #tpu.memory_space<hbm>>
        tpu.wait_dma2 semaphore(%run_scoped3A : memref<!tpu.dma_semaphore, #tpu.memory_space<semaphore_mem>>) src(%dma_wait3A_153 : memref<40x128xi32, #tpu.memory_space<hbm>>) dst(%arg7 : memref<40x128xi32, #tpu.memory_space<vmem>>)
        tpu.yield
      }) : () -> ()
      "tpu.region"() ({
        %run_scoped3A = tpu.sem_alloc : memref<!tpu.dma_semaphore, #tpu.memory_space<semaphore_mem>>
        %dma_start3A_146 = arith.constant 0 : i32
        %dma_start3A_147 = tpu.memref_slice %arg4[%add3A_99, %dma_start3A_146] : memref<2560x128xi32, #tpu.memory_space<hbm>> -> memref<40x128xi32, #tpu.memory_space<hbm>>
        %dma_start3A_148 = arith.constant 0 : i32
        %dma_start3A_149 = tpu.memref_slice %arg4[%add3A_99, %dma_start3A_148] : memref<2560x128xi32, #tpu.memory_space<hbm>> -> memref<40x128xi32, #tpu.memory_space<hbm>>
        tpu.enqueue_dma source(%dma_start3A_149 : memref<40x128xi32, #tpu.memory_space<hbm>>) target(%arg8 : memref<40x128xi32, #tpu.memory_space<vmem>>) target_semaphore(%run_scoped3A : memref<!tpu.dma_semaphore, #tpu.memory_space<semaphore_mem>>)
        %dma_wait3A_150 = arith.constant 0 : i32
        %dma_wait3A_151 = tpu.memref_slice %arg4[%add3A_99, %dma_wait3A_150] : memref<2560x128xi32, #tpu.memory_space<hbm>> -> memref<40x128xi32, #tpu.memory_space<hbm>>
        %dma_wait3A_152 = arith.constant 0 : i32
        %dma_wait3A_153 = tpu.memref_slice %arg4[%add3A_99, %dma_wait3A_152] : memref<2560x128xi32, #tpu.memory_space<hbm>> -> memref<40x128xi32, #tpu.memory_space<hbm>>
        tpu.wait_dma2 semaphore(%run_scoped3A : memref<!tpu.dma_semaphore, #tpu.memory_space<semaphore_mem>>) src(%dma_wait3A_153 : memref<40x128xi32, #tpu.memory_space<hbm>>) dst(%arg8 : memref<40x128xi32, #tpu.memory_space<vmem>>)
        tpu.yield
      }) : () -> ()
      %dma_start3A = arith.constant 0 : i32
      %dma_start3A_121 = arith.constant 0 : i32
      %dma_start3A_122 = tpu.memref_slice %arg7[%dma_start3A, %dma_start3A_121] : memref<40x128xi32, #tpu.memory_space<vmem>> -> memref<1x128xi32, #tpu.memory_space<vmem>>
      %dma_start3A_123 = tpu.memref_squeeze %dma_start3A_122 : memref<1x128xi32, #tpu.memory_space<vmem>> -> memref<128xi32, #tpu.memory_space<vmem>>
      %dma_start3A_124 = arith.constant 0 : i32
      %dma_start3A_125 = arith.constant 0 : i32
      %dma_start3A_126 = tpu.memref_slice %arg2[%dma_start3A_124, %dma_start3A_125] : memref<10000x128xf32, #tpu.memory_space<hbm>> -> memref<10000x128xf32, #tpu.memory_space<hbm>>
      tpu.enqueue_indirect_dma source(%dma_start3A_126 : memref<10000x128xf32, #tpu.memory_space<hbm>>) target(%arg9 : memref<128x128xf32, #tpu.memory_space<vmem>>) offsets(%dma_start3A_123 : memref<128xi32, #tpu.memory_space<vmem>>) semaphore(%arg11 : memref<!tpu.dma_semaphore, #tpu.memory_space<semaphore_mem>>)
      %while3A = arith.constant 0 : i32
      %while3A_127 = arith.constant 0 : i32
      %while3A_128 = arith.subi %min3A_105, %while3A_127 : i32
      %while3A_129 = arith.addi %while3A_127, %while3A_128 : i32
      %while3A_130 = arith.constant 1 : i32
      %while3A_131 = arith.divsi %while3A_128, %while3A_130 : i32
      %while3A_132 = arith.muli %while3A_131, %while3A_130 : i32
      %while3A_133 = arith.addi %while3A_127, %while3A_132 : i32
      %while3A_134 = arith.constant 1 : i32
      scf.for %while3A_146 = %while3A_127 to %while3A_133 step %while3A_134  : i32 {
        %jit3A_147 = arith.constant 2 : i32
        %eq3A_148 = arith.constant 0 : i32
        %eq3A_149 = arith.cmpi eq, %jit3A_147, %eq3A_148 : i32
        %jit3A_150 = arith.constant 1 : i32
        %select_n3A = arith.select %eq3A_149, %jit3A_150, %jit3A_147 : i32
        %rem3A = arith.remsi %while3A_146, %select_n3A : i32
        %ne3A = arith.constant 0 : i32
        %ne3A_151 = arith.cmpi ne, %rem3A, %ne3A : i32
        %lt3A_152 = arith.constant 0 : i32
        %lt3A_153 = arith.cmpi slt, %rem3A, %lt3A_152 : i32
        %lt3A_154 = arith.constant 0 : i32
        %lt3A_155 = arith.cmpi slt, %select_n3A, %lt3A_154 : i32
        %ne3A_156 = arith.xori %lt3A_153, %lt3A_155 : i1
        %and3A = arith.andi %ne3A_156, %ne3A_151 : i1
        %add3A_157 = arith.addi %rem3A, %select_n3A : i32
        %select_n3A_158 = arith.select %and3A, %add3A_157, %rem3A : i32
        %eq3A_159 = arith.constant 0 : i32
        %eq3A_160 = arith.cmpi eq, %select_n3A_158, %eq3A_159 : i32
        %convert_element_type3A_161 = arith.extui %eq3A_160 : i1 to i32
        %cond3A_162 = arith.constant 0 : i32
        %cond3A_163 = arith.cmpi ne, %convert_element_type3A_161, %cond3A_162 : i32
        scf.if %cond3A_163 {
          %ge3A_185 = arith.constant 1 : i32
          %ge3A_186 = arith.cmpi sge, %while3A_146, %ge3A_185 : i32
          %add3A_187 = arith.constant 1 : i32
          %add3A_188 = arith.addi %while3A_146, %add3A_187 : i32
          %lt3A_189 = arith.cmpi slt, %add3A_188, %min3A_105 : i32
          %and3A_190 = arith.andi %ge3A_186, %lt3A_189 : i1
          %convert_element_type3A_191 = arith.extui %and3A_190 : i1 to i32
          %cond3A_192 = arith.constant 0 : i32
          %cond3A_193 = arith.cmpi ne, %convert_element_type3A_191, %cond3A_192 : i32
          scf.if %cond3A_193 {
            %dma_wait3A_213 = arith.constant 0 : i32
            %dma_wait3A_214 = arith.constant 0 : i32
            %dma_wait3A_215 = tpu.memref_slice %arg8[%dma_wait3A_213, %dma_wait3A_214] : memref<40x128xi32, #tpu.memory_space<vmem>> -> memref<1x128xi32, #tpu.memory_space<vmem>>
            %dma_wait3A_216 = tpu.memref_squeeze %dma_wait3A_215 : memref<1x128xi32, #tpu.memory_space<vmem>> -> memref<128xi32, #tpu.memory_space<vmem>>
            %dma_wait3A_217 = arith.constant 0 : i32
            %dma_wait3A_218 = arith.constant 0 : i32
            %dma_wait3A_219 = tpu.memref_slice %arg6[%dma_wait3A_217, %dma_wait3A_218] : memref<10000x128xf32, #tpu.memory_space<vmem_shared>> -> memref<10000x128xf32, #tpu.memory_space<vmem_shared>>
            tpu.wait_indirect_dma semaphore(%arg12 : memref<!tpu.dma_semaphore, #tpu.memory_space<semaphore_mem>>) src(%arg10 : memref<128x128xf32, #tpu.memory_space<vmem>>) dst(%dma_wait3A_219 : memref<10000x128xf32, #tpu.memory_space<vmem_shared>>)
          } else {
          }
          %add3A_194 = arith.constant 1 : i32
          %add3A_195 = arith.addi %while3A_146, %add3A_194 : i32
          %lt3A_196 = arith.cmpi slt, %add3A_195, %min3A_105 : i32
          %convert_element_type3A_197 = arith.extui %lt3A_196 : i1 to i32
          %cond3A_198 = arith.constant 0 : i32
          %cond3A_199 = arith.cmpi ne, %convert_element_type3A_197, %cond3A_198 : i32
          scf.if %cond3A_199 {
            %add3A_213 = arith.constant 1 : i32
            %add3A_214 = arith.addi %while3A_146, %add3A_213 : i32
            %dma_start3A_215 = arith.constant 0 : i32
            %dma_start3A_216 = tpu.memref_slice %arg7[%add3A_214, %dma_start3A_215] : memref<40x128xi32, #tpu.memory_space<vmem>> -> memref<1x128xi32, #tpu.memory_space<vmem>>
            %dma_start3A_217 = tpu.memref_squeeze %dma_start3A_216 : memref<1x128xi32, #tpu.memory_space<vmem>> -> memref<128xi32, #tpu.memory_space<vmem>>
            %dma_start3A_218 = arith.constant 0 : i32
            %dma_start3A_219 = arith.constant 0 : i32
            %dma_start3A_220 = tpu.memref_slice %arg2[%dma_start3A_218, %dma_start3A_219] : memref<10000x128xf32, #tpu.memory_space<hbm>> -> memref<10000x128xf32, #tpu.memory_space<hbm>>
            tpu.enqueue_indirect_dma source(%dma_start3A_220 : memref<10000x128xf32, #tpu.memory_space<hbm>>) target(%arg10 : memref<128x128xf32, #tpu.memory_space<vmem>>) offsets(%dma_start3A_217 : memref<128xi32, #tpu.memory_space<vmem>>) semaphore(%arg11 : memref<!tpu.dma_semaphore, #tpu.memory_space<semaphore_mem>>)
          } else {
          }
          %dma_wait3A_200 = arith.constant 0 : i32
          %dma_wait3A_201 = arith.constant 0 : i32
          %dma_wait3A_202 = tpu.memref_slice %arg7[%dma_wait3A_200, %dma_wait3A_201] : memref<40x128xi32, #tpu.memory_space<vmem>> -> memref<1x128xi32, #tpu.memory_space<vmem>>
          %dma_wait3A_203 = tpu.memref_squeeze %dma_wait3A_202 : memref<1x128xi32, #tpu.memory_space<vmem>> -> memref<128xi32, #tpu.memory_space<vmem>>
          %dma_wait3A_204 = arith.constant 0 : i32
          %dma_wait3A_205 = arith.constant 0 : i32
          %dma_wait3A_206 = tpu.memref_slice %arg2[%dma_wait3A_204, %dma_wait3A_205] : memref<10000x128xf32, #tpu.memory_space<hbm>> -> memref<10000x128xf32, #tpu.memory_space<hbm>>
          tpu.wait_indirect_dma semaphore(%arg11 : memref<!tpu.dma_semaphore, #tpu.memory_space<semaphore_mem>>) src(%dma_wait3A_206 : memref<10000x128xf32, #tpu.memory_space<hbm>>) dst(%arg9 : memref<128x128xf32, #tpu.memory_space<vmem>>)
          %dma_start3A_207 = arith.constant 0 : i32
          %dma_start3A_208 = tpu.memref_slice %arg8[%while3A_146, %dma_start3A_207] : memref<40x128xi32, #tpu.memory_space<vmem>> -> memref<1x128xi32, #tpu.memory_space<vmem>>
          %dma_start3A_209 = tpu.memref_squeeze %dma_start3A_208 : memref<1x128xi32, #tpu.memory_space<vmem>> -> memref<128xi32, #tpu.memory_space<vmem>>
          %dma_start3A_210 = arith.constant 0 : i32
          %dma_start3A_211 = arith.constant 0 : i32
          %dma_start3A_212 = tpu.memref_slice %arg6[%dma_start3A_210, %dma_start3A_211] : memref<10000x128xf32, #tpu.memory_space<vmem_shared>> -> memref<10000x128xf32, #tpu.memory_space<vmem_shared>>
          tpu.enqueue_indirect_dma source(%arg9 : memref<128x128xf32, #tpu.memory_space<vmem>>) target(%dma_start3A_212 : memref<10000x128xf32, #tpu.memory_space<vmem_shared>>) offsets(%dma_start3A_209 : memref<128xi32, #tpu.memory_space<vmem>>) semaphore(%arg12 : memref<!tpu.dma_semaphore, #tpu.memory_space<semaphore_mem>>) {add = true}
        } else {
        }
        %jit3A_164 = arith.constant 2 : i32
        %eq3A_165 = arith.constant 0 : i32
        %eq3A_166 = arith.cmpi eq, %jit3A_164, %eq3A_165 : i32
        %jit3A_167 = arith.constant 1 : i32
        %select_n3A_168 = arith.select %eq3A_166, %jit3A_167, %jit3A_164 : i32
        %rem3A_169 = arith.remsi %while3A_146, %select_n3A_168 : i32
        %ne3A_170 = arith.constant 0 : i32
        %ne3A_171 = arith.cmpi ne, %rem3A_169, %ne3A_170 : i32
        %lt3A_172 = arith.constant 0 : i32
        %lt3A_173 = arith.cmpi slt, %rem3A_169, %lt3A_172 : i32
        %lt3A_174 = arith.constant 0 : i32
        %lt3A_175 = arith.cmpi slt, %select_n3A_168, %lt3A_174 : i32
        %ne3A_176 = arith.xori %lt3A_173, %lt3A_175 : i1
        %and3A_177 = arith.andi %ne3A_176, %ne3A_171 : i1
        %add3A_178 = arith.addi %rem3A_169, %select_n3A_168 : i32
        %select_n3A_179 = arith.select %and3A_177, %add3A_178, %rem3A_169 : i32
        %eq3A_180 = arith.constant 1 : i32
        %eq3A_181 = arith.cmpi eq, %select_n3A_179, %eq3A_180 : i32
        %convert_element_type3A_182 = arith.extui %eq3A_181 : i1 to i32
        %cond3A_183 = arith.constant 0 : i32
        %cond3A_184 = arith.cmpi ne, %convert_element_type3A_182, %cond3A_183 : i32
        scf.if %cond3A_184 {
          %ge3A_185 = arith.constant 1 : i32
          %ge3A_186 = arith.cmpi sge, %while3A_146, %ge3A_185 : i32
          %add3A_187 = arith.constant 1 : i32
          %add3A_188 = arith.addi %while3A_146, %add3A_187 : i32
          %lt3A_189 = arith.cmpi slt, %add3A_188, %min3A_105 : i32
          %and3A_190 = arith.andi %ge3A_186, %lt3A_189 : i1
          %convert_element_type3A_191 = arith.extui %and3A_190 : i1 to i32
          %cond3A_192 = arith.constant 0 : i32
          %cond3A_193 = arith.cmpi ne, %convert_element_type3A_191, %cond3A_192 : i32
          scf.if %cond3A_193 {
            %dma_wait3A_213 = arith.constant 0 : i32
            %dma_wait3A_214 = arith.constant 0 : i32
            %dma_wait3A_215 = tpu.memref_slice %arg8[%dma_wait3A_213, %dma_wait3A_214] : memref<40x128xi32, #tpu.memory_space<vmem>> -> memref<1x128xi32, #tpu.memory_space<vmem>>
            %dma_wait3A_216 = tpu.memref_squeeze %dma_wait3A_215 : memref<1x128xi32, #tpu.memory_space<vmem>> -> memref<128xi32, #tpu.memory_space<vmem>>
            %dma_wait3A_217 = arith.constant 0 : i32
            %dma_wait3A_218 = arith.constant 0 : i32
            %dma_wait3A_219 = tpu.memref_slice %arg6[%dma_wait3A_217, %dma_wait3A_218] : memref<10000x128xf32, #tpu.memory_space<vmem_shared>> -> memref<10000x128xf32, #tpu.memory_space<vmem_shared>>
            tpu.wait_indirect_dma semaphore(%arg12 : memref<!tpu.dma_semaphore, #tpu.memory_space<semaphore_mem>>) src(%arg9 : memref<128x128xf32, #tpu.memory_space<vmem>>) dst(%dma_wait3A_219 : memref<10000x128xf32, #tpu.memory_space<vmem_shared>>)
          } else {
          }
          %add3A_194 = arith.constant 1 : i32
          %add3A_195 = arith.addi %while3A_146, %add3A_194 : i32
          %lt3A_196 = arith.cmpi slt, %add3A_195, %min3A_105 : i32
          %convert_element_type3A_197 = arith.extui %lt3A_196 : i1 to i32
          %cond3A_198 = arith.constant 0 : i32
          %cond3A_199 = arith.cmpi ne, %convert_element_type3A_197, %cond3A_198 : i32
          scf.if %cond3A_199 {
            %add3A_213 = arith.constant 1 : i32
            %add3A_214 = arith.addi %while3A_146, %add3A_213 : i32
            %dma_start3A_215 = arith.constant 0 : i32
            %dma_start3A_216 = tpu.memref_slice %arg7[%add3A_214, %dma_start3A_215] : memref<40x128xi32, #tpu.memory_space<vmem>> -> memref<1x128xi32, #tpu.memory_space<vmem>>
            %dma_start3A_217 = tpu.memref_squeeze %dma_start3A_216 : memref<1x128xi32, #tpu.memory_space<vmem>> -> memref<128xi32, #tpu.memory_space<vmem>>
            %dma_start3A_218 = arith.constant 0 : i32
            %dma_start3A_219 = arith.constant 0 : i32
            %dma_start3A_220 = tpu.memref_slice %arg2[%dma_start3A_218, %dma_start3A_219] : memref<10000x128xf32, #tpu.memory_space<hbm>> -> memref<10000x128xf32, #tpu.memory_space<hbm>>
            tpu.enqueue_indirect_dma source(%dma_start3A_220 : memref<10000x128xf32, #tpu.memory_space<hbm>>) target(%arg9 : memref<128x128xf32, #tpu.memory_space<vmem>>) offsets(%dma_start3A_217 : memref<128xi32, #tpu.memory_space<vmem>>) semaphore(%arg11 : memref<!tpu.dma_semaphore, #tpu.memory_space<semaphore_mem>>)
          } else {
          }
          %dma_wait3A_200 = arith.constant 0 : i32
          %dma_wait3A_201 = arith.constant 0 : i32
          %dma_wait3A_202 = tpu.memref_slice %arg7[%dma_wait3A_200, %dma_wait3A_201] : memref<40x128xi32, #tpu.memory_space<vmem>> -> memref<1x128xi32, #tpu.memory_space<vmem>>
          %dma_wait3A_203 = tpu.memref_squeeze %dma_wait3A_202 : memref<1x128xi32, #tpu.memory_space<vmem>> -> memref<128xi32, #tpu.memory_space<vmem>>
          %dma_wait3A_204 = arith.constant 0 : i32
          %dma_wait3A_205 = arith.constant 0 : i32
          %dma_wait3A_206 = tpu.memref_slice %arg2[%dma_wait3A_204, %dma_wait3A_205] : memref<10000x128xf32, #tpu.memory_space<hbm>> -> memref<10000x128xf32, #tpu.memory_space<hbm>>
          tpu.wait_indirect_dma semaphore(%arg11 : memref<!tpu.dma_semaphore, #tpu.memory_space<semaphore_mem>>) src(%dma_wait3A_206 : memref<10000x128xf32, #tpu.memory_space<hbm>>) dst(%arg10 : memref<128x128xf32, #tpu.memory_space<vmem>>)
          %dma_start3A_207 = arith.constant 0 : i32
          %dma_start3A_208 = tpu.memref_slice %arg8[%while3A_146, %dma_start3A_207] : memref<40x128xi32, #tpu.memory_space<vmem>> -> memref<1x128xi32, #tpu.memory_space<vmem>>
          %dma_start3A_209 = tpu.memref_squeeze %dma_start3A_208 : memref<1x128xi32, #tpu.memory_space<vmem>> -> memref<128xi32, #tpu.memory_space<vmem>>
          %dma_start3A_210 = arith.constant 0 : i32
          %dma_start3A_211 = arith.constant 0 : i32
          %dma_start3A_212 = tpu.memref_slice %arg6[%dma_start3A_210, %dma_start3A_211] : memref<10000x128xf32, #tpu.memory_space<vmem_shared>> -> memref<10000x128xf32, #tpu.memory_space<vmem_shared>>
          tpu.enqueue_indirect_dma source(%arg10 : memref<128x128xf32, #tpu.memory_space<vmem>>) target(%dma_start3A_212 : memref<10000x128xf32, #tpu.memory_space<vmem_shared>>) offsets(%dma_start3A_209 : memref<128xi32, #tpu.memory_space<vmem>>) semaphore(%arg12 : memref<!tpu.dma_semaphore, #tpu.memory_space<semaphore_mem>>) {add = true}
        } else {
        }
      }
      %while3A_135 = arith.constant 1 : i32
      scf.for %while3A_146 = %while3A_133 to %while3A_129 step %while3A_135  : i32 {
        %jit3A_147 = arith.constant 2 : i32
        %eq3A_148 = arith.constant 0 : i32
        %eq3A_149 = arith.cmpi eq, %jit3A_147, %eq3A_148 : i32
        %jit3A_150 = arith.constant 1 : i32
        %select_n3A = arith.select %eq3A_149, %jit3A_150, %jit3A_147 : i32
        %rem3A = arith.remsi %while3A_146, %select_n3A : i32
        %ne3A = arith.constant 0 : i32
        %ne3A_151 = arith.cmpi ne, %rem3A, %ne3A : i32
        %lt3A_152 = arith.constant 0 : i32
        %lt3A_153 = arith.cmpi slt, %rem3A, %lt3A_152 : i32
        %lt3A_154 = arith.constant 0 : i32
        %lt3A_155 = arith.cmpi slt, %select_n3A, %lt3A_154 : i32
        %ne3A_156 = arith.xori %lt3A_153, %lt3A_155 : i1
        %and3A = arith.andi %ne3A_156, %ne3A_151 : i1
        %add3A_157 = arith.addi %rem3A, %select_n3A : i32
        %select_n3A_158 = arith.select %and3A, %add3A_157, %rem3A : i32
        %eq3A_159 = arith.constant 0 : i32
        %eq3A_160 = arith.cmpi eq, %select_n3A_158, %eq3A_159 : i32
        %convert_element_type3A_161 = arith.extui %eq3A_160 : i1 to i32
        %cond3A_162 = arith.constant 0 : i32
        %cond3A_163 = arith.cmpi ne, %convert_element_type3A_161, %cond3A_162 : i32
        scf.if %cond3A_163 {
          %ge3A_185 = arith.constant 1 : i32
          %ge3A_186 = arith.cmpi sge, %while3A_146, %ge3A_185 : i32
          %add3A_187 = arith.constant 1 : i32
          %add3A_188 = arith.addi %while3A_146, %add3A_187 : i32
          %lt3A_189 = arith.cmpi slt, %add3A_188, %min3A_105 : i32
          %and3A_190 = arith.andi %ge3A_186, %lt3A_189 : i1
          %convert_element_type3A_191 = arith.extui %and3A_190 : i1 to i32
          %cond3A_192 = arith.constant 0 : i32
          %cond3A_193 = arith.cmpi ne, %convert_element_type3A_191, %cond3A_192 : i32
          scf.if %cond3A_193 {
            %dma_wait3A_213 = arith.constant 0 : i32
            %dma_wait3A_214 = arith.constant 0 : i32
            %dma_wait3A_215 = tpu.memref_slice %arg8[%dma_wait3A_213, %dma_wait3A_214] : memref<40x128xi32, #tpu.memory_space<vmem>> -> memref<1x128xi32, #tpu.memory_space<vmem>>
            %dma_wait3A_216 = tpu.memref_squeeze %dma_wait3A_215 : memref<1x128xi32, #tpu.memory_space<vmem>> -> memref<128xi32, #tpu.memory_space<vmem>>
            %dma_wait3A_217 = arith.constant 0 : i32
            %dma_wait3A_218 = arith.constant 0 : i32
            %dma_wait3A_219 = tpu.memref_slice %arg6[%dma_wait3A_217, %dma_wait3A_218] : memref<10000x128xf32, #tpu.memory_space<vmem_shared>> -> memref<10000x128xf32, #tpu.memory_space<vmem_shared>>
            tpu.wait_indirect_dma semaphore(%arg12 : memref<!tpu.dma_semaphore, #tpu.memory_space<semaphore_mem>>) src(%arg10 : memref<128x128xf32, #tpu.memory_space<vmem>>) dst(%dma_wait3A_219 : memref<10000x128xf32, #tpu.memory_space<vmem_shared>>)
          } else {
          }
          %add3A_194 = arith.constant 1 : i32
          %add3A_195 = arith.addi %while3A_146, %add3A_194 : i32
          %lt3A_196 = arith.cmpi slt, %add3A_195, %min3A_105 : i32
          %convert_element_type3A_197 = arith.extui %lt3A_196 : i1 to i32
          %cond3A_198 = arith.constant 0 : i32
          %cond3A_199 = arith.cmpi ne, %convert_element_type3A_197, %cond3A_198 : i32
          scf.if %cond3A_199 {
            %add3A_213 = arith.constant 1 : i32
            %add3A_214 = arith.addi %while3A_146, %add3A_213 : i32
            %dma_start3A_215 = arith.constant 0 : i32
            %dma_start3A_216 = tpu.memref_slice %arg7[%add3A_214, %dma_start3A_215] : memref<40x128xi32, #tpu.memory_space<vmem>> -> memref<1x128xi32, #tpu.memory_space<vmem>>
            %dma_start3A_217 = tpu.memref_squeeze %dma_start3A_216 : memref<1x128xi32, #tpu.memory_space<vmem>> -> memref<128xi32, #tpu.memory_space<vmem>>
            %dma_start3A_218 = arith.constant 0 : i32
            %dma_start3A_219 = arith.constant 0 : i32
            %dma_start3A_220 = tpu.memref_slice %arg2[%dma_start3A_218, %dma_start3A_219] : memref<10000x128xf32, #tpu.memory_space<hbm>> -> memref<10000x128xf32, #tpu.memory_space<hbm>>
            tpu.enqueue_indirect_dma source(%dma_start3A_220 : memref<10000x128xf32, #tpu.memory_space<hbm>>) target(%arg10 : memref<128x128xf32, #tpu.memory_space<vmem>>) offsets(%dma_start3A_217 : memref<128xi32, #tpu.memory_space<vmem>>) semaphore(%arg11 : memref<!tpu.dma_semaphore, #tpu.memory_space<semaphore_mem>>)
          } else {
          }
          %dma_wait3A_200 = arith.constant 0 : i32
          %dma_wait3A_201 = arith.constant 0 : i32
          %dma_wait3A_202 = tpu.memref_slice %arg7[%dma_wait3A_200, %dma_wait3A_201] : memref<40x128xi32, #tpu.memory_space<vmem>> -> memref<1x128xi32, #tpu.memory_space<vmem>>
          %dma_wait3A_203 = tpu.memref_squeeze %dma_wait3A_202 : memref<1x128xi32, #tpu.memory_space<vmem>> -> memref<128xi32, #tpu.memory_space<vmem>>
          %dma_wait3A_204 = arith.constant 0 : i32
          %dma_wait3A_205 = arith.constant 0 : i32
          %dma_wait3A_206 = tpu.memref_slice %arg2[%dma_wait3A_204, %dma_wait3A_205] : memref<10000x128xf32, #tpu.memory_space<hbm>> -> memref<10000x128xf32, #tpu.memory_space<hbm>>
          tpu.wait_indirect_dma semaphore(%arg11 : memref<!tpu.dma_semaphore, #tpu.memory_space<semaphore_mem>>) src(%dma_wait3A_206 : memref<10000x128xf32, #tpu.memory_space<hbm>>) dst(%arg9 : memref<128x128xf32, #tpu.memory_space<vmem>>)
          %dma_start3A_207 = arith.constant 0 : i32
          %dma_start3A_208 = tpu.memref_slice %arg8[%while3A_146, %dma_start3A_207] : memref<40x128xi32, #tpu.memory_space<vmem>> -> memref<1x128xi32, #tpu.memory_space<vmem>>
          %dma_start3A_209 = tpu.memref_squeeze %dma_start3A_208 : memref<1x128xi32, #tpu.memory_space<vmem>> -> memref<128xi32, #tpu.memory_space<vmem>>
          %dma_start3A_210 = arith.constant 0 : i32
          %dma_start3A_211 = arith.constant 0 : i32
          %dma_start3A_212 = tpu.memref_slice %arg6[%dma_start3A_210, %dma_start3A_211] : memref<10000x128xf32, #tpu.memory_space<vmem_shared>> -> memref<10000x128xf32, #tpu.memory_space<vmem_shared>>
          tpu.enqueue_indirect_dma source(%arg9 : memref<128x128xf32, #tpu.memory_space<vmem>>) target(%dma_start3A_212 : memref<10000x128xf32, #tpu.memory_space<vmem_shared>>) offsets(%dma_start3A_209 : memref<128xi32, #tpu.memory_space<vmem>>) semaphore(%arg12 : memref<!tpu.dma_semaphore, #tpu.memory_space<semaphore_mem>>) {add = true}
        } else {
        }
        %jit3A_164 = arith.constant 2 : i32
        %eq3A_165 = arith.constant 0 : i32
        %eq3A_166 = arith.cmpi eq, %jit3A_164, %eq3A_165 : i32
        %jit3A_167 = arith.constant 1 : i32
        %select_n3A_168 = arith.select %eq3A_166, %jit3A_167, %jit3A_164 : i32
        %rem3A_169 = arith.remsi %while3A_146, %select_n3A_168 : i32
        %ne3A_170 = arith.constant 0 : i32
        %ne3A_171 = arith.cmpi ne, %rem3A_169, %ne3A_170 : i32
        %lt3A_172 = arith.constant 0 : i32
        %lt3A_173 = arith.cmpi slt, %rem3A_169, %lt3A_172 : i32
        %lt3A_174 = arith.constant 0 : i32
        %lt3A_175 = arith.cmpi slt, %select_n3A_168, %lt3A_174 : i32
        %ne3A_176 = arith.xori %lt3A_173, %lt3A_175 : i1
        %and3A_177 = arith.andi %ne3A_176, %ne3A_171 : i1
        %add3A_178 = arith.addi %rem3A_169, %select_n3A_168 : i32
        %select_n3A_179 = arith.select %and3A_177, %add3A_178, %rem3A_169 : i32
        %eq3A_180 = arith.constant 1 : i32
        %eq3A_181 = arith.cmpi eq, %select_n3A_179, %eq3A_180 : i32
        %convert_element_type3A_182 = arith.extui %eq3A_181 : i1 to i32
        %cond3A_183 = arith.constant 0 : i32
        %cond3A_184 = arith.cmpi ne, %convert_element_type3A_182, %cond3A_183 : i32
        scf.if %cond3A_184 {
          %ge3A_185 = arith.constant 1 : i32
          %ge3A_186 = arith.cmpi sge, %while3A_146, %ge3A_185 : i32
          %add3A_187 = arith.constant 1 : i32
          %add3A_188 = arith.addi %while3A_146, %add3A_187 : i32
          %lt3A_189 = arith.cmpi slt, %add3A_188, %min3A_105 : i32
          %and3A_190 = arith.andi %ge3A_186, %lt3A_189 : i1
          %convert_element_type3A_191 = arith.extui %and3A_190 : i1 to i32
          %cond3A_192 = arith.constant 0 : i32
          %cond3A_193 = arith.cmpi ne, %convert_element_type3A_191, %cond3A_192 : i32
          scf.if %cond3A_193 {
            %dma_wait3A_213 = arith.constant 0 : i32
            %dma_wait3A_214 = arith.constant 0 : i32
            %dma_wait3A_215 = tpu.memref_slice %arg8[%dma_wait3A_213, %dma_wait3A_214] : memref<40x128xi32, #tpu.memory_space<vmem>> -> memref<1x128xi32, #tpu.memory_space<vmem>>
            %dma_wait3A_216 = tpu.memref_squeeze %dma_wait3A_215 : memref<1x128xi32, #tpu.memory_space<vmem>> -> memref<128xi32, #tpu.memory_space<vmem>>
            %dma_wait3A_217 = arith.constant 0 : i32
            %dma_wait3A_218 = arith.constant 0 : i32
            %dma_wait3A_219 = tpu.memref_slice %arg6[%dma_wait3A_217, %dma_wait3A_218] : memref<10000x128xf32, #tpu.memory_space<vmem_shared>> -> memref<10000x128xf32, #tpu.memory_space<vmem_shared>>
            tpu.wait_indirect_dma semaphore(%arg12 : memref<!tpu.dma_semaphore, #tpu.memory_space<semaphore_mem>>) src(%arg9 : memref<128x128xf32, #tpu.memory_space<vmem>>) dst(%dma_wait3A_219 : memref<10000x128xf32, #tpu.memory_space<vmem_shared>>)
          } else {
          }
          %add3A_194 = arith.constant 1 : i32
          %add3A_195 = arith.addi %while3A_146, %add3A_194 : i32
          %lt3A_196 = arith.cmpi slt, %add3A_195, %min3A_105 : i32
          %convert_element_type3A_197 = arith.extui %lt3A_196 : i1 to i32
          %cond3A_198 = arith.constant 0 : i32
          %cond3A_199 = arith.cmpi ne, %convert_element_type3A_197, %cond3A_198 : i32
          scf.if %cond3A_199 {
            %add3A_213 = arith.constant 1 : i32
            %add3A_214 = arith.addi %while3A_146, %add3A_213 : i32
            %dma_start3A_215 = arith.constant 0 : i32
            %dma_start3A_216 = tpu.memref_slice %arg7[%add3A_214, %dma_start3A_215] : memref<40x128xi32, #tpu.memory_space<vmem>> -> memref<1x128xi32, #tpu.memory_space<vmem>>
            %dma_start3A_217 = tpu.memref_squeeze %dma_start3A_216 : memref<1x128xi32, #tpu.memory_space<vmem>> -> memref<128xi32, #tpu.memory_space<vmem>>
            %dma_start3A_218 = arith.constant 0 : i32
            %dma_start3A_219 = arith.constant 0 : i32
            %dma_start3A_220 = tpu.memref_slice %arg2[%dma_start3A_218, %dma_start3A_219] : memref<10000x128xf32, #tpu.memory_space<hbm>> -> memref<10000x128xf32, #tpu.memory_space<hbm>>
            tpu.enqueue_indirect_dma source(%dma_start3A_220 : memref<10000x128xf32, #tpu.memory_space<hbm>>) target(%arg9 : memref<128x128xf32, #tpu.memory_space<vmem>>) offsets(%dma_start3A_217 : memref<128xi32, #tpu.memory_space<vmem>>) semaphore(%arg11 : memref<!tpu.dma_semaphore, #tpu.memory_space<semaphore_mem>>)
          } else {
          }
          %dma_wait3A_200 = arith.constant 0 : i32
          %dma_wait3A_201 = arith.constant 0 : i32
          %dma_wait3A_202 = tpu.memref_slice %arg7[%dma_wait3A_200, %dma_wait3A_201] : memref<40x128xi32, #tpu.memory_space<vmem>> -> memref<1x128xi32, #tpu.memory_space<vmem>>
          %dma_wait3A_203 = tpu.memref_squeeze %dma_wait3A_202 : memref<1x128xi32, #tpu.memory_space<vmem>> -> memref<128xi32, #tpu.memory_space<vmem>>
          %dma_wait3A_204 = arith.constant 0 : i32
          %dma_wait3A_205 = arith.constant 0 : i32
          %dma_wait3A_206 = tpu.memref_slice %arg2[%dma_wait3A_204, %dma_wait3A_205] : memref<10000x128xf32, #tpu.memory_space<hbm>> -> memref<10000x128xf32, #tpu.memory_space<hbm>>
          tpu.wait_indirect_dma semaphore(%arg11 : memref<!tpu.dma_semaphore, #tpu.memory_space<semaphore_mem>>) src(%dma_wait3A_206 : memref<10000x128xf32, #tpu.memory_space<hbm>>) dst(%arg10 : memref<128x128xf32, #tpu.memory_space<vmem>>)
          %dma_start3A_207 = arith.constant 0 : i32
          %dma_start3A_208 = tpu.memref_slice %arg8[%while3A_146, %dma_start3A_207] : memref<40x128xi32, #tpu.memory_space<vmem>> -> memref<1x128xi32, #tpu.memory_space<vmem>>
          %dma_start3A_209 = tpu.memref_squeeze %dma_start3A_208 : memref<1x128xi32, #tpu.memory_space<vmem>> -> memref<128xi32, #tpu.memory_space<vmem>>
          %dma_start3A_210 = arith.constant 0 : i32
          %dma_start3A_211 = arith.constant 0 : i32
          %dma_start3A_212 = tpu.memref_slice %arg6[%dma_start3A_210, %dma_start3A_211] : memref<10000x128xf32, #tpu.memory_space<vmem_shared>> -> memref<10000x128xf32, #tpu.memory_space<vmem_shared>>
          tpu.enqueue_indirect_dma source(%arg10 : memref<128x128xf32, #tpu.memory_space<vmem>>) target(%dma_start3A_212 : memref<10000x128xf32, #tpu.memory_space<vmem_shared>>) offsets(%dma_start3A_209 : memref<128xi32, #tpu.memory_space<vmem>>) semaphore(%arg12 : memref<!tpu.dma_semaphore, #tpu.memory_space<semaphore_mem>>) {add = true}
        } else {
        }
      }
      %dma_wait3A = arith.constant 0 : i32
      %dma_wait3A_136 = arith.constant 0 : i32
      %dma_wait3A_137 = tpu.memref_slice %arg8[%dma_wait3A, %dma_wait3A_136] : memref<40x128xi32, #tpu.memory_space<vmem>> -> memref<1x128xi32, #tpu.memory_space<vmem>>
      %dma_wait3A_138 = tpu.memref_squeeze %dma_wait3A_137 : memref<1x128xi32, #tpu.memory_space<vmem>> -> memref<128xi32, #tpu.memory_space<vmem>>
      %dma_wait3A_139 = arith.constant 0 : i32
      %dma_wait3A_140 = arith.constant 0 : i32
      %dma_wait3A_141 = tpu.memref_slice %arg6[%dma_wait3A_139, %dma_wait3A_140] : memref<10000x128xf32, #tpu.memory_space<vmem_shared>> -> memref<10000x128xf32, #tpu.memory_space<vmem_shared>>
      tpu.wait_indirect_dma semaphore(%arg12 : memref<!tpu.dma_semaphore, #tpu.memory_space<semaphore_mem>>) src(%arg9 : memref<128x128xf32, #tpu.memory_space<vmem>>) dst(%dma_wait3A_141 : memref<10000x128xf32, #tpu.memory_space<vmem_shared>>)
      %ge3A = arith.constant 2 : i32
      %ge3A_142 = arith.cmpi sge, %min3A_105, %ge3A : i32
      %convert_element_type3A_143 = arith.extui %ge3A_142 : i1 to i32
      %cond3A_144 = arith.constant 0 : i32
      %cond3A_145 = arith.cmpi ne, %convert_element_type3A_143, %cond3A_144 : i32
      scf.if %cond3A_145 {
        %dma_wait3A_146 = arith.constant 0 : i32
        %dma_wait3A_147 = arith.constant 0 : i32
        %dma_wait3A_148 = tpu.memref_slice %arg8[%dma_wait3A_146, %dma_wait3A_147] : memref<40x128xi32, #tpu.memory_space<vmem>> -> memref<1x128xi32, #tpu.memory_space<vmem>>
        %dma_wait3A_149 = tpu.memref_squeeze %dma_wait3A_148 : memref<1x128xi32, #tpu.memory_space<vmem>> -> memref<128xi32, #tpu.memory_space<vmem>>
        %dma_wait3A_150 = arith.constant 0 : i32
        %dma_wait3A_151 = arith.constant 0 : i32
        %dma_wait3A_152 = tpu.memref_slice %arg6[%dma_wait3A_150, %dma_wait3A_151] : memref<10000x128xf32, #tpu.memory_space<vmem_shared>> -> memref<10000x128xf32, #tpu.memory_space<vmem_shared>>
        tpu.wait_indirect_dma semaphore(%arg12 : memref<!tpu.dma_semaphore, #tpu.memory_space<semaphore_mem>>) src(%arg10 : memref<128x128xf32, #tpu.memory_space<vmem>>) dst(%dma_wait3A_152 : memref<10000x128xf32, #tpu.memory_space<vmem_shared>>)
      } else {
      }
    } else {
    }
    %barrier3A_111 = arith.constant 0 : index
    tpu.barrier barrier_id(%barrier3A_111)
    %mul3A_112 = arith.constant 624 : i32
    %mul3A_113 = arith.muli %arg1, %mul3A_112 : i32
    %mul3A_114 = arith.constant 624 : i32
    %mul3A_115 = arith.muli %arg1, %mul3A_114 : i32
    "tpu.region"() ({
      %run_scoped3A = tpu.sem_alloc : memref<!tpu.dma_semaphore, #tpu.memory_space<semaphore_mem>>
      %dma_start3A = arith.constant 0 : i32
      %dma_start3A_121 = tpu.memref_slice %arg5[%arg0, %mul3A_115, %dma_start3A] : memref<2x10000x128xf32, #tpu.memory_space<hbm>> -> memref<1x624x128xf32, #tpu.memory_space<hbm>>
      %dma_start3A_122 = tpu.memref_squeeze %dma_start3A_121 : memref<1x624x128xf32, #tpu.memory_space<hbm>> -> memref<624x128xf32, #tpu.memory_space<hbm>>
      %dma_start3A_123 = arith.constant 0 : i32
      %dma_start3A_124 = tpu.memref_slice %arg6[%mul3A_113, %dma_start3A_123] : memref<10000x128xf32, #tpu.memory_space<vmem_shared>> -> memref<624x128xf32, #tpu.memory_space<vmem_shared>>
      tpu.enqueue_dma source(%dma_start3A_124 : memref<624x128xf32, #tpu.memory_space<vmem_shared>>) target(%dma_start3A_122 : memref<624x128xf32, #tpu.memory_space<hbm>>) target_semaphore(%run_scoped3A : memref<!tpu.dma_semaphore, #tpu.memory_space<semaphore_mem>>)
      %dma_wait3A = arith.constant 0 : i32
      %dma_wait3A_125 = tpu.memref_slice %arg5[%arg0, %mul3A_115, %dma_wait3A] : memref<2x10000x128xf32, #tpu.memory_space<hbm>> -> memref<1x624x128xf32, #tpu.memory_space<hbm>>
      %dma_wait3A_126 = tpu.memref_squeeze %dma_wait3A_125 : memref<1x624x128xf32, #tpu.memory_space<hbm>> -> memref<624x128xf32, #tpu.memory_space<hbm>>
      %dma_wait3A_127 = arith.constant 0 : i32
      %dma_wait3A_128 = tpu.memref_slice %arg6[%mul3A_113, %dma_wait3A_127] : memref<10000x128xf32, #tpu.memory_space<vmem_shared>> -> memref<624x128xf32, #tpu.memory_space<vmem_shared>>
      tpu.wait_dma2 semaphore(%run_scoped3A : memref<!tpu.dma_semaphore, #tpu.memory_space<semaphore_mem>>) src(%dma_wait3A_128 : memref<624x128xf32, #tpu.memory_space<vmem_shared>>) dst(%dma_wait3A_126 : memref<624x128xf32, #tpu.memory_space<hbm>>)
      tpu.yield
    }) : () -> ()
    %eq3A_116 = arith.constant 15 : i32
    %eq3A_117 = arith.cmpi eq, %arg1, %eq3A_116 : i32
    %convert_element_type3A_118 = arith.extui %eq3A_117 : i1 to i32
    %cond3A_119 = arith.constant 0 : i32
    %cond3A_120 = arith.cmpi ne, %convert_element_type3A_118, %cond3A_119 : i32
    scf.if %cond3A_120 {
      "tpu.region"() ({
        %run_scoped3A = tpu.sem_alloc : memref<!tpu.dma_semaphore, #tpu.memory_space<semaphore_mem>>
        %dma_start3A = arith.constant 9984 : i32
        %dma_start3A_121 = arith.constant 0 : i32
        %dma_start3A_122 = tpu.memref_slice %arg5[%arg0, %dma_start3A, %dma_start3A_121] : memref<2x10000x128xf32, #tpu.memory_space<hbm>> -> memref<1x16x128xf32, #tpu.memory_space<hbm>>
        %dma_start3A_123 = tpu.memref_squeeze %dma_start3A_122 : memref<1x16x128xf32, #tpu.memory_space<hbm>> -> memref<16x128xf32, #tpu.memory_space<hbm>>
        %dma_start3A_124 = arith.constant 9984 : i32
        %dma_start3A_125 = arith.constant 0 : i32
        %dma_start3A_126 = tpu.memref_slice %arg6[%dma_start3A_124, %dma_start3A_125] : memref<10000x128xf32, #tpu.memory_space<vmem_shared>> -> memref<16x128xf32, #tpu.memory_space<vmem_shared>>
        tpu.enqueue_dma source(%dma_start3A_126 : memref<16x128xf32, #tpu.memory_space<vmem_shared>>) target(%dma_start3A_123 : memref<16x128xf32, #tpu.memory_space<hbm>>) target_semaphore(%run_scoped3A : memref<!tpu.dma_semaphore, #tpu.memory_space<semaphore_mem>>)
        %dma_wait3A = arith.constant 9984 : i32
        %dma_wait3A_127 = arith.constant 0 : i32
        %dma_wait3A_128 = tpu.memref_slice %arg5[%arg0, %dma_wait3A, %dma_wait3A_127] : memref<2x10000x128xf32, #tpu.memory_space<hbm>> -> memref<1x16x128xf32, #tpu.memory_space<hbm>>
        %dma_wait3A_129 = tpu.memref_squeeze %dma_wait3A_128 : memref<1x16x128xf32, #tpu.memory_space<hbm>> -> memref<16x128xf32, #tpu.memory_space<hbm>>
        %dma_wait3A_130 = arith.constant 9984 : i32
        %dma_wait3A_131 = arith.constant 0 : i32
        %dma_wait3A_132 = tpu.memref_slice %arg6[%dma_wait3A_130, %dma_wait3A_131] : memref<10000x128xf32, #tpu.memory_space<vmem_shared>> -> memref<16x128xf32, #tpu.memory_space<vmem_shared>>
        tpu.wait_dma2 semaphore(%run_scoped3A : memref<!tpu.dma_semaphore, #tpu.memory_space<semaphore_mem>>) src(%dma_wait3A_132 : memref<16x128xf32, #tpu.memory_space<vmem_shared>>) dst(%dma_wait3A_129 : memref<16x128xf32, #tpu.memory_space<hbm>>)
        tpu.yield
      }) : () -> ()
    } else {
    }
    return
  }
}

module attributes {stable_mosaic.version = 14 : i64} {
  func.func @body(%arg0: memref<10000x128xf32, #tpu.memory_space<vmem>>, %arg1: memref<2x10000x128xf32, #tpu.memory_space<vmem>>, %arg2: memref<128x128xf32, #tpu.memory_space<vmem>>, %arg3: memref<128x128xf32, #tpu.memory_space<vmem>>, %arg4: memref<6x128xf32, #tpu.memory_space<vmem>>, %arg5: memref<10000x128xf32, #tpu.memory_space<vmem>>) attributes {dimension_semantics = [], scalar_prefetch = 0 : i64, scratch_operands = 0 : i64, tpu.core_type = #tpu.core_type<tc>} {
    %get3A = arith.constant 0 : index
    %get3A_0 = arith.constant 0 : index
    %get3A_1 = vector.load %arg4[%get3A, %get3A_0] : memref<6x128xf32, #tpu.memory_space<vmem>>, vector<1x128xf32>
    %get3A_2 = arith.constant 1 : index
    %get3A_3 = arith.constant 0 : index
    %get3A_4 = vector.load %arg4[%get3A_2, %get3A_3] : memref<6x128xf32, #tpu.memory_space<vmem>>, vector<1x128xf32>
    %get3A_5 = arith.constant 2 : index
    %get3A_6 = arith.constant 0 : index
    %get3A_7 = vector.load %arg4[%get3A_5, %get3A_6] : memref<6x128xf32, #tpu.memory_space<vmem>>, vector<1x128xf32>
    %get3A_8 = arith.constant 3 : index
    %get3A_9 = arith.constant 0 : index
    %get3A_10 = vector.load %arg4[%get3A_8, %get3A_9] : memref<6x128xf32, #tpu.memory_space<vmem>>, vector<1x128xf32>
    %get3A_11 = arith.constant 4 : index
    %get3A_12 = arith.constant 0 : index
    %get3A_13 = vector.load %arg4[%get3A_11, %get3A_12] : memref<6x128xf32, #tpu.memory_space<vmem>>, vector<1x128xf32>
    %get3A_14 = arith.constant 5 : index
    %get3A_15 = arith.constant 0 : index
    %get3A_16 = vector.load %arg4[%get3A_14, %get3A_15] : memref<6x128xf32, #tpu.memory_space<vmem>>, vector<1x128xf32>
    %get3A_17 = arith.constant 0 : index
    %get3A_18 = arith.constant 0 : index
    %get3A_19 = vector.load %arg0[%get3A_17, %get3A_18] : memref<10000x128xf32, #tpu.memory_space<vmem>>, vector<10000x128xf32>
    %get3A_20 = arith.constant 0 : index
    %get3A_21 = arith.constant 0 : index
    %get3A_22 = arith.constant 0 : index
    %get3A_23 = vector.load %arg1[%get3A_20, %get3A_21, %get3A_22] : memref<2x10000x128xf32, #tpu.memory_space<vmem>>, vector<1x10000x128xf32>
    %get3A_24 = vector.shape_cast %get3A_23 : vector<1x10000x128xf32> to vector<10000x128xf32>
    %add3A = arith.addf %get3A_19, %get3A_24 : vector<10000x128xf32>
    %get3A_25 = arith.constant 1 : index
    %get3A_26 = arith.constant 0 : index
    %get3A_27 = arith.constant 0 : index
    %get3A_28 = vector.load %arg1[%get3A_25, %get3A_26, %get3A_27] : memref<2x10000x128xf32, #tpu.memory_space<vmem>>, vector<1x10000x128xf32>
    %get3A_29 = vector.shape_cast %get3A_28 : vector<1x10000x128xf32> to vector<10000x128xf32>
    %add3A_30 = arith.addf %add3A, %get3A_29 : vector<10000x128xf32>
    %get3A_31 = arith.constant 0 : index
    %get3A_32 = arith.constant 0 : index
    %get3A_33 = vector.load %arg2[%get3A_31, %get3A_32] : memref<128x128xf32, #tpu.memory_space<vmem>>, vector<128x128xf32>
    %dot_general3A = arith.constant dense<0.000000e+00> : vector<10000x128xf32>
    %dot_general3A_34 = tpu.matmul %add3A_30, %get3A_33, %dot_general3A {dimension_numbers = #tpu.dot_dimension_numbers<[1], [0], [0], [1], [0, 0, 1, 1], [], []>, transpose_lhs_hint = false} : vector<10000x128xf32>, vector<128x128xf32>, vector<10000x128xf32> -> vector<10000x128xf32>
    %add3A_35 = vector.broadcast %get3A_1 : vector<1x128xf32> to vector<10000x128xf32>
    %add3A_36 = arith.addf %dot_general3A_34, %add3A_35 : vector<10000x128xf32>
    %reduce_sum3A = arith.constant dense<0.000000e+00> : vector<128xf32>
    %reduce_sum3A_37 = vector.multi_reduction <add>, %add3A_36, %reduce_sum3A [0] : vector<10000x128xf32> to vector<128xf32>
    %broadcast_in_dim3A = vector.shape_cast %reduce_sum3A_37 : vector<128xf32> to vector<1x128xf32>
    %div3A = arith.constant 1.000000e+04 : f32
    %div3A_38 = vector.broadcast %div3A : f32 to vector<1x128xf32>
    %div3A_39 = arith.divf %broadcast_in_dim3A, %div3A_38 : vector<1x128xf32>
    %sub3A = vector.broadcast %div3A_39 : vector<1x128xf32> to vector<10000x128xf32>
    %sub3A_40 = arith.subf %add3A_36, %sub3A : vector<10000x128xf32>
    %integer_pow3A = arith.mulf %sub3A_40, %sub3A_40 : vector<10000x128xf32>
    %reduce_sum3A_41 = arith.constant dense<0.000000e+00> : vector<128xf32>
    %reduce_sum3A_42 = vector.multi_reduction <add>, %integer_pow3A, %reduce_sum3A_41 [0] : vector<10000x128xf32> to vector<128xf32>
    %broadcast_in_dim3A_43 = vector.shape_cast %reduce_sum3A_42 : vector<128xf32> to vector<1x128xf32>
    %div3A_44 = arith.constant 1.000000e+04 : f32
    %div3A_45 = vector.broadcast %div3A_44 : f32 to vector<1x128xf32>
    %div3A_46 = arith.divf %broadcast_in_dim3A_43, %div3A_45 : vector<1x128xf32>
    %sub3A_47 = vector.broadcast %div3A_39 : vector<1x128xf32> to vector<10000x128xf32>
    %sub3A_48 = arith.subf %add3A_36, %sub3A_47 : vector<10000x128xf32>
    %add3A_49 = arith.constant 9.99999974E-6 : f32
    %add3A_50 = vector.broadcast %add3A_49 : f32 to vector<1x128xf32>
    %add3A_51 = arith.addf %div3A_46, %add3A_50 : vector<1x128xf32>
    %sqrt3A = math.sqrt %add3A_51 : vector<1x128xf32>
    %div3A_52 = vector.broadcast %sqrt3A : vector<1x128xf32> to vector<10000x128xf32>
    %div3A_53 = arith.divf %sub3A_48, %div3A_52 : vector<10000x128xf32>
    %mul3A = vector.broadcast %get3A_4 : vector<1x128xf32> to vector<10000x128xf32>
    %mul3A_54 = arith.mulf %div3A_53, %mul3A : vector<10000x128xf32>
    %add3A_55 = vector.broadcast %get3A_7 : vector<1x128xf32> to vector<10000x128xf32>
    %add3A_56 = arith.addf %mul3A_54, %add3A_55 : vector<10000x128xf32>
    %max3A = arith.constant 0.000000e+00 : f32
    %max3A_57 = vector.broadcast %max3A : f32 to vector<10000x128xf32>
    %max3A_58 = arith.maximumf %add3A_56, %max3A_57 : vector<10000x128xf32>
    %get3A_59 = arith.constant 0 : index
    %get3A_60 = arith.constant 0 : index
    %get3A_61 = vector.load %arg3[%get3A_59, %get3A_60] : memref<128x128xf32, #tpu.memory_space<vmem>>, vector<128x128xf32>
    %dot_general3A_62 = arith.constant dense<0.000000e+00> : vector<10000x128xf32>
    %dot_general3A_63 = tpu.matmul %max3A_58, %get3A_61, %dot_general3A_62 {dimension_numbers = #tpu.dot_dimension_numbers<[1], [0], [0], [1], [0, 0, 1, 1], [], []>, transpose_lhs_hint = false} : vector<10000x128xf32>, vector<128x128xf32>, vector<10000x128xf32> -> vector<10000x128xf32>
    %add3A_64 = vector.broadcast %get3A_10 : vector<1x128xf32> to vector<10000x128xf32>
    %add3A_65 = arith.addf %dot_general3A_63, %add3A_64 : vector<10000x128xf32>
    %reduce_sum3A_66 = arith.constant dense<0.000000e+00> : vector<128xf32>
    %reduce_sum3A_67 = vector.multi_reduction <add>, %add3A_65, %reduce_sum3A_66 [0] : vector<10000x128xf32> to vector<128xf32>
    %broadcast_in_dim3A_68 = vector.shape_cast %reduce_sum3A_67 : vector<128xf32> to vector<1x128xf32>
    %div3A_69 = arith.constant 1.000000e+04 : f32
    %div3A_70 = vector.broadcast %div3A_69 : f32 to vector<1x128xf32>
    %div3A_71 = arith.divf %broadcast_in_dim3A_68, %div3A_70 : vector<1x128xf32>
    %sub3A_72 = vector.broadcast %div3A_71 : vector<1x128xf32> to vector<10000x128xf32>
    %sub3A_73 = arith.subf %add3A_65, %sub3A_72 : vector<10000x128xf32>
    %integer_pow3A_74 = arith.mulf %sub3A_73, %sub3A_73 : vector<10000x128xf32>
    %reduce_sum3A_75 = arith.constant dense<0.000000e+00> : vector<128xf32>
    %reduce_sum3A_76 = vector.multi_reduction <add>, %integer_pow3A_74, %reduce_sum3A_75 [0] : vector<10000x128xf32> to vector<128xf32>
    %broadcast_in_dim3A_77 = vector.shape_cast %reduce_sum3A_76 : vector<128xf32> to vector<1x128xf32>
    %div3A_78 = arith.constant 1.000000e+04 : f32
    %div3A_79 = vector.broadcast %div3A_78 : f32 to vector<1x128xf32>
    %div3A_80 = arith.divf %broadcast_in_dim3A_77, %div3A_79 : vector<1x128xf32>
    %sub3A_81 = vector.broadcast %div3A_71 : vector<1x128xf32> to vector<10000x128xf32>
    %sub3A_82 = arith.subf %add3A_65, %sub3A_81 : vector<10000x128xf32>
    %add3A_83 = arith.constant 9.99999974E-6 : f32
    %add3A_84 = vector.broadcast %add3A_83 : f32 to vector<1x128xf32>
    %add3A_85 = arith.addf %div3A_80, %add3A_84 : vector<1x128xf32>
    %sqrt3A_86 = math.sqrt %add3A_85 : vector<1x128xf32>
    %div3A_87 = vector.broadcast %sqrt3A_86 : vector<1x128xf32> to vector<10000x128xf32>
    %div3A_88 = arith.divf %sub3A_82, %div3A_87 : vector<10000x128xf32>
    %mul3A_89 = vector.broadcast %get3A_13 : vector<1x128xf32> to vector<10000x128xf32>
    %mul3A_90 = arith.mulf %div3A_88, %mul3A_89 : vector<10000x128xf32>
    %add3A_91 = vector.broadcast %get3A_16 : vector<1x128xf32> to vector<10000x128xf32>
    %add3A_92 = arith.addf %mul3A_90, %add3A_91 : vector<10000x128xf32>
    %max3A_93 = arith.constant 0.000000e+00 : f32
    %max3A_94 = vector.broadcast %max3A_93 : f32 to vector<10000x128xf32>
    %max3A_95 = arith.maximumf %add3A_92, %max3A_94 : vector<10000x128xf32>
    %swap3A = arith.constant 0 : index
    %swap3A_96 = arith.constant 0 : index
    %swap3A_97 = vector.load %arg5[%swap3A, %swap3A_96] : memref<10000x128xf32, #tpu.memory_space<vmem>>, vector<10000x128xf32>
    tpu.vector_store %arg5[%swap3A, %swap3A_96], %max3A_95 {strides = array<i32>} : memref<10000x128xf32, #tpu.memory_space<vmem>>, vector<10000x128xf32>,
    return
  }
}

module attributes {stable_mosaic.version = 14 : i64} {
  func.func @body(%arg0: memref<10000x128xf32, #tpu.memory_space<vmem>>, %arg1: memref<2x10000x128xf32, #tpu.memory_space<vmem>>, %arg2: memref<128x128xf32, #tpu.memory_space<vmem>>, %arg3: memref<128x128xf32, #tpu.memory_space<vmem>>, %arg4: memref<6x128xf32, #tpu.memory_space<vmem>>, %arg5: memref<10000x128xf32, #tpu.memory_space<vmem>>) attributes {dimension_semantics = [], scalar_prefetch = 0 : i64, scratch_operands = 0 : i64, tpu.core_type = #tpu.core_type<tc>} {
    %get3A = arith.constant 0 : index
    %get3A_0 = arith.constant 0 : index
    %get3A_1 = vector.load %arg4[%get3A, %get3A_0] : memref<6x128xf32, #tpu.memory_space<vmem>>, vector<1x128xf32>
    %get3A_2 = arith.constant 1 : index
    %get3A_3 = arith.constant 0 : index
    %get3A_4 = vector.load %arg4[%get3A_2, %get3A_3] : memref<6x128xf32, #tpu.memory_space<vmem>>, vector<1x128xf32>
    %get3A_5 = arith.constant 2 : index
    %get3A_6 = arith.constant 0 : index
    %get3A_7 = vector.load %arg4[%get3A_5, %get3A_6] : memref<6x128xf32, #tpu.memory_space<vmem>>, vector<1x128xf32>
    %get3A_8 = arith.constant 3 : index
    %get3A_9 = arith.constant 0 : index
    %get3A_10 = vector.load %arg4[%get3A_8, %get3A_9] : memref<6x128xf32, #tpu.memory_space<vmem>>, vector<1x128xf32>
    %get3A_11 = arith.constant 4 : index
    %get3A_12 = arith.constant 0 : index
    %get3A_13 = vector.load %arg4[%get3A_11, %get3A_12] : memref<6x128xf32, #tpu.memory_space<vmem>>, vector<1x128xf32>
    %get3A_14 = arith.constant 5 : index
    %get3A_15 = arith.constant 0 : index
    %get3A_16 = vector.load %arg4[%get3A_14, %get3A_15] : memref<6x128xf32, #tpu.memory_space<vmem>>, vector<1x128xf32>
    %get3A_17 = arith.constant 0 : index
    %get3A_18 = arith.constant 0 : index
    %get3A_19 = vector.load %arg0[%get3A_17, %get3A_18] : memref<10000x128xf32, #tpu.memory_space<vmem>>, vector<10000x128xf32>
    %get3A_20 = arith.constant 0 : index
    %get3A_21 = arith.constant 0 : index
    %get3A_22 = arith.constant 0 : index
    %get3A_23 = vector.load %arg1[%get3A_20, %get3A_21, %get3A_22] : memref<2x10000x128xf32, #tpu.memory_space<vmem>>, vector<1x10000x128xf32>
    %get3A_24 = vector.shape_cast %get3A_23 : vector<1x10000x128xf32> to vector<10000x128xf32>
    %add3A = arith.addf %get3A_19, %get3A_24 : vector<10000x128xf32>
    %get3A_25 = arith.constant 1 : index
    %get3A_26 = arith.constant 0 : index
    %get3A_27 = arith.constant 0 : index
    %get3A_28 = vector.load %arg1[%get3A_25, %get3A_26, %get3A_27] : memref<2x10000x128xf32, #tpu.memory_space<vmem>>, vector<1x10000x128xf32>
    %get3A_29 = vector.shape_cast %get3A_28 : vector<1x10000x128xf32> to vector<10000x128xf32>
    %add3A_30 = arith.addf %add3A, %get3A_29 : vector<10000x128xf32>
    %get3A_31 = arith.constant 0 : index
    %get3A_32 = arith.constant 0 : index
    %get3A_33 = vector.load %arg2[%get3A_31, %get3A_32] : memref<128x128xf32, #tpu.memory_space<vmem>>, vector<128x128xf32>
    %dot_general3A = arith.constant dense<0.000000e+00> : vector<10000x128xf32>
    %dot_general3A_34 = tpu.matmul %add3A_30, %get3A_33, %dot_general3A {dimension_numbers = #tpu.dot_dimension_numbers<[1], [0], [0], [1], [0, 0, 1, 1], [], []>, transpose_lhs_hint = false} : vector<10000x128xf32>, vector<128x128xf32>, vector<10000x128xf32> -> vector<10000x128xf32>
    %add3A_35 = vector.broadcast %get3A_1 : vector<1x128xf32> to vector<10000x128xf32>
    %add3A_36 = arith.addf %dot_general3A_34, %add3A_35 : vector<10000x128xf32>
    %reduce_sum3A = arith.constant dense<0.000000e+00> : vector<128xf32>
    %reduce_sum3A_37 = vector.multi_reduction <add>, %add3A_36, %reduce_sum3A [0] : vector<10000x128xf32> to vector<128xf32>
    %broadcast_in_dim3A = vector.shape_cast %reduce_sum3A_37 : vector<128xf32> to vector<1x128xf32>
    %div3A = arith.constant 1.000000e+04 : f32
    %div3A_38 = vector.broadcast %div3A : f32 to vector<1x128xf32>
    %div3A_39 = arith.divf %broadcast_in_dim3A, %div3A_38 : vector<1x128xf32>
    %sub3A = vector.broadcast %div3A_39 : vector<1x128xf32> to vector<10000x128xf32>
    %sub3A_40 = arith.subf %add3A_36, %sub3A : vector<10000x128xf32>
    %integer_pow3A = arith.mulf %sub3A_40, %sub3A_40 : vector<10000x128xf32>
    %reduce_sum3A_41 = arith.constant dense<0.000000e+00> : vector<128xf32>
    %reduce_sum3A_42 = vector.multi_reduction <add>, %integer_pow3A, %reduce_sum3A_41 [0] : vector<10000x128xf32> to vector<128xf32>
    %broadcast_in_dim3A_43 = vector.shape_cast %reduce_sum3A_42 : vector<128xf32> to vector<1x128xf32>
    %div3A_44 = arith.constant 1.000000e+04 : f32
    %div3A_45 = vector.broadcast %div3A_44 : f32 to vector<1x128xf32>
    %div3A_46 = arith.divf %broadcast_in_dim3A_43, %div3A_45 : vector<1x128xf32>
    %sub3A_47 = vector.broadcast %div3A_39 : vector<1x128xf32> to vector<10000x128xf32>
    %sub3A_48 = arith.subf %add3A_36, %sub3A_47 : vector<10000x128xf32>
    %add3A_49 = arith.constant 9.99999974E-6 : f32
    %add3A_50 = vector.broadcast %add3A_49 : f32 to vector<1x128xf32>
    %add3A_51 = arith.addf %div3A_46, %add3A_50 : vector<1x128xf32>
    %sqrt3A = math.sqrt %add3A_51 : vector<1x128xf32>
    %div3A_52 = vector.broadcast %sqrt3A : vector<1x128xf32> to vector<10000x128xf32>
    %div3A_53 = arith.divf %sub3A_48, %div3A_52 : vector<10000x128xf32>
    %mul3A = vector.broadcast %get3A_4 : vector<1x128xf32> to vector<10000x128xf32>
    %mul3A_54 = arith.mulf %div3A_53, %mul3A : vector<10000x128xf32>
    %add3A_55 = vector.broadcast %get3A_7 : vector<1x128xf32> to vector<10000x128xf32>
    %add3A_56 = arith.addf %mul3A_54, %add3A_55 : vector<10000x128xf32>
    %max3A = arith.constant 0.000000e+00 : f32
    %max3A_57 = vector.broadcast %max3A : f32 to vector<10000x128xf32>
    %max3A_58 = arith.maximumf %add3A_56, %max3A_57 : vector<10000x128xf32>
    %get3A_59 = arith.constant 0 : index
    %get3A_60 = arith.constant 0 : index
    %get3A_61 = vector.load %arg3[%get3A_59, %get3A_60] : memref<128x128xf32, #tpu.memory_space<vmem>>, vector<128x128xf32>
    %dot_general3A_62 = arith.constant dense<0.000000e+00> : vector<10000x128xf32>
    %dot_general3A_63 = tpu.matmul %max3A_58, %get3A_61, %dot_general3A_62 {dimension_numbers = #tpu.dot_dimension_numbers<[1], [0], [0], [1], [0, 0, 1, 1], [], []>, transpose_lhs_hint = false} : vector<10000x128xf32>, vector<128x128xf32>, vector<10000x128xf32> -> vector<10000x128xf32>
    %add3A_64 = vector.broadcast %get3A_10 : vector<1x128xf32> to vector<10000x128xf32>
    %add3A_65 = arith.addf %dot_general3A_63, %add3A_64 : vector<10000x128xf32>
    %reduce_sum3A_66 = arith.constant dense<0.000000e+00> : vector<128xf32>
    %reduce_sum3A_67 = vector.multi_reduction <add>, %add3A_65, %reduce_sum3A_66 [0] : vector<10000x128xf32> to vector<128xf32>
    %broadcast_in_dim3A_68 = vector.shape_cast %reduce_sum3A_67 : vector<128xf32> to vector<1x128xf32>
    %div3A_69 = arith.constant 1.000000e+04 : f32
    %div3A_70 = vector.broadcast %div3A_69 : f32 to vector<1x128xf32>
    %div3A_71 = arith.divf %broadcast_in_dim3A_68, %div3A_70 : vector<1x128xf32>
    %sub3A_72 = vector.broadcast %div3A_71 : vector<1x128xf32> to vector<10000x128xf32>
    %sub3A_73 = arith.subf %add3A_65, %sub3A_72 : vector<10000x128xf32>
    %integer_pow3A_74 = arith.mulf %sub3A_73, %sub3A_73 : vector<10000x128xf32>
    %reduce_sum3A_75 = arith.constant dense<0.000000e+00> : vector<128xf32>
    %reduce_sum3A_76 = vector.multi_reduction <add>, %integer_pow3A_74, %reduce_sum3A_75 [0] : vector<10000x128xf32> to vector<128xf32>
    %broadcast_in_dim3A_77 = vector.shape_cast %reduce_sum3A_76 : vector<128xf32> to vector<1x128xf32>
    %div3A_78 = arith.constant 1.000000e+04 : f32
    %div3A_79 = vector.broadcast %div3A_78 : f32 to vector<1x128xf32>
    %div3A_80 = arith.divf %broadcast_in_dim3A_77, %div3A_79 : vector<1x128xf32>
    %sub3A_81 = vector.broadcast %div3A_71 : vector<1x128xf32> to vector<10000x128xf32>
    %sub3A_82 = arith.subf %add3A_65, %sub3A_81 : vector<10000x128xf32>
    %add3A_83 = arith.constant 9.99999974E-6 : f32
    %add3A_84 = vector.broadcast %add3A_83 : f32 to vector<1x128xf32>
    %add3A_85 = arith.addf %div3A_80, %add3A_84 : vector<1x128xf32>
    %sqrt3A_86 = math.sqrt %add3A_85 : vector<1x128xf32>
    %div3A_87 = vector.broadcast %sqrt3A_86 : vector<1x128xf32> to vector<10000x128xf32>
    %div3A_88 = arith.divf %sub3A_82, %div3A_87 : vector<10000x128xf32>
    %mul3A_89 = vector.broadcast %get3A_13 : vector<1x128xf32> to vector<10000x128xf32>
    %mul3A_90 = arith.mulf %div3A_88, %mul3A_89 : vector<10000x128xf32>
    %add3A_91 = vector.broadcast %get3A_16 : vector<1x128xf32> to vector<10000x128xf32>
    %add3A_92 = arith.addf %mul3A_90, %add3A_91 : vector<10000x128xf32>
    %swap3A = arith.constant 0 : index
    %swap3A_93 = arith.constant 0 : index
    %swap3A_94 = vector.load %arg5[%swap3A, %swap3A_93] : memref<10000x128xf32, #tpu.memory_space<vmem>>, vector<10000x128xf32>
    tpu.vector_store %arg5[%swap3A, %swap3A_93], %add3A_92 {strides = array<i32>} : memref<10000x128xf32, #tpu.memory_space<vmem>>, vector<10000x128xf32>,
    return
  }
}

</mosaic_0001>

<sc_bundles>
// kernel: kernel.11.cloned.1.call-start
scs
__scs_entry_jumppad:
0x0: {  	(pc) =	sbr.rel $0x88, $3  }
0x1: {  	(tag) =	ssettag $0x0;
	lr =	simm.s32 $0x1  }
0x2: {  	[smem:$0x3F87] =	sst lr;
	_ =	strace $0xD0000000  }
0x3: {  	_ = 	snop  }
0x4: {  	_ = 	snop  }
0x5: {  	_ = 	snop  }
0x6: {  	_ = 	snop  }
0x7: {  	_ = 	snop  }
__scs_overlays_trampoline_lowered:
0x8: {  	[smem:$0x3F96] =	sst s0  }
0x9: {  	[smem:$0x3F97] =	sst s1  }
0xa: {  	[smem:$0x3F98] =	sst s2  }
0xb: {  	[smem:$0x3F99] =	sst s3  }
0xc: {  	[smem:$0x3F9A] =	sst s4  }
0xd: {  	[smem:$0x3F9B] =	sst s5  }
0xe: {  	[smem:$0x3F9C] =	sst s6  }
0xf: {  	[smem:$0x3F9D] =	sst s7  }
0x10: {  	[smem:$0x3F9E] =	sst s8  }
0x11: {  	[smem:$0x3F9F] =	sst s9;
	s0 =	simm.s32 @!p0 $0x0  }
0x12: {  	s1 =	sld [smem:$0x3F85];
	s0 =	simm.s32 @p0 $0x1  }
0x13: {  	[smem:$0x3FA0] =	sst s0;
	s0 =	simm.s32 @!p1 $0x0  }
0x14: {  	s2 =	sld [smem:$0x3F84];
	s0 =	simm.s32 @p1 $0x1  }
0x15: {  	[smem:$0x3FA1] =	sst s0;
	s0 =	simm.s32 @!p2 $0x0  }
0x16: {  	s3 =	sld [smem:$0x3FDB];
	s0 =	simm.s32 @p2 $0x1  }
0x17: {  	s4 =	simm.s32 $0x1BF5;
	[smem:$0x3FA3] =	sst s0  }
0x18: {  	s0 =	sld [smem:$0x3F86];
	_ =	swait.ge [sflag:s4], $0x0  }
0x19: {  	s7 =	sld [smem:$0x3F87]  }
0x1a: {  	s8 =	sadd.s32 $0xFFFFE003, lr  }
0x1b: {  	s9 =	sadd.s32 $0xFFFFFEF7, lr;
	s5 =	simm.s32 $0xFFFFFFFF;
	p2 =	slt.u32 s8, $0xFFFFF086  }
0x1c: {  	p1 =	slt.u32 s9, $0xF7A;
	s5 =	simm.s32 @!p2 $0x0  }
0x1d: {  	s5 =	simm.s32 @p1 $0x1;
	p0 =	seq.s32 s7, s2  }
0x1e: {  	s7 =	smul.u32 @!p0 $0xF7A, s2;
	p2 =	seq.s32 @!p0 s5, $0x0  }
0x1f: {  	s9 =	smul.u32 $0xF7A, s1;
	s8 =	simm.s32 @!p0 $0x1BF5;
	p2 =	por !p2, p0  }
0x20: {  	[sflag:s8] =	ssyncset.s32 @!p0 $0xFFFFF086;
	s6 =	sadd.s32 @!p0 s3, s7;
	s7 =	simm.s32 @!p0 $0x108  }
0x21: {  	s3 =	sadd.s32 s3, s9;
	s6 =	sadd.s32 @!p0 $0x88, s6;
	s7 =	simm.s32 @p2 $0x1082  }
0x22: {  	[simem:s7], [sflag:s8] =	dma.local @!p0 [hbm:s6], $0xF7A  }
0x23: {  	s9 =	sor.u32 $0xD0000000, s2;
	s6 =	simm.s32 $0x108;
	_ =	swait.ge @!p0 [sflag:s8], $0x0  }
0x24: {  	s3 =	sadd.s32 $0x88, s3;
	s6 =	simm.s32 @!p1 $0x1082;
	[sflag:s4] =	ssyncset.s32 $0xFFFFF086  }
0x25: {  	[simem:s6], [sflag:s4] =	dma.local [hbm:s3], $0xF7A  }
0x26: {  	[smem:$0x3F87] =	sst s1;
	(tag) =	ssettag s2;
	_ =	strace s9  }
0x27: {  	s1 =	sld [smem:$0x3F97]  }
0x28: {  	s2 =	sld [smem:$0x3F98]  }
0x29: {  	s4 =	sld [smem:$0x3F9A]  }
0x2a: {  	p0 =	seq.s32 s5, $0x0;
	s5 =	sld [smem:$0x3F9B]  }
0x2b: {  	s6 =	sld [smem:$0x3F9C]  }
0x2c: {  	s7 =	sld [smem:$0x3F9D]  }
0x2d: {  	s3 =	simm.s32 $0x108;
	s8 =	sld [smem:$0x3F9E]  }
0x2e: {  	s3 =	simm.s32 @!p0 $0x1082;
	s9 =	sld [smem:$0x3F9F]  }
0x2f: {  	lr =	sadd.s32 s0, s3;
	s0 =	sld [smem:$0x3F96]  }
0x30: {  	s3 =	sld [smem:$0x3F99]  }
0x31: {  	[smem:$0x3FA2] =	sst s10  }
0x32: {  	s10 =	sld [smem:$0x3FA0];
	_ =	sdelay $0x3  }
0x33: {  	p0 =	seq.s32 s10, $0x1;
	s10 =	sld [smem:$0x3FA2];
	_ =	sdelay $0x3  }
0x34: {  	[smem:$0x3FA2] =	sst s10  }
0x35: {  	s10 =	sld [smem:$0x3FA1];
	_ =	sdelay $0x3  }
0x36: {  	p1 =	seq.s32 s10, $0x1;
	s10 =	sld [smem:$0x3FA2];
	_ =	sdelay $0x3  }
0x37: {  	[smem:$0x3FA2] =	sst s10  }
0x38: {  	s10 =	sld [smem:$0x3FA3]  }
0x39: {  	_ = 	snop;
	(pc) =	sbr.ind lr, $3  }
0x3a: {  	_ = 	snop  }
0x3b: {  	_ = 	snop  }
0x3c: {  	p2 =	seq.s32 s10, $0x1;
	s10 =	sld [smem:$0x3FA2]  }
0x3d: {  	_ =	shalt  }
0x3e: {  	_ =	shalt  }
0x3f: {  	_ =	shalt  }
0x40: {  	_ =	shalt  }
0x41: {  	_ =	shalt  }
0x42: {  	_ =	shalt  }
0x43: {  	_ =	shalt  }
0x44: {  	_ =	shalt  }
0x45: {  	_ =	shalt  }
0x46: {  	_ =	shalt  }
0x47: {  	_ =	shalt  }
0x48: {  	_ =	shalt  }
0x49: {  	_ =	shalt  }
0x4a: {  	_ =	shalt  }
0x4b: {  	_ =	shalt  }
0x4c: {  	_ =	shalt  }
0x4d: {  	_ =	shalt  }
0x4e: {  	_ =	shalt  }
0x4f: {  	_ =	shalt  }
0x50: {  	_ =	shalt  }
0x51: {  	_ =	shalt  }
0x52: {  	_ =	shalt  }
0x53: {  	_ =	shalt  }
0x54: {  	_ =	shalt  }
0x55: {  	_ =	shalt  }
0x56: {  	_ =	shalt  }
0x57: {  	_ =	shalt  }
0x58: {  	_ =	shalt  }
0x59: {  	_ =	shalt  }
0x5a: {  	_ =	shalt  }
0x5b: {  	_ =	shalt  }
0x5c: {  	_ =	shalt  }
0x5d: {  	_ =	shalt  }
0x5e: {  	_ =	shalt  }
0x5f: {  	_ =	shalt  }
0x60: {  	_ =	shalt  }
0x61: {  	_ =	shalt  }
0x62: {  	_ =	shalt  }
0x63: {  	_ =	shalt  }
0x64: {  	_ =	shalt  }
0x65: {  	_ =	shalt  }
0x66: {  	_ =	shalt  }
0x67: {  	_ =	shalt  }
0x68: {  	_ =	shalt  }
0x69: {  	_ =	shalt  }
0x6a: {  	_ =	shalt  }
0x6b: {  	_ =	shalt  }
0x6c: {  	_ =	shalt  }
0x6d: {  	_ =	shalt  }
0x6e: {  	_ =	shalt  }
0x6f: {  	_ =	shalt  }
0x70: {  	_ =	shalt  }
0x71: {  	_ =	shalt  }
0x72: {  	_ =	shalt  }
0x73: {  	_ =	shalt  }
0x74: {  	_ =	shalt  }
0x75: {  	_ =	shalt  }
0x76: {  	_ =	shalt  }
0x77: {  	_ =	shalt  }
0x78: {  	_ =	shalt  }
0x79: {  	_ =	shalt  }
0x7a: {  	_ =	shalt  }
0x7b: {  	_ =	shalt  }
0x7c: {  	_ =	shalt  }
0x7d: {  	_ =	shalt  }
0x7e: {  	_ =	shalt  }
0x7f: {  	_ =	shalt  }
0x80: {  	_ =	shalt  }
0x81: {  	_ =	shalt  }
0x82: {  	_ =	shalt  }
0x83: {  	_ =	shalt  }
0x84: {  	_ =	shalt  }
0x85: {  	_ =	shalt  }
0x86: {  	_ =	shalt  }
0x87: {  	_ =	shalt  }
.Lfunc_end0:
.L_simem_size_0:
called_computation.1_lowered:
.L_overlay_start_0:
0x88: {  	s2 =	sld [smem:$0x3FD9]  }
0x89: {  	s3 =	sld [smem:$0x3FFE];
	_ =	sdelay $0x1  }
0x8a: {  	s1 =	srdreg.scid  }
0x8b: {  	s0 =	sand.u32 $0x1, s1  }
0x8c: {  	s17 =	sshll.u32 s0, $0xA;
	s2 =	sadd.s32 s3, s2  }
0x8d: {  	s2 =	sadd.s32 s2, s17  }
0x8e: {  	[smem:$0x3FAE] =	sst s2  }
0x8f: {  	_ = 	snop  }
0x90: {  	s2 =	sld [smem:$0x3FD0];
	(tm) =	ssettm $0x1  }
0x91: {  	s18 =	sld [smem:$0x3FFB];
	_ =	sdelay $0x3  }
0x92: {  	_ =	strace s18  }
0x93: {  	s3 =	sld [smem:$0x3FFC];
	_ =	sdelay $0x3  }
0x94: {  	_ =	strace s3  }
0x95: {  	s3 =	sld [smem:$0x3FFD];
	_ =	sdelay $0x3  }
0x96: {  	_ =	strace s3  }
0x97: {  	_ =	strace $0x8FFFFFFF  }
0x98: {  	s19 =	sld [smem:$0x3FDB];
	_ =	sdelay $0x1  }
0x99: {  	s4 =	simm.s32 $_scs_section_size  }
0x9a: {  	s5 =	simm.s32 $_size__tile_overlayer_lowered;
	s6 =	simm.s32 $_tile_overlayer_lowered  }
0x9b: {  	s22 =	simm.s32 $0x1BFF;
	s21 =	sshll.u32 s6, $0x1;
	s3 =	sadd.s32 s4, s19  }
0x9c: {  	s7 =	simm.s32 $0x0;
	s20 =	sshll.u32 s5, $0x1;
	s5 =	sadd.s32 s21, s3  }
0x9d: {  	[timem:s7], [sflag:s22] =	dma.local [hbm:s5], s20  }
0x9e: {  	_ =	swait.ge [sflag:s22], s20  }
0x9f: {  	s4 =	ssub.s32 $0x0, s20;
	[sflag:s22] =	ssyncset.done $0x0  }
0xa0: {  	[sflag:s22] =	ssyncadd.s32 s4;
	_ =	sdelay $0x1  }
0xa1: {  	s23 =	simm.s32 $0x1B8B  }
0xa2: {  	_ =	swait.ge [sflag:s23], $0x1  }
0xa3: {  	[sflag:s23] =	ssyncset.done $0x0  }
0xa4: {  	s25 =	simm.s32 $0x1B8E;
	s24 =	sld [smem:$0x3FFE];
	[sflag:s23] =	ssyncadd.s32 $0xFFFFFFFF  }
0xa5: {  	s26 =	simm.s32 $execute0_lowered;
	[smem:$0x3FD2] =	sst s25  }
0xa6: {  	s5 =	sshll.u32 s26, $0x1;
	_ =	strace $0x80000049;
	[dreg:$0x1] =	wrdreg $0xFFFFFFFF  }
0xa7: {  	s28 =	simm.s32 $_size_execute0_lowered;
	s3 =	sadd.s32 s3, s5;
	[dreg:$0x0] =	wrdreg $0x0  }
0xa8: {  	s5 =	sshll.u32 s28, $0x1;
	[dreg:$0x2] =	wrdreg s3  }
0xa9: {  	[dreg:$0x3] =	wrdreg s5  }
0xaa: {  	[dreg:$0x4] =	wrdreg $0xC0  }
0xab: {  	_ =	task [dreg:s7], $0x5FFFF  }
0xac: {  	[dreg:$0x1] =	wrdreg $0xFFFFFFFF  }
0xad: {  	[dreg:$0x0] =	wrdreg $0x60  }
0xae: {  	[dreg:$0x2] =	wrdreg s2  }
0xaf: {  	[dreg:$0x3] =	wrdreg s24  }
0xb0: {  	[dreg:$0x4] =	wrdreg $0x0  }
0xb1: {  	[dreg:$0x5] =	wrdreg $0x9  }
0xb2: {  	_ =	task.clear_ibuf [dreg:s7], $0x6FFFF;
	_ =	strace $0x90000049  }
0xb3: {  	s29 =	simm.s32 $0x9;
	_ =	strace $0x8000004B  }
0xb4: {  	_ =	swait.ge [sflag:s29], $0x1  }
0xb5: {  	[sflag:s29] =	ssyncadd.s32 $0xFFFFFFFF  }
0xb6: {  	_ =	strace $0x9000004B  }
0xb7: {  	_ =	sfence  }
0xb8: {  	s30 =	sld [smem:$0x0];
	_ =	sdelay $0x2  }
0xb9: {  	s31 =	sshll.u32 s1, $0xD;
	s1 =	sshrl.u32 s1, $0x2  }
0xba: {  	s3 =	sand.u32 $0x4000, s31;
	s1 =	sadd.s32 s1, s30  }
0xbb: {  	s0 =	sor.u32 s3, s0;
	s1 =	sshll.u32 s1, $0x11  }
0xbc: {  	s0 =	sor.u32 s1, s0  }
0xbd: {  	s0 =	sadd.s32 $0x8F2B, s0  }
0xbe: {  	[sflag:s0] =	ssyncadd.remote.s32 $0x1  }
0xbf: {  	_ =	sfence.sel $0xFFFF  }
0xc0: {  	[dreg:$0x0] =	wrdreg $0xFFFFFFFF;
	(pc) =	sbr.abs _section_cstart, $3  }
0xc1: {  	[dreg:$0x1] =	wrdreg $0xFFFFFFFF  }
0xc2: {  	_ =	task.clear_ibuf [dreg:s7], $0x2FFFF;
	_ =	strace $0x9FFFFFFF  }
0xc3: {  	(tm) =	ssettm $0x7FFFFFFF  }
tec
execute0_lowered:
.L_overlay_start_1:
0x0: {  	(tag) =	ssettag $0x1  }
0x1: {  	s1 =	rddreg [dreg:$0x0]  }
0x2: {  	s0 =	rddreg [dreg:$0x1]  }
0x3: {  	s2 =	rddreg [dreg:$0x2]  }
0x4: {  	s3 =	simm.s32 $0x0;
	s4 =	srdreg.scid;
	s28 =	simm.s32 $0x14C80  }
0x5: {  	s29 =	simm.s32 $0x80;
	s31 =	simm.s32 $0x1A080;
	[smem:$0x7FF] =	sst s3  }
0x6: {  	s15 =	sadd.s32 $0x4A00, s0;
	s16 =	sadd.s32 $0xEA00, s0;
	s14 =	sand.u32 $0x1, s4  }
0x7: {  	s0 =	sadd.s32 $0x18A00, s0;
	s4 =	stileid.u32;
	s19 =	smul.u32 $0x138800, s14  }
0x8: {  	s9 =	sadd.s32 $0x138000, s2;
	s7 =	sshll.u32 s4, $0x1;
	s20 =	smul.u32 $0x13800, s4  }
0x9: {  	_ =	strace $0x8000004A;
	s22 =	smul.u32 $0xFFFFFFB0, s14;
	s24 =	sor.u32 s14, s7  }
0xa: {  	s5 =	ssub.s32 $0x2, s14;
	s8 =	sshll.u32 s4, $0xE;
	s11 =	smul.u32 $0xFFFFFFB0, s24  }
0xb: {  	p0 =	sgt.u32 s4, $0xD;
	s6 =	sshrl.u32 s5, $0x1;
	s13 =	smul.u32 $0x500, s24  }
0xc: {  	p2 =	sne.s32 @p0 s4, $0xF;
	s21 =	ssub.s32 s5, s6;
	s18 =	smul.u32 $0x2800, s24  }
0xd: {  	s5 =	sadd.s32 s8, s2;
	s8 =	smul.u32 $0xFFFFFF60, s4;
	s23 =	sshrl.u32 s19, $0x3  }
0xe: {  	p1 =	por p2, !p0;
	p2 =	por !p2, !p0;
	s25 =	sadd.s32 $0x40000, s5  }
0xf: {  	p3 =	seq.s32 s24, $0x1F;
	s26 =	sadd.s32 $0x80000, s5;
	[dreg:$0x4] =	wrdreg s25  }
0x10: {  	s24 =	simm.s32 $0x13880;
	s30 =	sadd.s32 $0xC0000, s5;
	[dreg:$0x5] =	wrdreg s26  }
0x11: {  	s10 =	sadd.s32 $0x100000, s5;
	s21 =	smax.u32 s21, $0x1;
	[dreg:$0x6] =	wrdreg s30  }
0x12: {  	s17 =	sadd.s32 $0x9C4, s11;
	s12 =	sadd.s32 s15, s13;
	s13 =	sadd.s32 s16, s13  }
0x13: {  	s18 =	sshrl.u32 s18, $0x3;
	s11 =	smin.u32 s17, $0x28;
	s17 =	smax.u32 s17, $0x28  }
0x14: {  	s7 =	sadd.s32 $0x280, s18;
	s18 =	sadd.s32 s8, s22;
	s22 =	simm.s32 $0x16080  }
0x15: {  	s17 =	smin.u32 s17, $0x50;
	s15 =	sadd.s32 s15, s7;
	s16 =	sadd.s32 s16, s7  }
0x16: {  	s25 =	sadd.s32 $0x9C4, s18;
	s14 =	sadd.s32 $0xFFFFFFD8, s17;
	[dreg:$0x7] =	wrdreg s15  }
0x17: {  	[dreg:$0x8] =	wrdreg s16;
	s17 =	sadd.s32 s20, s19;
	s20 =	smul.u32 $0x4E000, s4  }
0x18: {  	s26 =	smax.u32 s25, $0x29;
	s19 =	smin.u32 s25, $0x28;
	s15 =	sshrl.u32 s17, $0x3  }
0x19: {  	s30 =	smin.u32 s26, $0x50;
	p4 =	seq.s32 s14, $0x0;
	s17 =	sadd.s32 s0, s15  }
0x1a: {  	s16 =	sshrl.u32 s20, $0x2;
	s0 =	sadd.s32 s0, s23;
	s20 =	sadd.s32 $0xFFFFFFD8, s30  }
.Ltmp0:
0x1b: {  	s18 =	sadd.s32 $0x27000, s0;
	s0 =	simm.s32 @!p2 $0x0;
	(pc) =	sbr.rel .LBB2_1-.Ltmp0, $4  }
0x1c: {  	s26 =	simm.s32 $0x3;
	s0 =	simm.s32 @p2 $0x1;
	p2 =	seq.s32 s20, $0x1  }
0x1d: {  	s23 =	simm.s32 $0x2;
	[smem:$0x7FC] =	sst s0;
	s0 =	simm.s32 @!p2 $0x0  }
0x1e: {  	s15 =	simm.s32 $0x0;
	s16 =	sadd.s32 s16, s2;
	s0 =	simm.s32 @p2 $0x1  }
0x1f: {  	v0 =	vimm.f32 $0.0e+00;
	s25 =	sshrl.u32 s16, $0x3;
	[smem:$0x7FD] =	sst s0;
	s0 =	simm.s32 $0x1  }
.LBB2_12:
0x20: {  	_ =	swait.ge [sflag:s23], $0x4000  }
0x21: {  	[sflag:s23] =	ssyncset.done $0x0  }
0x22: {  	[sflag:s23] =	ssyncadd.s32 $0xFFFFC000  }
0x23: {  	_ =	swait.ge [sflag:s23], $0x4000  }
0x24: {  	[sflag:s23] =	ssyncset.done $0x0  }
0x25: {  	[sflag:s23] =	ssyncadd.s32 $0xFFFFC000  }
.LBB2_13:
0x26: {  	s4 =	stileid.u32  }
0x27: {  	s4 =	sshll.u32 s4, $0x6  }
0x28: {  	[bflag:$0x0] =	sbarrier.arrive $0xFFFF;
	s4 =	sor.u32 $0x1C03, s4  }
0x29: {  	[hbm:s17], [sflag:s4] =	dma.local [spmem:s25], $0x2700  }
0x2a: {  	_ =	swait.ge [sflag:s26], $0x2700  }
0x2b: {  	s15 =	sadd.s32 $0x1, s15;
	[sflag:s26] =	ssyncset.done $0x0  }
0x2c: {  	s6 =	sshrl.u32 @p6 s9, $0x3;
	p2 =	sne.s32 s15, s21;
	[sflag:s26] =	ssyncadd.s32 $0xFFFFD900  }
0x2d: {  	[hbm:s18], [sflag:s4] =	dma.local @p6 [spmem:s6], $0x100  }
.Ltmp1:
0x2e: {  	_ = 	snop;
	(pc) =	sbr.rel @!p2 .LBB2_14-.Ltmp1, $4  }
0x2f: {  	s4 =	simm.s32 @p6 $0x3  }
0x30: {  	_ =	swait.ge @p6 [sflag:s4], $0x100  }
0x31: {  	[sflag:s4] =	ssyncset.done @p6 $0x0  }
0x32: {  	[sflag:s4] =	ssyncadd.s32 @p6 $0xFFFFFF00  }
.LBB2_1:
0x33: {  	s16 =	simm.s32 $0x0;
	s30 =	simm.s32 $0x200  }
.LBB2_2:
0x34: {  	p5 =	sne.s32 s30, $0xFE00;
	[tilespmem:s16+$0x160F0] =	vst v0  }
0x35: {  	[tilespmem:s16+$0x16080] =	vst v0  }
0x36: {  	[tilespmem:s16+$0x16090] =	vst v0  }
.Ltmp2:
0x37: {  	[tilespmem:s16+$0x160A0] =	vst v0;
	(pc) =	sbr.rel @p5 .LBB2_2-.Ltmp2, $4  }
0x38: {  	[tilespmem:s16+$0x160B0] =	vst v0  }
0x39: {  	[tilespmem:s16+$0x160C0] =	vst v0  }
0x3a: {  	[tilespmem:s16+$0x160D0] =	vst v0  }
0x3b: {  	[tilespmem:s16+$0x160E0] =	vst v0;
	s16 =	sshra.s32 s30, $0x2;
	s30 =	sadd.s32 $0x200, s30  }
0x3c: {  	[tilespmem:s16+$0x160F0] =	vst v0  }
0x3d: {  	[tilespmem:s16+$0x16080] =	vst v0  }
0x3e: {  	[tilespmem:s16+$0x16090] =	vst v0  }
0x3f: {  	[tilespmem:s16+$0x160A0] =	vst v0  }
0x40: {  	[tilespmem:s16+$0x160B0] =	vst v0  }
0x41: {  	[tilespmem:s16+$0x160C0] =	vst v0  }
0x42: {  	[tilespmem:s16+$0x160D0] =	vst v0  }
0x43: {  	[tilespmem:s16+$0x160E0] =	vst v0  }
0x44: {  	[spmem:s5] =	stream.linear.scatter [tilespmem:s22], [sflag:$0x2], $0x4000, $0x38;
	[tilespmem:$0x1E080] =	vst v63  }
0x45: {  	s4 =	rddreg [dreg:$0x4]  }
0x46: {  	[spmem:s4] =	stream.linear.scatter [tilespmem:s22], [sflag:$0x2], $0x4000, $0x38;
	[tilespmem:$0x1E080] =	vst v63  }
0x47: {  	s6 =	rddreg [dreg:$0x5]  }
0x48: {  	[spmem:s6] =	stream.linear.scatter [tilespmem:s22], [sflag:$0x2], $0x4000, $0x38;
	[tilespmem:$0x1E080] =	vst v63  }
0x49: {  	s7 =	rddreg [dreg:$0x6]  }
0x4a: {  	[spmem:s7] =	stream.linear.scatter [tilespmem:s22], [sflag:$0x2], $0x4000, $0x38;
	[tilespmem:$0x1E080] =	vst v63  }
0x4b: {  	s16 =	simm.s32 @!p1 $0x16080  }
0x4c: {  	[spmem:s9] =	stream.linear.scatter @!p1 [tilespmem:s16], [sflag:$0x2], $0x800, $0x38;
	[tilespmem:$0x1E080] =	vst v63  }
0x4d: {  	s16 =	simm.s32 @!p0 $0x16080  }
0x4e: {  	[spmem:s10] =	stream.linear.scatter @!p0 [tilespmem:s16], [sflag:$0x2], $0x4000, $0x38;
	[tilespmem:$0x1E080] =	vst v63  }
0x4f: {  	_ =	swait.ge [sflag:s23], $0x4000  }
0x50: {  	[sflag:s23] =	ssyncset.done $0x0  }
0x51: {  	[sflag:s23] =	ssyncadd.s32 $0xFFFFC000  }
0x52: {  	_ =	swait.ge [sflag:s23], $0x4000  }
0x53: {  	[sflag:s23] =	ssyncset.done $0x0  }
0x54: {  	[sflag:s23] =	ssyncadd.s32 $0xFFFFC000  }
0x55: {  	_ =	swait.ge [sflag:s23], $0x4000  }
0x56: {  	[sflag:s23] =	ssyncset.done $0x0  }
0x57: {  	[sflag:s23] =	ssyncadd.s32 $0xFFFFC000  }
0x58: {  	_ =	swait.ge [sflag:s23], $0x4000  }
0x59: {  	s8 =	sld [smem:$0x7FC];
	_ =	sdelay $0x1  }
0x5a: {  	p5 =	por @p0 $0x0, $0x0;
	p6 =	por @!p1 $0x1, $0x1;
	[sflag:s23] =	ssyncset.done $0x0  }
0x5b: {  	s16 =	simm.s32 @!p0 $0x2;
	[sflag:s23] =	ssyncadd.s32 $0xFFFFC000;
	p2 =	seq.s32 s8, $0x1  }
0x5c: {  	_ =	swait.ge @!p0 [sflag:s16], $0x4000;
	p6 =	por @!p2 p5, p5;
	p5 =	por @!p0 $0x0, $0x0  }
0x5d: {  	[sflag:s16] =	ssyncset.done @!p0 $0x0;
	p6 =	por @!p0 p5, p5  }
0x5e: {  	[sflag:s16] =	ssyncadd.s32 @!p0 $0xFFFFC000;
	s16 =	simm.s32 @p6 $0x2  }
0x5f: {  	_ =	swait.ge @p6 [sflag:s16], $0x800  }
0x60: {  	[sflag:s16] =	ssyncset.done @p6 $0x0  }
0x61: {  	[sflag:s16] =	ssyncadd.s32 @p6 $0xFFFFF800  }
0x62: {  	[bflag:$0x0] =	sbarrier.arrive $0xFFFF  }
0x63: {  	[tilespmem:s24], [sflag:$0x3] =	stream.linear.gather [hbm4b:s12+s3], $0x1400, $0x38;
	[tilespmem:$0x1E080] =	vst v63  }
0x64: {  	_ =	swait.ge [sflag:s26], $0x1400  }
0x65: {  	[sflag:s26] =	ssyncset.done $0x0  }
0x66: {  	[sflag:s26] =	ssyncadd.s32 $0xFFFFEC00  }
0x67: {  	[tilespmem:s28], [sflag:$0x3] =	stream.linear.gather [hbm4b:s13+s3], $0x1400, $0x38;
	[tilespmem:$0x1E080] =	vst v63  }
0x68: {  	_ =	swait.ge [sflag:s26], $0x1400  }
0x69: {  	[sflag:s26] =	ssyncset.done $0x0  }
0x6a: {  	[sflag:s26] =	ssyncadd.s32 $0xFFFFEC00  }
0x6b: {  	[tilespmem:s22], [sflag:$0x1] =	stream.indirect.gather [hbm4b:s1+s29], $0x80, s24, s29, $0xb8;
	[tilespmem:$0x1E080] =	vst v63  }
0x6c: {  	s30 =	simm.s32 $0x13900  }
0x6d: {  	[tilespmem:s31], [sflag:$0x1] =	stream.indirect.gather [hbm4b:s1+s29], $0x80, s30, s29, $0xb8;
	[tilespmem:$0x1E080] =	vst v63  }
.Ltmp3:
0x6e: {  	s16 =	simm.s32 $0x1;
	(pc) =	sbr.rel .LBB2_4-.Ltmp3, $4  }
0x6f: {  	_ =	swait.ge [sflag:s16], $0x4000  }
0x70: {  	[sflag:s16] =	ssyncset.done $0x0  }
0x71: {  	[sflag:s16] =	ssyncadd.s32 $0xFFFFC000  }
0x72: {  	[spmem:s2] =	stream.indirect.scatter.add.f32 [tilespmem:s22], [sflag:$0x2], $0x80, s28, s29, $0xb8;
	[tilespmem:$0x1E080] =	vst v63  }
.LBB2_6:
0x73: {  	p2 =	sne.s32 s30, s19  }
.Ltmp4:
0x74: {  	_ = 	snop;
	(pc) =	sbr.rel @!p2 .LBB2_7-.Ltmp4, $2  }
0x75: {  	_ =	sdelay $0x2  }
0x76: {  	s16 =	smov.u32 s30  }
.LBB2_4:
0x77: {  	s4 =	sand.u32 $0x1, s16  }
0x78: {  	p5 =	seq.s32 s4, $0x1  }
0x79: {  	s30 =	sor.u32 @!p5 $0x1, s16  }
0x7a: {  	p2 =	sge.u32 @!p5 s30, s11  }
0x7b: {  	p2 =	por p2, p5  }
0x7c: {  	s6 =	simm.s32 @!p2 $0x2  }
0x7d: {  	_ =	swait.ge @!p2 [sflag:s6], $0x4000  }
0x7e: {  	s7 =	sshll.u32 @!p2 s30, $0x7;
	[sflag:s6] =	ssyncset.done @!p2 $0x0  }
0x7f: {  	[sflag:s6] =	ssyncadd.s32 @!p2 $0xFFFFC000;
	s6 =	sand.u32 @!p2 $0x3FFFFF80, s7  }
0x80: {  	s8 =	simm.s32 @!p2 $0x1A080;
	s7 =	simm.s32 @!p2 $0x80;
	s6 =	sadd.s32 @!p2 $0x13880, s6  }
0x81: {  	[tilespmem:s8], [sflag:$0x1] =	stream.indirect.gather @!p2 [hbm4b:s1+s7], $0x80, s6, s7, $0xb8;
	[tilespmem:$0x1E080] =	vst v63  }
0x82: {  	p2 =	seq.s32 @!p5 s4, $0x0  }
0x83: {  	s6 =	simm.s32 @!p5 $0x1;
	p2 =	por p5, !p2  }
.Ltmp5:
0x84: {  	_ =	swait.ge @!p5 [sflag:s6], $0x4000;
	(pc) =	sbr.rel @!p2 .LBB2_6-.Ltmp5, $4  }
0x85: {  	s7 =	sshll.u32 @!p5 s16, $0x9;
	[sflag:s6] =	ssyncset.done @!p5 $0x0  }
0x86: {  	[sflag:s6] =	ssyncadd.s32 @!p5 $0xFFFFC000;
	s6 =	sshra.s32 @!p5 s7, $0x2  }
0x87: {  	s8 =	simm.s32 @!p5 $0x16080;
	s7 =	simm.s32 @!p5 $0x80;
	s6 =	sadd.s32 @!p5 $0x14C80, s6  }
0x88: {  	[spmem:s2] =	stream.indirect.scatter.add.f32 @!p5 [tilespmem:s8], [sflag:$0x2], $0x80, s6, s7, $0xb8;
	[tilespmem:$0x1E080] =	vst v63  }
0x89: {  	s30 =	sadd.s32 $0x1, s16  }
0x8a: {  	p2 =	sge.u32 s30, s11  }
0x8b: {  	s4 =	simm.s32 @!p2 $0x2  }
0x8c: {  	_ =	swait.ge @!p2 [sflag:s4], $0x4000  }
0x8d: {  	s6 =	sshll.u32 @!p2 s30, $0x7;
	[sflag:s4] =	ssyncset.done @!p2 $0x0  }
0x8e: {  	[sflag:s4] =	ssyncadd.s32 @!p2 $0xFFFFC000;
	s4 =	sand.u32 @!p2 $0x3FFFFF80, s6  }
0x8f: {  	s7 =	simm.s32 @!p2 $0x16080;
	s6 =	simm.s32 @!p2 $0x80;
	s4 =	sadd.s32 @!p2 $0x13880, s4  }
0x90: {  	[tilespmem:s7], [sflag:$0x1] =	stream.indirect.gather @!p2 [hbm4b:s1+s6], $0x80, s4, s6, $0xb8;
	[tilespmem:$0x1E080] =	vst v63  }
.Ltmp6:
0x91: {  	_ = 	snop;
	(pc) =	sbr.rel .LBB2_6-.Ltmp6, $4  }
0x92: {  	s16 =	sshll.u32 s16, $0x9;
	_ =	swait.ge [sflag:s0], $0x4000  }
0x93: {  	s4 =	sshra.s32 s16, $0x2;
	[sflag:s0] =	ssyncset.done $0x0  }
0x94: {  	s4 =	sadd.s32 $0x14C80, s4;
	[sflag:s0] =	ssyncadd.s32 $0xFFFFC000  }
0x95: {  	[spmem:s2] =	stream.indirect.scatter.add.f32 [tilespmem:s31], [sflag:$0x2], $0x80, s4, s29, $0xb8;
	[tilespmem:$0x1E080] =	vst v63  }
.LBB2_7:
0x96: {  	_ =	swait.ge [sflag:s23], $0x4000  }
.Ltmp7:
0x97: {  	[sflag:s23] =	ssyncset.done $0x0;
	(pc) =	sbr.rel @p3 .LBB2_13-.Ltmp7, $4  }
0x98: {  	[sflag:s23] =	ssyncadd.s32 $0xFFFFC000  }
0x99: {  	_ =	swait.ge [sflag:s23], $0x4000  }
0x9a: {  	[sflag:s23] =	ssyncset.done $0x0  }
0x9b: {  	[sflag:s23] =	ssyncadd.s32 $0xFFFFC000  }
0x9c: {  	s4 =	rddreg [dreg:$0x7]  }
0x9d: {  	[tilespmem:s24], [sflag:$0x3] =	stream.linear.gather [hbm4b:s4+s3], $0x1400, $0x38;
	[tilespmem:$0x1E080] =	vst v63  }
0x9e: {  	_ =	swait.ge [sflag:s26], $0x1400  }
0x9f: {  	[sflag:s26] =	ssyncset.done $0x0  }
0xa0: {  	s16 =	rddreg [dreg:$0x8];
	[sflag:s26] =	ssyncadd.s32 $0xFFFFEC00  }
0xa1: {  	[tilespmem:s28], [sflag:$0x3] =	stream.linear.gather [hbm4b:s16+s3], $0x1400, $0x38;
	[tilespmem:$0x1E080] =	vst v63  }
0xa2: {  	_ =	swait.ge [sflag:s26], $0x1400  }
0xa3: {  	[sflag:s26] =	ssyncset.done $0x0  }
0xa4: {  	s6 =	simm.s32 @!p4 $0x13900;
	[sflag:s26] =	ssyncadd.s32 $0xFFFFEC00  }
0xa5: {  	[tilespmem:s22], [sflag:$0x1] =	stream.indirect.gather [hbm4b:s1+s29], $0x80, s24, s29, $0xb8;
	[tilespmem:$0x1E080] =	vst v63  }
0xa6: {  	s7 =	simm.s32 @!p4 $0x1A080;
	s4 =	simm.s32 @!p4 $0x80;
	s16 =	simm.s32 $0x1  }
0xa7: {  	[tilespmem:s7], [sflag:$0x1] =	stream.indirect.gather @!p4 [hbm4b:s1+s4], $0x80, s6, s4, $0xb8;
	[tilespmem:$0x1E080] =	vst v63  }
0xa8: {  	_ =	swait.ge [sflag:s16], $0x4000  }
0xa9: {  	s30 =	sld [smem:$0x7FD];
	_ =	sdelay $0x2  }
0xaa: {  	p2 =	seq.s32 s30, $0x1  }
.Ltmp8:
0xab: {  	_ = 	snop;
	(pc) =	sbr.rel @p2 .LBB2_12-.Ltmp8, $4  }
.Ltmp9:
0xac: {  	_ = 	snop;
	(pc) =	sbr.rel @!p2 .LBB2_9-.Ltmp9, $4  }
0xad: {  	[sflag:s16] =	ssyncset.done $0x0  }
0xae: {  	[sflag:s16] =	ssyncadd.s32 $0xFFFFC000  }
0xaf: {  	[spmem:s2] =	stream.indirect.scatter.add.f32 [tilespmem:s22], [sflag:$0x2], $0x80, s28, s29, $0xb8;
	[tilespmem:$0x1E080] =	vst v63  }
0xb0: {  	_ = 	snop  }
.LBB2_11:
0xb1: {  	p2 =	sne.s32 s30, s20  }
.Ltmp10:
0xb2: {  	_ = 	snop;
	(pc) =	sbr.rel @!p2 .LBB2_12-.Ltmp10, $2  }
0xb3: {  	_ =	sdelay $0x2  }
0xb4: {  	s16 =	smov.u32 s30  }
.LBB2_9:
0xb5: {  	s4 =	sand.u32 $0x1, s16  }
0xb6: {  	p5 =	seq.s32 s4, $0x1  }
0xb7: {  	s30 =	sor.u32 @!p5 $0x1, s16  }
0xb8: {  	p2 =	sge.u32 @!p5 s30, s14  }
0xb9: {  	p2 =	por p2, p5  }
0xba: {  	s6 =	simm.s32 @!p2 $0x2  }
0xbb: {  	_ =	swait.ge @!p2 [sflag:s6], $0x4000  }
0xbc: {  	s7 =	sshll.u32 @!p2 s30, $0x7;
	[sflag:s6] =	ssyncset.done @!p2 $0x0  }
0xbd: {  	[sflag:s6] =	ssyncadd.s32 @!p2 $0xFFFFC000;
	s6 =	sand.u32 @!p2 $0x3FFFFF80, s7  }
0xbe: {  	s8 =	simm.s32 @!p2 $0x1A080;
	s7 =	simm.s32 @!p2 $0x80;
	s6 =	sadd.s32 @!p2 $0x13880, s6  }
0xbf: {  	[tilespmem:s8], [sflag:$0x1] =	stream.indirect.gather @!p2 [hbm4b:s1+s7], $0x80, s6, s7, $0xb8;
	[tilespmem:$0x1E080] =	vst v63  }
0xc0: {  	p2 =	seq.s32 @!p5 s4, $0x0  }
0xc1: {  	s6 =	simm.s32 @!p5 $0x1;
	p2 =	por p5, !p2  }
.Ltmp11:
0xc2: {  	_ =	swait.ge @!p5 [sflag:s6], $0x4000;
	(pc) =	sbr.rel @!p2 .LBB2_11-.Ltmp11, $4  }
0xc3: {  	s7 =	sshll.u32 @!p5 s16, $0x9;
	[sflag:s6] =	ssyncset.done @!p5 $0x0  }
0xc4: {  	[sflag:s6] =	ssyncadd.s32 @!p5 $0xFFFFC000;
	s6 =	sshra.s32 @!p5 s7, $0x2  }
0xc5: {  	s8 =	simm.s32 @!p5 $0x16080;
	s7 =	simm.s32 @!p5 $0x80;
	s6 =	sadd.s32 @!p5 $0x14C80, s6  }
0xc6: {  	[spmem:s2] =	stream.indirect.scatter.add.f32 @!p5 [tilespmem:s8], [sflag:$0x2], $0x80, s6, s7, $0xb8;
	[tilespmem:$0x1E080] =	vst v63  }
0xc7: {  	s30 =	sadd.s32 $0x1, s16  }
0xc8: {  	p2 =	sge.u32 s30, s14  }
0xc9: {  	s4 =	simm.s32 @!p2 $0x2  }
0xca: {  	_ =	swait.ge @!p2 [sflag:s4], $0x4000  }
0xcb: {  	s6 =	sshll.u32 @!p2 s30, $0x7;
	[sflag:s4] =	ssyncset.done @!p2 $0x0  }
0xcc: {  	[sflag:s4] =	ssyncadd.s32 @!p2 $0xFFFFC000;
	s4 =	sand.u32 @!p2 $0x3FFFFF80, s6  }
0xcd: {  	s7 =	simm.s32 @!p2 $0x16080;
	s6 =	simm.s32 @!p2 $0x80;
	s4 =	sadd.s32 @!p2 $0x13880, s4  }
0xce: {  	[tilespmem:s7], [sflag:$0x1] =	stream.indirect.gather @!p2 [hbm4b:s1+s6], $0x80, s4, s6, $0xb8;
	[tilespmem:$0x1E080] =	vst v63  }
.Ltmp12:
0xcf: {  	_ = 	snop;
	(pc) =	sbr.rel .LBB2_11-.Ltmp12, $4  }
0xd0: {  	s16 =	sshll.u32 s16, $0x9;
	_ =	swait.ge [sflag:s0], $0x4000  }
0xd1: {  	s4 =	sshra.s32 s16, $0x2;
	[sflag:s0] =	ssyncset.done $0x0  }
0xd2: {  	s4 =	sadd.s32 $0x14C80, s4;
	[sflag:s0] =	ssyncadd.s32 $0xFFFFC000  }
0xd3: {  	[spmem:s2] =	stream.indirect.scatter.add.f32 [tilespmem:s31], [sflag:$0x2], $0x80, s4, s29, $0xb8;
	[tilespmem:$0x1E080] =	vst v63  }
.LBB2_14:
0xd4: {  	_ =	sfence.sel $0x180000  }
0xd5: {  	[bflag:$0x0] =	sbarrier.arrive $0xFFFF  }
0xd6: {  	_ =	strace $0x9000004A  }
0xd7: {  	s0 =	stileid.u32;
	[bflag:$0x2] =	sbarrier.arrive $0xFFFF  }
0xd8: {  	p0 =	sne.s32 s0, $0x0;
	s0 =	rddreg [dreg:$0x3]  }
0xd9: {  	s0 =	sadd.s32 @!p0 $0x100000, s0  }
0xda: {  	[sflag:s0] =	ssyncadd.tile.s32 @!p0 $0x1;
	_ =	shalt  }
.Lfunc_end2:
_tile_overlayer_lowered:
.L_overlay_start_2:
0xdb: {  	(tag) =	ssettag $0x2  }
0xdc: {  	s0 =	rddreg [dreg:$0x0];
	s2 =	stileid.u32  }
0xdd: {  	s1 =	rddreg [dreg:$0x1];
	p0 =	sne.s32 s2, $0x0  }
0xde: {  	s3 =	rddreg [dreg:$0x2];
	[bflag:$0x3] =	sbarrier.arrive $0xFFFF;
	s2 =	simm.s32 @!p0 $0x1C03  }
0xdf: {  	[timem:s3], [sflag:s2] =	dma.local @!p0 [hbm:s0], s1  }
0xe0: {  	s0 =	simm.s32 @!p0 $0x3  }
0xe1: {  	_ =	swait.ge @!p0 [sflag:s0], s1  }
0xe2: {  	s1 =	ssub.s32 @!p0 $0x0, s1;
	[sflag:s0] =	ssyncset.done @!p0 $0x0  }
0xe3: {  	[sflag:s0] =	ssyncadd.s32 @!p0 s1  }
0xe4: {  	[bflag:$0x3] =	sbarrier.arrive $0xFFFF  }
0xe5: {  	_ =	shalt  }

// kernel: kernel.14.cloned.1.call-start
scs
__scs_entry_jumppad:
0x0: {  	(pc) =	sbr.rel $0x88, $3  }
0x1: {  	(tag) =	ssettag $0x0;
	lr =	simm.s32 $0x1  }
0x2: {  	[smem:$0x3F87] =	sst lr;
	_ =	strace $0xD0000000  }
0x3: {  	_ = 	snop  }
0x4: {  	_ = 	snop  }
0x5: {  	_ = 	snop  }
0x6: {  	_ = 	snop  }
0x7: {  	_ = 	snop  }
__scs_overlays_trampoline_lowered:
0x8: {  	[smem:$0x3F96] =	sst s0  }
0x9: {  	[smem:$0x3F97] =	sst s1  }
0xa: {  	[smem:$0x3F98] =	sst s2  }
0xb: {  	[smem:$0x3F99] =	sst s3  }
0xc: {  	[smem:$0x3F9A] =	sst s4  }
0xd: {  	[smem:$0x3F9B] =	sst s5  }
0xe: {  	[smem:$0x3F9C] =	sst s6  }
0xf: {  	[smem:$0x3F9D] =	sst s7  }
0x10: {  	[smem:$0x3F9E] =	sst s8  }
0x11: {  	[smem:$0x3F9F] =	sst s9;
	s0 =	simm.s32 @!p0 $0x0  }
0x12: {  	s1 =	sld [smem:$0x3F85];
	s0 =	simm.s32 @p0 $0x1  }
0x13: {  	[smem:$0x3FA0] =	sst s0;
	s0 =	simm.s32 @!p1 $0x0  }
0x14: {  	s2 =	sld [smem:$0x3F84];
	s0 =	simm.s32 @p1 $0x1  }
0x15: {  	[smem:$0x3FA1] =	sst s0;
	s0 =	simm.s32 @!p2 $0x0  }
0x16: {  	s3 =	sld [smem:$0x3FDB];
	s0 =	simm.s32 @p2 $0x1  }
0x17: {  	s4 =	simm.s32 $0x1BF5;
	[smem:$0x3FA3] =	sst s0  }
0x18: {  	s0 =	sld [smem:$0x3F86];
	_ =	swait.ge [sflag:s4], $0x0  }
0x19: {  	s7 =	sld [smem:$0x3F87]  }
0x1a: {  	s8 =	sadd.s32 $0xFFFFE003, lr  }
0x1b: {  	s9 =	sadd.s32 $0xFFFFFEF7, lr;
	s5 =	simm.s32 $0xFFFFFFFF;
	p2 =	slt.u32 s8, $0xFFFFF086  }
0x1c: {  	p1 =	slt.u32 s9, $0xF7A;
	s5 =	simm.s32 @!p2 $0x0  }
0x1d: {  	s5 =	simm.s32 @p1 $0x1;
	p0 =	seq.s32 s7, s2  }
0x1e: {  	s7 =	smul.u32 @!p0 $0xF7A, s2;
	p2 =	seq.s32 @!p0 s5, $0x0  }
0x1f: {  	s9 =	smul.u32 $0xF7A, s1;
	s8 =	simm.s32 @!p0 $0x1BF5;
	p2 =	por !p2, p0  }
0x20: {  	[sflag:s8] =	ssyncset.s32 @!p0 $0xFFFFF086;
	s6 =	sadd.s32 @!p0 s3, s7;
	s7 =	simm.s32 @!p0 $0x108  }
0x21: {  	s3 =	sadd.s32 s3, s9;
	s6 =	sadd.s32 @!p0 $0x88, s6;
	s7 =	simm.s32 @p2 $0x1082  }
0x22: {  	[simem:s7], [sflag:s8] =	dma.local @!p0 [hbm:s6], $0xF7A  }
0x23: {  	s9 =	sor.u32 $0xD0000000, s2;
	s6 =	simm.s32 $0x108;
	_ =	swait.ge @!p0 [sflag:s8], $0x0  }
0x24: {  	s3 =	sadd.s32 $0x88, s3;
	s6 =	simm.s32 @!p1 $0x1082;
	[sflag:s4] =	ssyncset.s32 $0xFFFFF086  }
0x25: {  	[simem:s6], [sflag:s4] =	dma.local [hbm:s3], $0xF7A  }
0x26: {  	[smem:$0x3F87] =	sst s1;
	(tag) =	ssettag s2;
	_ =	strace s9  }
0x27: {  	s1 =	sld [smem:$0x3F97]  }
0x28: {  	s2 =	sld [smem:$0x3F98]  }
0x29: {  	s4 =	sld [smem:$0x3F9A]  }
0x2a: {  	p0 =	seq.s32 s5, $0x0;
	s5 =	sld [smem:$0x3F9B]  }
0x2b: {  	s6 =	sld [smem:$0x3F9C]  }
0x2c: {  	s7 =	sld [smem:$0x3F9D]  }
0x2d: {  	s3 =	simm.s32 $0x108;
	s8 =	sld [smem:$0x3F9E]  }
0x2e: {  	s3 =	simm.s32 @!p0 $0x1082;
	s9 =	sld [smem:$0x3F9F]  }
0x2f: {  	lr =	sadd.s32 s0, s3;
	s0 =	sld [smem:$0x3F96]  }
0x30: {  	s3 =	sld [smem:$0x3F99]  }
0x31: {  	[smem:$0x3FA2] =	sst s10  }
0x32: {  	s10 =	sld [smem:$0x3FA0];
	_ =	sdelay $0x3  }
0x33: {  	p0 =	seq.s32 s10, $0x1;
	s10 =	sld [smem:$0x3FA2];
	_ =	sdelay $0x3  }
0x34: {  	[smem:$0x3FA2] =	sst s10  }
0x35: {  	s10 =	sld [smem:$0x3FA1];
	_ =	sdelay $0x3  }
0x36: {  	p1 =	seq.s32 s10, $0x1;
	s10 =	sld [smem:$0x3FA2];
	_ =	sdelay $0x3  }
0x37: {  	[smem:$0x3FA2] =	sst s10  }
0x38: {  	s10 =	sld [smem:$0x3FA3]  }
0x39: {  	_ = 	snop;
	(pc) =	sbr.ind lr, $3  }
0x3a: {  	_ = 	snop  }
0x3b: {  	_ = 	snop  }
0x3c: {  	p2 =	seq.s32 s10, $0x1;
	s10 =	sld [smem:$0x3FA2]  }
0x3d: {  	_ =	shalt  }
0x3e: {  	_ =	shalt  }
0x3f: {  	_ =	shalt  }
0x40: {  	_ =	shalt  }
0x41: {  	_ =	shalt  }
0x42: {  	_ =	shalt  }
0x43: {  	_ =	shalt  }
0x44: {  	_ =	shalt  }
0x45: {  	_ =	shalt  }
0x46: {  	_ =	shalt  }
0x47: {  	_ =	shalt  }
0x48: {  	_ =	shalt  }
0x49: {  	_ =	shalt  }
0x4a: {  	_ =	shalt  }
0x4b: {  	_ =	shalt  }
0x4c: {  	_ =	shalt  }
0x4d: {  	_ =	shalt  }
0x4e: {  	_ =	shalt  }
0x4f: {  	_ =	shalt  }
0x50: {  	_ =	shalt  }
0x51: {  	_ =	shalt  }
0x52: {  	_ =	shalt  }
0x53: {  	_ =	shalt  }
0x54: {  	_ =	shalt  }
0x55: {  	_ =	shalt  }
0x56: {  	_ =	shalt  }
0x57: {  	_ =	shalt  }
0x58: {  	_ =	shalt  }
0x59: {  	_ =	shalt  }
0x5a: {  	_ =	shalt  }
0x5b: {  	_ =	shalt  }
0x5c: {  	_ =	shalt  }
0x5d: {  	_ =	shalt  }
0x5e: {  	_ =	shalt  }
0x5f: {  	_ =	shalt  }
0x60: {  	_ =	shalt  }
0x61: {  	_ =	shalt  }
0x62: {  	_ =	shalt  }
0x63: {  	_ =	shalt  }
0x64: {  	_ =	shalt  }
0x65: {  	_ =	shalt  }
0x66: {  	_ =	shalt  }
0x67: {  	_ =	shalt  }
0x68: {  	_ =	shalt  }
0x69: {  	_ =	shalt  }
0x6a: {  	_ =	shalt  }
0x6b: {  	_ =	shalt  }
0x6c: {  	_ =	shalt  }
0x6d: {  	_ =	shalt  }
0x6e: {  	_ =	shalt  }
0x6f: {  	_ =	shalt  }
0x70: {  	_ =	shalt  }
0x71: {  	_ =	shalt  }
0x72: {  	_ =	shalt  }
0x73: {  	_ =	shalt  }
0x74: {  	_ =	shalt  }
0x75: {  	_ =	shalt  }
0x76: {  	_ =	shalt  }
0x77: {  	_ =	shalt  }
0x78: {  	_ =	shalt  }
0x79: {  	_ =	shalt  }
0x7a: {  	_ =	shalt  }
0x7b: {  	_ =	shalt  }
0x7c: {  	_ =	shalt  }
0x7d: {  	_ =	shalt  }
0x7e: {  	_ =	shalt  }
0x7f: {  	_ =	shalt  }
0x80: {  	_ =	shalt  }
0x81: {  	_ =	shalt  }
0x82: {  	_ =	shalt  }
0x83: {  	_ =	shalt  }
0x84: {  	_ =	shalt  }
0x85: {  	_ =	shalt  }
0x86: {  	_ =	shalt  }
0x87: {  	_ =	shalt  }
.Lfunc_end0:
.L_simem_size_0:
called_computation.2_lowered:
.L_overlay_start_0:
0x88: {  	s2 =	sld [smem:$0x3FD9]  }
0x89: {  	s3 =	sld [smem:$0x3FFE];
	_ =	sdelay $0x1  }
0x8a: {  	s1 =	srdreg.scid  }
0x8b: {  	s0 =	sand.u32 $0x1, s1  }
0x8c: {  	s17 =	sshll.u32 s0, $0xA;
	s2 =	sadd.s32 s3, s2  }
0x8d: {  	s2 =	sadd.s32 s2, s17  }
0x8e: {  	[smem:$0x3FAE] =	sst s2  }
0x8f: {  	_ = 	snop  }
0x90: {  	s2 =	sld [smem:$0x3FD0];
	(tm) =	ssettm $0x1  }
0x91: {  	s18 =	sld [smem:$0x3FFB];
	_ =	sdelay $0x3  }
0x92: {  	_ =	strace s18  }
0x93: {  	s3 =	sld [smem:$0x3FFC];
	_ =	sdelay $0x3  }
0x94: {  	_ =	strace s3  }
0x95: {  	s3 =	sld [smem:$0x3FFD];
	_ =	sdelay $0x3  }
0x96: {  	_ =	strace s3  }
0x97: {  	_ =	strace $0x8FFFFFFF  }
0x98: {  	s19 =	sld [smem:$0x3FDB];
	_ =	sdelay $0x1  }
0x99: {  	s4 =	simm.s32 $_scs_section_size  }
0x9a: {  	s5 =	simm.s32 $_size__tile_overlayer_lowered;
	s6 =	simm.s32 $_tile_overlayer_lowered  }
0x9b: {  	s22 =	simm.s32 $0x1BFF;
	s21 =	sshll.u32 s6, $0x1;
	s3 =	sadd.s32 s4, s19  }
0x9c: {  	s7 =	simm.s32 $0x0;
	s20 =	sshll.u32 s5, $0x1;
	s5 =	sadd.s32 s21, s3  }
0x9d: {  	[timem:s7], [sflag:s22] =	dma.local [hbm:s5], s20  }
0x9e: {  	_ =	swait.ge [sflag:s22], s20  }
0x9f: {  	s4 =	ssub.s32 $0x0, s20;
	[sflag:s22] =	ssyncset.done $0x0  }
0xa0: {  	[sflag:s22] =	ssyncadd.s32 s4;
	_ =	sdelay $0x1  }
0xa1: {  	s23 =	simm.s32 $0x1B8B  }
0xa2: {  	_ =	swait.ge [sflag:s23], $0x1  }
0xa3: {  	[sflag:s23] =	ssyncset.done $0x0  }
0xa4: {  	s25 =	simm.s32 $0x1B8E;
	s24 =	sld [smem:$0x3FFE];
	[sflag:s23] =	ssyncadd.s32 $0xFFFFFFFF  }
0xa5: {  	s26 =	simm.s32 $execute0_lowered;
	[smem:$0x3FD2] =	sst s25  }
0xa6: {  	s5 =	sshll.u32 s26, $0x1;
	_ =	strace $0x8000004C;
	[dreg:$0x1] =	wrdreg $0xFFFFFFFF  }
0xa7: {  	s28 =	simm.s32 $_size_execute0_lowered;
	s3 =	sadd.s32 s3, s5;
	[dreg:$0x0] =	wrdreg $0x0  }
0xa8: {  	s5 =	sshll.u32 s28, $0x1;
	[dreg:$0x2] =	wrdreg s3  }
0xa9: {  	[dreg:$0x3] =	wrdreg s5  }
0xaa: {  	[dreg:$0x4] =	wrdreg $0xC0  }
0xab: {  	_ =	task [dreg:s7], $0x5FFFF  }
0xac: {  	[dreg:$0x1] =	wrdreg $0xFFFFFFFF  }
0xad: {  	[dreg:$0x0] =	wrdreg $0x60  }
0xae: {  	[dreg:$0x2] =	wrdreg s2  }
0xaf: {  	[dreg:$0x3] =	wrdreg s24  }
0xb0: {  	[dreg:$0x4] =	wrdreg $0x0  }
0xb1: {  	[dreg:$0x5] =	wrdreg $0x9  }
0xb2: {  	_ =	task.clear_ibuf [dreg:s7], $0x6FFFF;
	_ =	strace $0x9000004C  }
0xb3: {  	s29 =	simm.s32 $0x9;
	_ =	strace $0x8000004E  }
0xb4: {  	_ =	swait.ge [sflag:s29], $0x1  }
0xb5: {  	[sflag:s29] =	ssyncadd.s32 $0xFFFFFFFF  }
0xb6: {  	_ =	strace $0x9000004E  }
0xb7: {  	_ =	sfence  }
0xb8: {  	s30 =	sld [smem:$0x0];
	_ =	sdelay $0x2  }
0xb9: {  	s31 =	sshll.u32 s1, $0xD;
	s1 =	sshrl.u32 s1, $0x2  }
0xba: {  	s3 =	sand.u32 $0x4000, s31;
	s1 =	sadd.s32 s1, s30  }
0xbb: {  	s0 =	sor.u32 s3, s0;
	s1 =	sshll.u32 s1, $0x11  }
0xbc: {  	s0 =	sor.u32 s1, s0  }
0xbd: {  	s0 =	sadd.s32 $0x8F2B, s0  }
0xbe: {  	[sflag:s0] =	ssyncadd.remote.s32 $0x1  }
0xbf: {  	_ =	sfence.sel $0xFFFF  }
0xc0: {  	[dreg:$0x0] =	wrdreg $0xFFFFFFFF;
	(pc) =	sbr.abs _section_cstart, $3  }
0xc1: {  	[dreg:$0x1] =	wrdreg $0xFFFFFFFF  }
0xc2: {  	_ =	task.clear_ibuf [dreg:s7], $0x2FFFF;
	_ =	strace $0x9FFFFFFF  }
0xc3: {  	(tm) =	ssettm $0x7FFFFFFF  }
tec
execute0_lowered:
.L_overlay_start_1:
0x0: {  	(tag) =	ssettag $0x1  }
0x1: {  	s1 =	rddreg [dreg:$0x0]  }
0x2: {  	s0 =	rddreg [dreg:$0x1]  }
0x3: {  	s2 =	rddreg [dreg:$0x2]  }
0x4: {  	s3 =	simm.s32 $0x0;
	s4 =	srdreg.scid;
	s28 =	simm.s32 $0x14C80  }
0x5: {  	s29 =	simm.s32 $0x80;
	s31 =	simm.s32 $0x1A080;
	[smem:$0x7FF] =	sst s3  }
0x6: {  	s15 =	sadd.s32 $0x4A00, s0;
	s16 =	sadd.s32 $0xEA00, s0;
	s14 =	sand.u32 $0x1, s4  }
0x7: {  	s0 =	sadd.s32 $0x18A00, s0;
	s4 =	stileid.u32;
	s19 =	smul.u32 $0x138800, s14  }
0x8: {  	s9 =	sadd.s32 $0x138000, s2;
	s7 =	sshll.u32 s4, $0x1;
	s20 =	smul.u32 $0x13800, s4  }
0x9: {  	_ =	strace $0x8000004D;
	s22 =	smul.u32 $0xFFFFFFB0, s14;
	s24 =	sor.u32 s14, s7  }
0xa: {  	s5 =	ssub.s32 $0x2, s14;
	s8 =	sshll.u32 s4, $0xE;
	s11 =	smul.u32 $0xFFFFFFB0, s24  }
0xb: {  	p0 =	sgt.u32 s4, $0xD;
	s6 =	sshrl.u32 s5, $0x1;
	s13 =	smul.u32 $0x500, s24  }
0xc: {  	p2 =	sne.s32 @p0 s4, $0xF;
	s21 =	ssub.s32 s5, s6;
	s18 =	smul.u32 $0x2800, s24  }
0xd: {  	s5 =	sadd.s32 s8, s2;
	s8 =	smul.u32 $0xFFFFFF60, s4;
	s23 =	sshrl.u32 s19, $0x3  }
0xe: {  	p1 =	por p2, !p0;
	p2 =	por !p2, !p0;
	s25 =	sadd.s32 $0x40000, s5  }
0xf: {  	p3 =	seq.s32 s24, $0x1F;
	s26 =	sadd.s32 $0x80000, s5;
	[dreg:$0x4] =	wrdreg s25  }
0x10: {  	s24 =	simm.s32 $0x13880;
	s30 =	sadd.s32 $0xC0000, s5;
	[dreg:$0x5] =	wrdreg s26  }
0x11: {  	s10 =	sadd.s32 $0x100000, s5;
	s21 =	smax.u32 s21, $0x1;
	[dreg:$0x6] =	wrdreg s30  }
0x12: {  	s17 =	sadd.s32 $0x9C4, s11;
	s12 =	sadd.s32 s15, s13;
	s13 =	sadd.s32 s16, s13  }
0x13: {  	s18 =	sshrl.u32 s18, $0x3;
	s11 =	smin.u32 s17, $0x28;
	s17 =	smax.u32 s17, $0x28  }
0x14: {  	s7 =	sadd.s32 $0x280, s18;
	s18 =	sadd.s32 s8, s22;
	s22 =	simm.s32 $0x16080  }
0x15: {  	s17 =	smin.u32 s17, $0x50;
	s15 =	sadd.s32 s15, s7;
	s16 =	sadd.s32 s16, s7  }
0x16: {  	s25 =	sadd.s32 $0x9C4, s18;
	s14 =	sadd.s32 $0xFFFFFFD8, s17;
	[dreg:$0x7] =	wrdreg s15  }
0x17: {  	[dreg:$0x8] =	wrdreg s16;
	s17 =	sadd.s32 s20, s19;
	s20 =	smul.u32 $0x4E000, s4  }
0x18: {  	s26 =	smax.u32 s25, $0x29;
	s19 =	smin.u32 s25, $0x28;
	s15 =	sshrl.u32 s17, $0x3  }
0x19: {  	s30 =	smin.u32 s26, $0x50;
	p4 =	seq.s32 s14, $0x0;
	s17 =	sadd.s32 s0, s15  }
0x1a: {  	s16 =	sshrl.u32 s20, $0x2;
	s0 =	sadd.s32 s0, s23;
	s20 =	sadd.s32 $0xFFFFFFD8, s30  }
.Ltmp0:
0x1b: {  	s18 =	sadd.s32 $0x27000, s0;
	s0 =	simm.s32 @!p2 $0x0;
	(pc) =	sbr.rel .LBB2_1-.Ltmp0, $4  }
0x1c: {  	s26 =	simm.s32 $0x3;
	s0 =	simm.s32 @p2 $0x1;
	p2 =	seq.s32 s20, $0x1  }
0x1d: {  	s23 =	simm.s32 $0x2;
	[smem:$0x7FC] =	sst s0;
	s0 =	simm.s32 @!p2 $0x0  }
0x1e: {  	s15 =	simm.s32 $0x0;
	s16 =	sadd.s32 s16, s2;
	s0 =	simm.s32 @p2 $0x1  }
0x1f: {  	v0 =	vimm.f32 $0.0e+00;
	s25 =	sshrl.u32 s16, $0x3;
	[smem:$0x7FD] =	sst s0;
	s0 =	simm.s32 $0x1  }
.LBB2_12:
0x20: {  	_ =	swait.ge [sflag:s23], $0x4000  }
0x21: {  	[sflag:s23] =	ssyncset.done $0x0  }
0x22: {  	[sflag:s23] =	ssyncadd.s32 $0xFFFFC000  }
0x23: {  	_ =	swait.ge [sflag:s23], $0x4000  }
0x24: {  	[sflag:s23] =	ssyncset.done $0x0  }
0x25: {  	[sflag:s23] =	ssyncadd.s32 $0xFFFFC000  }
.LBB2_13:
0x26: {  	s4 =	stileid.u32  }
0x27: {  	s4 =	sshll.u32 s4, $0x6  }
0x28: {  	[bflag:$0x0] =	sbarrier.arrive $0xFFFF;
	s4 =	sor.u32 $0x1C03, s4  }
0x29: {  	[hbm:s17], [sflag:s4] =	dma.local [spmem:s25], $0x2700  }
0x2a: {  	_ =	swait.ge [sflag:s26], $0x2700  }
0x2b: {  	s15 =	sadd.s32 $0x1, s15;
	[sflag:s26] =	ssyncset.done $0x0  }
0x2c: {  	s6 =	sshrl.u32 @p6 s9, $0x3;
	p2 =	sne.s32 s15, s21;
	[sflag:s26] =	ssyncadd.s32 $0xFFFFD900  }
0x2d: {  	[hbm:s18], [sflag:s4] =	dma.local @p6 [spmem:s6], $0x100  }
.Ltmp1:
0x2e: {  	_ = 	snop;
	(pc) =	sbr.rel @!p2 .LBB2_14-.Ltmp1, $4  }
0x2f: {  	s4 =	simm.s32 @p6 $0x3  }
0x30: {  	_ =	swait.ge @p6 [sflag:s4], $0x100  }
0x31: {  	[sflag:s4] =	ssyncset.done @p6 $0x0  }
0x32: {  	[sflag:s4] =	ssyncadd.s32 @p6 $0xFFFFFF00  }
.LBB2_1:
0x33: {  	s16 =	simm.s32 $0x0;
	s30 =	simm.s32 $0x200  }
.LBB2_2:
0x34: {  	p5 =	sne.s32 s30, $0xFE00;
	[tilespmem:s16+$0x160F0] =	vst v0  }
0x35: {  	[tilespmem:s16+$0x16080] =	vst v0  }
0x36: {  	[tilespmem:s16+$0x16090] =	vst v0  }
.Ltmp2:
0x37: {  	[tilespmem:s16+$0x160A0] =	vst v0;
	(pc) =	sbr.rel @p5 .LBB2_2-.Ltmp2, $4  }
0x38: {  	[tilespmem:s16+$0x160B0] =	vst v0  }
0x39: {  	[tilespmem:s16+$0x160C0] =	vst v0  }
0x3a: {  	[tilespmem:s16+$0x160D0] =	vst v0  }
0x3b: {  	[tilespmem:s16+$0x160E0] =	vst v0;
	s16 =	sshra.s32 s30, $0x2;
	s30 =	sadd.s32 $0x200, s30  }
0x3c: {  	[tilespmem:s16+$0x160F0] =	vst v0  }
0x3d: {  	[tilespmem:s16+$0x16080] =	vst v0  }
0x3e: {  	[tilespmem:s16+$0x16090] =	vst v0  }
0x3f: {  	[tilespmem:s16+$0x160A0] =	vst v0  }
0x40: {  	[tilespmem:s16+$0x160B0] =	vst v0  }
0x41: {  	[tilespmem:s16+$0x160C0] =	vst v0  }
0x42: {  	[tilespmem:s16+$0x160D0] =	vst v0  }
0x43: {  	[tilespmem:s16+$0x160E0] =	vst v0  }
0x44: {  	[spmem:s5] =	stream.linear.scatter [tilespmem:s22], [sflag:$0x2], $0x4000, $0x38;
	[tilespmem:$0x1E080] =	vst v63  }
0x45: {  	s4 =	rddreg [dreg:$0x4]  }
0x46: {  	[spmem:s4] =	stream.linear.scatter [tilespmem:s22], [sflag:$0x2], $0x4000, $0x38;
	[tilespmem:$0x1E080] =	vst v63  }
0x47: {  	s6 =	rddreg [dreg:$0x5]  }
0x48: {  	[spmem:s6] =	stream.linear.scatter [tilespmem:s22], [sflag:$0x2], $0x4000, $0x38;
	[tilespmem:$0x1E080] =	vst v63  }
0x49: {  	s7 =	rddreg [dreg:$0x6]  }
0x4a: {  	[spmem:s7] =	stream.linear.scatter [tilespmem:s22], [sflag:$0x2], $0x4000, $0x38;
	[tilespmem:$0x1E080] =	vst v63  }
0x4b: {  	s16 =	simm.s32 @!p1 $0x16080  }
0x4c: {  	[spmem:s9] =	stream.linear.scatter @!p1 [tilespmem:s16], [sflag:$0x2], $0x800, $0x38;
	[tilespmem:$0x1E080] =	vst v63  }
0x4d: {  	s16 =	simm.s32 @!p0 $0x16080  }
0x4e: {  	[spmem:s10] =	stream.linear.scatter @!p0 [tilespmem:s16], [sflag:$0x2], $0x4000, $0x38;
	[tilespmem:$0x1E080] =	vst v63  }
0x4f: {  	_ =	swait.ge [sflag:s23], $0x4000  }
0x50: {  	[sflag:s23] =	ssyncset.done $0x0  }
0x51: {  	[sflag:s23] =	ssyncadd.s32 $0xFFFFC000  }
0x52: {  	_ =	swait.ge [sflag:s23], $0x4000  }
0x53: {  	[sflag:s23] =	ssyncset.done $0x0  }
0x54: {  	[sflag:s23] =	ssyncadd.s32 $0xFFFFC000  }
0x55: {  	_ =	swait.ge [sflag:s23], $0x4000  }
0x56: {  	[sflag:s23] =	ssyncset.done $0x0  }
0x57: {  	[sflag:s23] =	ssyncadd.s32 $0xFFFFC000  }
0x58: {  	_ =	swait.ge [sflag:s23], $0x4000  }
0x59: {  	s8 =	sld [smem:$0x7FC];
	_ =	sdelay $0x1  }
0x5a: {  	p5 =	por @p0 $0x0, $0x0;
	p6 =	por @!p1 $0x1, $0x1;
	[sflag:s23] =	ssyncset.done $0x0  }
0x5b: {  	s16 =	simm.s32 @!p0 $0x2;
	[sflag:s23] =	ssyncadd.s32 $0xFFFFC000;
	p2 =	seq.s32 s8, $0x1  }
0x5c: {  	_ =	swait.ge @!p0 [sflag:s16], $0x4000;
	p6 =	por @!p2 p5, p5;
	p5 =	por @!p0 $0x0, $0x0  }
0x5d: {  	[sflag:s16] =	ssyncset.done @!p0 $0x0;
	p6 =	por @!p0 p5, p5  }
0x5e: {  	[sflag:s16] =	ssyncadd.s32 @!p0 $0xFFFFC000;
	s16 =	simm.s32 @p6 $0x2  }
0x5f: {  	_ =	swait.ge @p6 [sflag:s16], $0x800  }
0x60: {  	[sflag:s16] =	ssyncset.done @p6 $0x0  }
0x61: {  	[sflag:s16] =	ssyncadd.s32 @p6 $0xFFFFF800  }
0x62: {  	[bflag:$0x0] =	sbarrier.arrive $0xFFFF  }
0x63: {  	[tilespmem:s24], [sflag:$0x3] =	stream.linear.gather [hbm4b:s12+s3], $0x1400, $0x38;
	[tilespmem:$0x1E080] =	vst v63  }
0x64: {  	_ =	swait.ge [sflag:s26], $0x1400  }
0x65: {  	[sflag:s26] =	ssyncset.done $0x0  }
0x66: {  	[sflag:s26] =	ssyncadd.s32 $0xFFFFEC00  }
0x67: {  	[tilespmem:s28], [sflag:$0x3] =	stream.linear.gather [hbm4b:s13+s3], $0x1400, $0x38;
	[tilespmem:$0x1E080] =	vst v63  }
0x68: {  	_ =	swait.ge [sflag:s26], $0x1400  }
0x69: {  	[sflag:s26] =	ssyncset.done $0x0  }
0x6a: {  	[sflag:s26] =	ssyncadd.s32 $0xFFFFEC00  }
0x6b: {  	[tilespmem:s22], [sflag:$0x1] =	stream.indirect.gather [hbm4b:s1+s29], $0x80, s24, s29, $0xb8;
	[tilespmem:$0x1E080] =	vst v63  }
0x6c: {  	s30 =	simm.s32 $0x13900  }
0x6d: {  	[tilespmem:s31], [sflag:$0x1] =	stream.indirect.gather [hbm4b:s1+s29], $0x80, s30, s29, $0xb8;
	[tilespmem:$0x1E080] =	vst v63  }
.Ltmp3:
0x6e: {  	s16 =	simm.s32 $0x1;
	(pc) =	sbr.rel .LBB2_4-.Ltmp3, $4  }
0x6f: {  	_ =	swait.ge [sflag:s16], $0x4000  }
0x70: {  	[sflag:s16] =	ssyncset.done $0x0  }
0x71: {  	[sflag:s16] =	ssyncadd.s32 $0xFFFFC000  }
0x72: {  	[spmem:s2] =	stream.indirect.scatter.add.f32 [tilespmem:s22], [sflag:$0x2], $0x80, s28, s29, $0xb8;
	[tilespmem:$0x1E080] =	vst v63  }
.LBB2_6:
0x73: {  	p2 =	sne.s32 s30, s19  }
.Ltmp4:
0x74: {  	_ = 	snop;
	(pc) =	sbr.rel @!p2 .LBB2_7-.Ltmp4, $2  }
0x75: {  	_ =	sdelay $0x2  }
0x76: {  	s16 =	smov.u32 s30  }
.LBB2_4:
0x77: {  	s4 =	sand.u32 $0x1, s16  }
0x78: {  	p5 =	seq.s32 s4, $0x1  }
0x79: {  	s30 =	sor.u32 @!p5 $0x1, s16  }
0x7a: {  	p2 =	sge.u32 @!p5 s30, s11  }
0x7b: {  	p2 =	por p2, p5  }
0x7c: {  	s6 =	simm.s32 @!p2 $0x2  }
0x7d: {  	_ =	swait.ge @!p2 [sflag:s6], $0x4000  }
0x7e: {  	s7 =	sshll.u32 @!p2 s30, $0x7;
	[sflag:s6] =	ssyncset.done @!p2 $0x0  }
0x7f: {  	[sflag:s6] =	ssyncadd.s32 @!p2 $0xFFFFC000;
	s6 =	sand.u32 @!p2 $0x3FFFFF80, s7  }
0x80: {  	s8 =	simm.s32 @!p2 $0x1A080;
	s7 =	simm.s32 @!p2 $0x80;
	s6 =	sadd.s32 @!p2 $0x13880, s6  }
0x81: {  	[tilespmem:s8], [sflag:$0x1] =	stream.indirect.gather @!p2 [hbm4b:s1+s7], $0x80, s6, s7, $0xb8;
	[tilespmem:$0x1E080] =	vst v63  }
0x82: {  	p2 =	seq.s32 @!p5 s4, $0x0  }
0x83: {  	s6 =	simm.s32 @!p5 $0x1;
	p2 =	por p5, !p2  }
.Ltmp5:
0x84: {  	_ =	swait.ge @!p5 [sflag:s6], $0x4000;
	(pc) =	sbr.rel @!p2 .LBB2_6-.Ltmp5, $4  }
0x85: {  	s7 =	sshll.u32 @!p5 s16, $0x9;
	[sflag:s6] =	ssyncset.done @!p5 $0x0  }
0x86: {  	[sflag:s6] =	ssyncadd.s32 @!p5 $0xFFFFC000;
	s6 =	sshra.s32 @!p5 s7, $0x2  }
0x87: {  	s8 =	simm.s32 @!p5 $0x16080;
	s7 =	simm.s32 @!p5 $0x80;
	s6 =	sadd.s32 @!p5 $0x14C80, s6  }
0x88: {  	[spmem:s2] =	stream.indirect.scatter.add.f32 @!p5 [tilespmem:s8], [sflag:$0x2], $0x80, s6, s7, $0xb8;
	[tilespmem:$0x1E080] =	vst v63  }
0x89: {  	s30 =	sadd.s32 $0x1, s16  }
0x8a: {  	p2 =	sge.u32 s30, s11  }
0x8b: {  	s4 =	simm.s32 @!p2 $0x2  }
0x8c: {  	_ =	swait.ge @!p2 [sflag:s4], $0x4000  }
0x8d: {  	s6 =	sshll.u32 @!p2 s30, $0x7;
	[sflag:s4] =	ssyncset.done @!p2 $0x0  }
0x8e: {  	[sflag:s4] =	ssyncadd.s32 @!p2 $0xFFFFC000;
	s4 =	sand.u32 @!p2 $0x3FFFFF80, s6  }
0x8f: {  	s7 =	simm.s32 @!p2 $0x16080;
	s6 =	simm.s32 @!p2 $0x80;
	s4 =	sadd.s32 @!p2 $0x13880, s4  }
0x90: {  	[tilespmem:s7], [sflag:$0x1] =	stream.indirect.gather @!p2 [hbm4b:s1+s6], $0x80, s4, s6, $0xb8;
	[tilespmem:$0x1E080] =	vst v63  }
.Ltmp6:
0x91: {  	_ = 	snop;
	(pc) =	sbr.rel .LBB2_6-.Ltmp6, $4  }
0x92: {  	s16 =	sshll.u32 s16, $0x9;
	_ =	swait.ge [sflag:s0], $0x4000  }
0x93: {  	s4 =	sshra.s32 s16, $0x2;
	[sflag:s0] =	ssyncset.done $0x0  }
0x94: {  	s4 =	sadd.s32 $0x14C80, s4;
	[sflag:s0] =	ssyncadd.s32 $0xFFFFC000  }
0x95: {  	[spmem:s2] =	stream.indirect.scatter.add.f32 [tilespmem:s31], [sflag:$0x2], $0x80, s4, s29, $0xb8;
	[tilespmem:$0x1E080] =	vst v63  }
.LBB2_7:
0x96: {  	_ =	swait.ge [sflag:s23], $0x4000  }
.Ltmp7:
0x97: {  	[sflag:s23] =	ssyncset.done $0x0;
	(pc) =	sbr.rel @p3 .LBB2_13-.Ltmp7, $4  }
0x98: {  	[sflag:s23] =	ssyncadd.s32 $0xFFFFC000  }
0x99: {  	_ =	swait.ge [sflag:s23], $0x4000  }
0x9a: {  	[sflag:s23] =	ssyncset.done $0x0  }
0x9b: {  	[sflag:s23] =	ssyncadd.s32 $0xFFFFC000  }
0x9c: {  	s4 =	rddreg [dreg:$0x7]  }
0x9d: {  	[tilespmem:s24], [sflag:$0x3] =	stream.linear.gather [hbm4b:s4+s3], $0x1400, $0x38;
	[tilespmem:$0x1E080] =	vst v63  }
0x9e: {  	_ =	swait.ge [sflag:s26], $0x1400  }
0x9f: {  	[sflag:s26] =	ssyncset.done $0x0  }
0xa0: {  	s16 =	rddreg [dreg:$0x8];
	[sflag:s26] =	ssyncadd.s32 $0xFFFFEC00  }
0xa1: {  	[tilespmem:s28], [sflag:$0x3] =	stream.linear.gather [hbm4b:s16+s3], $0x1400, $0x38;
	[tilespmem:$0x1E080] =	vst v63  }
0xa2: {  	_ =	swait.ge [sflag:s26], $0x1400  }
0xa3: {  	[sflag:s26] =	ssyncset.done $0x0  }
0xa4: {  	s6 =	simm.s32 @!p4 $0x13900;
	[sflag:s26] =	ssyncadd.s32 $0xFFFFEC00  }
0xa5: {  	[tilespmem:s22], [sflag:$0x1] =	stream.indirect.gather [hbm4b:s1+s29], $0x80, s24, s29, $0xb8;
	[tilespmem:$0x1E080] =	vst v63  }
0xa6: {  	s7 =	simm.s32 @!p4 $0x1A080;
	s4 =	simm.s32 @!p4 $0x80;
	s16 =	simm.s32 $0x1  }
0xa7: {  	[tilespmem:s7], [sflag:$0x1] =	stream.indirect.gather @!p4 [hbm4b:s1+s4], $0x80, s6, s4, $0xb8;
	[tilespmem:$0x1E080] =	vst v63  }
0xa8: {  	_ =	swait.ge [sflag:s16], $0x4000  }
0xa9: {  	s30 =	sld [smem:$0x7FD];
	_ =	sdelay $0x2  }
0xaa: {  	p2 =	seq.s32 s30, $0x1  }
.Ltmp8:
0xab: {  	_ = 	snop;
	(pc) =	sbr.rel @p2 .LBB2_12-.Ltmp8, $4  }
.Ltmp9:
0xac: {  	_ = 	snop;
	(pc) =	sbr.rel @!p2 .LBB2_9-.Ltmp9, $4  }
0xad: {  	[sflag:s16] =	ssyncset.done $0x0  }
0xae: {  	[sflag:s16] =	ssyncadd.s32 $0xFFFFC000  }
0xaf: {  	[spmem:s2] =	stream.indirect.scatter.add.f32 [tilespmem:s22], [sflag:$0x2], $0x80, s28, s29, $0xb8;
	[tilespmem:$0x1E080] =	vst v63  }
0xb0: {  	_ = 	snop  }
.LBB2_11:
0xb1: {  	p2 =	sne.s32 s30, s20  }
.Ltmp10:
0xb2: {  	_ = 	snop;
	(pc) =	sbr.rel @!p2 .LBB2_12-.Ltmp10, $2  }
0xb3: {  	_ =	sdelay $0x2  }
0xb4: {  	s16 =	smov.u32 s30  }
.LBB2_9:
0xb5: {  	s4 =	sand.u32 $0x1, s16  }
0xb6: {  	p5 =	seq.s32 s4, $0x1  }
0xb7: {  	s30 =	sor.u32 @!p5 $0x1, s16  }
0xb8: {  	p2 =	sge.u32 @!p5 s30, s14  }
0xb9: {  	p2 =	por p2, p5  }
0xba: {  	s6 =	simm.s32 @!p2 $0x2  }
0xbb: {  	_ =	swait.ge @!p2 [sflag:s6], $0x4000  }
0xbc: {  	s7 =	sshll.u32 @!p2 s30, $0x7;
	[sflag:s6] =	ssyncset.done @!p2 $0x0  }
0xbd: {  	[sflag:s6] =	ssyncadd.s32 @!p2 $0xFFFFC000;
	s6 =	sand.u32 @!p2 $0x3FFFFF80, s7  }
0xbe: {  	s8 =	simm.s32 @!p2 $0x1A080;
	s7 =	simm.s32 @!p2 $0x80;
	s6 =	sadd.s32 @!p2 $0x13880, s6  }
0xbf: {  	[tilespmem:s8], [sflag:$0x1] =	stream.indirect.gather @!p2 [hbm4b:s1+s7], $0x80, s6, s7, $0xb8;
	[tilespmem:$0x1E080] =	vst v63  }
0xc0: {  	p2 =	seq.s32 @!p5 s4, $0x0  }
0xc1: {  	s6 =	simm.s32 @!p5 $0x1;
	p2 =	por p5, !p2  }
.Ltmp11:
0xc2: {  	_ =	swait.ge @!p5 [sflag:s6], $0x4000;
	(pc) =	sbr.rel @!p2 .LBB2_11-.Ltmp11, $4  }
0xc3: {  	s7 =	sshll.u32 @!p5 s16, $0x9;
	[sflag:s6] =	ssyncset.done @!p5 $0x0  }
0xc4: {  	[sflag:s6] =	ssyncadd.s32 @!p5 $0xFFFFC000;
	s6 =	sshra.s32 @!p5 s7, $0x2  }
0xc5: {  	s8 =	simm.s32 @!p5 $0x16080;
	s7 =	simm.s32 @!p5 $0x80;
	s6 =	sadd.s32 @!p5 $0x14C80, s6  }
0xc6: {  	[spmem:s2] =	stream.indirect.scatter.add.f32 @!p5 [tilespmem:s8], [sflag:$0x2], $0x80, s6, s7, $0xb8;
	[tilespmem:$0x1E080] =	vst v63  }
0xc7: {  	s30 =	sadd.s32 $0x1, s16  }
0xc8: {  	p2 =	sge.u32 s30, s14  }
0xc9: {  	s4 =	simm.s32 @!p2 $0x2  }
0xca: {  	_ =	swait.ge @!p2 [sflag:s4], $0x4000  }
0xcb: {  	s6 =	sshll.u32 @!p2 s30, $0x7;
	[sflag:s4] =	ssyncset.done @!p2 $0x0  }
0xcc: {  	[sflag:s4] =	ssyncadd.s32 @!p2 $0xFFFFC000;
	s4 =	sand.u32 @!p2 $0x3FFFFF80, s6  }
0xcd: {  	s7 =	simm.s32 @!p2 $0x16080;
	s6 =	simm.s32 @!p2 $0x80;
	s4 =	sadd.s32 @!p2 $0x13880, s4  }
0xce: {  	[tilespmem:s7], [sflag:$0x1] =	stream.indirect.gather @!p2 [hbm4b:s1+s6], $0x80, s4, s6, $0xb8;
	[tilespmem:$0x1E080] =	vst v63  }
.Ltmp12:
0xcf: {  	_ = 	snop;
	(pc) =	sbr.rel .LBB2_11-.Ltmp12, $4  }
0xd0: {  	s16 =	sshll.u32 s16, $0x9;
	_ =	swait.ge [sflag:s0], $0x4000  }
0xd1: {  	s4 =	sshra.s32 s16, $0x2;
	[sflag:s0] =	ssyncset.done $0x0  }
0xd2: {  	s4 =	sadd.s32 $0x14C80, s4;
	[sflag:s0] =	ssyncadd.s32 $0xFFFFC000  }
0xd3: {  	[spmem:s2] =	stream.indirect.scatter.add.f32 [tilespmem:s31], [sflag:$0x2], $0x80, s4, s29, $0xb8;
	[tilespmem:$0x1E080] =	vst v63  }
.LBB2_14:
0xd4: {  	_ =	sfence.sel $0x180000  }
0xd5: {  	[bflag:$0x0] =	sbarrier.arrive $0xFFFF  }
0xd6: {  	_ =	strace $0x9000004D  }
0xd7: {  	s0 =	stileid.u32;
	[bflag:$0x2] =	sbarrier.arrive $0xFFFF  }
0xd8: {  	p0 =	sne.s32 s0, $0x0;
	s0 =	rddreg [dreg:$0x3]  }
0xd9: {  	s0 =	sadd.s32 @!p0 $0x100000, s0  }
0xda: {  	[sflag:s0] =	ssyncadd.tile.s32 @!p0 $0x1;
	_ =	shalt  }
.Lfunc_end2:
_tile_overlayer_lowered:
.L_overlay_start_2:
0xdb: {  	(tag) =	ssettag $0x2  }
0xdc: {  	s0 =	rddreg [dreg:$0x0];
	s2 =	stileid.u32  }
0xdd: {  	s1 =	rddreg [dreg:$0x1];
	p0 =	sne.s32 s2, $0x0  }
0xde: {  	s3 =	rddreg [dreg:$0x2];
	[bflag:$0x3] =	sbarrier.arrive $0xFFFF;
	s2 =	simm.s32 @!p0 $0x1C03  }
0xdf: {  	[timem:s3], [sflag:s2] =	dma.local @!p0 [hbm:s0], s1  }
0xe0: {  	s0 =	simm.s32 @!p0 $0x3  }
0xe1: {  	_ =	swait.ge @!p0 [sflag:s0], s1  }
0xe2: {  	s1 =	ssub.s32 @!p0 $0x0, s1;
	[sflag:s0] =	ssyncset.done @!p0 $0x0  }
0xe3: {  	[sflag:s0] =	ssyncadd.s32 @!p0 s1  }
0xe4: {  	[bflag:$0x3] =	sbarrier.arrive $0xFFFF  }
0xe5: {  	_ =	shalt  }

// kernel: kernel.8.cloned.1.call-start
scs
__scs_entry_jumppad:
0x0: {  	(pc) =	sbr.rel $0x88, $3  }
0x1: {  	(tag) =	ssettag $0x0;
	lr =	simm.s32 $0x1  }
0x2: {  	[smem:$0x3F87] =	sst lr;
	_ =	strace $0xD0000000  }
0x3: {  	_ = 	snop  }
0x4: {  	_ = 	snop  }
0x5: {  	_ = 	snop  }
0x6: {  	_ = 	snop  }
0x7: {  	_ = 	snop  }
__scs_overlays_trampoline_lowered:
0x8: {  	[smem:$0x3F96] =	sst s0  }
0x9: {  	[smem:$0x3F97] =	sst s1  }
0xa: {  	[smem:$0x3F98] =	sst s2  }
0xb: {  	[smem:$0x3F99] =	sst s3  }
0xc: {  	[smem:$0x3F9A] =	sst s4  }
0xd: {  	[smem:$0x3F9B] =	sst s5  }
0xe: {  	[smem:$0x3F9C] =	sst s6  }
0xf: {  	[smem:$0x3F9D] =	sst s7  }
0x10: {  	[smem:$0x3F9E] =	sst s8  }
0x11: {  	[smem:$0x3F9F] =	sst s9;
	s0 =	simm.s32 @!p0 $0x0  }
0x12: {  	s1 =	sld [smem:$0x3F85];
	s0 =	simm.s32 @p0 $0x1  }
0x13: {  	[smem:$0x3FA0] =	sst s0;
	s0 =	simm.s32 @!p1 $0x0  }
0x14: {  	s2 =	sld [smem:$0x3F84];
	s0 =	simm.s32 @p1 $0x1  }
0x15: {  	[smem:$0x3FA1] =	sst s0;
	s0 =	simm.s32 @!p2 $0x0  }
0x16: {  	s3 =	sld [smem:$0x3FDB];
	s0 =	simm.s32 @p2 $0x1  }
0x17: {  	s4 =	simm.s32 $0x1BF5;
	[smem:$0x3FA3] =	sst s0  }
0x18: {  	s0 =	sld [smem:$0x3F86];
	_ =	swait.ge [sflag:s4], $0x0  }
0x19: {  	s7 =	sld [smem:$0x3F87]  }
0x1a: {  	s8 =	sadd.s32 $0xFFFFE003, lr  }
0x1b: {  	s9 =	sadd.s32 $0xFFFFFEF7, lr;
	s5 =	simm.s32 $0xFFFFFFFF;
	p2 =	slt.u32 s8, $0xFFFFF086  }
0x1c: {  	p1 =	slt.u32 s9, $0xF7A;
	s5 =	simm.s32 @!p2 $0x0  }
0x1d: {  	s5 =	simm.s32 @p1 $0x1;
	p0 =	seq.s32 s7, s2  }
0x1e: {  	s7 =	smul.u32 @!p0 $0xF7A, s2;
	p2 =	seq.s32 @!p0 s5, $0x0  }
0x1f: {  	s9 =	smul.u32 $0xF7A, s1;
	s8 =	simm.s32 @!p0 $0x1BF5;
	p2 =	por !p2, p0  }
0x20: {  	[sflag:s8] =	ssyncset.s32 @!p0 $0xFFFFF086;
	s6 =	sadd.s32 @!p0 s3, s7;
	s7 =	simm.s32 @!p0 $0x108  }
0x21: {  	s3 =	sadd.s32 s3, s9;
	s6 =	sadd.s32 @!p0 $0x88, s6;
	s7 =	simm.s32 @p2 $0x1082  }
0x22: {  	[simem:s7], [sflag:s8] =	dma.local @!p0 [hbm:s6], $0xF7A  }
0x23: {  	s9 =	sor.u32 $0xD0000000, s2;
	s6 =	simm.s32 $0x108;
	_ =	swait.ge @!p0 [sflag:s8], $0x0  }
0x24: {  	s3 =	sadd.s32 $0x88, s3;
	s6 =	simm.s32 @!p1 $0x1082;
	[sflag:s4] =	ssyncset.s32 $0xFFFFF086  }
0x25: {  	[simem:s6], [sflag:s4] =	dma.local [hbm:s3], $0xF7A  }
0x26: {  	[smem:$0x3F87] =	sst s1;
	(tag) =	ssettag s2;
	_ =	strace s9  }
0x27: {  	s1 =	sld [smem:$0x3F97]  }
0x28: {  	s2 =	sld [smem:$0x3F98]  }
0x29: {  	s4 =	sld [smem:$0x3F9A]  }
0x2a: {  	p0 =	seq.s32 s5, $0x0;
	s5 =	sld [smem:$0x3F9B]  }
0x2b: {  	s6 =	sld [smem:$0x3F9C]  }
0x2c: {  	s7 =	sld [smem:$0x3F9D]  }
0x2d: {  	s3 =	simm.s32 $0x108;
	s8 =	sld [smem:$0x3F9E]  }
0x2e: {  	s3 =	simm.s32 @!p0 $0x1082;
	s9 =	sld [smem:$0x3F9F]  }
0x2f: {  	lr =	sadd.s32 s0, s3;
	s0 =	sld [smem:$0x3F96]  }
0x30: {  	s3 =	sld [smem:$0x3F99]  }
0x31: {  	[smem:$0x3FA2] =	sst s10  }
0x32: {  	s10 =	sld [smem:$0x3FA0];
	_ =	sdelay $0x3  }
0x33: {  	p0 =	seq.s32 s10, $0x1;
	s10 =	sld [smem:$0x3FA2];
	_ =	sdelay $0x3  }
0x34: {  	[smem:$0x3FA2] =	sst s10  }
0x35: {  	s10 =	sld [smem:$0x3FA1];
	_ =	sdelay $0x3  }
0x36: {  	p1 =	seq.s32 s10, $0x1;
	s10 =	sld [smem:$0x3FA2];
	_ =	sdelay $0x3  }
0x37: {  	[smem:$0x3FA2] =	sst s10  }
0x38: {  	s10 =	sld [smem:$0x3FA3]  }
0x39: {  	_ = 	snop;
	(pc) =	sbr.ind lr, $3  }
0x3a: {  	_ = 	snop  }
0x3b: {  	_ = 	snop  }
0x3c: {  	p2 =	seq.s32 s10, $0x1;
	s10 =	sld [smem:$0x3FA2]  }
0x3d: {  	_ =	shalt  }
0x3e: {  	_ =	shalt  }
0x3f: {  	_ =	shalt  }
0x40: {  	_ =	shalt  }
0x41: {  	_ =	shalt  }
0x42: {  	_ =	shalt  }
0x43: {  	_ =	shalt  }
0x44: {  	_ =	shalt  }
0x45: {  	_ =	shalt  }
0x46: {  	_ =	shalt  }
0x47: {  	_ =	shalt  }
0x48: {  	_ =	shalt  }
0x49: {  	_ =	shalt  }
0x4a: {  	_ =	shalt  }
0x4b: {  	_ =	shalt  }
0x4c: {  	_ =	shalt  }
0x4d: {  	_ =	shalt  }
0x4e: {  	_ =	shalt  }
0x4f: {  	_ =	shalt  }
0x50: {  	_ =	shalt  }
0x51: {  	_ =	shalt  }
0x52: {  	_ =	shalt  }
0x53: {  	_ =	shalt  }
0x54: {  	_ =	shalt  }
0x55: {  	_ =	shalt  }
0x56: {  	_ =	shalt  }
0x57: {  	_ =	shalt  }
0x58: {  	_ =	shalt  }
0x59: {  	_ =	shalt  }
0x5a: {  	_ =	shalt  }
0x5b: {  	_ =	shalt  }
0x5c: {  	_ =	shalt  }
0x5d: {  	_ =	shalt  }
0x5e: {  	_ =	shalt  }
0x5f: {  	_ =	shalt  }
0x60: {  	_ =	shalt  }
0x61: {  	_ =	shalt  }
0x62: {  	_ =	shalt  }
0x63: {  	_ =	shalt  }
0x64: {  	_ =	shalt  }
0x65: {  	_ =	shalt  }
0x66: {  	_ =	shalt  }
0x67: {  	_ =	shalt  }
0x68: {  	_ =	shalt  }
0x69: {  	_ =	shalt  }
0x6a: {  	_ =	shalt  }
0x6b: {  	_ =	shalt  }
0x6c: {  	_ =	shalt  }
0x6d: {  	_ =	shalt  }
0x6e: {  	_ =	shalt  }
0x6f: {  	_ =	shalt  }
0x70: {  	_ =	shalt  }
0x71: {  	_ =	shalt  }
0x72: {  	_ =	shalt  }
0x73: {  	_ =	shalt  }
0x74: {  	_ =	shalt  }
0x75: {  	_ =	shalt  }
0x76: {  	_ =	shalt  }
0x77: {  	_ =	shalt  }
0x78: {  	_ =	shalt  }
0x79: {  	_ =	shalt  }
0x7a: {  	_ =	shalt  }
0x7b: {  	_ =	shalt  }
0x7c: {  	_ =	shalt  }
0x7d: {  	_ =	shalt  }
0x7e: {  	_ =	shalt  }
0x7f: {  	_ =	shalt  }
0x80: {  	_ =	shalt  }
0x81: {  	_ =	shalt  }
0x82: {  	_ =	shalt  }
0x83: {  	_ =	shalt  }
0x84: {  	_ =	shalt  }
0x85: {  	_ =	shalt  }
0x86: {  	_ =	shalt  }
0x87: {  	_ =	shalt  }
.Lfunc_end0:
.L_simem_size_0:
called_computation_lowered:
.L_overlay_start_0:
0x88: {  	s2 =	sld [smem:$0x3FD9]  }
0x89: {  	s3 =	sld [smem:$0x3FFE];
	_ =	sdelay $0x1  }
0x8a: {  	s1 =	srdreg.scid  }
0x8b: {  	s0 =	sand.u32 $0x1, s1  }
0x8c: {  	s17 =	sshll.u32 s0, $0xA;
	s2 =	sadd.s32 s3, s2  }
0x8d: {  	s2 =	sadd.s32 s2, s17  }
0x8e: {  	[smem:$0x3FAE] =	sst s2  }
0x8f: {  	_ = 	snop  }
0x90: {  	s2 =	sld [smem:$0x3FC9];
	(tm) =	ssettm $0x1  }
0x91: {  	s18 =	sld [smem:$0x3FFB];
	_ =	sdelay $0x3  }
0x92: {  	_ =	strace s18  }
0x93: {  	s3 =	sld [smem:$0x3FFC];
	_ =	sdelay $0x3  }
0x94: {  	_ =	strace s3  }
0x95: {  	s3 =	sld [smem:$0x3FFD];
	_ =	sdelay $0x3  }
0x96: {  	_ =	strace s3  }
0x97: {  	_ =	strace $0x8FFFFFFF  }
0x98: {  	s19 =	sld [smem:$0x3FDB];
	_ =	sdelay $0x1  }
0x99: {  	s4 =	simm.s32 $_scs_section_size  }
0x9a: {  	s5 =	simm.s32 $_size__tile_overlayer_lowered;
	s6 =	simm.s32 $_tile_overlayer_lowered  }
0x9b: {  	s22 =	simm.s32 $0x1BFF;
	s21 =	sshll.u32 s6, $0x1;
	s3 =	sadd.s32 s4, s19  }
0x9c: {  	s7 =	simm.s32 $0x0;
	s20 =	sshll.u32 s5, $0x1;
	s5 =	sadd.s32 s21, s3  }
0x9d: {  	[timem:s7], [sflag:s22] =	dma.local [hbm:s5], s20  }
0x9e: {  	_ =	swait.ge [sflag:s22], s20  }
0x9f: {  	s4 =	ssub.s32 $0x0, s20;
	[sflag:s22] =	ssyncset.done $0x0  }
0xa0: {  	[sflag:s22] =	ssyncadd.s32 s4;
	_ =	sdelay $0x1  }
0xa1: {  	s23 =	simm.s32 $0x1B8B  }
0xa2: {  	_ =	swait.ge [sflag:s23], $0x1  }
0xa3: {  	[sflag:s23] =	ssyncset.done $0x0  }
0xa4: {  	s25 =	simm.s32 $0x1B8E;
	s24 =	sld [smem:$0x3FFE];
	[sflag:s23] =	ssyncadd.s32 $0xFFFFFFFF  }
0xa5: {  	s26 =	simm.s32 $execute0_lowered;
	[smem:$0x3FD2] =	sst s25  }
0xa6: {  	s5 =	sshll.u32 s26, $0x1;
	_ =	strace $0x80000046;
	[dreg:$0x1] =	wrdreg $0xFFFFFFFF  }
0xa7: {  	s28 =	simm.s32 $_size_execute0_lowered;
	s3 =	sadd.s32 s3, s5;
	[dreg:$0x0] =	wrdreg $0x0  }
0xa8: {  	s5 =	sshll.u32 s28, $0x1;
	[dreg:$0x2] =	wrdreg s3  }
0xa9: {  	[dreg:$0x3] =	wrdreg s5  }
0xaa: {  	[dreg:$0x4] =	wrdreg $0xC0  }
0xab: {  	_ =	task [dreg:s7], $0x5FFFF  }
0xac: {  	[dreg:$0x1] =	wrdreg $0xFFFFFFFF  }
0xad: {  	[dreg:$0x0] =	wrdreg $0x60  }
0xae: {  	[dreg:$0x2] =	wrdreg s2  }
0xaf: {  	[dreg:$0x3] =	wrdreg s24  }
0xb0: {  	[dreg:$0x4] =	wrdreg $0x0  }
0xb1: {  	[dreg:$0x5] =	wrdreg $0x9  }
0xb2: {  	_ =	task.clear_ibuf [dreg:s7], $0x6FFFF;
	_ =	strace $0x90000046  }
0xb3: {  	s29 =	simm.s32 $0x9;
	_ =	strace $0x80000048  }
0xb4: {  	_ =	swait.ge [sflag:s29], $0x1  }
0xb5: {  	[sflag:s29] =	ssyncadd.s32 $0xFFFFFFFF  }
0xb6: {  	_ =	strace $0x90000048  }
0xb7: {  	_ =	sfence  }
0xb8: {  	s30 =	sld [smem:$0x0];
	_ =	sdelay $0x2  }
0xb9: {  	s31 =	sshll.u32 s1, $0xD;
	s1 =	sshrl.u32 s1, $0x2  }
0xba: {  	s3 =	sand.u32 $0x4000, s31;
	s1 =	sadd.s32 s1, s30  }
0xbb: {  	s0 =	sor.u32 s3, s0;
	s1 =	sshll.u32 s1, $0x11  }
0xbc: {  	s0 =	sor.u32 s1, s0  }
0xbd: {  	s0 =	sadd.s32 $0x8F2B, s0  }
0xbe: {  	[sflag:s0] =	ssyncadd.remote.s32 $0x1  }
0xbf: {  	_ =	sfence.sel $0xFFFF  }
0xc0: {  	[dreg:$0x0] =	wrdreg $0xFFFFFFFF;
	(pc) =	sbr.abs _section_cstart, $3  }
0xc1: {  	[dreg:$0x1] =	wrdreg $0xFFFFFFFF  }
0xc2: {  	_ =	task.clear_ibuf [dreg:s7], $0x2FFFF;
	_ =	strace $0x9FFFFFFF  }
0xc3: {  	(tm) =	ssettm $0x7FFFFFFF  }
tec
execute0_lowered:
.L_overlay_start_1:
0x0: {  	(tag) =	ssettag $0x1  }
0x1: {  	s1 =	rddreg [dreg:$0x0]  }
0x2: {  	s0 =	rddreg [dreg:$0x1]  }
0x3: {  	s2 =	rddreg [dreg:$0x2]  }
0x4: {  	s3 =	simm.s32 $0x0;
	s4 =	srdreg.scid;
	s28 =	simm.s32 $0x14C80  }
0x5: {  	s29 =	simm.s32 $0x80;
	s31 =	simm.s32 $0x1A080;
	[smem:$0x7FF] =	sst s3  }
0x6: {  	s15 =	sadd.s32 $0x4A00, s0;
	s16 =	sadd.s32 $0xEA00, s0;
	s14 =	sand.u32 $0x1, s4  }
0x7: {  	s0 =	sadd.s32 $0x18A00, s0;
	s4 =	stileid.u32;
	s19 =	smul.u32 $0x138800, s14  }
0x8: {  	s9 =	sadd.s32 $0x138000, s2;
	s7 =	sshll.u32 s4, $0x1;
	s20 =	smul.u32 $0x13800, s4  }
0x9: {  	_ =	strace $0x80000047;
	s22 =	smul.u32 $0xFFFFFFB0, s14;
	s24 =	sor.u32 s14, s7  }
0xa: {  	s5 =	ssub.s32 $0x2, s14;
	s8 =	sshll.u32 s4, $0xE;
	s11 =	smul.u32 $0xFFFFFFB0, s24  }
0xb: {  	p0 =	sgt.u32 s4, $0xD;
	s6 =	sshrl.u32 s5, $0x1;
	s13 =	smul.u32 $0x500, s24  }
0xc: {  	p2 =	sne.s32 @p0 s4, $0xF;
	s21 =	ssub.s32 s5, s6;
	s18 =	smul.u32 $0x2800, s24  }
0xd: {  	s5 =	sadd.s32 s8, s2;
	s8 =	smul.u32 $0xFFFFFF60, s4;
	s23 =	sshrl.u32 s19, $0x3  }
0xe: {  	p1 =	por p2, !p0;
	p2 =	por !p2, !p0;
	s25 =	sadd.s32 $0x40000, s5  }
0xf: {  	p3 =	seq.s32 s24, $0x1F;
	s26 =	sadd.s32 $0x80000, s5;
	[dreg:$0x4] =	wrdreg s25  }
0x10: {  	s24 =	simm.s32 $0x13880;
	s30 =	sadd.s32 $0xC0000, s5;
	[dreg:$0x5] =	wrdreg s26  }
0x11: {  	s10 =	sadd.s32 $0x100000, s5;
	s21 =	smax.u32 s21, $0x1;
	[dreg:$0x6] =	wrdreg s30  }
0x12: {  	s17 =	sadd.s32 $0x9C4, s11;
	s12 =	sadd.s32 s15, s13;
	s13 =	sadd.s32 s16, s13  }
0x13: {  	s18 =	sshrl.u32 s18, $0x3;
	s11 =	smin.u32 s17, $0x28;
	s17 =	smax.u32 s17, $0x28  }
0x14: {  	s7 =	sadd.s32 $0x280, s18;
	s18 =	sadd.s32 s8, s22;
	s22 =	simm.s32 $0x16080  }
0x15: {  	s17 =	smin.u32 s17, $0x50;
	s15 =	sadd.s32 s15, s7;
	s16 =	sadd.s32 s16, s7  }
0x16: {  	s25 =	sadd.s32 $0x9C4, s18;
	s14 =	sadd.s32 $0xFFFFFFD8, s17;
	[dreg:$0x7] =	wrdreg s15  }
0x17: {  	[dreg:$0x8] =	wrdreg s16;
	s17 =	sadd.s32 s20, s19;
	s20 =	smul.u32 $0x4E000, s4  }
0x18: {  	s26 =	smax.u32 s25, $0x29;
	s19 =	smin.u32 s25, $0x28;
	s15 =	sshrl.u32 s17, $0x3  }
0x19: {  	s30 =	smin.u32 s26, $0x50;
	p4 =	seq.s32 s14, $0x0;
	s17 =	sadd.s32 s0, s15  }
0x1a: {  	s16 =	sshrl.u32 s20, $0x2;
	s0 =	sadd.s32 s0, s23;
	s20 =	sadd.s32 $0xFFFFFFD8, s30  }
.Ltmp0:
0x1b: {  	s18 =	sadd.s32 $0x27000, s0;
	s0 =	simm.s32 @!p2 $0x0;
	(pc) =	sbr.rel .LBB2_1-.Ltmp0, $4  }
0x1c: {  	s26 =	simm.s32 $0x3;
	s0 =	simm.s32 @p2 $0x1;
	p2 =	seq.s32 s20, $0x1  }
0x1d: {  	s23 =	simm.s32 $0x2;
	[smem:$0x7FC] =	sst s0;
	s0 =	simm.s32 @!p2 $0x0  }
0x1e: {  	s15 =	simm.s32 $0x0;
	s16 =	sadd.s32 s16, s2;
	s0 =	simm.s32 @p2 $0x1  }
0x1f: {  	v0 =	vimm.f32 $0.0e+00;
	s25 =	sshrl.u32 s16, $0x3;
	[smem:$0x7FD] =	sst s0;
	s0 =	simm.s32 $0x1  }
.LBB2_12:
0x20: {  	_ =	swait.ge [sflag:s23], $0x4000  }
0x21: {  	[sflag:s23] =	ssyncset.done $0x0  }
0x22: {  	[sflag:s23] =	ssyncadd.s32 $0xFFFFC000  }
0x23: {  	_ =	swait.ge [sflag:s23], $0x4000  }
0x24: {  	[sflag:s23] =	ssyncset.done $0x0  }
0x25: {  	[sflag:s23] =	ssyncadd.s32 $0xFFFFC000  }
.LBB2_13:
0x26: {  	s4 =	stileid.u32  }
0x27: {  	s4 =	sshll.u32 s4, $0x6  }
0x28: {  	[bflag:$0x0] =	sbarrier.arrive $0xFFFF;
	s4 =	sor.u32 $0x1C03, s4  }
0x29: {  	[hbm:s17], [sflag:s4] =	dma.local [spmem:s25], $0x2700  }
0x2a: {  	_ =	swait.ge [sflag:s26], $0x2700  }
0x2b: {  	s15 =	sadd.s32 $0x1, s15;
	[sflag:s26] =	ssyncset.done $0x0  }
0x2c: {  	s6 =	sshrl.u32 @p6 s9, $0x3;
	p2 =	sne.s32 s15, s21;
	[sflag:s26] =	ssyncadd.s32 $0xFFFFD900  }
0x2d: {  	[hbm:s18], [sflag:s4] =	dma.local @p6 [spmem:s6], $0x100  }
.Ltmp1:
0x2e: {  	_ = 	snop;
	(pc) =	sbr.rel @!p2 .LBB2_14-.Ltmp1, $4  }
0x2f: {  	s4 =	simm.s32 @p6 $0x3  }
0x30: {  	_ =	swait.ge @p6 [sflag:s4], $0x100  }
0x31: {  	[sflag:s4] =	ssyncset.done @p6 $0x0  }
0x32: {  	[sflag:s4] =	ssyncadd.s32 @p6 $0xFFFFFF00  }
.LBB2_1:
0x33: {  	s16 =	simm.s32 $0x0;
	s30 =	simm.s32 $0x200  }
.LBB2_2:
0x34: {  	p5 =	sne.s32 s30, $0xFE00;
	[tilespmem:s16+$0x160F0] =	vst v0  }
0x35: {  	[tilespmem:s16+$0x16080] =	vst v0  }
0x36: {  	[tilespmem:s16+$0x16090] =	vst v0  }
.Ltmp2:
0x37: {  	[tilespmem:s16+$0x160A0] =	vst v0;
	(pc) =	sbr.rel @p5 .LBB2_2-.Ltmp2, $4  }
0x38: {  	[tilespmem:s16+$0x160B0] =	vst v0  }
0x39: {  	[tilespmem:s16+$0x160C0] =	vst v0  }
0x3a: {  	[tilespmem:s16+$0x160D0] =	vst v0  }
0x3b: {  	[tilespmem:s16+$0x160E0] =	vst v0;
	s16 =	sshra.s32 s30, $0x2;
	s30 =	sadd.s32 $0x200, s30  }
0x3c: {  	[tilespmem:s16+$0x160F0] =	vst v0  }
0x3d: {  	[tilespmem:s16+$0x16080] =	vst v0  }
0x3e: {  	[tilespmem:s16+$0x16090] =	vst v0  }
0x3f: {  	[tilespmem:s16+$0x160A0] =	vst v0  }
0x40: {  	[tilespmem:s16+$0x160B0] =	vst v0  }
0x41: {  	[tilespmem:s16+$0x160C0] =	vst v0  }
0x42: {  	[tilespmem:s16+$0x160D0] =	vst v0  }
0x43: {  	[tilespmem:s16+$0x160E0] =	vst v0  }
0x44: {  	[spmem:s5] =	stream.linear.scatter [tilespmem:s22], [sflag:$0x2], $0x4000, $0x38;
	[tilespmem:$0x1E080] =	vst v63  }
0x45: {  	s4 =	rddreg [dreg:$0x4]  }
0x46: {  	[spmem:s4] =	stream.linear.scatter [tilespmem:s22], [sflag:$0x2], $0x4000, $0x38;
	[tilespmem:$0x1E080] =	vst v63  }
0x47: {  	s6 =	rddreg [dreg:$0x5]  }
0x48: {  	[spmem:s6] =	stream.linear.scatter [tilespmem:s22], [sflag:$0x2], $0x4000, $0x38;
	[tilespmem:$0x1E080] =	vst v63  }
0x49: {  	s7 =	rddreg [dreg:$0x6]  }
0x4a: {  	[spmem:s7] =	stream.linear.scatter [tilespmem:s22], [sflag:$0x2], $0x4000, $0x38;
	[tilespmem:$0x1E080] =	vst v63  }
0x4b: {  	s16 =	simm.s32 @!p1 $0x16080  }
0x4c: {  	[spmem:s9] =	stream.linear.scatter @!p1 [tilespmem:s16], [sflag:$0x2], $0x800, $0x38;
	[tilespmem:$0x1E080] =	vst v63  }
0x4d: {  	s16 =	simm.s32 @!p0 $0x16080  }
0x4e: {  	[spmem:s10] =	stream.linear.scatter @!p0 [tilespmem:s16], [sflag:$0x2], $0x4000, $0x38;
	[tilespmem:$0x1E080] =	vst v63  }
0x4f: {  	_ =	swait.ge [sflag:s23], $0x4000  }
0x50: {  	[sflag:s23] =	ssyncset.done $0x0  }
0x51: {  	[sflag:s23] =	ssyncadd.s32 $0xFFFFC000  }
0x52: {  	_ =	swait.ge [sflag:s23], $0x4000  }
0x53: {  	[sflag:s23] =	ssyncset.done $0x0  }
0x54: {  	[sflag:s23] =	ssyncadd.s32 $0xFFFFC000  }
0x55: {  	_ =	swait.ge [sflag:s23], $0x4000  }
0x56: {  	[sflag:s23] =	ssyncset.done $0x0  }
0x57: {  	[sflag:s23] =	ssyncadd.s32 $0xFFFFC000  }
0x58: {  	_ =	swait.ge [sflag:s23], $0x4000  }
0x59: {  	s8 =	sld [smem:$0x7FC];
	_ =	sdelay $0x1  }
0x5a: {  	p5 =	por @p0 $0x0, $0x0;
	p6 =	por @!p1 $0x1, $0x1;
	[sflag:s23] =	ssyncset.done $0x0  }
0x5b: {  	s16 =	simm.s32 @!p0 $0x2;
	[sflag:s23] =	ssyncadd.s32 $0xFFFFC000;
	p2 =	seq.s32 s8, $0x1  }
0x5c: {  	_ =	swait.ge @!p0 [sflag:s16], $0x4000;
	p6 =	por @!p2 p5, p5;
	p5 =	por @!p0 $0x0, $0x0  }
0x5d: {  	[sflag:s16] =	ssyncset.done @!p0 $0x0;
	p6 =	por @!p0 p5, p5  }
0x5e: {  	[sflag:s16] =	ssyncadd.s32 @!p0 $0xFFFFC000;
	s16 =	simm.s32 @p6 $0x2  }
0x5f: {  	_ =	swait.ge @p6 [sflag:s16], $0x800  }
0x60: {  	[sflag:s16] =	ssyncset.done @p6 $0x0  }
0x61: {  	[sflag:s16] =	ssyncadd.s32 @p6 $0xFFFFF800  }
0x62: {  	[bflag:$0x0] =	sbarrier.arrive $0xFFFF  }
0x63: {  	[tilespmem:s24], [sflag:$0x3] =	stream.linear.gather [hbm4b:s12+s3], $0x1400, $0x38;
	[tilespmem:$0x1E080] =	vst v63  }
0x64: {  	_ =	swait.ge [sflag:s26], $0x1400  }
0x65: {  	[sflag:s26] =	ssyncset.done $0x0  }
0x66: {  	[sflag:s26] =	ssyncadd.s32 $0xFFFFEC00  }
0x67: {  	[tilespmem:s28], [sflag:$0x3] =	stream.linear.gather [hbm4b:s13+s3], $0x1400, $0x38;
	[tilespmem:$0x1E080] =	vst v63  }
0x68: {  	_ =	swait.ge [sflag:s26], $0x1400  }
0x69: {  	[sflag:s26] =	ssyncset.done $0x0  }
0x6a: {  	[sflag:s26] =	ssyncadd.s32 $0xFFFFEC00  }
0x6b: {  	[tilespmem:s22], [sflag:$0x1] =	stream.indirect.gather [hbm4b:s1+s29], $0x80, s24, s29, $0xb8;
	[tilespmem:$0x1E080] =	vst v63  }
0x6c: {  	s30 =	simm.s32 $0x13900  }
0x6d: {  	[tilespmem:s31], [sflag:$0x1] =	stream.indirect.gather [hbm4b:s1+s29], $0x80, s30, s29, $0xb8;
	[tilespmem:$0x1E080] =	vst v63  }
.Ltmp3:
0x6e: {  	s16 =	simm.s32 $0x1;
	(pc) =	sbr.rel .LBB2_4-.Ltmp3, $4  }
0x6f: {  	_ =	swait.ge [sflag:s16], $0x4000  }
0x70: {  	[sflag:s16] =	ssyncset.done $0x0  }
0x71: {  	[sflag:s16] =	ssyncadd.s32 $0xFFFFC000  }
0x72: {  	[spmem:s2] =	stream.indirect.scatter.add.f32 [tilespmem:s22], [sflag:$0x2], $0x80, s28, s29, $0xb8;
	[tilespmem:$0x1E080] =	vst v63  }
.LBB2_6:
0x73: {  	p2 =	sne.s32 s30, s19  }
.Ltmp4:
0x74: {  	_ = 	snop;
	(pc) =	sbr.rel @!p2 .LBB2_7-.Ltmp4, $2  }
0x75: {  	_ =	sdelay $0x2  }
0x76: {  	s16 =	smov.u32 s30  }
.LBB2_4:
0x77: {  	s4 =	sand.u32 $0x1, s16  }
0x78: {  	p5 =	seq.s32 s4, $0x1  }
0x79: {  	s30 =	sor.u32 @!p5 $0x1, s16  }
0x7a: {  	p2 =	sge.u32 @!p5 s30, s11  }
0x7b: {  	p2 =	por p2, p5  }
0x7c: {  	s6 =	simm.s32 @!p2 $0x2  }
0x7d: {  	_ =	swait.ge @!p2 [sflag:s6], $0x4000  }
0x7e: {  	s7 =	sshll.u32 @!p2 s30, $0x7;
	[sflag:s6] =	ssyncset.done @!p2 $0x0  }
0x7f: {  	[sflag:s6] =	ssyncadd.s32 @!p2 $0xFFFFC000;
	s6 =	sand.u32 @!p2 $0x3FFFFF80, s7  }
0x80: {  	s8 =	simm.s32 @!p2 $0x1A080;
	s7 =	simm.s32 @!p2 $0x80;
	s6 =	sadd.s32 @!p2 $0x13880, s6  }
0x81: {  	[tilespmem:s8], [sflag:$0x1] =	stream.indirect.gather @!p2 [hbm4b:s1+s7], $0x80, s6, s7, $0xb8;
	[tilespmem:$0x1E080] =	vst v63  }
0x82: {  	p2 =	seq.s32 @!p5 s4, $0x0  }
0x83: {  	s6 =	simm.s32 @!p5 $0x1;
	p2 =	por p5, !p2  }
.Ltmp5:
0x84: {  	_ =	swait.ge @!p5 [sflag:s6], $0x4000;
	(pc) =	sbr.rel @!p2 .LBB2_6-.Ltmp5, $4  }
0x85: {  	s7 =	sshll.u32 @!p5 s16, $0x9;
	[sflag:s6] =	ssyncset.done @!p5 $0x0  }
0x86: {  	[sflag:s6] =	ssyncadd.s32 @!p5 $0xFFFFC000;
	s6 =	sshra.s32 @!p5 s7, $0x2  }
0x87: {  	s8 =	simm.s32 @!p5 $0x16080;
	s7 =	simm.s32 @!p5 $0x80;
	s6 =	sadd.s32 @!p5 $0x14C80, s6  }
0x88: {  	[spmem:s2] =	stream.indirect.scatter.add.f32 @!p5 [tilespmem:s8], [sflag:$0x2], $0x80, s6, s7, $0xb8;
	[tilespmem:$0x1E080] =	vst v63  }
0x89: {  	s30 =	sadd.s32 $0x1, s16  }
0x8a: {  	p2 =	sge.u32 s30, s11  }
0x8b: {  	s4 =	simm.s32 @!p2 $0x2  }
0x8c: {  	_ =	swait.ge @!p2 [sflag:s4], $0x4000  }
0x8d: {  	s6 =	sshll.u32 @!p2 s30, $0x7;
	[sflag:s4] =	ssyncset.done @!p2 $0x0  }
0x8e: {  	[sflag:s4] =	ssyncadd.s32 @!p2 $0xFFFFC000;
	s4 =	sand.u32 @!p2 $0x3FFFFF80, s6  }
0x8f: {  	s7 =	simm.s32 @!p2 $0x16080;
	s6 =	simm.s32 @!p2 $0x80;
	s4 =	sadd.s32 @!p2 $0x13880, s4  }
0x90: {  	[tilespmem:s7], [sflag:$0x1] =	stream.indirect.gather @!p2 [hbm4b:s1+s6], $0x80, s4, s6, $0xb8;
	[tilespmem:$0x1E080] =	vst v63  }
.Ltmp6:
0x91: {  	_ = 	snop;
	(pc) =	sbr.rel .LBB2_6-.Ltmp6, $4  }
0x92: {  	s16 =	sshll.u32 s16, $0x9;
	_ =	swait.ge [sflag:s0], $0x4000  }
0x93: {  	s4 =	sshra.s32 s16, $0x2;
	[sflag:s0] =	ssyncset.done $0x0  }
0x94: {  	s4 =	sadd.s32 $0x14C80, s4;
	[sflag:s0] =	ssyncadd.s32 $0xFFFFC000  }
0x95: {  	[spmem:s2] =	stream.indirect.scatter.add.f32 [tilespmem:s31], [sflag:$0x2], $0x80, s4, s29, $0xb8;
	[tilespmem:$0x1E080] =	vst v63  }
.LBB2_7:
0x96: {  	_ =	swait.ge [sflag:s23], $0x4000  }
.Ltmp7:
0x97: {  	[sflag:s23] =	ssyncset.done $0x0;
	(pc) =	sbr.rel @p3 .LBB2_13-.Ltmp7, $4  }
0x98: {  	[sflag:s23] =	ssyncadd.s32 $0xFFFFC000  }
0x99: {  	_ =	swait.ge [sflag:s23], $0x4000  }
0x9a: {  	[sflag:s23] =	ssyncset.done $0x0  }
0x9b: {  	[sflag:s23] =	ssyncadd.s32 $0xFFFFC000  }
0x9c: {  	s4 =	rddreg [dreg:$0x7]  }
0x9d: {  	[tilespmem:s24], [sflag:$0x3] =	stream.linear.gather [hbm4b:s4+s3], $0x1400, $0x38;
	[tilespmem:$0x1E080] =	vst v63  }
0x9e: {  	_ =	swait.ge [sflag:s26], $0x1400  }
0x9f: {  	[sflag:s26] =	ssyncset.done $0x0  }
0xa0: {  	s16 =	rddreg [dreg:$0x8];
	[sflag:s26] =	ssyncadd.s32 $0xFFFFEC00  }
0xa1: {  	[tilespmem:s28], [sflag:$0x3] =	stream.linear.gather [hbm4b:s16+s3], $0x1400, $0x38;
	[tilespmem:$0x1E080] =	vst v63  }
0xa2: {  	_ =	swait.ge [sflag:s26], $0x1400  }
0xa3: {  	[sflag:s26] =	ssyncset.done $0x0  }
0xa4: {  	s6 =	simm.s32 @!p4 $0x13900;
	[sflag:s26] =	ssyncadd.s32 $0xFFFFEC00  }
0xa5: {  	[tilespmem:s22], [sflag:$0x1] =	stream.indirect.gather [hbm4b:s1+s29], $0x80, s24, s29, $0xb8;
	[tilespmem:$0x1E080] =	vst v63  }
0xa6: {  	s7 =	simm.s32 @!p4 $0x1A080;
	s4 =	simm.s32 @!p4 $0x80;
	s16 =	simm.s32 $0x1  }
0xa7: {  	[tilespmem:s7], [sflag:$0x1] =	stream.indirect.gather @!p4 [hbm4b:s1+s4], $0x80, s6, s4, $0xb8;
	[tilespmem:$0x1E080] =	vst v63  }
0xa8: {  	_ =	swait.ge [sflag:s16], $0x4000  }
0xa9: {  	s30 =	sld [smem:$0x7FD];
	_ =	sdelay $0x2  }
0xaa: {  	p2 =	seq.s32 s30, $0x1  }
.Ltmp8:
0xab: {  	_ = 	snop;
	(pc) =	sbr.rel @p2 .LBB2_12-.Ltmp8, $4  }
.Ltmp9:
0xac: {  	_ = 	snop;
	(pc) =	sbr.rel @!p2 .LBB2_9-.Ltmp9, $4  }
0xad: {  	[sflag:s16] =	ssyncset.done $0x0  }
0xae: {  	[sflag:s16] =	ssyncadd.s32 $0xFFFFC000  }
0xaf: {  	[spmem:s2] =	stream.indirect.scatter.add.f32 [tilespmem:s22], [sflag:$0x2], $0x80, s28, s29, $0xb8;
	[tilespmem:$0x1E080] =	vst v63  }
0xb0: {  	_ = 	snop  }
.LBB2_11:
0xb1: {  	p2 =	sne.s32 s30, s20  }
.Ltmp10:
0xb2: {  	_ = 	snop;
	(pc) =	sbr.rel @!p2 .LBB2_12-.Ltmp10, $2  }
0xb3: {  	_ =	sdelay $0x2  }
0xb4: {  	s16 =	smov.u32 s30  }
.LBB2_9:
0xb5: {  	s4 =	sand.u32 $0x1, s16  }
0xb6: {  	p5 =	seq.s32 s4, $0x1  }
0xb7: {  	s30 =	sor.u32 @!p5 $0x1, s16  }
0xb8: {  	p2 =	sge.u32 @!p5 s30, s14  }
0xb9: {  	p2 =	por p2, p5  }
0xba: {  	s6 =	simm.s32 @!p2 $0x2  }
0xbb: {  	_ =	swait.ge @!p2 [sflag:s6], $0x4000  }
0xbc: {  	s7 =	sshll.u32 @!p2 s30, $0x7;
	[sflag:s6] =	ssyncset.done @!p2 $0x0  }
0xbd: {  	[sflag:s6] =	ssyncadd.s32 @!p2 $0xFFFFC000;
	s6 =	sand.u32 @!p2 $0x3FFFFF80, s7  }
0xbe: {  	s8 =	simm.s32 @!p2 $0x1A080;
	s7 =	simm.s32 @!p2 $0x80;
	s6 =	sadd.s32 @!p2 $0x13880, s6  }
0xbf: {  	[tilespmem:s8], [sflag:$0x1] =	stream.indirect.gather @!p2 [hbm4b:s1+s7], $0x80, s6, s7, $0xb8;
	[tilespmem:$0x1E080] =	vst v63  }
0xc0: {  	p2 =	seq.s32 @!p5 s4, $0x0  }
0xc1: {  	s6 =	simm.s32 @!p5 $0x1;
	p2 =	por p5, !p2  }
.Ltmp11:
0xc2: {  	_ =	swait.ge @!p5 [sflag:s6], $0x4000;
	(pc) =	sbr.rel @!p2 .LBB2_11-.Ltmp11, $4  }
0xc3: {  	s7 =	sshll.u32 @!p5 s16, $0x9;
	[sflag:s6] =	ssyncset.done @!p5 $0x0  }
0xc4: {  	[sflag:s6] =	ssyncadd.s32 @!p5 $0xFFFFC000;
	s6 =	sshra.s32 @!p5 s7, $0x2  }
0xc5: {  	s8 =	simm.s32 @!p5 $0x16080;
	s7 =	simm.s32 @!p5 $0x80;
	s6 =	sadd.s32 @!p5 $0x14C80, s6  }
0xc6: {  	[spmem:s2] =	stream.indirect.scatter.add.f32 @!p5 [tilespmem:s8], [sflag:$0x2], $0x80, s6, s7, $0xb8;
	[tilespmem:$0x1E080] =	vst v63  }
0xc7: {  	s30 =	sadd.s32 $0x1, s16  }
0xc8: {  	p2 =	sge.u32 s30, s14  }
0xc9: {  	s4 =	simm.s32 @!p2 $0x2  }
0xca: {  	_ =	swait.ge @!p2 [sflag:s4], $0x4000  }
0xcb: {  	s6 =	sshll.u32 @!p2 s30, $0x7;
	[sflag:s4] =	ssyncset.done @!p2 $0x0  }
0xcc: {  	[sflag:s4] =	ssyncadd.s32 @!p2 $0xFFFFC000;
	s4 =	sand.u32 @!p2 $0x3FFFFF80, s6  }
0xcd: {  	s7 =	simm.s32 @!p2 $0x16080;
	s6 =	simm.s32 @!p2 $0x80;
	s4 =	sadd.s32 @!p2 $0x13880, s4  }
0xce: {  	[tilespmem:s7], [sflag:$0x1] =	stream.indirect.gather @!p2 [hbm4b:s1+s6], $0x80, s4, s6, $0xb8;
	[tilespmem:$0x1E080] =	vst v63  }
.Ltmp12:
0xcf: {  	_ = 	snop;
	(pc) =	sbr.rel .LBB2_11-.Ltmp12, $4  }
0xd0: {  	s16 =	sshll.u32 s16, $0x9;
	_ =	swait.ge [sflag:s0], $0x4000  }
0xd1: {  	s4 =	sshra.s32 s16, $0x2;
	[sflag:s0] =	ssyncset.done $0x0  }
0xd2: {  	s4 =	sadd.s32 $0x14C80, s4;
	[sflag:s0] =	ssyncadd.s32 $0xFFFFC000  }
0xd3: {  	[spmem:s2] =	stream.indirect.scatter.add.f32 [tilespmem:s31], [sflag:$0x2], $0x80, s4, s29, $0xb8;
	[tilespmem:$0x1E080] =	vst v63  }
.LBB2_14:
0xd4: {  	_ =	sfence.sel $0x180000  }
0xd5: {  	[bflag:$0x0] =	sbarrier.arrive $0xFFFF  }
0xd6: {  	_ =	strace $0x90000047  }
0xd7: {  	s0 =	stileid.u32;
	[bflag:$0x2] =	sbarrier.arrive $0xFFFF  }
0xd8: {  	p0 =	sne.s32 s0, $0x0;
	s0 =	rddreg [dreg:$0x3]  }
0xd9: {  	s0 =	sadd.s32 @!p0 $0x100000, s0  }
0xda: {  	[sflag:s0] =	ssyncadd.tile.s32 @!p0 $0x1;
	_ =	shalt  }
.Lfunc_end2:
_tile_overlayer_lowered:
.L_overlay_start_2:
0xdb: {  	(tag) =	ssettag $0x2  }
0xdc: {  	s0 =	rddreg [dreg:$0x0];
	s2 =	stileid.u32  }
0xdd: {  	s1 =	rddreg [dreg:$0x1];
	p0 =	sne.s32 s2, $0x0  }
0xde: {  	s3 =	rddreg [dreg:$0x2];
	[bflag:$0x3] =	sbarrier.arrive $0xFFFF;
	s2 =	simm.s32 @!p0 $0x1C03  }
0xdf: {  	[timem:s3], [sflag:s2] =	dma.local @!p0 [hbm:s0], s1  }
0xe0: {  	s0 =	simm.s32 @!p0 $0x3  }
0xe1: {  	_ =	swait.ge @!p0 [sflag:s0], s1  }
0xe2: {  	s1 =	ssub.s32 @!p0 $0x0, s1;
	[sflag:s0] =	ssyncset.done @!p0 $0x0  }
0xe3: {  	[sflag:s0] =	ssyncadd.s32 @!p0 s1  }
0xe4: {  	[bflag:$0x3] =	sbarrier.arrive $0xFFFF  }
0xe5: {  	_ =	shalt  }

</sc_bundles>
